<compile_context>
chip_gen: v7x
topology: tpu7x:2x2x1
jax: 0.10.2.dev20260603
libtpu: 0.0.44.dev20260713+nightly
codegen_flags: <defaults>
</compile_context>

<pallas_src>
import jax
import jax.numpy as jnp
from jax import lax
from jax.experimental import pallas as pl
from jax.experimental.pallas import tpu as pltpu
from jax.experimental.pallas import tpu_sc as plsc

N = 10000
D = 128
H = 512
E2 = 640000
DUMMY = N
AGG_ROWS = 10112
ROWS_PER_TILE = AGG_ROWS // 16
NW = 32
KCH = 160
CH = 128
E_CAP = NW * KCH * CH
RB = 1000
NRB = N // RB



GCH = 32
NGRP = KCH // GCH


def _spmm_body(src_hbm, dst_hbm, x_hbm, zrows_hbm, out_hbm,
               sidx, didx, buf0, buf1, sg0, sg1, agg_sh):
    c = lax.axis_index("c")
    s = lax.axis_index("s")
    wid = s * 2 + c
    tid = s
    pltpu.sync_copy(zrows_hbm, agg_sh.at[pl.ds(tid * ROWS_PER_TILE, ROWS_PER_TILE)])
    plsc.subcore_barrier()

    def g_start(ch, buf, sem):
        pltpu.make_async_copy(x_hbm.at[sidx.at[ch]], buf, sem).start()

    def g_wait(buf, sem):
        pltpu.make_async_copy(x_hbm.at[sidx.at[0]], buf, sem).wait()

    def s_add(ch, buf):
        pltpu.sync_copy(buf, agg_sh.at[didx.at[ch]], add=True)

    def group(grp, carry):
        pltpu.sync_copy(src_hbm.at[wid, pl.ds(grp * GCH, GCH)], sidx)
        pltpu.sync_copy(dst_hbm.at[wid, pl.ds(grp * GCH, GCH)], didx)
        g_start(0, buf0, sg0)
        g_start(1, buf1, sg1)

        def body(i, carry2):
            cc = i * 2
            g_wait(buf0, sg0)
            s_add(cc, buf0)
            g_start(cc + 2, buf0, sg0)
            g_wait(buf1, sg1)
            s_add(cc + 1, buf1)
            g_start(cc + 3, buf1, sg1)
            return carry2

        lax.fori_loop(0, GCH // 2 - 1, body, 0)
        g_wait(buf0, sg0)
        s_add(GCH - 2, buf0)
        g_wait(buf1, sg1)
        s_add(GCH - 1, buf1)
        return carry

    lax.fori_loop(0, NGRP, group, 0)
    plsc.subcore_barrier()
    pltpu.sync_copy(agg_sh.at[pl.ds(tid * ROWS_PER_TILE, ROWS_PER_TILE)],
                    out_hbm.at[c, pl.ds(tid * ROWS_PER_TILE, ROWS_PER_TILE)])


import functools


@functools.cache
def _spmm_kernel():
    return pl.kernel(
        _spmm_body,
        out_type=jax.ShapeDtypeStruct((2, AGG_ROWS, D), jnp.float32),
        mesh=plsc.VectorSubcoreMesh(core_axis_name="c", subcore_axis_name="s",
                                    num_cores=2, num_subcores=16),
        scratch_types=[
            pltpu.VMEM((GCH, CH), jnp.int32),
            pltpu.VMEM((GCH, CH), jnp.int32),
            pltpu.VMEM((CH, D), jnp.float32),
            pltpu.VMEM((CH, D), jnp.float32),
            pltpu.SemaphoreType.DMA,
            pltpu.SemaphoreType.DMA,
            pltpu.VMEM_SHARED((AGG_ROWS, D), jnp.float32),
        ],
    )


def _spmm(src3, dst3, h, zrows):
    return _spmm_kernel()(src3, dst3, h, zrows)



def _layer_body(x_ref, a_ref, w1_ref, g1_ref, b1_ref, w2_ref,
                og_ref, ob_ref, rmout_ref, o_ref, t_scr, y_scr, s1_scr, s2_scr):
    p = pl.program_id(0)
    b = pl.program_id(1)

    @pl.when(p == 0)
    def _():
        h = x_ref[...] + a_ref[0] + a_ref[1]
        t = jnp.dot(h, w1_ref[...], preferred_element_type=jnp.float32)
        t_scr[pl.ds(b * RB, RB), :] = t

        @pl.when(b == 0)
        def _():
            s1_scr[...] = jnp.zeros_like(s1_scr)

        s1_scr[0:1, :] += jnp.sum(t, axis=0, keepdims=True)
        s1_scr[1:2, :] += jnp.sum(t * t, axis=0, keepdims=True)

    @pl.when(p == 1)
    def _():
        t = t_scr[pl.ds(b * RB, RB), :]
        m = s1_scr[0:1, :] * (1.0 / N)
        v = s1_scr[1:2, :] * (1.0 / N) - m * m
        tn = g1_ref[...] * (t - m) / jnp.sqrt(v + 1e-5) + b1_ref[...]
        tr = jnp.maximum(tn, 0.0)
        y = jnp.dot(tr, w2_ref[...], preferred_element_type=jnp.float32)
        y_scr[pl.ds(b * RB, RB), :] = y

        @pl.when(b == 0)
        def _():
            s2_scr[...] = jnp.zeros_like(s2_scr)

        s2_scr[0:1, :] += jnp.sum(y, axis=0, keepdims=True)
        s2_scr[1:2, :] += jnp.sum(y * y, axis=0, keepdims=True)

    @pl.when(p == 2)
    def _():
        y = y_scr[pl.ds(b * RB, RB), :]
        m = s2_scr[0:1, :] * (1.0 / N)
        v = s2_scr[1:2, :] * (1.0 / N) - m * m
        yn = og_ref[...] * (y - m) / jnp.sqrt(v + 1e-5) + ob_ref[...]
        o_ref[...] = jnp.maximum(yn, 0.0) * rmout_ref[...]


def _layer(h, partials, w1, g1, b1, w2, og, ob, rmout):
    return pl.pallas_call(
        _layer_body,
        grid=(3, NRB),
        in_specs=[
            pl.BlockSpec((RB, D), lambda p, b: ((p == 0) * b, 0)),
            pl.BlockSpec((2, RB, D), lambda p, b: (0, (p == 0) * b, 0)),
            pl.BlockSpec((D, H), lambda p, b: (0, 0)),
            pl.BlockSpec((1, H), lambda p, b: (0, 0)),
            pl.BlockSpec((1, H), lambda p, b: (0, 0)),
            pl.BlockSpec((H, D), lambda p, b: (0, 0)),
            pl.BlockSpec((1, D), lambda p, b: (0, 0)),
            pl.BlockSpec((1, D), lambda p, b: (0, 0)),
            pl.BlockSpec((RB, 1), lambda p, b: ((p == 2) * b, 0)),
        ],
        out_specs=pl.BlockSpec((RB, D), lambda p, b: ((p == 2) * b, 0)),
        out_shape=jax.ShapeDtypeStruct((N, D), jnp.float32),
        scratch_shapes=[
            pltpu.VMEM((N, H), jnp.float32),
            pltpu.VMEM((N, D), jnp.float32),
            pltpu.VMEM((2, H), jnp.float32),
            pltpu.VMEM((2, D), jnp.float32),
        ],
    )(h, partials, w1, g1, b1, w2, og, ob, rmout)



def _rowmask_body(x_ref, rm_ref, o_ref):
    o_ref[...] = x_ref[...] * rm_ref[...]


def _rowmask(x, rm):
    return pl.pallas_call(
        _rowmask_body,
        grid=(NRB,),
        in_specs=[
            pl.BlockSpec((RB, D), lambda b: (b, 0)),
            pl.BlockSpec((RB, 1), lambda b: (b, 0)),
        ],
        out_specs=pl.BlockSpec((RB, D), lambda b: (b, 0)),
        out_shape=jax.ShapeDtypeStruct((N, D), jnp.float32),
    )(x, rm)



def _loss_body(x_ref, r1_ref, r2_ref, wm1_ref, wm2_ref, o_ref):
    def nrm(a):
        nn = jnp.sqrt(jnp.sum(a * a, axis=1, keepdims=True))
        return a / jnp.maximum(nn, 1e-12)

    xn = nrm(x_ref[...])
    r1n = nrm(r1_ref[...])
    r2n = nrm(r2_ref[...])
    c1 = jnp.sum(r1n * xn, axis=1, keepdims=True)
    c2 = jnp.sum(r2n * xn, axis=1, keepdims=True)
    ccl = jnp.sum(r2n * r1n, axis=1, keepdims=True)
    l1 = jnp.sum(wm1_ref[...] * (1.0 - c1)) / (N // 2)
    l2 = jnp.sum(wm2_ref[...] * (1.0 - c2)) / (N // 2)
    cl = jnp.sum(1.0 - ccl) / N
    o_ref[...] = jnp.reshape(l1 + l2 + 0.1 * cl, (1, 1))


def _loss(x, r1, r2, wm1, wm2):
    return pl.pallas_call(
        _loss_body,
        out_shape=jax.ShapeDtypeStruct((1, 1), jnp.float32),
    )(x, r1, r2, wm1, wm2)



def _tf2x32(k0, k1, x0, x1):
    ks = (k0, k1, k0 ^ k1 ^ jnp.uint32(0x1BD11BDA))
    rotations = ((13, 15, 26, 6), (17, 29, 16, 24))
    x0 = x0 + ks[0]
    x1 = x1 + ks[1]
    for i in range(5):
        for r in rotations[i % 2]:
            x0 = x0 + x1
            x1 = (x1 << r) | (x1 >> (32 - r))
            x1 = x0 ^ x1
        x0 = x0 + ks[(i + 1) % 3]
        x1 = x1 + ks[(i + 2) % 3] + jnp.uint32(i + 1)
    return x0, x1


def _unif_prefix(key, count, size):
    kd = jax.random.key_data(key)
    c = count.astype(jnp.uint32)
    half = (c + jnp.uint32(1)) // jnp.uint32(2)
    odd = c & jnp.uint32(1)
    j = jnp.arange(size, dtype=jnp.uint32)
    second = j >= half
    a0 = jnp.where(second, j - half, j)
    pad = (odd == jnp.uint32(1)) & (j == half - jnp.uint32(1))
    a1 = jnp.where(second, j, jnp.where(pad, jnp.uint32(0), j + half))
    o0, o1 = _tf2x32(kd[0], kd[1], a0, a1)
    bits = jnp.where(second, o1, o0)
    f = jax.lax.bitcast_convert_type((bits >> 9) | jnp.uint32(0x3F800000), jnp.float32)
    return f - jnp.float32(1.0)


def _keep_bits(key, valid, p=0.2):
    size = valid.shape[0]
    if jax.config.jax_threefry_partitionable:
        return jax.random.bernoulli(key, 1.0 - p, (size,))
    u = _unif_prefix(key, valid.sum(), size)
    return u < jnp.float32(1.0 - p)



def kernel(x, edge_index, batch, e0_w1, e0_g1, e0_b1, e0_w2, e0_og, e0_ob,
           e1_w1, e1_g1, e1_b1, e1_w2, e1_og, e1_ob,
           d0_w1, d0_g1, d0_b1, d0_w2, d0_og, d0_ob):
    n = N
    s0 = edge_index[0]
    d0 = edge_index[1]
    code = jnp.sort(jnp.concatenate([s0 * n + d0, d0 * n + s0]))
    su = code // n
    du = code % n
    first = jnp.concatenate([jnp.ones((1,), jnp.bool_), code[1:] != code[:-1]])

    rk = jax.random.key(42)
    rank = jnp.cumsum(first) - 1
    bits1 = _keep_bits(jax.random.fold_in(rk, 1), first)
    m1 = jax.random.permutation(jax.random.fold_in(rk, 2), n)[: n // 2]
    bits2 = _keep_bits(jax.random.fold_in(rk, 3), first)
    m2 = jax.random.permutation(jax.random.fold_in(rk, 4), n)[: n // 2]

    arangeE = jnp.arange(E2, dtype=jnp.int32)
    idx_v = jnp.where(first, rank, E2).astype(jnp.int32)
    tmp_f = jnp.zeros((E2,), jnp.float32).at[idx_v].add(
        (arangeE + 1).astype(jnp.float32), mode="drop", unique_indices=True)
    tmp = tmp_f.astype(jnp.int32) - 1
    b12 = bits1.astype(jnp.float32) + 2.0 * bits2.astype(jnp.float32)
    gb = jnp.zeros((E2,), jnp.float32).at[tmp].add(
        b12, mode="drop", unique_indices=True)
    bit2 = gb >= 2.0
    bit1 = (gb - 2.0 * bit2.astype(jnp.float32)) >= 1.0
    keep1 = first & bit1
    keep2 = first & bit2

    rm1 = jnp.ones((n,), jnp.float32).at[m1].set(0.0)
    rm2 = jnp.ones((n,), jnp.float32).at[m2].set(0.0)
    rm1c = rm1[:, None]
    rm2c = rm2[:, None]
    ones_c = jnp.ones((n, 1), jnp.float32)
    wm1c = 1.0 - rm1c
    wm2c = 1.0 - rm2c

    pad_i = (DUMMY + jnp.arange(E_CAP - E2, dtype=jnp.int32) % (AGG_ROWS - N))
    def interleave(a):
        return a.reshape(1000, E2 // 1000).T.reshape(-1)

    su_i = interleave(su)
    src3 = jnp.concatenate([su_i, jnp.zeros((E_CAP - E2,), jnp.int32)]).reshape(NW, KCH, CH)

    dummy_spread = DUMMY + (arangeE % (AGG_ROWS - N))

    def dst_arr(keep):
        dm = jnp.where(keep, du, dummy_spread).astype(jnp.int32)
        return jnp.concatenate([interleave(dm), pad_i]).reshape(NW, KCH, CH)

    dB1 = dst_arr(keep1)
    dB2 = dst_arr(keep2)

    zrows = jnp.zeros((ROWS_PER_TILE, D), jnp.float32)

    def gin(h, dst3, rmout, w1, g1, b1, w2, og, ob):
        partials = _spmm(src3, dst3, h, zrows)
        return _layer(h, partials, w1, g1[None, :], b1[None, :],
                      w2, og[None, :], ob[None, :], rmout)

    x1 = _rowmask(x, rm1c)
    h1 = gin(x1, dB1, ones_c, e0_w1, e0_g1, e0_b1, e0_w2, e0_og, e0_ob)
    h2 = gin(h1, dB1, rm1c, e1_w1, e1_g1, e1_b1, e1_w2, e1_og, e1_ob)
    r1 = gin(h2, dB1, ones_c, d0_w1, d0_g1, d0_b1, d0_w2, d0_og, d0_ob)

    x2 = _rowmask(x, rm2c)
    g1_ = gin(x2, dB2, ones_c, e0_w1, e0_g1, e0_b1, e0_w2, e0_og, e0_ob)
    g2 = gin(g1_, dB2, rm2c, e1_w1, e1_g1, e1_b1, e1_w2, e1_og, e1_ob)
    r2 = gin(g2, dB2, ones_c, d0_w1, d0_g1, d0_b1, d0_w2, d0_og, d0_ob)

    loss = _loss(x, r1, r2, wm1c, wm2c)
    return jnp.reshape(loss, ())

# --- scband reference (transcript-rebuilt; emitter-appended) ---
"""Pipeline reference for scband-gamc-20194936226511 (READ-ONLY COPY).

The authoritative reference and input builder live on the scoring server;
editing this copy changes nothing except your own understanding.
"""

import jax, jax.numpy as jnp
import numpy as np

N_NODES = 10000
N_EDGES = 320000
IN_DIM = 128
OUT_DIM = 128
HIDDEN = 512
N_GRAPHS = 16

WNAMES = ('e0_w1','e0_g1','e0_b1','e0_w2','e0_og','e0_ob','e1_w1','e1_g1','e1_b1','e1_w2','e1_og','e1_ob','d0_w1','d0_g1','d0_b1','d0_w2','d0_og','d0_ob')

def _make_params(key):
    ks = jax.random.split(key, 6)
    def lin(k, i, o):
        return jax.random.normal(k, (i, o), dtype=jnp.float32) * 0.05
    p = {}
    p['e0_w1'] = lin(ks[0], IN_DIM, HIDDEN)
    p['e0_g1'] = jnp.ones((HIDDEN,), jnp.float32)
    p['e0_b1'] = jnp.zeros((HIDDEN,), jnp.float32)
    p['e0_w2'] = lin(ks[1], HIDDEN, OUT_DIM)
    p['e0_og'] = jnp.ones((OUT_DIM,), jnp.float32)
    p['e0_ob'] = jnp.zeros((OUT_DIM,), jnp.float32)
    p['e1_w1'] = lin(ks[2], OUT_DIM, HIDDEN)
    p['e1_g1'] = jnp.ones((HIDDEN,), jnp.float32)
    p['e1_b1'] = jnp.zeros((HIDDEN,), jnp.float32)
    p['e1_w2'] = lin(ks[3], HIDDEN, OUT_DIM)
    p['e1_og'] = jnp.ones((OUT_DIM,), jnp.float32)
    p['e1_ob'] = jnp.zeros((OUT_DIM,), jnp.float32)
    p['d0_w1'] = lin(ks[4], OUT_DIM, HIDDEN)
    p['d0_g1'] = jnp.ones((HIDDEN,), jnp.float32)
    p['d0_b1'] = jnp.zeros((HIDDEN,), jnp.float32)
    p['d0_w2'] = lin(ks[5], HIDDEN, IN_DIM)
    p['d0_og'] = jnp.ones((IN_DIM,), jnp.float32)
    p['d0_ob'] = jnp.zeros((IN_DIM,), jnp.float32)
    return p

def setup_inputs(seed: int = 0):
    key = jax.random.key(seed)
    k1, k2, k3, k4 = jax.random.split(key, 4)
    x = jax.random.normal(k1, (N_NODES, IN_DIM), dtype=jnp.float32)
    edge_index = jax.random.randint(k2, (2, N_EDGES), 0, N_NODES, dtype=jnp.int32)
    batch = jnp.sort(jax.random.randint(k3, (N_NODES,), 0, N_GRAPHS, dtype=jnp.int32))
    inp = {'x': x, 'edge_index': edge_index, 'batch': batch}
    inp.update(_make_params(k4))
    return inp

def _bn(h, g, b):
    m = h.mean(axis=0)
    v = h.var(axis=0)
    return g * (h - m) / jnp.sqrt(v + 1e-5) + b

def _gin_layer(x, src, dst, emask, batch, w1, g1, b1, w2, og, ob):
    msg = jnp.where(emask[:, None], x[src], 0.0)
    agg = jnp.zeros_like(x).at[dst].add(msg)
    h = x + agg
    h = jax.nn.relu(_bn(h @ w1, g1, b1)) @ w2
    h = jax.nn.relu(_bn(h, og, ob))
    pooled = jax.ops.segment_sum(h, batch, num_segments=N_GRAPHS)
    return h, pooled

def _to_undirected(edge_index, n):
    src = jnp.concatenate([edge_index[0], edge_index[1]])
    dst = jnp.concatenate([edge_index[1], edge_index[0]])
    code = jnp.sort(src * n + dst)
    first = jnp.concatenate([jnp.ones((1,), jnp.bool_), code[1:] != code[:-1]])
    return code // n, code % n, first

def _threefry2x32(k0, k1, x0, x1):
    ks = (k0, k1, k0 ^ k1 ^ jnp.uint32(0x1BD11BDA))
    rotations = ((13, 15, 26, 6), (17, 29, 16, 24))
    x0 = x0 + ks[0]
    x1 = x1 + ks[1]
    for i in range(5):
        for r in rotations[i % 2]:
            x0 = x0 + x1
            x1 = (x1 << r) | (x1 >> (32 - r))
            x1 = x0 ^ x1
        x0 = x0 + ks[(i + 1) % 3]
        x1 = x1 + ks[(i + 2) % 3] + jnp.uint32(i + 1)
    return x0, x1

def _uniform_prefix(key, count, size):
    kd = jax.random.key_data(key)
    c = count.astype(jnp.uint32)
    half = (c + jnp.uint32(1)) // jnp.uint32(2)
    odd = c & jnp.uint32(1)
    j = jnp.arange(size, dtype=jnp.uint32)
    second = j >= half
    a0 = jnp.where(second, j - half, j)
    pad = (odd == jnp.uint32(1)) & (j == half - jnp.uint32(1))
    a1 = jnp.where(second, j, jnp.where(pad, jnp.uint32(0), j + half))
    o0, o1 = _threefry2x32(kd[0], kd[1], a0, a1)
    bits = jnp.where(second, o1, o0)
    f = jax.lax.bitcast_convert_type((bits >> 9) | jnp.uint32(0x3F800000), jnp.float32)
    return f - jnp.float32(1.0)

def _dropout_edge(src, dst, key, valid, p=0.2):
    size = src.shape[0]
    rank = jnp.cumsum(valid) - 1
    if jax.config.jax_threefry_partitionable:
        keep_rank = jax.random.bernoulli(key, 1.0 - p, (size,))
    else:
        u = _uniform_prefix(key, valid.sum(), size)
        keep_rank = u < jnp.float32(1.0 - p)
    return valid & keep_rank[rank]

def _sce(x, y, alpha=1):
    xn = x / jnp.clip(jnp.linalg.norm(x, axis=-1, keepdims=True), 1e-12)
    yn = y / jnp.clip(jnp.linalg.norm(y, axis=-1, keepdims=True), 1e-12)
    return jnp.mean((1.0 - (xn * yn).sum(axis=-1)) ** alpha)

def _pass(x, src, dst, emask, batch, mask_nodes, P):
    x1 = x.at[mask_nodes].set(0.0)
    h, _p0 = _gin_layer(x1, src, dst, emask, batch, P['e0_w1'], P['e0_g1'], P['e0_b1'], P['e0_w2'], P['e0_og'], P['e0_ob'])
    h, _p1 = _gin_layer(h, src, dst, emask, batch, P['e1_w1'], P['e1_g1'], P['e1_b1'], P['e1_w2'], P['e1_og'], P['e1_ob'])
    re_h = h.at[mask_nodes].set(0.0)
    re_x, _p2 = _gin_layer(re_h, src, dst, emask, batch, P['d0_w1'], P['d0_g1'], P['d0_b1'], P['d0_w2'], P['d0_og'], P['d0_ob'])
    return re_x

def reference(x, edge_index, batch, e0_w1, e0_g1, e0_b1, e0_w2, e0_og, e0_ob, e1_w1, e1_g1, e1_b1, e1_w2, e1_og, e1_ob, d0_w1, d0_g1, d0_b1, d0_w2, d0_og, d0_ob):
    ws = (e0_w1, e0_g1, e0_b1, e0_w2, e0_og, e0_ob, e1_w1, e1_g1, e1_b1, e1_w2, e1_og, e1_ob, d0_w1, d0_g1, d0_b1, d0_w2, d0_og, d0_ob)
    P = dict(zip(WNAMES, ws))
    n = x.shape[0]
    su, du, first = _to_undirected(edge_index, n)
    rk = jax.random.key(42)
    keep1 = _dropout_edge(su, du, jax.random.fold_in(rk, 1), first)
    m1 = jax.random.permutation(jax.random.fold_in(rk, 2), n)[: n // 2]
    keep2 = _dropout_edge(su, du, jax.random.fold_in(rk, 3), first)
    m2 = jax.random.permutation(jax.random.fold_in(rk, 4), n)[: n // 2]
    re_x1 = _pass(x, su, du, keep1, batch, m1, P)
    loss1 = _sce(re_x1[m1], jax.lax.stop_gradient(x[m1]))
    re_x2 = _pass(x, su, du, keep2, batch, m2, P)
    loss2 = _sce(re_x2[m2], jax.lax.stop_gradient(x[m2]))
    cl = _sce(re_x2, re_x1)
    return loss1 + loss2 + cl * 0.1

if __name__ == "__main__":
    import jax
    _d = setup_inputs()
    print(jax.jit(kernel)(*tuple(_d.values())))

</pallas_src>

<mosaic_0001>
#map = affine_map<(d0, d1) -> (0, 0, 0)>
#map1 = affine_map<(d0, d1) -> (0, 0)>
module attributes {stable_mosaic.version = 14 : i64} {
  func.func @_spmm_body(%arg0: i32, %arg1: i32, %arg2: memref<32x160x128xi32, #tpu.memory_space<hbm>>, %arg3: memref<32x160x128xi32, #tpu.memory_space<hbm>>, %arg4: memref<10000x128xf32, #tpu.memory_space<hbm>>, %arg5: memref<632x128xf32, #tpu.memory_space<hbm>>, %arg6: memref<2x10112x128xf32, #tpu.memory_space<hbm>>, %arg7: memref<32x128xi32, #tpu.memory_space<vmem>>, %arg8: memref<32x128xi32, #tpu.memory_space<vmem>>, %arg9: memref<128x128xf32, #tpu.memory_space<vmem>>, %arg10: memref<128x128xf32, #tpu.memory_space<vmem>>, %arg11: memref<!tpu.dma_semaphore, #tpu.memory_space<semaphore_mem>>, %arg12: memref<!tpu.dma_semaphore, #tpu.memory_space<semaphore_mem>>, %arg13: memref<10112x128xf32, #tpu.memory_space<vmem_shared>>) attributes {dimension_semantics = [#tpu.dimension_semantics<core_parallel>, #tpu.dimension_semantics<subcore_parallel>], iteration_bounds = array<i64: 2, 16>, scalar_prefetch = 0 : i64, scratch_operands = 7 : i64, tpu.core_type = #tpu.core_type<sc_vector_subcore>, window_params = [{transform_indices = #map}, {transform_indices = #map}, {transform_indices = #map1}, {transform_indices = #map1}, {transform_indices = #map}]} {
    %mul3A = arith.constant 2 : i32
    %mul3A_0 = arith.muli %arg1, %mul3A : i32
    %add3A = arith.addi %mul3A_0, %arg0 : i32
    %mul3A_1 = arith.constant 632 : i32
    %mul3A_2 = arith.muli %arg1, %mul3A_1 : i32
    "tpu.region"() ({
      %run_scoped3A = tpu.sem_alloc : memref<!tpu.dma_semaphore, #tpu.memory_space<semaphore_mem>>
      %dma_start3A = arith.constant 0 : i32
      %dma_start3A_13 = tpu.memref_slice %arg13[%mul3A_2, %dma_start3A] : memref<10112x128xf32, #tpu.memory_space<vmem_shared>> -> memref<632x128xf32, #tpu.memory_space<vmem_shared>>
      tpu.enqueue_dma source(%arg5 : memref<632x128xf32, #tpu.memory_space<hbm>>) target(%dma_start3A_13 : memref<632x128xf32, #tpu.memory_space<vmem_shared>>) target_semaphore(%run_scoped3A : memref<!tpu.dma_semaphore, #tpu.memory_space<semaphore_mem>>)
      %dma_wait3A = arith.constant 0 : i32
      %dma_wait3A_14 = tpu.memref_slice %arg13[%mul3A_2, %dma_wait3A] : memref<10112x128xf32, #tpu.memory_space<vmem_shared>> -> memref<632x128xf32, #tpu.memory_space<vmem_shared>>
      tpu.wait_dma2 semaphore(%run_scoped3A : memref<!tpu.dma_semaphore, #tpu.memory_space<semaphore_mem>>) src(%arg5 : memref<632x128xf32, #tpu.memory_space<hbm>>) dst(%dma_wait3A_14 : memref<632x128xf32, #tpu.memory_space<vmem_shared>>)
      tpu.yield
    }) : () -> ()
    %barrier3A = arith.constant 0 : index
    tpu.barrier barrier_id(%barrier3A)
    %scan3A = arith.constant 0 : i32
    %scan3A_3 = arith.constant 0 : i32
    %scan3A_4 = arith.constant 5 : i32
    %scan3A_5 = arith.addi %scan3A_3, %scan3A_4 : i32
    %scan3A_6 = arith.constant 1 : i32
    scf.for %scan3A_13 = %scan3A_3 to %scan3A_5 step %scan3A_6  : i32 {
      %mul3A_14 = arith.constant 32 : i32
      %mul3A_15 = arith.muli %scan3A_13, %mul3A_14 : i32
      "tpu.region"() ({
        %run_scoped3A_51 = tpu.sem_alloc : memref<!tpu.dma_semaphore, #tpu.memory_space<semaphore_mem>>
        %dma_start3A_52 = arith.constant 0 : i32
        %dma_start3A_53 = tpu.memref_slice %arg2[%add3A, %mul3A_15, %dma_start3A_52] : memref<32x160x128xi32, #tpu.memory_space<hbm>> -> memref<1x32x128xi32, #tpu.memory_space<hbm>>
        %dma_start3A_54 = tpu.memref_squeeze %dma_start3A_53 : memref<1x32x128xi32, #tpu.memory_space<hbm>> -> memref<32x128xi32, #tpu.memory_space<hbm>>
        %dma_start3A_55 = arith.constant 0 : i32
        %dma_start3A_56 = tpu.memref_slice %arg2[%add3A, %mul3A_15, %dma_start3A_55] : memref<32x160x128xi32, #tpu.memory_space<hbm>> -> memref<1x32x128xi32, #tpu.memory_space<hbm>>
        %dma_start3A_57 = tpu.memref_squeeze %dma_start3A_56 : memref<1x32x128xi32, #tpu.memory_space<hbm>> -> memref<32x128xi32, #tpu.memory_space<hbm>>
        tpu.enqueue_dma source(%dma_start3A_57 : memref<32x128xi32, #tpu.memory_space<hbm>>) target(%arg7 : memref<32x128xi32, #tpu.memory_space<vmem>>) target_semaphore(%run_scoped3A_51 : memref<!tpu.dma_semaphore, #tpu.memory_space<semaphore_mem>>)
        %dma_wait3A_58 = arith.constant 0 : i32
        %dma_wait3A_59 = tpu.memref_slice %arg2[%add3A, %mul3A_15, %dma_wait3A_58] : memref<32x160x128xi32, #tpu.memory_space<hbm>> -> memref<1x32x128xi32, #tpu.memory_space<hbm>>
        %dma_wait3A_60 = tpu.memref_squeeze %dma_wait3A_59 : memref<1x32x128xi32, #tpu.memory_space<hbm>> -> memref<32x128xi32, #tpu.memory_space<hbm>>
        %dma_wait3A_61 = arith.constant 0 : i32
        %dma_wait3A_62 = tpu.memref_slice %arg2[%add3A, %mul3A_15, %dma_wait3A_61] : memref<32x160x128xi32, #tpu.memory_space<hbm>> -> memref<1x32x128xi32, #tpu.memory_space<hbm>>
        %dma_wait3A_63 = tpu.memref_squeeze %dma_wait3A_62 : memref<1x32x128xi32, #tpu.memory_space<hbm>> -> memref<32x128xi32, #tpu.memory_space<hbm>>
        tpu.wait_dma2 semaphore(%run_scoped3A_51 : memref<!tpu.dma_semaphore, #tpu.memory_space<semaphore_mem>>) src(%dma_wait3A_63 : memref<32x128xi32, #tpu.memory_space<hbm>>) dst(%arg7 : memref<32x128xi32, #tpu.memory_space<vmem>>)
        tpu.yield
      }) : () -> ()
      %mul3A_16 = arith.constant 32 : i32
      %mul3A_17 = arith.muli %scan3A_13, %mul3A_16 : i32
      "tpu.region"() ({
        %run_scoped3A_51 = tpu.sem_alloc : memref<!tpu.dma_semaphore, #tpu.memory_space<semaphore_mem>>
        %dma_start3A_52 = arith.constant 0 : i32
        %dma_start3A_53 = tpu.memref_slice %arg3[%add3A, %mul3A_17, %dma_start3A_52] : memref<32x160x128xi32, #tpu.memory_space<hbm>> -> memref<1x32x128xi32, #tpu.memory_space<hbm>>
        %dma_start3A_54 = tpu.memref_squeeze %dma_start3A_53 : memref<1x32x128xi32, #tpu.memory_space<hbm>> -> memref<32x128xi32, #tpu.memory_space<hbm>>
        %dma_start3A_55 = arith.constant 0 : i32
        %dma_start3A_56 = tpu.memref_slice %arg3[%add3A, %mul3A_17, %dma_start3A_55] : memref<32x160x128xi32, #tpu.memory_space<hbm>> -> memref<1x32x128xi32, #tpu.memory_space<hbm>>
        %dma_start3A_57 = tpu.memref_squeeze %dma_start3A_56 : memref<1x32x128xi32, #tpu.memory_space<hbm>> -> memref<32x128xi32, #tpu.memory_space<hbm>>
        tpu.enqueue_dma source(%dma_start3A_57 : memref<32x128xi32, #tpu.memory_space<hbm>>) target(%arg8 : memref<32x128xi32, #tpu.memory_space<vmem>>) target_semaphore(%run_scoped3A_51 : memref<!tpu.dma_semaphore, #tpu.memory_space<semaphore_mem>>)
        %dma_wait3A_58 = arith.constant 0 : i32
        %dma_wait3A_59 = tpu.memref_slice %arg3[%add3A, %mul3A_17, %dma_wait3A_58] : memref<32x160x128xi32, #tpu.memory_space<hbm>> -> memref<1x32x128xi32, #tpu.memory_space<hbm>>
        %dma_wait3A_60 = tpu.memref_squeeze %dma_wait3A_59 : memref<1x32x128xi32, #tpu.memory_space<hbm>> -> memref<32x128xi32, #tpu.memory_space<hbm>>
        %dma_wait3A_61 = arith.constant 0 : i32
        %dma_wait3A_62 = tpu.memref_slice %arg3[%add3A, %mul3A_17, %dma_wait3A_61] : memref<32x160x128xi32, #tpu.memory_space<hbm>> -> memref<1x32x128xi32, #tpu.memory_space<hbm>>
        %dma_wait3A_63 = tpu.memref_squeeze %dma_wait3A_62 : memref<1x32x128xi32, #tpu.memory_space<hbm>> -> memref<32x128xi32, #tpu.memory_space<hbm>>
        tpu.wait_dma2 semaphore(%run_scoped3A_51 : memref<!tpu.dma_semaphore, #tpu.memory_space<semaphore_mem>>) src(%dma_wait3A_63 : memref<32x128xi32, #tpu.memory_space<hbm>>) dst(%arg8 : memref<32x128xi32, #tpu.memory_space<vmem>>)
        tpu.yield
      }) : () -> ()
      %dma_start3A = arith.constant 0 : i32
      %dma_start3A_18 = arith.constant 0 : i32
      %dma_start3A_19 = tpu.memref_slice %arg7[%dma_start3A, %dma_start3A_18] : memref<32x128xi32, #tpu.memory_space<vmem>> -> memref<1x128xi32, #tpu.memory_space<vmem>>
      %dma_start3A_20 = tpu.memref_squeeze %dma_start3A_19 : memref<1x128xi32, #tpu.memory_space<vmem>> -> memref<128xi32, #tpu.memory_space<vmem>>
      %dma_start3A_21 = arith.constant 0 : i32
      %dma_start3A_22 = arith.constant 0 : i32
      %dma_start3A_23 = tpu.memref_slice %arg4[%dma_start3A_21, %dma_start3A_22] : memref<10000x128xf32, #tpu.memory_space<hbm>> -> memref<10000x128xf32, #tpu.memory_space<hbm>>
      tpu.enqueue_indirect_dma source(%dma_start3A_23 : memref<10000x128xf32, #tpu.memory_space<hbm>>) target(%arg9 : memref<128x128xf32, #tpu.memory_space<vmem>>) offsets(%dma_start3A_20 : memref<128xi32, #tpu.memory_space<vmem>>) semaphore(%arg11 : memref<!tpu.dma_semaphore, #tpu.memory_space<semaphore_mem>>)
      %dma_start3A_24 = arith.constant 1 : i32
      %dma_start3A_25 = arith.constant 0 : i32
      %dma_start3A_26 = tpu.memref_slice %arg7[%dma_start3A_24, %dma_start3A_25] : memref<32x128xi32, #tpu.memory_space<vmem>> -> memref<1x128xi32, #tpu.memory_space<vmem>>
      %dma_start3A_27 = tpu.memref_squeeze %dma_start3A_26 : memref<1x128xi32, #tpu.memory_space<vmem>> -> memref<128xi32, #tpu.memory_space<vmem>>
      %dma_start3A_28 = arith.constant 0 : i32
      %dma_start3A_29 = arith.constant 0 : i32
      %dma_start3A_30 = tpu.memref_slice %arg4[%dma_start3A_28, %dma_start3A_29] : memref<10000x128xf32, #tpu.memory_space<hbm>> -> memref<10000x128xf32, #tpu.memory_space<hbm>>
      tpu.enqueue_indirect_dma source(%dma_start3A_30 : memref<10000x128xf32, #tpu.memory_space<hbm>>) target(%arg10 : memref<128x128xf32, #tpu.memory_space<vmem>>) offsets(%dma_start3A_27 : memref<128xi32, #tpu.memory_space<vmem>>) semaphore(%arg12 : memref<!tpu.dma_semaphore, #tpu.memory_space<semaphore_mem>>)
      %scan3A_31 = arith.constant 0 : i32
      %scan3A_32 = arith.constant 0 : i32
      %scan3A_33 = arith.constant 15 : i32
      %scan3A_34 = arith.addi %scan3A_32, %scan3A_33 : i32
      %scan3A_35 = arith.constant 1 : i32
      scf.for %scan3A_51 = %scan3A_32 to %scan3A_34 step %scan3A_35  : i32 {
        %mul3A_52 = arith.constant 2 : i32
        %mul3A_53 = arith.muli %scan3A_51, %mul3A_52 : i32
        %dma_wait3A_54 = arith.constant 0 : i32
        %dma_wait3A_55 = arith.constant 0 : i32
        %dma_wait3A_56 = tpu.memref_slice %arg7[%dma_wait3A_54, %dma_wait3A_55] : memref<32x128xi32, #tpu.memory_space<vmem>> -> memref<1x128xi32, #tpu.memory_space<vmem>>
        %dma_wait3A_57 = tpu.memref_squeeze %dma_wait3A_56 : memref<1x128xi32, #tpu.memory_space<vmem>> -> memref<128xi32, #tpu.memory_space<vmem>>
        %dma_wait3A_58 = arith.constant 0 : i32
        %dma_wait3A_59 = arith.constant 0 : i32
        %dma_wait3A_60 = tpu.memref_slice %arg4[%dma_wait3A_58, %dma_wait3A_59] : memref<10000x128xf32, #tpu.memory_space<hbm>> -> memref<10000x128xf32, #tpu.memory_space<hbm>>
        tpu.wait_indirect_dma semaphore(%arg11 : memref<!tpu.dma_semaphore, #tpu.memory_space<semaphore_mem>>) src(%dma_wait3A_60 : memref<10000x128xf32, #tpu.memory_space<hbm>>) dst(%arg9 : memref<128x128xf32, #tpu.memory_space<vmem>>)
        "tpu.region"() ({
          %run_scoped3A_86 = tpu.sem_alloc : memref<!tpu.dma_semaphore, #tpu.memory_space<semaphore_mem>>
          %dma_start3A_87 = arith.constant 0 : i32
          %dma_start3A_88 = tpu.memref_slice %arg8[%mul3A_53, %dma_start3A_87] : memref<32x128xi32, #tpu.memory_space<vmem>> -> memref<1x128xi32, #tpu.memory_space<vmem>>
          %dma_start3A_89 = tpu.memref_squeeze %dma_start3A_88 : memref<1x128xi32, #tpu.memory_space<vmem>> -> memref<128xi32, #tpu.memory_space<vmem>>
          %dma_start3A_90 = arith.constant 0 : i32
          %dma_start3A_91 = arith.constant 0 : i32
          %dma_start3A_92 = tpu.memref_slice %arg13[%dma_start3A_90, %dma_start3A_91] : memref<10112x128xf32, #tpu.memory_space<vmem_shared>> -> memref<10112x128xf32, #tpu.memory_space<vmem_shared>>
          tpu.enqueue_indirect_dma source(%arg9 : memref<128x128xf32, #tpu.memory_space<vmem>>) target(%dma_start3A_92 : memref<10112x128xf32, #tpu.memory_space<vmem_shared>>) offsets(%dma_start3A_89 : memref<128xi32, #tpu.memory_space<vmem>>) semaphore(%run_scoped3A_86 : memref<!tpu.dma_semaphore, #tpu.memory_space<semaphore_mem>>) {add = true}
          %dma_wait3A_93 = arith.constant 0 : i32
          %dma_wait3A_94 = tpu.memref_slice %arg8[%mul3A_53, %dma_wait3A_93] : memref<32x128xi32, #tpu.memory_space<vmem>> -> memref<1x128xi32, #tpu.memory_space<vmem>>
          %dma_wait3A_95 = tpu.memref_squeeze %dma_wait3A_94 : memref<1x128xi32, #tpu.memory_space<vmem>> -> memref<128xi32, #tpu.memory_space<vmem>>
          %dma_wait3A_96 = arith.constant 0 : i32
          %dma_wait3A_97 = arith.constant 0 : i32
          %dma_wait3A_98 = tpu.memref_slice %arg13[%dma_wait3A_96, %dma_wait3A_97] : memref<10112x128xf32, #tpu.memory_space<vmem_shared>> -> memref<10112x128xf32, #tpu.memory_space<vmem_shared>>
          tpu.wait_indirect_dma semaphore(%run_scoped3A_86 : memref<!tpu.dma_semaphore, #tpu.memory_space<semaphore_mem>>) src(%arg9 : memref<128x128xf32, #tpu.memory_space<vmem>>) dst(%dma_wait3A_98 : memref<10112x128xf32, #tpu.memory_space<vmem_shared>>)
          tpu.yield
        }) : () -> ()
        %add3A_61 = arith.constant 2 : i32
        %add3A_62 = arith.addi %mul3A_53, %add3A_61 : i32
        %dma_start3A_63 = arith.constant 0 : i32
        %dma_start3A_64 = tpu.memref_slice %arg7[%add3A_62, %dma_start3A_63] : memref<32x128xi32, #tpu.memory_space<vmem>> -> memref<1x128xi32, #tpu.memory_space<vmem>>
        %dma_start3A_65 = tpu.memref_squeeze %dma_start3A_64 : memref<1x128xi32, #tpu.memory_space<vmem>> -> memref<128xi32, #tpu.memory_space<vmem>>
        %dma_start3A_66 = arith.constant 0 : i32
        %dma_start3A_67 = arith.constant 0 : i32
        %dma_start3A_68 = tpu.memref_slice %arg4[%dma_start3A_66, %dma_start3A_67] : memref<10000x128xf32, #tpu.memory_space<hbm>> -> memref<10000x128xf32, #tpu.memory_space<hbm>>
        tpu.enqueue_indirect_dma source(%dma_start3A_68 : memref<10000x128xf32, #tpu.memory_space<hbm>>) target(%arg9 : memref<128x128xf32, #tpu.memory_space<vmem>>) offsets(%dma_start3A_65 : memref<128xi32, #tpu.memory_space<vmem>>) semaphore(%arg11 : memref<!tpu.dma_semaphore, #tpu.memory_space<semaphore_mem>>)
        %dma_wait3A_69 = arith.constant 0 : i32
        %dma_wait3A_70 = arith.constant 0 : i32
        %dma_wait3A_71 = tpu.memref_slice %arg7[%dma_wait3A_69, %dma_wait3A_70] : memref<32x128xi32, #tpu.memory_space<vmem>> -> memref<1x128xi32, #tpu.memory_space<vmem>>
        %dma_wait3A_72 = tpu.memref_squeeze %dma_wait3A_71 : memref<1x128xi32, #tpu.memory_space<vmem>> -> memref<128xi32, #tpu.memory_space<vmem>>
        %dma_wait3A_73 = arith.constant 0 : i32
        %dma_wait3A_74 = arith.constant 0 : i32
        %dma_wait3A_75 = tpu.memref_slice %arg4[%dma_wait3A_73, %dma_wait3A_74] : memref<10000x128xf32, #tpu.memory_space<hbm>> -> memref<10000x128xf32, #tpu.memory_space<hbm>>
        tpu.wait_indirect_dma semaphore(%arg12 : memref<!tpu.dma_semaphore, #tpu.memory_space<semaphore_mem>>) src(%dma_wait3A_75 : memref<10000x128xf32, #tpu.memory_space<hbm>>) dst(%arg10 : memref<128x128xf32, #tpu.memory_space<vmem>>)
        %add3A_76 = arith.constant 1 : i32
        %add3A_77 = arith.addi %mul3A_53, %add3A_76 : i32
        "tpu.region"() ({
          %run_scoped3A_86 = tpu.sem_alloc : memref<!tpu.dma_semaphore, #tpu.memory_space<semaphore_mem>>
          %dma_start3A_87 = arith.constant 0 : i32
          %dma_start3A_88 = tpu.memref_slice %arg8[%add3A_77, %dma_start3A_87] : memref<32x128xi32, #tpu.memory_space<vmem>> -> memref<1x128xi32, #tpu.memory_space<vmem>>
          %dma_start3A_89 = tpu.memref_squeeze %dma_start3A_88 : memref<1x128xi32, #tpu.memory_space<vmem>> -> memref<128xi32, #tpu.memory_space<vmem>>
          %dma_start3A_90 = arith.constant 0 : i32
          %dma_start3A_91 = arith.constant 0 : i32
          %dma_start3A_92 = tpu.memref_slice %arg13[%dma_start3A_90, %dma_start3A_91] : memref<10112x128xf32, #tpu.memory_space<vmem_shared>> -> memref<10112x128xf32, #tpu.memory_space<vmem_shared>>
          tpu.enqueue_indirect_dma source(%arg10 : memref<128x128xf32, #tpu.memory_space<vmem>>) target(%dma_start3A_92 : memref<10112x128xf32, #tpu.memory_space<vmem_shared>>) offsets(%dma_start3A_89 : memref<128xi32, #tpu.memory_space<vmem>>) semaphore(%run_scoped3A_86 : memref<!tpu.dma_semaphore, #tpu.memory_space<semaphore_mem>>) {add = true}
          %dma_wait3A_93 = arith.constant 0 : i32
          %dma_wait3A_94 = tpu.memref_slice %arg8[%add3A_77, %dma_wait3A_93] : memref<32x128xi32, #tpu.memory_space<vmem>> -> memref<1x128xi32, #tpu.memory_space<vmem>>
          %dma_wait3A_95 = tpu.memref_squeeze %dma_wait3A_94 : memref<1x128xi32, #tpu.memory_space<vmem>> -> memref<128xi32, #tpu.memory_space<vmem>>
          %dma_wait3A_96 = arith.constant 0 : i32
          %dma_wait3A_97 = arith.constant 0 : i32
          %dma_wait3A_98 = tpu.memref_slice %arg13[%dma_wait3A_96, %dma_wait3A_97] : memref<10112x128xf32, #tpu.memory_space<vmem_shared>> -> memref<10112x128xf32, #tpu.memory_space<vmem_shared>>
          tpu.wait_indirect_dma semaphore(%run_scoped3A_86 : memref<!tpu.dma_semaphore, #tpu.memory_space<semaphore_mem>>) src(%arg10 : memref<128x128xf32, #tpu.memory_space<vmem>>) dst(%dma_wait3A_98 : memref<10112x128xf32, #tpu.memory_space<vmem_shared>>)
          tpu.yield
        }) : () -> ()
        %add3A_78 = arith.constant 3 : i32
        %add3A_79 = arith.addi %mul3A_53, %add3A_78 : i32
        %dma_start3A_80 = arith.constant 0 : i32
        %dma_start3A_81 = tpu.memref_slice %arg7[%add3A_79, %dma_start3A_80] : memref<32x128xi32, #tpu.memory_space<vmem>> -> memref<1x128xi32, #tpu.memory_space<vmem>>
        %dma_start3A_82 = tpu.memref_squeeze %dma_start3A_81 : memref<1x128xi32, #tpu.memory_space<vmem>> -> memref<128xi32, #tpu.memory_space<vmem>>
        %dma_start3A_83 = arith.constant 0 : i32
        %dma_start3A_84 = arith.constant 0 : i32
        %dma_start3A_85 = tpu.memref_slice %arg4[%dma_start3A_83, %dma_start3A_84] : memref<10000x128xf32, #tpu.memory_space<hbm>> -> memref<10000x128xf32, #tpu.memory_space<hbm>>
        tpu.enqueue_indirect_dma source(%dma_start3A_85 : memref<10000x128xf32, #tpu.memory_space<hbm>>) target(%arg10 : memref<128x128xf32, #tpu.memory_space<vmem>>) offsets(%dma_start3A_82 : memref<128xi32, #tpu.memory_space<vmem>>) semaphore(%arg12 : memref<!tpu.dma_semaphore, #tpu.memory_space<semaphore_mem>>)
      }
      %scan3A_36 = arith.constant 15 : i32
      %dma_wait3A = arith.constant 0 : i32
      %dma_wait3A_37 = arith.constant 0 : i32
      %dma_wait3A_38 = tpu.memref_slice %arg7[%dma_wait3A, %dma_wait3A_37] : memref<32x128xi32, #tpu.memory_space<vmem>> -> memref<1x128xi32, #tpu.memory_space<vmem>>
      %dma_wait3A_39 = tpu.memref_squeeze %dma_wait3A_38 : memref<1x128xi32, #tpu.memory_space<vmem>> -> memref<128xi32, #tpu.memory_space<vmem>>
      %dma_wait3A_40 = arith.constant 0 : i32
      %dma_wait3A_41 = arith.constant 0 : i32
      %dma_wait3A_42 = tpu.memref_slice %arg4[%dma_wait3A_40, %dma_wait3A_41] : memref<10000x128xf32, #tpu.memory_space<hbm>> -> memref<10000x128xf32, #tpu.memory_space<hbm>>
      tpu.wait_indirect_dma semaphore(%arg11 : memref<!tpu.dma_semaphore, #tpu.memory_space<semaphore_mem>>) src(%dma_wait3A_42 : memref<10000x128xf32, #tpu.memory_space<hbm>>) dst(%arg9 : memref<128x128xf32, #tpu.memory_space<vmem>>)
      %run_scoped3A = arith.constant 30 : i32
      "tpu.region"() ({
        %run_scoped3A_51 = tpu.sem_alloc : memref<!tpu.dma_semaphore, #tpu.memory_space<semaphore_mem>>
        %dma_start3A_52 = arith.constant 0 : i32
        %dma_start3A_53 = tpu.memref_slice %arg8[%run_scoped3A, %dma_start3A_52] : memref<32x128xi32, #tpu.memory_space<vmem>> -> memref<1x128xi32, #tpu.memory_space<vmem>>
        %dma_start3A_54 = tpu.memref_squeeze %dma_start3A_53 : memref<1x128xi32, #tpu.memory_space<vmem>> -> memref<128xi32, #tpu.memory_space<vmem>>
        %dma_start3A_55 = arith.constant 0 : i32
        %dma_start3A_56 = arith.constant 0 : i32
        %dma_start3A_57 = tpu.memref_slice %arg13[%dma_start3A_55, %dma_start3A_56] : memref<10112x128xf32, #tpu.memory_space<vmem_shared>> -> memref<10112x128xf32, #tpu.memory_space<vmem_shared>>
        tpu.enqueue_indirect_dma source(%arg9 : memref<128x128xf32, #tpu.memory_space<vmem>>) target(%dma_start3A_57 : memref<10112x128xf32, #tpu.memory_space<vmem_shared>>) offsets(%dma_start3A_54 : memref<128xi32, #tpu.memory_space<vmem>>) semaphore(%run_scoped3A_51 : memref<!tpu.dma_semaphore, #tpu.memory_space<semaphore_mem>>) {add = true}
        %dma_wait3A_58 = arith.constant 0 : i32
        %dma_wait3A_59 = tpu.memref_slice %arg8[%run_scoped3A, %dma_wait3A_58] : memref<32x128xi32, #tpu.memory_space<vmem>> -> memref<1x128xi32, #tpu.memory_space<vmem>>
        %dma_wait3A_60 = tpu.memref_squeeze %dma_wait3A_59 : memref<1x128xi32, #tpu.memory_space<vmem>> -> memref<128xi32, #tpu.memory_space<vmem>>
        %dma_wait3A_61 = arith.constant 0 : i32
        %dma_wait3A_62 = arith.constant 0 : i32
        %dma_wait3A_63 = tpu.memref_slice %arg13[%dma_wait3A_61, %dma_wait3A_62] : memref<10112x128xf32, #tpu.memory_space<vmem_shared>> -> memref<10112x128xf32, #tpu.memory_space<vmem_shared>>
        tpu.wait_indirect_dma semaphore(%run_scoped3A_51 : memref<!tpu.dma_semaphore, #tpu.memory_space<semaphore_mem>>) src(%arg9 : memref<128x128xf32, #tpu.memory_space<vmem>>) dst(%dma_wait3A_63 : memref<10112x128xf32, #tpu.memory_space<vmem_shared>>)
        tpu.yield
      }) : () -> ()
      %dma_wait3A_43 = arith.constant 0 : i32
      %dma_wait3A_44 = arith.constant 0 : i32
      %dma_wait3A_45 = tpu.memref_slice %arg7[%dma_wait3A_43, %dma_wait3A_44] : memref<32x128xi32, #tpu.memory_space<vmem>> -> memref<1x128xi32, #tpu.memory_space<vmem>>
      %dma_wait3A_46 = tpu.memref_squeeze %dma_wait3A_45 : memref<1x128xi32, #tpu.memory_space<vmem>> -> memref<128xi32, #tpu.memory_space<vmem>>
      %dma_wait3A_47 = arith.constant 0 : i32
      %dma_wait3A_48 = arith.constant 0 : i32
      %dma_wait3A_49 = tpu.memref_slice %arg4[%dma_wait3A_47, %dma_wait3A_48] : memref<10000x128xf32, #tpu.memory_space<hbm>> -> memref<10000x128xf32, #tpu.memory_space<hbm>>
      tpu.wait_indirect_dma semaphore(%arg12 : memref<!tpu.dma_semaphore, #tpu.memory_space<semaphore_mem>>) src(%dma_wait3A_49 : memref<10000x128xf32, #tpu.memory_space<hbm>>) dst(%arg10 : memref<128x128xf32, #tpu.memory_space<vmem>>)
      %run_scoped3A_50 = arith.constant 31 : i32
      "tpu.region"() ({
        %run_scoped3A_51 = tpu.sem_alloc : memref<!tpu.dma_semaphore, #tpu.memory_space<semaphore_mem>>
        %dma_start3A_52 = arith.constant 0 : i32
        %dma_start3A_53 = tpu.memref_slice %arg8[%run_scoped3A_50, %dma_start3A_52] : memref<32x128xi32, #tpu.memory_space<vmem>> -> memref<1x128xi32, #tpu.memory_space<vmem>>
        %dma_start3A_54 = tpu.memref_squeeze %dma_start3A_53 : memref<1x128xi32, #tpu.memory_space<vmem>> -> memref<128xi32, #tpu.memory_space<vmem>>
        %dma_start3A_55 = arith.constant 0 : i32
        %dma_start3A_56 = arith.constant 0 : i32
        %dma_start3A_57 = tpu.memref_slice %arg13[%dma_start3A_55, %dma_start3A_56] : memref<10112x128xf32, #tpu.memory_space<vmem_shared>> -> memref<10112x128xf32, #tpu.memory_space<vmem_shared>>
        tpu.enqueue_indirect_dma source(%arg10 : memref<128x128xf32, #tpu.memory_space<vmem>>) target(%dma_start3A_57 : memref<10112x128xf32, #tpu.memory_space<vmem_shared>>) offsets(%dma_start3A_54 : memref<128xi32, #tpu.memory_space<vmem>>) semaphore(%run_scoped3A_51 : memref<!tpu.dma_semaphore, #tpu.memory_space<semaphore_mem>>) {add = true}
        %dma_wait3A_58 = arith.constant 0 : i32
        %dma_wait3A_59 = tpu.memref_slice %arg8[%run_scoped3A_50, %dma_wait3A_58] : memref<32x128xi32, #tpu.memory_space<vmem>> -> memref<1x128xi32, #tpu.memory_space<vmem>>
        %dma_wait3A_60 = tpu.memref_squeeze %dma_wait3A_59 : memref<1x128xi32, #tpu.memory_space<vmem>> -> memref<128xi32, #tpu.memory_space<vmem>>
        %dma_wait3A_61 = arith.constant 0 : i32
        %dma_wait3A_62 = arith.constant 0 : i32
        %dma_wait3A_63 = tpu.memref_slice %arg13[%dma_wait3A_61, %dma_wait3A_62] : memref<10112x128xf32, #tpu.memory_space<vmem_shared>> -> memref<10112x128xf32, #tpu.memory_space<vmem_shared>>
        tpu.wait_indirect_dma semaphore(%run_scoped3A_51 : memref<!tpu.dma_semaphore, #tpu.memory_space<semaphore_mem>>) src(%arg10 : memref<128x128xf32, #tpu.memory_space<vmem>>) dst(%dma_wait3A_63 : memref<10112x128xf32, #tpu.memory_space<vmem_shared>>)
        tpu.yield
      }) : () -> ()
    }
    %scan3A_7 = arith.constant 5 : i32
    %barrier3A_8 = arith.constant 0 : index
    tpu.barrier barrier_id(%barrier3A_8)
    %mul3A_9 = arith.constant 632 : i32
    %mul3A_10 = arith.muli %arg1, %mul3A_9 : i32
    %mul3A_11 = arith.constant 632 : i32
    %mul3A_12 = arith.muli %arg1, %mul3A_11 : i32
    "tpu.region"() ({
      %run_scoped3A = tpu.sem_alloc : memref<!tpu.dma_semaphore, #tpu.memory_space<semaphore_mem>>
      %dma_start3A = arith.constant 0 : i32
      %dma_start3A_13 = tpu.memref_slice %arg6[%arg0, %mul3A_12, %dma_start3A] : memref<2x10112x128xf32, #tpu.memory_space<hbm>> -> memref<1x632x128xf32, #tpu.memory_space<hbm>>
      %dma_start3A_14 = tpu.memref_squeeze %dma_start3A_13 : memref<1x632x128xf32, #tpu.memory_space<hbm>> -> memref<632x128xf32, #tpu.memory_space<hbm>>
      %dma_start3A_15 = arith.constant 0 : i32
      %dma_start3A_16 = tpu.memref_slice %arg13[%mul3A_10, %dma_start3A_15] : memref<10112x128xf32, #tpu.memory_space<vmem_shared>> -> memref<632x128xf32, #tpu.memory_space<vmem_shared>>
      tpu.enqueue_dma source(%dma_start3A_16 : memref<632x128xf32, #tpu.memory_space<vmem_shared>>) target(%dma_start3A_14 : memref<632x128xf32, #tpu.memory_space<hbm>>) target_semaphore(%run_scoped3A : memref<!tpu.dma_semaphore, #tpu.memory_space<semaphore_mem>>)
      %dma_wait3A = arith.constant 0 : i32
      %dma_wait3A_17 = tpu.memref_slice %arg6[%arg0, %mul3A_12, %dma_wait3A] : memref<2x10112x128xf32, #tpu.memory_space<hbm>> -> memref<1x632x128xf32, #tpu.memory_space<hbm>>
      %dma_wait3A_18 = tpu.memref_squeeze %dma_wait3A_17 : memref<1x632x128xf32, #tpu.memory_space<hbm>> -> memref<632x128xf32, #tpu.memory_space<hbm>>
      %dma_wait3A_19 = arith.constant 0 : i32
      %dma_wait3A_20 = tpu.memref_slice %arg13[%mul3A_10, %dma_wait3A_19] : memref<10112x128xf32, #tpu.memory_space<vmem_shared>> -> memref<632x128xf32, #tpu.memory_space<vmem_shared>>
      tpu.wait_dma2 semaphore(%run_scoped3A : memref<!tpu.dma_semaphore, #tpu.memory_space<semaphore_mem>>) src(%dma_wait3A_20 : memref<632x128xf32, #tpu.memory_space<vmem_shared>>) dst(%dma_wait3A_18 : memref<632x128xf32, #tpu.memory_space<hbm>>)
      tpu.yield
    }) : () -> ()
    return
  }
}

#map = affine_map<(d0, d1) -> (0, 0, 0)>
#map1 = affine_map<(d0, d1) -> (0, 0)>
module attributes {stable_mosaic.version = 14 : i64} {
  func.func @_spmm_body(%arg0: i32, %arg1: i32, %arg2: memref<32x160x128xi32, #tpu.memory_space<hbm>>, %arg3: memref<32x160x128xi32, #tpu.memory_space<hbm>>, %arg4: memref<10000x128xf32, #tpu.memory_space<hbm>>, %arg5: memref<632x128xf32, #tpu.memory_space<hbm>>, %arg6: memref<2x10112x128xf32, #tpu.memory_space<hbm>>, %arg7: memref<32x128xi32, #tpu.memory_space<vmem>>, %arg8: memref<32x128xi32, #tpu.memory_space<vmem>>, %arg9: memref<128x128xf32, #tpu.memory_space<vmem>>, %arg10: memref<128x128xf32, #tpu.memory_space<vmem>>, %arg11: memref<!tpu.dma_semaphore, #tpu.memory_space<semaphore_mem>>, %arg12: memref<!tpu.dma_semaphore, #tpu.memory_space<semaphore_mem>>, %arg13: memref<10112x128xf32, #tpu.memory_space<vmem_shared>>) attributes {dimension_semantics = [#tpu.dimension_semantics<core_parallel>, #tpu.dimension_semantics<subcore_parallel>], iteration_bounds = array<i64: 2, 16>, scalar_prefetch = 0 : i64, scratch_operands = 7 : i64, tpu.core_type = #tpu.core_type<sc_vector_subcore>, window_params = [{transform_indices = #map}, {transform_indices = #map}, {transform_indices = #map1}, {transform_indices = #map1}, {transform_indices = #map}]} {
    %mul3A = arith.constant 2 : i32
    %mul3A_0 = arith.muli %arg1, %mul3A : i32
    %add3A = arith.addi %mul3A_0, %arg0 : i32
    %mul3A_1 = arith.constant 632 : i32
    %mul3A_2 = arith.muli %arg1, %mul3A_1 : i32
    "tpu.region"() ({
      %run_scoped3A = tpu.sem_alloc : memref<!tpu.dma_semaphore, #tpu.memory_space<semaphore_mem>>
      %dma_start3A = arith.constant 0 : i32
      %dma_start3A_13 = tpu.memref_slice %arg13[%mul3A_2, %dma_start3A] : memref<10112x128xf32, #tpu.memory_space<vmem_shared>> -> memref<632x128xf32, #tpu.memory_space<vmem_shared>>
      tpu.enqueue_dma source(%arg5 : memref<632x128xf32, #tpu.memory_space<hbm>>) target(%dma_start3A_13 : memref<632x128xf32, #tpu.memory_space<vmem_shared>>) target_semaphore(%run_scoped3A : memref<!tpu.dma_semaphore, #tpu.memory_space<semaphore_mem>>)
      %dma_wait3A = arith.constant 0 : i32
      %dma_wait3A_14 = tpu.memref_slice %arg13[%mul3A_2, %dma_wait3A] : memref<10112x128xf32, #tpu.memory_space<vmem_shared>> -> memref<632x128xf32, #tpu.memory_space<vmem_shared>>
      tpu.wait_dma2 semaphore(%run_scoped3A : memref<!tpu.dma_semaphore, #tpu.memory_space<semaphore_mem>>) src(%arg5 : memref<632x128xf32, #tpu.memory_space<hbm>>) dst(%dma_wait3A_14 : memref<632x128xf32, #tpu.memory_space<vmem_shared>>)
      tpu.yield
    }) : () -> ()
    %barrier3A = arith.constant 0 : index
    tpu.barrier barrier_id(%barrier3A)
    %scan3A = arith.constant 0 : i32
    %scan3A_3 = arith.constant 0 : i32
    %scan3A_4 = arith.constant 5 : i32
    %scan3A_5 = arith.addi %scan3A_3, %scan3A_4 : i32
    %scan3A_6 = arith.constant 1 : i32
    scf.for %scan3A_13 = %scan3A_3 to %scan3A_5 step %scan3A_6  : i32 {
      %mul3A_14 = arith.constant 32 : i32
      %mul3A_15 = arith.muli %scan3A_13, %mul3A_14 : i32
      "tpu.region"() ({
        %run_scoped3A_51 = tpu.sem_alloc : memref<!tpu.dma_semaphore, #tpu.memory_space<semaphore_mem>>
        %dma_start3A_52 = arith.constant 0 : i32
        %dma_start3A_53 = tpu.memref_slice %arg2[%add3A, %mul3A_15, %dma_start3A_52] : memref<32x160x128xi32, #tpu.memory_space<hbm>> -> memref<1x32x128xi32, #tpu.memory_space<hbm>>
        %dma_start3A_54 = tpu.memref_squeeze %dma_start3A_53 : memref<1x32x128xi32, #tpu.memory_space<hbm>> -> memref<32x128xi32, #tpu.memory_space<hbm>>
        %dma_start3A_55 = arith.constant 0 : i32
        %dma_start3A_56 = tpu.memref_slice %arg2[%add3A, %mul3A_15, %dma_start3A_55] : memref<32x160x128xi32, #tpu.memory_space<hbm>> -> memref<1x32x128xi32, #tpu.memory_space<hbm>>
        %dma_start3A_57 = tpu.memref_squeeze %dma_start3A_56 : memref<1x32x128xi32, #tpu.memory_space<hbm>> -> memref<32x128xi32, #tpu.memory_space<hbm>>
        tpu.enqueue_dma source(%dma_start3A_57 : memref<32x128xi32, #tpu.memory_space<hbm>>) target(%arg7 : memref<32x128xi32, #tpu.memory_space<vmem>>) target_semaphore(%run_scoped3A_51 : memref<!tpu.dma_semaphore, #tpu.memory_space<semaphore_mem>>)
        %dma_wait3A_58 = arith.constant 0 : i32
        %dma_wait3A_59 = tpu.memref_slice %arg2[%add3A, %mul3A_15, %dma_wait3A_58] : memref<32x160x128xi32, #tpu.memory_space<hbm>> -> memref<1x32x128xi32, #tpu.memory_space<hbm>>
        %dma_wait3A_60 = tpu.memref_squeeze %dma_wait3A_59 : memref<1x32x128xi32, #tpu.memory_space<hbm>> -> memref<32x128xi32, #tpu.memory_space<hbm>>
        %dma_wait3A_61 = arith.constant 0 : i32
        %dma_wait3A_62 = tpu.memref_slice %arg2[%add3A, %mul3A_15, %dma_wait3A_61] : memref<32x160x128xi32, #tpu.memory_space<hbm>> -> memref<1x32x128xi32, #tpu.memory_space<hbm>>
        %dma_wait3A_63 = tpu.memref_squeeze %dma_wait3A_62 : memref<1x32x128xi32, #tpu.memory_space<hbm>> -> memref<32x128xi32, #tpu.memory_space<hbm>>
        tpu.wait_dma2 semaphore(%run_scoped3A_51 : memref<!tpu.dma_semaphore, #tpu.memory_space<semaphore_mem>>) src(%dma_wait3A_63 : memref<32x128xi32, #tpu.memory_space<hbm>>) dst(%arg7 : memref<32x128xi32, #tpu.memory_space<vmem>>)
        tpu.yield
      }) : () -> ()
      %mul3A_16 = arith.constant 32 : i32
      %mul3A_17 = arith.muli %scan3A_13, %mul3A_16 : i32
      "tpu.region"() ({
        %run_scoped3A_51 = tpu.sem_alloc : memref<!tpu.dma_semaphore, #tpu.memory_space<semaphore_mem>>
        %dma_start3A_52 = arith.constant 0 : i32
        %dma_start3A_53 = tpu.memref_slice %arg3[%add3A, %mul3A_17, %dma_start3A_52] : memref<32x160x128xi32, #tpu.memory_space<hbm>> -> memref<1x32x128xi32, #tpu.memory_space<hbm>>
        %dma_start3A_54 = tpu.memref_squeeze %dma_start3A_53 : memref<1x32x128xi32, #tpu.memory_space<hbm>> -> memref<32x128xi32, #tpu.memory_space<hbm>>
        %dma_start3A_55 = arith.constant 0 : i32
        %dma_start3A_56 = tpu.memref_slice %arg3[%add3A, %mul3A_17, %dma_start3A_55] : memref<32x160x128xi32, #tpu.memory_space<hbm>> -> memref<1x32x128xi32, #tpu.memory_space<hbm>>
        %dma_start3A_57 = tpu.memref_squeeze %dma_start3A_56 : memref<1x32x128xi32, #tpu.memory_space<hbm>> -> memref<32x128xi32, #tpu.memory_space<hbm>>
        tpu.enqueue_dma source(%dma_start3A_57 : memref<32x128xi32, #tpu.memory_space<hbm>>) target(%arg8 : memref<32x128xi32, #tpu.memory_space<vmem>>) target_semaphore(%run_scoped3A_51 : memref<!tpu.dma_semaphore, #tpu.memory_space<semaphore_mem>>)
        %dma_wait3A_58 = arith.constant 0 : i32
        %dma_wait3A_59 = tpu.memref_slice %arg3[%add3A, %mul3A_17, %dma_wait3A_58] : memref<32x160x128xi32, #tpu.memory_space<hbm>> -> memref<1x32x128xi32, #tpu.memory_space<hbm>>
        %dma_wait3A_60 = tpu.memref_squeeze %dma_wait3A_59 : memref<1x32x128xi32, #tpu.memory_space<hbm>> -> memref<32x128xi32, #tpu.memory_space<hbm>>
        %dma_wait3A_61 = arith.constant 0 : i32
        %dma_wait3A_62 = tpu.memref_slice %arg3[%add3A, %mul3A_17, %dma_wait3A_61] : memref<32x160x128xi32, #tpu.memory_space<hbm>> -> memref<1x32x128xi32, #tpu.memory_space<hbm>>
        %dma_wait3A_63 = tpu.memref_squeeze %dma_wait3A_62 : memref<1x32x128xi32, #tpu.memory_space<hbm>> -> memref<32x128xi32, #tpu.memory_space<hbm>>
        tpu.wait_dma2 semaphore(%run_scoped3A_51 : memref<!tpu.dma_semaphore, #tpu.memory_space<semaphore_mem>>) src(%dma_wait3A_63 : memref<32x128xi32, #tpu.memory_space<hbm>>) dst(%arg8 : memref<32x128xi32, #tpu.memory_space<vmem>>)
        tpu.yield
      }) : () -> ()
      %dma_start3A = arith.constant 0 : i32
      %dma_start3A_18 = arith.constant 0 : i32
      %dma_start3A_19 = tpu.memref_slice %arg7[%dma_start3A, %dma_start3A_18] : memref<32x128xi32, #tpu.memory_space<vmem>> -> memref<1x128xi32, #tpu.memory_space<vmem>>
      %dma_start3A_20 = tpu.memref_squeeze %dma_start3A_19 : memref<1x128xi32, #tpu.memory_space<vmem>> -> memref<128xi32, #tpu.memory_space<vmem>>
      %dma_start3A_21 = arith.constant 0 : i32
      %dma_start3A_22 = arith.constant 0 : i32
      %dma_start3A_23 = tpu.memref_slice %arg4[%dma_start3A_21, %dma_start3A_22] : memref<10000x128xf32, #tpu.memory_space<hbm>> -> memref<10000x128xf32, #tpu.memory_space<hbm>>
      tpu.enqueue_indirect_dma source(%dma_start3A_23 : memref<10000x128xf32, #tpu.memory_space<hbm>>) target(%arg9 : memref<128x128xf32, #tpu.memory_space<vmem>>) offsets(%dma_start3A_20 : memref<128xi32, #tpu.memory_space<vmem>>) semaphore(%arg11 : memref<!tpu.dma_semaphore, #tpu.memory_space<semaphore_mem>>)
      %dma_start3A_24 = arith.constant 1 : i32
      %dma_start3A_25 = arith.constant 0 : i32
      %dma_start3A_26 = tpu.memref_slice %arg7[%dma_start3A_24, %dma_start3A_25] : memref<32x128xi32, #tpu.memory_space<vmem>> -> memref<1x128xi32, #tpu.memory_space<vmem>>
      %dma_start3A_27 = tpu.memref_squeeze %dma_start3A_26 : memref<1x128xi32, #tpu.memory_space<vmem>> -> memref<128xi32, #tpu.memory_space<vmem>>
      %dma_start3A_28 = arith.constant 0 : i32
      %dma_start3A_29 = arith.constant 0 : i32
      %dma_start3A_30 = tpu.memref_slice %arg4[%dma_start3A_28, %dma_start3A_29] : memref<10000x128xf32, #tpu.memory_space<hbm>> -> memref<10000x128xf32, #tpu.memory_space<hbm>>
      tpu.enqueue_indirect_dma source(%dma_start3A_30 : memref<10000x128xf32, #tpu.memory_space<hbm>>) target(%arg10 : memref<128x128xf32, #tpu.memory_space<vmem>>) offsets(%dma_start3A_27 : memref<128xi32, #tpu.memory_space<vmem>>) semaphore(%arg12 : memref<!tpu.dma_semaphore, #tpu.memory_space<semaphore_mem>>)
      %scan3A_31 = arith.constant 0 : i32
      %scan3A_32 = arith.constant 0 : i32
      %scan3A_33 = arith.constant 15 : i32
      %scan3A_34 = arith.addi %scan3A_32, %scan3A_33 : i32
      %scan3A_35 = arith.constant 1 : i32
      scf.for %scan3A_51 = %scan3A_32 to %scan3A_34 step %scan3A_35  : i32 {
        %mul3A_52 = arith.constant 2 : i32
        %mul3A_53 = arith.muli %scan3A_51, %mul3A_52 : i32
        %dma_wait3A_54 = arith.constant 0 : i32
        %dma_wait3A_55 = arith.constant 0 : i32
        %dma_wait3A_56 = tpu.memref_slice %arg7[%dma_wait3A_54, %dma_wait3A_55] : memref<32x128xi32, #tpu.memory_space<vmem>> -> memref<1x128xi32, #tpu.memory_space<vmem>>
        %dma_wait3A_57 = tpu.memref_squeeze %dma_wait3A_56 : memref<1x128xi32, #tpu.memory_space<vmem>> -> memref<128xi32, #tpu.memory_space<vmem>>
        %dma_wait3A_58 = arith.constant 0 : i32
        %dma_wait3A_59 = arith.constant 0 : i32
        %dma_wait3A_60 = tpu.memref_slice %arg4[%dma_wait3A_58, %dma_wait3A_59] : memref<10000x128xf32, #tpu.memory_space<hbm>> -> memref<10000x128xf32, #tpu.memory_space<hbm>>
        tpu.wait_indirect_dma semaphore(%arg11 : memref<!tpu.dma_semaphore, #tpu.memory_space<semaphore_mem>>) src(%dma_wait3A_60 : memref<10000x128xf32, #tpu.memory_space<hbm>>) dst(%arg9 : memref<128x128xf32, #tpu.memory_space<vmem>>)
        "tpu.region"() ({
          %run_scoped3A_86 = tpu.sem_alloc : memref<!tpu.dma_semaphore, #tpu.memory_space<semaphore_mem>>
          %dma_start3A_87 = arith.constant 0 : i32
          %dma_start3A_88 = tpu.memref_slice %arg8[%mul3A_53, %dma_start3A_87] : memref<32x128xi32, #tpu.memory_space<vmem>> -> memref<1x128xi32, #tpu.memory_space<vmem>>
          %dma_start3A_89 = tpu.memref_squeeze %dma_start3A_88 : memref<1x128xi32, #tpu.memory_space<vmem>> -> memref<128xi32, #tpu.memory_space<vmem>>
          %dma_start3A_90 = arith.constant 0 : i32
          %dma_start3A_91 = arith.constant 0 : i32
          %dma_start3A_92 = tpu.memref_slice %arg13[%dma_start3A_90, %dma_start3A_91] : memref<10112x128xf32, #tpu.memory_space<vmem_shared>> -> memref<10112x128xf32, #tpu.memory_space<vmem_shared>>
          tpu.enqueue_indirect_dma source(%arg9 : memref<128x128xf32, #tpu.memory_space<vmem>>) target(%dma_start3A_92 : memref<10112x128xf32, #tpu.memory_space<vmem_shared>>) offsets(%dma_start3A_89 : memref<128xi32, #tpu.memory_space<vmem>>) semaphore(%run_scoped3A_86 : memref<!tpu.dma_semaphore, #tpu.memory_space<semaphore_mem>>) {add = true}
          %dma_wait3A_93 = arith.constant 0 : i32
          %dma_wait3A_94 = tpu.memref_slice %arg8[%mul3A_53, %dma_wait3A_93] : memref<32x128xi32, #tpu.memory_space<vmem>> -> memref<1x128xi32, #tpu.memory_space<vmem>>
          %dma_wait3A_95 = tpu.memref_squeeze %dma_wait3A_94 : memref<1x128xi32, #tpu.memory_space<vmem>> -> memref<128xi32, #tpu.memory_space<vmem>>
          %dma_wait3A_96 = arith.constant 0 : i32
          %dma_wait3A_97 = arith.constant 0 : i32
          %dma_wait3A_98 = tpu.memref_slice %arg13[%dma_wait3A_96, %dma_wait3A_97] : memref<10112x128xf32, #tpu.memory_space<vmem_shared>> -> memref<10112x128xf32, #tpu.memory_space<vmem_shared>>
          tpu.wait_indirect_dma semaphore(%run_scoped3A_86 : memref<!tpu.dma_semaphore, #tpu.memory_space<semaphore_mem>>) src(%arg9 : memref<128x128xf32, #tpu.memory_space<vmem>>) dst(%dma_wait3A_98 : memref<10112x128xf32, #tpu.memory_space<vmem_shared>>)
          tpu.yield
        }) : () -> ()
        %add3A_61 = arith.constant 2 : i32
        %add3A_62 = arith.addi %mul3A_53, %add3A_61 : i32
        %dma_start3A_63 = arith.constant 0 : i32
        %dma_start3A_64 = tpu.memref_slice %arg7[%add3A_62, %dma_start3A_63] : memref<32x128xi32, #tpu.memory_space<vmem>> -> memref<1x128xi32, #tpu.memory_space<vmem>>
        %dma_start3A_65 = tpu.memref_squeeze %dma_start3A_64 : memref<1x128xi32, #tpu.memory_space<vmem>> -> memref<128xi32, #tpu.memory_space<vmem>>
        %dma_start3A_66 = arith.constant 0 : i32
        %dma_start3A_67 = arith.constant 0 : i32
        %dma_start3A_68 = tpu.memref_slice %arg4[%dma_start3A_66, %dma_start3A_67] : memref<10000x128xf32, #tpu.memory_space<hbm>> -> memref<10000x128xf32, #tpu.memory_space<hbm>>
        tpu.enqueue_indirect_dma source(%dma_start3A_68 : memref<10000x128xf32, #tpu.memory_space<hbm>>) target(%arg9 : memref<128x128xf32, #tpu.memory_space<vmem>>) offsets(%dma_start3A_65 : memref<128xi32, #tpu.memory_space<vmem>>) semaphore(%arg11 : memref<!tpu.dma_semaphore, #tpu.memory_space<semaphore_mem>>)
        %dma_wait3A_69 = arith.constant 0 : i32
        %dma_wait3A_70 = arith.constant 0 : i32
        %dma_wait3A_71 = tpu.memref_slice %arg7[%dma_wait3A_69, %dma_wait3A_70] : memref<32x128xi32, #tpu.memory_space<vmem>> -> memref<1x128xi32, #tpu.memory_space<vmem>>
        %dma_wait3A_72 = tpu.memref_squeeze %dma_wait3A_71 : memref<1x128xi32, #tpu.memory_space<vmem>> -> memref<128xi32, #tpu.memory_space<vmem>>
        %dma_wait3A_73 = arith.constant 0 : i32
        %dma_wait3A_74 = arith.constant 0 : i32
        %dma_wait3A_75 = tpu.memref_slice %arg4[%dma_wait3A_73, %dma_wait3A_74] : memref<10000x128xf32, #tpu.memory_space<hbm>> -> memref<10000x128xf32, #tpu.memory_space<hbm>>
        tpu.wait_indirect_dma semaphore(%arg12 : memref<!tpu.dma_semaphore, #tpu.memory_space<semaphore_mem>>) src(%dma_wait3A_75 : memref<10000x128xf32, #tpu.memory_space<hbm>>) dst(%arg10 : memref<128x128xf32, #tpu.memory_space<vmem>>)
        %add3A_76 = arith.constant 1 : i32
        %add3A_77 = arith.addi %mul3A_53, %add3A_76 : i32
        "tpu.region"() ({
          %run_scoped3A_86 = tpu.sem_alloc : memref<!tpu.dma_semaphore, #tpu.memory_space<semaphore_mem>>
          %dma_start3A_87 = arith.constant 0 : i32
          %dma_start3A_88 = tpu.memref_slice %arg8[%add3A_77, %dma_start3A_87] : memref<32x128xi32, #tpu.memory_space<vmem>> -> memref<1x128xi32, #tpu.memory_space<vmem>>
          %dma_start3A_89 = tpu.memref_squeeze %dma_start3A_88 : memref<1x128xi32, #tpu.memory_space<vmem>> -> memref<128xi32, #tpu.memory_space<vmem>>
          %dma_start3A_90 = arith.constant 0 : i32
          %dma_start3A_91 = arith.constant 0 : i32
          %dma_start3A_92 = tpu.memref_slice %arg13[%dma_start3A_90, %dma_start3A_91] : memref<10112x128xf32, #tpu.memory_space<vmem_shared>> -> memref<10112x128xf32, #tpu.memory_space<vmem_shared>>
          tpu.enqueue_indirect_dma source(%arg10 : memref<128x128xf32, #tpu.memory_space<vmem>>) target(%dma_start3A_92 : memref<10112x128xf32, #tpu.memory_space<vmem_shared>>) offsets(%dma_start3A_89 : memref<128xi32, #tpu.memory_space<vmem>>) semaphore(%run_scoped3A_86 : memref<!tpu.dma_semaphore, #tpu.memory_space<semaphore_mem>>) {add = true}
          %dma_wait3A_93 = arith.constant 0 : i32
          %dma_wait3A_94 = tpu.memref_slice %arg8[%add3A_77, %dma_wait3A_93] : memref<32x128xi32, #tpu.memory_space<vmem>> -> memref<1x128xi32, #tpu.memory_space<vmem>>
          %dma_wait3A_95 = tpu.memref_squeeze %dma_wait3A_94 : memref<1x128xi32, #tpu.memory_space<vmem>> -> memref<128xi32, #tpu.memory_space<vmem>>
          %dma_wait3A_96 = arith.constant 0 : i32
          %dma_wait3A_97 = arith.constant 0 : i32
          %dma_wait3A_98 = tpu.memref_slice %arg13[%dma_wait3A_96, %dma_wait3A_97] : memref<10112x128xf32, #tpu.memory_space<vmem_shared>> -> memref<10112x128xf32, #tpu.memory_space<vmem_shared>>
          tpu.wait_indirect_dma semaphore(%run_scoped3A_86 : memref<!tpu.dma_semaphore, #tpu.memory_space<semaphore_mem>>) src(%arg10 : memref<128x128xf32, #tpu.memory_space<vmem>>) dst(%dma_wait3A_98 : memref<10112x128xf32, #tpu.memory_space<vmem_shared>>)
          tpu.yield
        }) : () -> ()
        %add3A_78 = arith.constant 3 : i32
        %add3A_79 = arith.addi %mul3A_53, %add3A_78 : i32
        %dma_start3A_80 = arith.constant 0 : i32
        %dma_start3A_81 = tpu.memref_slice %arg7[%add3A_79, %dma_start3A_80] : memref<32x128xi32, #tpu.memory_space<vmem>> -> memref<1x128xi32, #tpu.memory_space<vmem>>
        %dma_start3A_82 = tpu.memref_squeeze %dma_start3A_81 : memref<1x128xi32, #tpu.memory_space<vmem>> -> memref<128xi32, #tpu.memory_space<vmem>>
        %dma_start3A_83 = arith.constant 0 : i32
        %dma_start3A_84 = arith.constant 0 : i32
        %dma_start3A_85 = tpu.memref_slice %arg4[%dma_start3A_83, %dma_start3A_84] : memref<10000x128xf32, #tpu.memory_space<hbm>> -> memref<10000x128xf32, #tpu.memory_space<hbm>>
        tpu.enqueue_indirect_dma source(%dma_start3A_85 : memref<10000x128xf32, #tpu.memory_space<hbm>>) target(%arg10 : memref<128x128xf32, #tpu.memory_space<vmem>>) offsets(%dma_start3A_82 : memref<128xi32, #tpu.memory_space<vmem>>) semaphore(%arg12 : memref<!tpu.dma_semaphore, #tpu.memory_space<semaphore_mem>>)
      }
      %scan3A_36 = arith.constant 15 : i32
      %dma_wait3A = arith.constant 0 : i32
      %dma_wait3A_37 = arith.constant 0 : i32
      %dma_wait3A_38 = tpu.memref_slice %arg7[%dma_wait3A, %dma_wait3A_37] : memref<32x128xi32, #tpu.memory_space<vmem>> -> memref<1x128xi32, #tpu.memory_space<vmem>>
      %dma_wait3A_39 = tpu.memref_squeeze %dma_wait3A_38 : memref<1x128xi32, #tpu.memory_space<vmem>> -> memref<128xi32, #tpu.memory_space<vmem>>
      %dma_wait3A_40 = arith.constant 0 : i32
      %dma_wait3A_41 = arith.constant 0 : i32
      %dma_wait3A_42 = tpu.memref_slice %arg4[%dma_wait3A_40, %dma_wait3A_41] : memref<10000x128xf32, #tpu.memory_space<hbm>> -> memref<10000x128xf32, #tpu.memory_space<hbm>>
      tpu.wait_indirect_dma semaphore(%arg11 : memref<!tpu.dma_semaphore, #tpu.memory_space<semaphore_mem>>) src(%dma_wait3A_42 : memref<10000x128xf32, #tpu.memory_space<hbm>>) dst(%arg9 : memref<128x128xf32, #tpu.memory_space<vmem>>)
      %run_scoped3A = arith.constant 30 : i32
      "tpu.region"() ({
        %run_scoped3A_51 = tpu.sem_alloc : memref<!tpu.dma_semaphore, #tpu.memory_space<semaphore_mem>>
        %dma_start3A_52 = arith.constant 0 : i32
        %dma_start3A_53 = tpu.memref_slice %arg8[%run_scoped3A, %dma_start3A_52] : memref<32x128xi32, #tpu.memory_space<vmem>> -> memref<1x128xi32, #tpu.memory_space<vmem>>
        %dma_start3A_54 = tpu.memref_squeeze %dma_start3A_53 : memref<1x128xi32, #tpu.memory_space<vmem>> -> memref<128xi32, #tpu.memory_space<vmem>>
        %dma_start3A_55 = arith.constant 0 : i32
        %dma_start3A_56 = arith.constant 0 : i32
        %dma_start3A_57 = tpu.memref_slice %arg13[%dma_start3A_55, %dma_start3A_56] : memref<10112x128xf32, #tpu.memory_space<vmem_shared>> -> memref<10112x128xf32, #tpu.memory_space<vmem_shared>>
        tpu.enqueue_indirect_dma source(%arg9 : memref<128x128xf32, #tpu.memory_space<vmem>>) target(%dma_start3A_57 : memref<10112x128xf32, #tpu.memory_space<vmem_shared>>) offsets(%dma_start3A_54 : memref<128xi32, #tpu.memory_space<vmem>>) semaphore(%run_scoped3A_51 : memref<!tpu.dma_semaphore, #tpu.memory_space<semaphore_mem>>) {add = true}
        %dma_wait3A_58 = arith.constant 0 : i32
        %dma_wait3A_59 = tpu.memref_slice %arg8[%run_scoped3A, %dma_wait3A_58] : memref<32x128xi32, #tpu.memory_space<vmem>> -> memref<1x128xi32, #tpu.memory_space<vmem>>
        %dma_wait3A_60 = tpu.memref_squeeze %dma_wait3A_59 : memref<1x128xi32, #tpu.memory_space<vmem>> -> memref<128xi32, #tpu.memory_space<vmem>>
        %dma_wait3A_61 = arith.constant 0 : i32
        %dma_wait3A_62 = arith.constant 0 : i32
        %dma_wait3A_63 = tpu.memref_slice %arg13[%dma_wait3A_61, %dma_wait3A_62] : memref<10112x128xf32, #tpu.memory_space<vmem_shared>> -> memref<10112x128xf32, #tpu.memory_space<vmem_shared>>
        tpu.wait_indirect_dma semaphore(%run_scoped3A_51 : memref<!tpu.dma_semaphore, #tpu.memory_space<semaphore_mem>>) src(%arg9 : memref<128x128xf32, #tpu.memory_space<vmem>>) dst(%dma_wait3A_63 : memref<10112x128xf32, #tpu.memory_space<vmem_shared>>)
        tpu.yield
      }) : () -> ()
      %dma_wait3A_43 = arith.constant 0 : i32
      %dma_wait3A_44 = arith.constant 0 : i32
      %dma_wait3A_45 = tpu.memref_slice %arg7[%dma_wait3A_43, %dma_wait3A_44] : memref<32x128xi32, #tpu.memory_space<vmem>> -> memref<1x128xi32, #tpu.memory_space<vmem>>
      %dma_wait3A_46 = tpu.memref_squeeze %dma_wait3A_45 : memref<1x128xi32, #tpu.memory_space<vmem>> -> memref<128xi32, #tpu.memory_space<vmem>>
      %dma_wait3A_47 = arith.constant 0 : i32
      %dma_wait3A_48 = arith.constant 0 : i32
      %dma_wait3A_49 = tpu.memref_slice %arg4[%dma_wait3A_47, %dma_wait3A_48] : memref<10000x128xf32, #tpu.memory_space<hbm>> -> memref<10000x128xf32, #tpu.memory_space<hbm>>
      tpu.wait_indirect_dma semaphore(%arg12 : memref<!tpu.dma_semaphore, #tpu.memory_space<semaphore_mem>>) src(%dma_wait3A_49 : memref<10000x128xf32, #tpu.memory_space<hbm>>) dst(%arg10 : memref<128x128xf32, #tpu.memory_space<vmem>>)
      %run_scoped3A_50 = arith.constant 31 : i32
      "tpu.region"() ({
        %run_scoped3A_51 = tpu.sem_alloc : memref<!tpu.dma_semaphore, #tpu.memory_space<semaphore_mem>>
        %dma_start3A_52 = arith.constant 0 : i32
        %dma_start3A_53 = tpu.memref_slice %arg8[%run_scoped3A_50, %dma_start3A_52] : memref<32x128xi32, #tpu.memory_space<vmem>> -> memref<1x128xi32, #tpu.memory_space<vmem>>
        %dma_start3A_54 = tpu.memref_squeeze %dma_start3A_53 : memref<1x128xi32, #tpu.memory_space<vmem>> -> memref<128xi32, #tpu.memory_space<vmem>>
        %dma_start3A_55 = arith.constant 0 : i32
        %dma_start3A_56 = arith.constant 0 : i32
        %dma_start3A_57 = tpu.memref_slice %arg13[%dma_start3A_55, %dma_start3A_56] : memref<10112x128xf32, #tpu.memory_space<vmem_shared>> -> memref<10112x128xf32, #tpu.memory_space<vmem_shared>>
        tpu.enqueue_indirect_dma source(%arg10 : memref<128x128xf32, #tpu.memory_space<vmem>>) target(%dma_start3A_57 : memref<10112x128xf32, #tpu.memory_space<vmem_shared>>) offsets(%dma_start3A_54 : memref<128xi32, #tpu.memory_space<vmem>>) semaphore(%run_scoped3A_51 : memref<!tpu.dma_semaphore, #tpu.memory_space<semaphore_mem>>) {add = true}
        %dma_wait3A_58 = arith.constant 0 : i32
        %dma_wait3A_59 = tpu.memref_slice %arg8[%run_scoped3A_50, %dma_wait3A_58] : memref<32x128xi32, #tpu.memory_space<vmem>> -> memref<1x128xi32, #tpu.memory_space<vmem>>
        %dma_wait3A_60 = tpu.memref_squeeze %dma_wait3A_59 : memref<1x128xi32, #tpu.memory_space<vmem>> -> memref<128xi32, #tpu.memory_space<vmem>>
        %dma_wait3A_61 = arith.constant 0 : i32
        %dma_wait3A_62 = arith.constant 0 : i32
        %dma_wait3A_63 = tpu.memref_slice %arg13[%dma_wait3A_61, %dma_wait3A_62] : memref<10112x128xf32, #tpu.memory_space<vmem_shared>> -> memref<10112x128xf32, #tpu.memory_space<vmem_shared>>
        tpu.wait_indirect_dma semaphore(%run_scoped3A_51 : memref<!tpu.dma_semaphore, #tpu.memory_space<semaphore_mem>>) src(%arg10 : memref<128x128xf32, #tpu.memory_space<vmem>>) dst(%dma_wait3A_63 : memref<10112x128xf32, #tpu.memory_space<vmem_shared>>)
        tpu.yield
      }) : () -> ()
    }
    %scan3A_7 = arith.constant 5 : i32
    %barrier3A_8 = arith.constant 0 : index
    tpu.barrier barrier_id(%barrier3A_8)
    %mul3A_9 = arith.constant 632 : i32
    %mul3A_10 = arith.muli %arg1, %mul3A_9 : i32
    %mul3A_11 = arith.constant 632 : i32
    %mul3A_12 = arith.muli %arg1, %mul3A_11 : i32
    "tpu.region"() ({
      %run_scoped3A = tpu.sem_alloc : memref<!tpu.dma_semaphore, #tpu.memory_space<semaphore_mem>>
      %dma_start3A = arith.constant 0 : i32
      %dma_start3A_13 = tpu.memref_slice %arg6[%arg0, %mul3A_12, %dma_start3A] : memref<2x10112x128xf32, #tpu.memory_space<hbm>> -> memref<1x632x128xf32, #tpu.memory_space<hbm>>
      %dma_start3A_14 = tpu.memref_squeeze %dma_start3A_13 : memref<1x632x128xf32, #tpu.memory_space<hbm>> -> memref<632x128xf32, #tpu.memory_space<hbm>>
      %dma_start3A_15 = arith.constant 0 : i32
      %dma_start3A_16 = tpu.memref_slice %arg13[%mul3A_10, %dma_start3A_15] : memref<10112x128xf32, #tpu.memory_space<vmem_shared>> -> memref<632x128xf32, #tpu.memory_space<vmem_shared>>
      tpu.enqueue_dma source(%dma_start3A_16 : memref<632x128xf32, #tpu.memory_space<vmem_shared>>) target(%dma_start3A_14 : memref<632x128xf32, #tpu.memory_space<hbm>>) target_semaphore(%run_scoped3A : memref<!tpu.dma_semaphore, #tpu.memory_space<semaphore_mem>>)
      %dma_wait3A = arith.constant 0 : i32
      %dma_wait3A_17 = tpu.memref_slice %arg6[%arg0, %mul3A_12, %dma_wait3A] : memref<2x10112x128xf32, #tpu.memory_space<hbm>> -> memref<1x632x128xf32, #tpu.memory_space<hbm>>
      %dma_wait3A_18 = tpu.memref_squeeze %dma_wait3A_17 : memref<1x632x128xf32, #tpu.memory_space<hbm>> -> memref<632x128xf32, #tpu.memory_space<hbm>>
      %dma_wait3A_19 = arith.constant 0 : i32
      %dma_wait3A_20 = tpu.memref_slice %arg13[%mul3A_10, %dma_wait3A_19] : memref<10112x128xf32, #tpu.memory_space<vmem_shared>> -> memref<632x128xf32, #tpu.memory_space<vmem_shared>>
      tpu.wait_dma2 semaphore(%run_scoped3A : memref<!tpu.dma_semaphore, #tpu.memory_space<semaphore_mem>>) src(%dma_wait3A_20 : memref<632x128xf32, #tpu.memory_space<vmem_shared>>) dst(%dma_wait3A_18 : memref<632x128xf32, #tpu.memory_space<hbm>>)
      tpu.yield
    }) : () -> ()
    return
  }
}

#map = affine_map<(d0, d1) -> (0, 0, 0)>
#map1 = affine_map<(d0, d1) -> (0, 0)>
module attributes {stable_mosaic.version = 14 : i64} {
  func.func @_spmm_body(%arg0: i32, %arg1: i32, %arg2: memref<32x160x128xi32, #tpu.memory_space<hbm>>, %arg3: memref<32x160x128xi32, #tpu.memory_space<hbm>>, %arg4: memref<10000x128xf32, #tpu.memory_space<hbm>>, %arg5: memref<632x128xf32, #tpu.memory_space<hbm>>, %arg6: memref<2x10112x128xf32, #tpu.memory_space<hbm>>, %arg7: memref<32x128xi32, #tpu.memory_space<vmem>>, %arg8: memref<32x128xi32, #tpu.memory_space<vmem>>, %arg9: memref<128x128xf32, #tpu.memory_space<vmem>>, %arg10: memref<128x128xf32, #tpu.memory_space<vmem>>, %arg11: memref<!tpu.dma_semaphore, #tpu.memory_space<semaphore_mem>>, %arg12: memref<!tpu.dma_semaphore, #tpu.memory_space<semaphore_mem>>, %arg13: memref<10112x128xf32, #tpu.memory_space<vmem_shared>>) attributes {dimension_semantics = [#tpu.dimension_semantics<core_parallel>, #tpu.dimension_semantics<subcore_parallel>], iteration_bounds = array<i64: 2, 16>, scalar_prefetch = 0 : i64, scratch_operands = 7 : i64, tpu.core_type = #tpu.core_type<sc_vector_subcore>, window_params = [{transform_indices = #map}, {transform_indices = #map}, {transform_indices = #map1}, {transform_indices = #map1}, {transform_indices = #map}]} {
    %mul3A = arith.constant 2 : i32
    %mul3A_0 = arith.muli %arg1, %mul3A : i32
    %add3A = arith.addi %mul3A_0, %arg0 : i32
    %mul3A_1 = arith.constant 632 : i32
    %mul3A_2 = arith.muli %arg1, %mul3A_1 : i32
    "tpu.region"() ({
      %run_scoped3A = tpu.sem_alloc : memref<!tpu.dma_semaphore, #tpu.memory_space<semaphore_mem>>
      %dma_start3A = arith.constant 0 : i32
      %dma_start3A_13 = tpu.memref_slice %arg13[%mul3A_2, %dma_start3A] : memref<10112x128xf32, #tpu.memory_space<vmem_shared>> -> memref<632x128xf32, #tpu.memory_space<vmem_shared>>
      tpu.enqueue_dma source(%arg5 : memref<632x128xf32, #tpu.memory_space<hbm>>) target(%dma_start3A_13 : memref<632x128xf32, #tpu.memory_space<vmem_shared>>) target_semaphore(%run_scoped3A : memref<!tpu.dma_semaphore, #tpu.memory_space<semaphore_mem>>)
      %dma_wait3A = arith.constant 0 : i32
      %dma_wait3A_14 = tpu.memref_slice %arg13[%mul3A_2, %dma_wait3A] : memref<10112x128xf32, #tpu.memory_space<vmem_shared>> -> memref<632x128xf32, #tpu.memory_space<vmem_shared>>
      tpu.wait_dma2 semaphore(%run_scoped3A : memref<!tpu.dma_semaphore, #tpu.memory_space<semaphore_mem>>) src(%arg5 : memref<632x128xf32, #tpu.memory_space<hbm>>) dst(%dma_wait3A_14 : memref<632x128xf32, #tpu.memory_space<vmem_shared>>)
      tpu.yield
    }) : () -> ()
    %barrier3A = arith.constant 0 : index
    tpu.barrier barrier_id(%barrier3A)
    %scan3A = arith.constant 0 : i32
    %scan3A_3 = arith.constant 0 : i32
    %scan3A_4 = arith.constant 5 : i32
    %scan3A_5 = arith.addi %scan3A_3, %scan3A_4 : i32
    %scan3A_6 = arith.constant 1 : i32
    scf.for %scan3A_13 = %scan3A_3 to %scan3A_5 step %scan3A_6  : i32 {
      %mul3A_14 = arith.constant 32 : i32
      %mul3A_15 = arith.muli %scan3A_13, %mul3A_14 : i32
      "tpu.region"() ({
        %run_scoped3A_51 = tpu.sem_alloc : memref<!tpu.dma_semaphore, #tpu.memory_space<semaphore_mem>>
        %dma_start3A_52 = arith.constant 0 : i32
        %dma_start3A_53 = tpu.memref_slice %arg2[%add3A, %mul3A_15, %dma_start3A_52] : memref<32x160x128xi32, #tpu.memory_space<hbm>> -> memref<1x32x128xi32, #tpu.memory_space<hbm>>
        %dma_start3A_54 = tpu.memref_squeeze %dma_start3A_53 : memref<1x32x128xi32, #tpu.memory_space<hbm>> -> memref<32x128xi32, #tpu.memory_space<hbm>>
        %dma_start3A_55 = arith.constant 0 : i32
        %dma_start3A_56 = tpu.memref_slice %arg2[%add3A, %mul3A_15, %dma_start3A_55] : memref<32x160x128xi32, #tpu.memory_space<hbm>> -> memref<1x32x128xi32, #tpu.memory_space<hbm>>
        %dma_start3A_57 = tpu.memref_squeeze %dma_start3A_56 : memref<1x32x128xi32, #tpu.memory_space<hbm>> -> memref<32x128xi32, #tpu.memory_space<hbm>>
        tpu.enqueue_dma source(%dma_start3A_57 : memref<32x128xi32, #tpu.memory_space<hbm>>) target(%arg7 : memref<32x128xi32, #tpu.memory_space<vmem>>) target_semaphore(%run_scoped3A_51 : memref<!tpu.dma_semaphore, #tpu.memory_space<semaphore_mem>>)
        %dma_wait3A_58 = arith.constant 0 : i32
        %dma_wait3A_59 = tpu.memref_slice %arg2[%add3A, %mul3A_15, %dma_wait3A_58] : memref<32x160x128xi32, #tpu.memory_space<hbm>> -> memref<1x32x128xi32, #tpu.memory_space<hbm>>
        %dma_wait3A_60 = tpu.memref_squeeze %dma_wait3A_59 : memref<1x32x128xi32, #tpu.memory_space<hbm>> -> memref<32x128xi32, #tpu.memory_space<hbm>>
        %dma_wait3A_61 = arith.constant 0 : i32
        %dma_wait3A_62 = tpu.memref_slice %arg2[%add3A, %mul3A_15, %dma_wait3A_61] : memref<32x160x128xi32, #tpu.memory_space<hbm>> -> memref<1x32x128xi32, #tpu.memory_space<hbm>>
        %dma_wait3A_63 = tpu.memref_squeeze %dma_wait3A_62 : memref<1x32x128xi32, #tpu.memory_space<hbm>> -> memref<32x128xi32, #tpu.memory_space<hbm>>
        tpu.wait_dma2 semaphore(%run_scoped3A_51 : memref<!tpu.dma_semaphore, #tpu.memory_space<semaphore_mem>>) src(%dma_wait3A_63 : memref<32x128xi32, #tpu.memory_space<hbm>>) dst(%arg7 : memref<32x128xi32, #tpu.memory_space<vmem>>)
        tpu.yield
      }) : () -> ()
      %mul3A_16 = arith.constant 32 : i32
      %mul3A_17 = arith.muli %scan3A_13, %mul3A_16 : i32
      "tpu.region"() ({
        %run_scoped3A_51 = tpu.sem_alloc : memref<!tpu.dma_semaphore, #tpu.memory_space<semaphore_mem>>
        %dma_start3A_52 = arith.constant 0 : i32
        %dma_start3A_53 = tpu.memref_slice %arg3[%add3A, %mul3A_17, %dma_start3A_52] : memref<32x160x128xi32, #tpu.memory_space<hbm>> -> memref<1x32x128xi32, #tpu.memory_space<hbm>>
        %dma_start3A_54 = tpu.memref_squeeze %dma_start3A_53 : memref<1x32x128xi32, #tpu.memory_space<hbm>> -> memref<32x128xi32, #tpu.memory_space<hbm>>
        %dma_start3A_55 = arith.constant 0 : i32
        %dma_start3A_56 = tpu.memref_slice %arg3[%add3A, %mul3A_17, %dma_start3A_55] : memref<32x160x128xi32, #tpu.memory_space<hbm>> -> memref<1x32x128xi32, #tpu.memory_space<hbm>>
        %dma_start3A_57 = tpu.memref_squeeze %dma_start3A_56 : memref<1x32x128xi32, #tpu.memory_space<hbm>> -> memref<32x128xi32, #tpu.memory_space<hbm>>
        tpu.enqueue_dma source(%dma_start3A_57 : memref<32x128xi32, #tpu.memory_space<hbm>>) target(%arg8 : memref<32x128xi32, #tpu.memory_space<vmem>>) target_semaphore(%run_scoped3A_51 : memref<!tpu.dma_semaphore, #tpu.memory_space<semaphore_mem>>)
        %dma_wait3A_58 = arith.constant 0 : i32
        %dma_wait3A_59 = tpu.memref_slice %arg3[%add3A, %mul3A_17, %dma_wait3A_58] : memref<32x160x128xi32, #tpu.memory_space<hbm>> -> memref<1x32x128xi32, #tpu.memory_space<hbm>>
        %dma_wait3A_60 = tpu.memref_squeeze %dma_wait3A_59 : memref<1x32x128xi32, #tpu.memory_space<hbm>> -> memref<32x128xi32, #tpu.memory_space<hbm>>
        %dma_wait3A_61 = arith.constant 0 : i32
        %dma_wait3A_62 = tpu.memref_slice %arg3[%add3A, %mul3A_17, %dma_wait3A_61] : memref<32x160x128xi32, #tpu.memory_space<hbm>> -> memref<1x32x128xi32, #tpu.memory_space<hbm>>
        %dma_wait3A_63 = tpu.memref_squeeze %dma_wait3A_62 : memref<1x32x128xi32, #tpu.memory_space<hbm>> -> memref<32x128xi32, #tpu.memory_space<hbm>>
        tpu.wait_dma2 semaphore(%run_scoped3A_51 : memref<!tpu.dma_semaphore, #tpu.memory_space<semaphore_mem>>) src(%dma_wait3A_63 : memref<32x128xi32, #tpu.memory_space<hbm>>) dst(%arg8 : memref<32x128xi32, #tpu.memory_space<vmem>>)
        tpu.yield
      }) : () -> ()
      %dma_start3A = arith.constant 0 : i32
      %dma_start3A_18 = arith.constant 0 : i32
      %dma_start3A_19 = tpu.memref_slice %arg7[%dma_start3A, %dma_start3A_18] : memref<32x128xi32, #tpu.memory_space<vmem>> -> memref<1x128xi32, #tpu.memory_space<vmem>>
      %dma_start3A_20 = tpu.memref_squeeze %dma_start3A_19 : memref<1x128xi32, #tpu.memory_space<vmem>> -> memref<128xi32, #tpu.memory_space<vmem>>
      %dma_start3A_21 = arith.constant 0 : i32
      %dma_start3A_22 = arith.constant 0 : i32
      %dma_start3A_23 = tpu.memref_slice %arg4[%dma_start3A_21, %dma_start3A_22] : memref<10000x128xf32, #tpu.memory_space<hbm>> -> memref<10000x128xf32, #tpu.memory_space<hbm>>
      tpu.enqueue_indirect_dma source(%dma_start3A_23 : memref<10000x128xf32, #tpu.memory_space<hbm>>) target(%arg9 : memref<128x128xf32, #tpu.memory_space<vmem>>) offsets(%dma_start3A_20 : memref<128xi32, #tpu.memory_space<vmem>>) semaphore(%arg11 : memref<!tpu.dma_semaphore, #tpu.memory_space<semaphore_mem>>)
      %dma_start3A_24 = arith.constant 1 : i32
      %dma_start3A_25 = arith.constant 0 : i32
      %dma_start3A_26 = tpu.memref_slice %arg7[%dma_start3A_24, %dma_start3A_25] : memref<32x128xi32, #tpu.memory_space<vmem>> -> memref<1x128xi32, #tpu.memory_space<vmem>>
      %dma_start3A_27 = tpu.memref_squeeze %dma_start3A_26 : memref<1x128xi32, #tpu.memory_space<vmem>> -> memref<128xi32, #tpu.memory_space<vmem>>
      %dma_start3A_28 = arith.constant 0 : i32
      %dma_start3A_29 = arith.constant 0 : i32
      %dma_start3A_30 = tpu.memref_slice %arg4[%dma_start3A_28, %dma_start3A_29] : memref<10000x128xf32, #tpu.memory_space<hbm>> -> memref<10000x128xf32, #tpu.memory_space<hbm>>
      tpu.enqueue_indirect_dma source(%dma_start3A_30 : memref<10000x128xf32, #tpu.memory_space<hbm>>) target(%arg10 : memref<128x128xf32, #tpu.memory_space<vmem>>) offsets(%dma_start3A_27 : memref<128xi32, #tpu.memory_space<vmem>>) semaphore(%arg12 : memref<!tpu.dma_semaphore, #tpu.memory_space<semaphore_mem>>)
      %scan3A_31 = arith.constant 0 : i32
      %scan3A_32 = arith.constant 0 : i32
      %scan3A_33 = arith.constant 15 : i32
      %scan3A_34 = arith.addi %scan3A_32, %scan3A_33 : i32
      %scan3A_35 = arith.constant 1 : i32
      scf.for %scan3A_51 = %scan3A_32 to %scan3A_34 step %scan3A_35  : i32 {
        %mul3A_52 = arith.constant 2 : i32
        %mul3A_53 = arith.muli %scan3A_51, %mul3A_52 : i32
        %dma_wait3A_54 = arith.constant 0 : i32
        %dma_wait3A_55 = arith.constant 0 : i32
        %dma_wait3A_56 = tpu.memref_slice %arg7[%dma_wait3A_54, %dma_wait3A_55] : memref<32x128xi32, #tpu.memory_space<vmem>> -> memref<1x128xi32, #tpu.memory_space<vmem>>
        %dma_wait3A_57 = tpu.memref_squeeze %dma_wait3A_56 : memref<1x128xi32, #tpu.memory_space<vmem>> -> memref<128xi32, #tpu.memory_space<vmem>>
        %dma_wait3A_58 = arith.constant 0 : i32
        %dma_wait3A_59 = arith.constant 0 : i32
        %dma_wait3A_60 = tpu.memref_slice %arg4[%dma_wait3A_58, %dma_wait3A_59] : memref<10000x128xf32, #tpu.memory_space<hbm>> -> memref<10000x128xf32, #tpu.memory_space<hbm>>
        tpu.wait_indirect_dma semaphore(%arg11 : memref<!tpu.dma_semaphore, #tpu.memory_space<semaphore_mem>>) src(%dma_wait3A_60 : memref<10000x128xf32, #tpu.memory_space<hbm>>) dst(%arg9 : memref<128x128xf32, #tpu.memory_space<vmem>>)
        "tpu.region"() ({
          %run_scoped3A_86 = tpu.sem_alloc : memref<!tpu.dma_semaphore, #tpu.memory_space<semaphore_mem>>
          %dma_start3A_87 = arith.constant 0 : i32
          %dma_start3A_88 = tpu.memref_slice %arg8[%mul3A_53, %dma_start3A_87] : memref<32x128xi32, #tpu.memory_space<vmem>> -> memref<1x128xi32, #tpu.memory_space<vmem>>
          %dma_start3A_89 = tpu.memref_squeeze %dma_start3A_88 : memref<1x128xi32, #tpu.memory_space<vmem>> -> memref<128xi32, #tpu.memory_space<vmem>>
          %dma_start3A_90 = arith.constant 0 : i32
          %dma_start3A_91 = arith.constant 0 : i32
          %dma_start3A_92 = tpu.memref_slice %arg13[%dma_start3A_90, %dma_start3A_91] : memref<10112x128xf32, #tpu.memory_space<vmem_shared>> -> memref<10112x128xf32, #tpu.memory_space<vmem_shared>>
          tpu.enqueue_indirect_dma source(%arg9 : memref<128x128xf32, #tpu.memory_space<vmem>>) target(%dma_start3A_92 : memref<10112x128xf32, #tpu.memory_space<vmem_shared>>) offsets(%dma_start3A_89 : memref<128xi32, #tpu.memory_space<vmem>>) semaphore(%run_scoped3A_86 : memref<!tpu.dma_semaphore, #tpu.memory_space<semaphore_mem>>) {add = true}
          %dma_wait3A_93 = arith.constant 0 : i32
          %dma_wait3A_94 = tpu.memref_slice %arg8[%mul3A_53, %dma_wait3A_93] : memref<32x128xi32, #tpu.memory_space<vmem>> -> memref<1x128xi32, #tpu.memory_space<vmem>>
          %dma_wait3A_95 = tpu.memref_squeeze %dma_wait3A_94 : memref<1x128xi32, #tpu.memory_space<vmem>> -> memref<128xi32, #tpu.memory_space<vmem>>
          %dma_wait3A_96 = arith.constant 0 : i32
          %dma_wait3A_97 = arith.constant 0 : i32
          %dma_wait3A_98 = tpu.memref_slice %arg13[%dma_wait3A_96, %dma_wait3A_97] : memref<10112x128xf32, #tpu.memory_space<vmem_shared>> -> memref<10112x128xf32, #tpu.memory_space<vmem_shared>>
          tpu.wait_indirect_dma semaphore(%run_scoped3A_86 : memref<!tpu.dma_semaphore, #tpu.memory_space<semaphore_mem>>) src(%arg9 : memref<128x128xf32, #tpu.memory_space<vmem>>) dst(%dma_wait3A_98 : memref<10112x128xf32, #tpu.memory_space<vmem_shared>>)
          tpu.yield
        }) : () -> ()
        %add3A_61 = arith.constant 2 : i32
        %add3A_62 = arith.addi %mul3A_53, %add3A_61 : i32
        %dma_start3A_63 = arith.constant 0 : i32
        %dma_start3A_64 = tpu.memref_slice %arg7[%add3A_62, %dma_start3A_63] : memref<32x128xi32, #tpu.memory_space<vmem>> -> memref<1x128xi32, #tpu.memory_space<vmem>>
        %dma_start3A_65 = tpu.memref_squeeze %dma_start3A_64 : memref<1x128xi32, #tpu.memory_space<vmem>> -> memref<128xi32, #tpu.memory_space<vmem>>
        %dma_start3A_66 = arith.constant 0 : i32
        %dma_start3A_67 = arith.constant 0 : i32
        %dma_start3A_68 = tpu.memref_slice %arg4[%dma_start3A_66, %dma_start3A_67] : memref<10000x128xf32, #tpu.memory_space<hbm>> -> memref<10000x128xf32, #tpu.memory_space<hbm>>
        tpu.enqueue_indirect_dma source(%dma_start3A_68 : memref<10000x128xf32, #tpu.memory_space<hbm>>) target(%arg9 : memref<128x128xf32, #tpu.memory_space<vmem>>) offsets(%dma_start3A_65 : memref<128xi32, #tpu.memory_space<vmem>>) semaphore(%arg11 : memref<!tpu.dma_semaphore, #tpu.memory_space<semaphore_mem>>)
        %dma_wait3A_69 = arith.constant 0 : i32
        %dma_wait3A_70 = arith.constant 0 : i32
        %dma_wait3A_71 = tpu.memref_slice %arg7[%dma_wait3A_69, %dma_wait3A_70] : memref<32x128xi32, #tpu.memory_space<vmem>> -> memref<1x128xi32, #tpu.memory_space<vmem>>
        %dma_wait3A_72 = tpu.memref_squeeze %dma_wait3A_71 : memref<1x128xi32, #tpu.memory_space<vmem>> -> memref<128xi32, #tpu.memory_space<vmem>>
        %dma_wait3A_73 = arith.constant 0 : i32
        %dma_wait3A_74 = arith.constant 0 : i32
        %dma_wait3A_75 = tpu.memref_slice %arg4[%dma_wait3A_73, %dma_wait3A_74] : memref<10000x128xf32, #tpu.memory_space<hbm>> -> memref<10000x128xf32, #tpu.memory_space<hbm>>
        tpu.wait_indirect_dma semaphore(%arg12 : memref<!tpu.dma_semaphore, #tpu.memory_space<semaphore_mem>>) src(%dma_wait3A_75 : memref<10000x128xf32, #tpu.memory_space<hbm>>) dst(%arg10 : memref<128x128xf32, #tpu.memory_space<vmem>>)
        %add3A_76 = arith.constant 1 : i32
        %add3A_77 = arith.addi %mul3A_53, %add3A_76 : i32
        "tpu.region"() ({
          %run_scoped3A_86 = tpu.sem_alloc : memref<!tpu.dma_semaphore, #tpu.memory_space<semaphore_mem>>
          %dma_start3A_87 = arith.constant 0 : i32
          %dma_start3A_88 = tpu.memref_slice %arg8[%add3A_77, %dma_start3A_87] : memref<32x128xi32, #tpu.memory_space<vmem>> -> memref<1x128xi32, #tpu.memory_space<vmem>>
          %dma_start3A_89 = tpu.memref_squeeze %dma_start3A_88 : memref<1x128xi32, #tpu.memory_space<vmem>> -> memref<128xi32, #tpu.memory_space<vmem>>
          %dma_start3A_90 = arith.constant 0 : i32
          %dma_start3A_91 = arith.constant 0 : i32
          %dma_start3A_92 = tpu.memref_slice %arg13[%dma_start3A_90, %dma_start3A_91] : memref<10112x128xf32, #tpu.memory_space<vmem_shared>> -> memref<10112x128xf32, #tpu.memory_space<vmem_shared>>
          tpu.enqueue_indirect_dma source(%arg10 : memref<128x128xf32, #tpu.memory_space<vmem>>) target(%dma_start3A_92 : memref<10112x128xf32, #tpu.memory_space<vmem_shared>>) offsets(%dma_start3A_89 : memref<128xi32, #tpu.memory_space<vmem>>) semaphore(%run_scoped3A_86 : memref<!tpu.dma_semaphore, #tpu.memory_space<semaphore_mem>>) {add = true}
          %dma_wait3A_93 = arith.constant 0 : i32
          %dma_wait3A_94 = tpu.memref_slice %arg8[%add3A_77, %dma_wait3A_93] : memref<32x128xi32, #tpu.memory_space<vmem>> -> memref<1x128xi32, #tpu.memory_space<vmem>>
          %dma_wait3A_95 = tpu.memref_squeeze %dma_wait3A_94 : memref<1x128xi32, #tpu.memory_space<vmem>> -> memref<128xi32, #tpu.memory_space<vmem>>
          %dma_wait3A_96 = arith.constant 0 : i32
          %dma_wait3A_97 = arith.constant 0 : i32
          %dma_wait3A_98 = tpu.memref_slice %arg13[%dma_wait3A_96, %dma_wait3A_97] : memref<10112x128xf32, #tpu.memory_space<vmem_shared>> -> memref<10112x128xf32, #tpu.memory_space<vmem_shared>>
          tpu.wait_indirect_dma semaphore(%run_scoped3A_86 : memref<!tpu.dma_semaphore, #tpu.memory_space<semaphore_mem>>) src(%arg10 : memref<128x128xf32, #tpu.memory_space<vmem>>) dst(%dma_wait3A_98 : memref<10112x128xf32, #tpu.memory_space<vmem_shared>>)
          tpu.yield
        }) : () -> ()
        %add3A_78 = arith.constant 3 : i32
        %add3A_79 = arith.addi %mul3A_53, %add3A_78 : i32
        %dma_start3A_80 = arith.constant 0 : i32
        %dma_start3A_81 = tpu.memref_slice %arg7[%add3A_79, %dma_start3A_80] : memref<32x128xi32, #tpu.memory_space<vmem>> -> memref<1x128xi32, #tpu.memory_space<vmem>>
        %dma_start3A_82 = tpu.memref_squeeze %dma_start3A_81 : memref<1x128xi32, #tpu.memory_space<vmem>> -> memref<128xi32, #tpu.memory_space<vmem>>
        %dma_start3A_83 = arith.constant 0 : i32
        %dma_start3A_84 = arith.constant 0 : i32
        %dma_start3A_85 = tpu.memref_slice %arg4[%dma_start3A_83, %dma_start3A_84] : memref<10000x128xf32, #tpu.memory_space<hbm>> -> memref<10000x128xf32, #tpu.memory_space<hbm>>
        tpu.enqueue_indirect_dma source(%dma_start3A_85 : memref<10000x128xf32, #tpu.memory_space<hbm>>) target(%arg10 : memref<128x128xf32, #tpu.memory_space<vmem>>) offsets(%dma_start3A_82 : memref<128xi32, #tpu.memory_space<vmem>>) semaphore(%arg12 : memref<!tpu.dma_semaphore, #tpu.memory_space<semaphore_mem>>)
      }
      %scan3A_36 = arith.constant 15 : i32
      %dma_wait3A = arith.constant 0 : i32
      %dma_wait3A_37 = arith.constant 0 : i32
      %dma_wait3A_38 = tpu.memref_slice %arg7[%dma_wait3A, %dma_wait3A_37] : memref<32x128xi32, #tpu.memory_space<vmem>> -> memref<1x128xi32, #tpu.memory_space<vmem>>
      %dma_wait3A_39 = tpu.memref_squeeze %dma_wait3A_38 : memref<1x128xi32, #tpu.memory_space<vmem>> -> memref<128xi32, #tpu.memory_space<vmem>>
      %dma_wait3A_40 = arith.constant 0 : i32
      %dma_wait3A_41 = arith.constant 0 : i32
      %dma_wait3A_42 = tpu.memref_slice %arg4[%dma_wait3A_40, %dma_wait3A_41] : memref<10000x128xf32, #tpu.memory_space<hbm>> -> memref<10000x128xf32, #tpu.memory_space<hbm>>
      tpu.wait_indirect_dma semaphore(%arg11 : memref<!tpu.dma_semaphore, #tpu.memory_space<semaphore_mem>>) src(%dma_wait3A_42 : memref<10000x128xf32, #tpu.memory_space<hbm>>) dst(%arg9 : memref<128x128xf32, #tpu.memory_space<vmem>>)
      %run_scoped3A = arith.constant 30 : i32
      "tpu.region"() ({
        %run_scoped3A_51 = tpu.sem_alloc : memref<!tpu.dma_semaphore, #tpu.memory_space<semaphore_mem>>
        %dma_start3A_52 = arith.constant 0 : i32
        %dma_start3A_53 = tpu.memref_slice %arg8[%run_scoped3A, %dma_start3A_52] : memref<32x128xi32, #tpu.memory_space<vmem>> -> memref<1x128xi32, #tpu.memory_space<vmem>>
        %dma_start3A_54 = tpu.memref_squeeze %dma_start3A_53 : memref<1x128xi32, #tpu.memory_space<vmem>> -> memref<128xi32, #tpu.memory_space<vmem>>
        %dma_start3A_55 = arith.constant 0 : i32
        %dma_start3A_56 = arith.constant 0 : i32
        %dma_start3A_57 = tpu.memref_slice %arg13[%dma_start3A_55, %dma_start3A_56] : memref<10112x128xf32, #tpu.memory_space<vmem_shared>> -> memref<10112x128xf32, #tpu.memory_space<vmem_shared>>
        tpu.enqueue_indirect_dma source(%arg9 : memref<128x128xf32, #tpu.memory_space<vmem>>) target(%dma_start3A_57 : memref<10112x128xf32, #tpu.memory_space<vmem_shared>>) offsets(%dma_start3A_54 : memref<128xi32, #tpu.memory_space<vmem>>) semaphore(%run_scoped3A_51 : memref<!tpu.dma_semaphore, #tpu.memory_space<semaphore_mem>>) {add = true}
        %dma_wait3A_58 = arith.constant 0 : i32
        %dma_wait3A_59 = tpu.memref_slice %arg8[%run_scoped3A, %dma_wait3A_58] : memref<32x128xi32, #tpu.memory_space<vmem>> -> memref<1x128xi32, #tpu.memory_space<vmem>>
        %dma_wait3A_60 = tpu.memref_squeeze %dma_wait3A_59 : memref<1x128xi32, #tpu.memory_space<vmem>> -> memref<128xi32, #tpu.memory_space<vmem>>
        %dma_wait3A_61 = arith.constant 0 : i32
        %dma_wait3A_62 = arith.constant 0 : i32
        %dma_wait3A_63 = tpu.memref_slice %arg13[%dma_wait3A_61, %dma_wait3A_62] : memref<10112x128xf32, #tpu.memory_space<vmem_shared>> -> memref<10112x128xf32, #tpu.memory_space<vmem_shared>>
        tpu.wait_indirect_dma semaphore(%run_scoped3A_51 : memref<!tpu.dma_semaphore, #tpu.memory_space<semaphore_mem>>) src(%arg9 : memref<128x128xf32, #tpu.memory_space<vmem>>) dst(%dma_wait3A_63 : memref<10112x128xf32, #tpu.memory_space<vmem_shared>>)
        tpu.yield
      }) : () -> ()
      %dma_wait3A_43 = arith.constant 0 : i32
      %dma_wait3A_44 = arith.constant 0 : i32
      %dma_wait3A_45 = tpu.memref_slice %arg7[%dma_wait3A_43, %dma_wait3A_44] : memref<32x128xi32, #tpu.memory_space<vmem>> -> memref<1x128xi32, #tpu.memory_space<vmem>>
      %dma_wait3A_46 = tpu.memref_squeeze %dma_wait3A_45 : memref<1x128xi32, #tpu.memory_space<vmem>> -> memref<128xi32, #tpu.memory_space<vmem>>
      %dma_wait3A_47 = arith.constant 0 : i32
      %dma_wait3A_48 = arith.constant 0 : i32
      %dma_wait3A_49 = tpu.memref_slice %arg4[%dma_wait3A_47, %dma_wait3A_48] : memref<10000x128xf32, #tpu.memory_space<hbm>> -> memref<10000x128xf32, #tpu.memory_space<hbm>>
      tpu.wait_indirect_dma semaphore(%arg12 : memref<!tpu.dma_semaphore, #tpu.memory_space<semaphore_mem>>) src(%dma_wait3A_49 : memref<10000x128xf32, #tpu.memory_space<hbm>>) dst(%arg10 : memref<128x128xf32, #tpu.memory_space<vmem>>)
      %run_scoped3A_50 = arith.constant 31 : i32
      "tpu.region"() ({
        %run_scoped3A_51 = tpu.sem_alloc : memref<!tpu.dma_semaphore, #tpu.memory_space<semaphore_mem>>
        %dma_start3A_52 = arith.constant 0 : i32
        %dma_start3A_53 = tpu.memref_slice %arg8[%run_scoped3A_50, %dma_start3A_52] : memref<32x128xi32, #tpu.memory_space<vmem>> -> memref<1x128xi32, #tpu.memory_space<vmem>>
        %dma_start3A_54 = tpu.memref_squeeze %dma_start3A_53 : memref<1x128xi32, #tpu.memory_space<vmem>> -> memref<128xi32, #tpu.memory_space<vmem>>
        %dma_start3A_55 = arith.constant 0 : i32
        %dma_start3A_56 = arith.constant 0 : i32
        %dma_start3A_57 = tpu.memref_slice %arg13[%dma_start3A_55, %dma_start3A_56] : memref<10112x128xf32, #tpu.memory_space<vmem_shared>> -> memref<10112x128xf32, #tpu.memory_space<vmem_shared>>
        tpu.enqueue_indirect_dma source(%arg10 : memref<128x128xf32, #tpu.memory_space<vmem>>) target(%dma_start3A_57 : memref<10112x128xf32, #tpu.memory_space<vmem_shared>>) offsets(%dma_start3A_54 : memref<128xi32, #tpu.memory_space<vmem>>) semaphore(%run_scoped3A_51 : memref<!tpu.dma_semaphore, #tpu.memory_space<semaphore_mem>>) {add = true}
        %dma_wait3A_58 = arith.constant 0 : i32
        %dma_wait3A_59 = tpu.memref_slice %arg8[%run_scoped3A_50, %dma_wait3A_58] : memref<32x128xi32, #tpu.memory_space<vmem>> -> memref<1x128xi32, #tpu.memory_space<vmem>>
        %dma_wait3A_60 = tpu.memref_squeeze %dma_wait3A_59 : memref<1x128xi32, #tpu.memory_space<vmem>> -> memref<128xi32, #tpu.memory_space<vmem>>
        %dma_wait3A_61 = arith.constant 0 : i32
        %dma_wait3A_62 = arith.constant 0 : i32
        %dma_wait3A_63 = tpu.memref_slice %arg13[%dma_wait3A_61, %dma_wait3A_62] : memref<10112x128xf32, #tpu.memory_space<vmem_shared>> -> memref<10112x128xf32, #tpu.memory_space<vmem_shared>>
        tpu.wait_indirect_dma semaphore(%run_scoped3A_51 : memref<!tpu.dma_semaphore, #tpu.memory_space<semaphore_mem>>) src(%arg10 : memref<128x128xf32, #tpu.memory_space<vmem>>) dst(%dma_wait3A_63 : memref<10112x128xf32, #tpu.memory_space<vmem_shared>>)
        tpu.yield
      }) : () -> ()
    }
    %scan3A_7 = arith.constant 5 : i32
    %barrier3A_8 = arith.constant 0 : index
    tpu.barrier barrier_id(%barrier3A_8)
    %mul3A_9 = arith.constant 632 : i32
    %mul3A_10 = arith.muli %arg1, %mul3A_9 : i32
    %mul3A_11 = arith.constant 632 : i32
    %mul3A_12 = arith.muli %arg1, %mul3A_11 : i32
    "tpu.region"() ({
      %run_scoped3A = tpu.sem_alloc : memref<!tpu.dma_semaphore, #tpu.memory_space<semaphore_mem>>
      %dma_start3A = arith.constant 0 : i32
      %dma_start3A_13 = tpu.memref_slice %arg6[%arg0, %mul3A_12, %dma_start3A] : memref<2x10112x128xf32, #tpu.memory_space<hbm>> -> memref<1x632x128xf32, #tpu.memory_space<hbm>>
      %dma_start3A_14 = tpu.memref_squeeze %dma_start3A_13 : memref<1x632x128xf32, #tpu.memory_space<hbm>> -> memref<632x128xf32, #tpu.memory_space<hbm>>
      %dma_start3A_15 = arith.constant 0 : i32
      %dma_start3A_16 = tpu.memref_slice %arg13[%mul3A_10, %dma_start3A_15] : memref<10112x128xf32, #tpu.memory_space<vmem_shared>> -> memref<632x128xf32, #tpu.memory_space<vmem_shared>>
      tpu.enqueue_dma source(%dma_start3A_16 : memref<632x128xf32, #tpu.memory_space<vmem_shared>>) target(%dma_start3A_14 : memref<632x128xf32, #tpu.memory_space<hbm>>) target_semaphore(%run_scoped3A : memref<!tpu.dma_semaphore, #tpu.memory_space<semaphore_mem>>)
      %dma_wait3A = arith.constant 0 : i32
      %dma_wait3A_17 = tpu.memref_slice %arg6[%arg0, %mul3A_12, %dma_wait3A] : memref<2x10112x128xf32, #tpu.memory_space<hbm>> -> memref<1x632x128xf32, #tpu.memory_space<hbm>>
      %dma_wait3A_18 = tpu.memref_squeeze %dma_wait3A_17 : memref<1x632x128xf32, #tpu.memory_space<hbm>> -> memref<632x128xf32, #tpu.memory_space<hbm>>
      %dma_wait3A_19 = arith.constant 0 : i32
      %dma_wait3A_20 = tpu.memref_slice %arg13[%mul3A_10, %dma_wait3A_19] : memref<10112x128xf32, #tpu.memory_space<vmem_shared>> -> memref<632x128xf32, #tpu.memory_space<vmem_shared>>
      tpu.wait_dma2 semaphore(%run_scoped3A : memref<!tpu.dma_semaphore, #tpu.memory_space<semaphore_mem>>) src(%dma_wait3A_20 : memref<632x128xf32, #tpu.memory_space<vmem_shared>>) dst(%dma_wait3A_18 : memref<632x128xf32, #tpu.memory_space<hbm>>)
      tpu.yield
    }) : () -> ()
    return
  }
}

#map = affine_map<(d0, d1) -> (0, 0, 0)>
#map1 = affine_map<(d0, d1) -> (0, 0)>
module attributes {stable_mosaic.version = 14 : i64} {
  func.func @_spmm_body(%arg0: i32, %arg1: i32, %arg2: memref<32x160x128xi32, #tpu.memory_space<hbm>>, %arg3: memref<32x160x128xi32, #tpu.memory_space<hbm>>, %arg4: memref<10000x128xf32, #tpu.memory_space<hbm>>, %arg5: memref<632x128xf32, #tpu.memory_space<hbm>>, %arg6: memref<2x10112x128xf32, #tpu.memory_space<hbm>>, %arg7: memref<32x128xi32, #tpu.memory_space<vmem>>, %arg8: memref<32x128xi32, #tpu.memory_space<vmem>>, %arg9: memref<128x128xf32, #tpu.memory_space<vmem>>, %arg10: memref<128x128xf32, #tpu.memory_space<vmem>>, %arg11: memref<!tpu.dma_semaphore, #tpu.memory_space<semaphore_mem>>, %arg12: memref<!tpu.dma_semaphore, #tpu.memory_space<semaphore_mem>>, %arg13: memref<10112x128xf32, #tpu.memory_space<vmem_shared>>) attributes {dimension_semantics = [#tpu.dimension_semantics<core_parallel>, #tpu.dimension_semantics<subcore_parallel>], iteration_bounds = array<i64: 2, 16>, scalar_prefetch = 0 : i64, scratch_operands = 7 : i64, tpu.core_type = #tpu.core_type<sc_vector_subcore>, window_params = [{transform_indices = #map}, {transform_indices = #map}, {transform_indices = #map1}, {transform_indices = #map1}, {transform_indices = #map}]} {
    %mul3A = arith.constant 2 : i32
    %mul3A_0 = arith.muli %arg1, %mul3A : i32
    %add3A = arith.addi %mul3A_0, %arg0 : i32
    %mul3A_1 = arith.constant 632 : i32
    %mul3A_2 = arith.muli %arg1, %mul3A_1 : i32
    "tpu.region"() ({
      %run_scoped3A = tpu.sem_alloc : memref<!tpu.dma_semaphore, #tpu.memory_space<semaphore_mem>>
      %dma_start3A = arith.constant 0 : i32
      %dma_start3A_13 = tpu.memref_slice %arg13[%mul3A_2, %dma_start3A] : memref<10112x128xf32, #tpu.memory_space<vmem_shared>> -> memref<632x128xf32, #tpu.memory_space<vmem_shared>>
      tpu.enqueue_dma source(%arg5 : memref<632x128xf32, #tpu.memory_space<hbm>>) target(%dma_start3A_13 : memref<632x128xf32, #tpu.memory_space<vmem_shared>>) target_semaphore(%run_scoped3A : memref<!tpu.dma_semaphore, #tpu.memory_space<semaphore_mem>>)
      %dma_wait3A = arith.constant 0 : i32
      %dma_wait3A_14 = tpu.memref_slice %arg13[%mul3A_2, %dma_wait3A] : memref<10112x128xf32, #tpu.memory_space<vmem_shared>> -> memref<632x128xf32, #tpu.memory_space<vmem_shared>>
      tpu.wait_dma2 semaphore(%run_scoped3A : memref<!tpu.dma_semaphore, #tpu.memory_space<semaphore_mem>>) src(%arg5 : memref<632x128xf32, #tpu.memory_space<hbm>>) dst(%dma_wait3A_14 : memref<632x128xf32, #tpu.memory_space<vmem_shared>>)
      tpu.yield
    }) : () -> ()
    %barrier3A = arith.constant 0 : index
    tpu.barrier barrier_id(%barrier3A)
    %scan3A = arith.constant 0 : i32
    %scan3A_3 = arith.constant 0 : i32
    %scan3A_4 = arith.constant 5 : i32
    %scan3A_5 = arith.addi %scan3A_3, %scan3A_4 : i32
    %scan3A_6 = arith.constant 1 : i32
    scf.for %scan3A_13 = %scan3A_3 to %scan3A_5 step %scan3A_6  : i32 {
      %mul3A_14 = arith.constant 32 : i32
      %mul3A_15 = arith.muli %scan3A_13, %mul3A_14 : i32
      "tpu.region"() ({
        %run_scoped3A_51 = tpu.sem_alloc : memref<!tpu.dma_semaphore, #tpu.memory_space<semaphore_mem>>
        %dma_start3A_52 = arith.constant 0 : i32
        %dma_start3A_53 = tpu.memref_slice %arg2[%add3A, %mul3A_15, %dma_start3A_52] : memref<32x160x128xi32, #tpu.memory_space<hbm>> -> memref<1x32x128xi32, #tpu.memory_space<hbm>>
        %dma_start3A_54 = tpu.memref_squeeze %dma_start3A_53 : memref<1x32x128xi32, #tpu.memory_space<hbm>> -> memref<32x128xi32, #tpu.memory_space<hbm>>
        %dma_start3A_55 = arith.constant 0 : i32
        %dma_start3A_56 = tpu.memref_slice %arg2[%add3A, %mul3A_15, %dma_start3A_55] : memref<32x160x128xi32, #tpu.memory_space<hbm>> -> memref<1x32x128xi32, #tpu.memory_space<hbm>>
        %dma_start3A_57 = tpu.memref_squeeze %dma_start3A_56 : memref<1x32x128xi32, #tpu.memory_space<hbm>> -> memref<32x128xi32, #tpu.memory_space<hbm>>
        tpu.enqueue_dma source(%dma_start3A_57 : memref<32x128xi32, #tpu.memory_space<hbm>>) target(%arg7 : memref<32x128xi32, #tpu.memory_space<vmem>>) target_semaphore(%run_scoped3A_51 : memref<!tpu.dma_semaphore, #tpu.memory_space<semaphore_mem>>)
        %dma_wait3A_58 = arith.constant 0 : i32
        %dma_wait3A_59 = tpu.memref_slice %arg2[%add3A, %mul3A_15, %dma_wait3A_58] : memref<32x160x128xi32, #tpu.memory_space<hbm>> -> memref<1x32x128xi32, #tpu.memory_space<hbm>>
        %dma_wait3A_60 = tpu.memref_squeeze %dma_wait3A_59 : memref<1x32x128xi32, #tpu.memory_space<hbm>> -> memref<32x128xi32, #tpu.memory_space<hbm>>
        %dma_wait3A_61 = arith.constant 0 : i32
        %dma_wait3A_62 = tpu.memref_slice %arg2[%add3A, %mul3A_15, %dma_wait3A_61] : memref<32x160x128xi32, #tpu.memory_space<hbm>> -> memref<1x32x128xi32, #tpu.memory_space<hbm>>
        %dma_wait3A_63 = tpu.memref_squeeze %dma_wait3A_62 : memref<1x32x128xi32, #tpu.memory_space<hbm>> -> memref<32x128xi32, #tpu.memory_space<hbm>>
        tpu.wait_dma2 semaphore(%run_scoped3A_51 : memref<!tpu.dma_semaphore, #tpu.memory_space<semaphore_mem>>) src(%dma_wait3A_63 : memref<32x128xi32, #tpu.memory_space<hbm>>) dst(%arg7 : memref<32x128xi32, #tpu.memory_space<vmem>>)
        tpu.yield
      }) : () -> ()
      %mul3A_16 = arith.constant 32 : i32
      %mul3A_17 = arith.muli %scan3A_13, %mul3A_16 : i32
      "tpu.region"() ({
        %run_scoped3A_51 = tpu.sem_alloc : memref<!tpu.dma_semaphore, #tpu.memory_space<semaphore_mem>>
        %dma_start3A_52 = arith.constant 0 : i32
        %dma_start3A_53 = tpu.memref_slice %arg3[%add3A, %mul3A_17, %dma_start3A_52] : memref<32x160x128xi32, #tpu.memory_space<hbm>> -> memref<1x32x128xi32, #tpu.memory_space<hbm>>
        %dma_start3A_54 = tpu.memref_squeeze %dma_start3A_53 : memref<1x32x128xi32, #tpu.memory_space<hbm>> -> memref<32x128xi32, #tpu.memory_space<hbm>>
        %dma_start3A_55 = arith.constant 0 : i32
        %dma_start3A_56 = tpu.memref_slice %arg3[%add3A, %mul3A_17, %dma_start3A_55] : memref<32x160x128xi32, #tpu.memory_space<hbm>> -> memref<1x32x128xi32, #tpu.memory_space<hbm>>
        %dma_start3A_57 = tpu.memref_squeeze %dma_start3A_56 : memref<1x32x128xi32, #tpu.memory_space<hbm>> -> memref<32x128xi32, #tpu.memory_space<hbm>>
        tpu.enqueue_dma source(%dma_start3A_57 : memref<32x128xi32, #tpu.memory_space<hbm>>) target(%arg8 : memref<32x128xi32, #tpu.memory_space<vmem>>) target_semaphore(%run_scoped3A_51 : memref<!tpu.dma_semaphore, #tpu.memory_space<semaphore_mem>>)
        %dma_wait3A_58 = arith.constant 0 : i32
        %dma_wait3A_59 = tpu.memref_slice %arg3[%add3A, %mul3A_17, %dma_wait3A_58] : memref<32x160x128xi32, #tpu.memory_space<hbm>> -> memref<1x32x128xi32, #tpu.memory_space<hbm>>
        %dma_wait3A_60 = tpu.memref_squeeze %dma_wait3A_59 : memref<1x32x128xi32, #tpu.memory_space<hbm>> -> memref<32x128xi32, #tpu.memory_space<hbm>>
        %dma_wait3A_61 = arith.constant 0 : i32
        %dma_wait3A_62 = tpu.memref_slice %arg3[%add3A, %mul3A_17, %dma_wait3A_61] : memref<32x160x128xi32, #tpu.memory_space<hbm>> -> memref<1x32x128xi32, #tpu.memory_space<hbm>>
        %dma_wait3A_63 = tpu.memref_squeeze %dma_wait3A_62 : memref<1x32x128xi32, #tpu.memory_space<hbm>> -> memref<32x128xi32, #tpu.memory_space<hbm>>
        tpu.wait_dma2 semaphore(%run_scoped3A_51 : memref<!tpu.dma_semaphore, #tpu.memory_space<semaphore_mem>>) src(%dma_wait3A_63 : memref<32x128xi32, #tpu.memory_space<hbm>>) dst(%arg8 : memref<32x128xi32, #tpu.memory_space<vmem>>)
        tpu.yield
      }) : () -> ()
      %dma_start3A = arith.constant 0 : i32
      %dma_start3A_18 = arith.constant 0 : i32
      %dma_start3A_19 = tpu.memref_slice %arg7[%dma_start3A, %dma_start3A_18] : memref<32x128xi32, #tpu.memory_space<vmem>> -> memref<1x128xi32, #tpu.memory_space<vmem>>
      %dma_start3A_20 = tpu.memref_squeeze %dma_start3A_19 : memref<1x128xi32, #tpu.memory_space<vmem>> -> memref<128xi32, #tpu.memory_space<vmem>>
      %dma_start3A_21 = arith.constant 0 : i32
      %dma_start3A_22 = arith.constant 0 : i32
      %dma_start3A_23 = tpu.memref_slice %arg4[%dma_start3A_21, %dma_start3A_22] : memref<10000x128xf32, #tpu.memory_space<hbm>> -> memref<10000x128xf32, #tpu.memory_space<hbm>>
      tpu.enqueue_indirect_dma source(%dma_start3A_23 : memref<10000x128xf32, #tpu.memory_space<hbm>>) target(%arg9 : memref<128x128xf32, #tpu.memory_space<vmem>>) offsets(%dma_start3A_20 : memref<128xi32, #tpu.memory_space<vmem>>) semaphore(%arg11 : memref<!tpu.dma_semaphore, #tpu.memory_space<semaphore_mem>>)
      %dma_start3A_24 = arith.constant 1 : i32
      %dma_start3A_25 = arith.constant 0 : i32
      %dma_start3A_26 = tpu.memref_slice %arg7[%dma_start3A_24, %dma_start3A_25] : memref<32x128xi32, #tpu.memory_space<vmem>> -> memref<1x128xi32, #tpu.memory_space<vmem>>
      %dma_start3A_27 = tpu.memref_squeeze %dma_start3A_26 : memref<1x128xi32, #tpu.memory_space<vmem>> -> memref<128xi32, #tpu.memory_space<vmem>>
      %dma_start3A_28 = arith.constant 0 : i32
      %dma_start3A_29 = arith.constant 0 : i32
      %dma_start3A_30 = tpu.memref_slice %arg4[%dma_start3A_28, %dma_start3A_29] : memref<10000x128xf32, #tpu.memory_space<hbm>> -> memref<10000x128xf32, #tpu.memory_space<hbm>>
      tpu.enqueue_indirect_dma source(%dma_start3A_30 : memref<10000x128xf32, #tpu.memory_space<hbm>>) target(%arg10 : memref<128x128xf32, #tpu.memory_space<vmem>>) offsets(%dma_start3A_27 : memref<128xi32, #tpu.memory_space<vmem>>) semaphore(%arg12 : memref<!tpu.dma_semaphore, #tpu.memory_space<semaphore_mem>>)
      %scan3A_31 = arith.constant 0 : i32
      %scan3A_32 = arith.constant 0 : i32
      %scan3A_33 = arith.constant 15 : i32
      %scan3A_34 = arith.addi %scan3A_32, %scan3A_33 : i32
      %scan3A_35 = arith.constant 1 : i32
      scf.for %scan3A_51 = %scan3A_32 to %scan3A_34 step %scan3A_35  : i32 {
        %mul3A_52 = arith.constant 2 : i32
        %mul3A_53 = arith.muli %scan3A_51, %mul3A_52 : i32
        %dma_wait3A_54 = arith.constant 0 : i32
        %dma_wait3A_55 = arith.constant 0 : i32
        %dma_wait3A_56 = tpu.memref_slice %arg7[%dma_wait3A_54, %dma_wait3A_55] : memref<32x128xi32, #tpu.memory_space<vmem>> -> memref<1x128xi32, #tpu.memory_space<vmem>>
        %dma_wait3A_57 = tpu.memref_squeeze %dma_wait3A_56 : memref<1x128xi32, #tpu.memory_space<vmem>> -> memref<128xi32, #tpu.memory_space<vmem>>
        %dma_wait3A_58 = arith.constant 0 : i32
        %dma_wait3A_59 = arith.constant 0 : i32
        %dma_wait3A_60 = tpu.memref_slice %arg4[%dma_wait3A_58, %dma_wait3A_59] : memref<10000x128xf32, #tpu.memory_space<hbm>> -> memref<10000x128xf32, #tpu.memory_space<hbm>>
        tpu.wait_indirect_dma semaphore(%arg11 : memref<!tpu.dma_semaphore, #tpu.memory_space<semaphore_mem>>) src(%dma_wait3A_60 : memref<10000x128xf32, #tpu.memory_space<hbm>>) dst(%arg9 : memref<128x128xf32, #tpu.memory_space<vmem>>)
        "tpu.region"() ({
          %run_scoped3A_86 = tpu.sem_alloc : memref<!tpu.dma_semaphore, #tpu.memory_space<semaphore_mem>>
          %dma_start3A_87 = arith.constant 0 : i32
          %dma_start3A_88 = tpu.memref_slice %arg8[%mul3A_53, %dma_start3A_87] : memref<32x128xi32, #tpu.memory_space<vmem>> -> memref<1x128xi32, #tpu.memory_space<vmem>>
          %dma_start3A_89 = tpu.memref_squeeze %dma_start3A_88 : memref<1x128xi32, #tpu.memory_space<vmem>> -> memref<128xi32, #tpu.memory_space<vmem>>
          %dma_start3A_90 = arith.constant 0 : i32
          %dma_start3A_91 = arith.constant 0 : i32
          %dma_start3A_92 = tpu.memref_slice %arg13[%dma_start3A_90, %dma_start3A_91] : memref<10112x128xf32, #tpu.memory_space<vmem_shared>> -> memref<10112x128xf32, #tpu.memory_space<vmem_shared>>
          tpu.enqueue_indirect_dma source(%arg9 : memref<128x128xf32, #tpu.memory_space<vmem>>) target(%dma_start3A_92 : memref<10112x128xf32, #tpu.memory_space<vmem_shared>>) offsets(%dma_start3A_89 : memref<128xi32, #tpu.memory_space<vmem>>) semaphore(%run_scoped3A_86 : memref<!tpu.dma_semaphore, #tpu.memory_space<semaphore_mem>>) {add = true}
          %dma_wait3A_93 = arith.constant 0 : i32
          %dma_wait3A_94 = tpu.memref_slice %arg8[%mul3A_53, %dma_wait3A_93] : memref<32x128xi32, #tpu.memory_space<vmem>> -> memref<1x128xi32, #tpu.memory_space<vmem>>
          %dma_wait3A_95 = tpu.memref_squeeze %dma_wait3A_94 : memref<1x128xi32, #tpu.memory_space<vmem>> -> memref<128xi32, #tpu.memory_space<vmem>>
          %dma_wait3A_96 = arith.constant 0 : i32
          %dma_wait3A_97 = arith.constant 0 : i32
          %dma_wait3A_98 = tpu.memref_slice %arg13[%dma_wait3A_96, %dma_wait3A_97] : memref<10112x128xf32, #tpu.memory_space<vmem_shared>> -> memref<10112x128xf32, #tpu.memory_space<vmem_shared>>
          tpu.wait_indirect_dma semaphore(%run_scoped3A_86 : memref<!tpu.dma_semaphore, #tpu.memory_space<semaphore_mem>>) src(%arg9 : memref<128x128xf32, #tpu.memory_space<vmem>>) dst(%dma_wait3A_98 : memref<10112x128xf32, #tpu.memory_space<vmem_shared>>)
          tpu.yield
        }) : () -> ()
        %add3A_61 = arith.constant 2 : i32
        %add3A_62 = arith.addi %mul3A_53, %add3A_61 : i32
        %dma_start3A_63 = arith.constant 0 : i32
        %dma_start3A_64 = tpu.memref_slice %arg7[%add3A_62, %dma_start3A_63] : memref<32x128xi32, #tpu.memory_space<vmem>> -> memref<1x128xi32, #tpu.memory_space<vmem>>
        %dma_start3A_65 = tpu.memref_squeeze %dma_start3A_64 : memref<1x128xi32, #tpu.memory_space<vmem>> -> memref<128xi32, #tpu.memory_space<vmem>>
        %dma_start3A_66 = arith.constant 0 : i32
        %dma_start3A_67 = arith.constant 0 : i32
        %dma_start3A_68 = tpu.memref_slice %arg4[%dma_start3A_66, %dma_start3A_67] : memref<10000x128xf32, #tpu.memory_space<hbm>> -> memref<10000x128xf32, #tpu.memory_space<hbm>>
        tpu.enqueue_indirect_dma source(%dma_start3A_68 : memref<10000x128xf32, #tpu.memory_space<hbm>>) target(%arg9 : memref<128x128xf32, #tpu.memory_space<vmem>>) offsets(%dma_start3A_65 : memref<128xi32, #tpu.memory_space<vmem>>) semaphore(%arg11 : memref<!tpu.dma_semaphore, #tpu.memory_space<semaphore_mem>>)
        %dma_wait3A_69 = arith.constant 0 : i32
        %dma_wait3A_70 = arith.constant 0 : i32
        %dma_wait3A_71 = tpu.memref_slice %arg7[%dma_wait3A_69, %dma_wait3A_70] : memref<32x128xi32, #tpu.memory_space<vmem>> -> memref<1x128xi32, #tpu.memory_space<vmem>>
        %dma_wait3A_72 = tpu.memref_squeeze %dma_wait3A_71 : memref<1x128xi32, #tpu.memory_space<vmem>> -> memref<128xi32, #tpu.memory_space<vmem>>
        %dma_wait3A_73 = arith.constant 0 : i32
        %dma_wait3A_74 = arith.constant 0 : i32
        %dma_wait3A_75 = tpu.memref_slice %arg4[%dma_wait3A_73, %dma_wait3A_74] : memref<10000x128xf32, #tpu.memory_space<hbm>> -> memref<10000x128xf32, #tpu.memory_space<hbm>>
        tpu.wait_indirect_dma semaphore(%arg12 : memref<!tpu.dma_semaphore, #tpu.memory_space<semaphore_mem>>) src(%dma_wait3A_75 : memref<10000x128xf32, #tpu.memory_space<hbm>>) dst(%arg10 : memref<128x128xf32, #tpu.memory_space<vmem>>)
        %add3A_76 = arith.constant 1 : i32
        %add3A_77 = arith.addi %mul3A_53, %add3A_76 : i32
        "tpu.region"() ({
          %run_scoped3A_86 = tpu.sem_alloc : memref<!tpu.dma_semaphore, #tpu.memory_space<semaphore_mem>>
          %dma_start3A_87 = arith.constant 0 : i32
          %dma_start3A_88 = tpu.memref_slice %arg8[%add3A_77, %dma_start3A_87] : memref<32x128xi32, #tpu.memory_space<vmem>> -> memref<1x128xi32, #tpu.memory_space<vmem>>
          %dma_start3A_89 = tpu.memref_squeeze %dma_start3A_88 : memref<1x128xi32, #tpu.memory_space<vmem>> -> memref<128xi32, #tpu.memory_space<vmem>>
          %dma_start3A_90 = arith.constant 0 : i32
          %dma_start3A_91 = arith.constant 0 : i32
          %dma_start3A_92 = tpu.memref_slice %arg13[%dma_start3A_90, %dma_start3A_91] : memref<10112x128xf32, #tpu.memory_space<vmem_shared>> -> memref<10112x128xf32, #tpu.memory_space<vmem_shared>>
          tpu.enqueue_indirect_dma source(%arg10 : memref<128x128xf32, #tpu.memory_space<vmem>>) target(%dma_start3A_92 : memref<10112x128xf32, #tpu.memory_space<vmem_shared>>) offsets(%dma_start3A_89 : memref<128xi32, #tpu.memory_space<vmem>>) semaphore(%run_scoped3A_86 : memref<!tpu.dma_semaphore, #tpu.memory_space<semaphore_mem>>) {add = true}
          %dma_wait3A_93 = arith.constant 0 : i32
          %dma_wait3A_94 = tpu.memref_slice %arg8[%add3A_77, %dma_wait3A_93] : memref<32x128xi32, #tpu.memory_space<vmem>> -> memref<1x128xi32, #tpu.memory_space<vmem>>
          %dma_wait3A_95 = tpu.memref_squeeze %dma_wait3A_94 : memref<1x128xi32, #tpu.memory_space<vmem>> -> memref<128xi32, #tpu.memory_space<vmem>>
          %dma_wait3A_96 = arith.constant 0 : i32
          %dma_wait3A_97 = arith.constant 0 : i32
          %dma_wait3A_98 = tpu.memref_slice %arg13[%dma_wait3A_96, %dma_wait3A_97] : memref<10112x128xf32, #tpu.memory_space<vmem_shared>> -> memref<10112x128xf32, #tpu.memory_space<vmem_shared>>
          tpu.wait_indirect_dma semaphore(%run_scoped3A_86 : memref<!tpu.dma_semaphore, #tpu.memory_space<semaphore_mem>>) src(%arg10 : memref<128x128xf32, #tpu.memory_space<vmem>>) dst(%dma_wait3A_98 : memref<10112x128xf32, #tpu.memory_space<vmem_shared>>)
          tpu.yield
        }) : () -> ()
        %add3A_78 = arith.constant 3 : i32
        %add3A_79 = arith.addi %mul3A_53, %add3A_78 : i32
        %dma_start3A_80 = arith.constant 0 : i32
        %dma_start3A_81 = tpu.memref_slice %arg7[%add3A_79, %dma_start3A_80] : memref<32x128xi32, #tpu.memory_space<vmem>> -> memref<1x128xi32, #tpu.memory_space<vmem>>
        %dma_start3A_82 = tpu.memref_squeeze %dma_start3A_81 : memref<1x128xi32, #tpu.memory_space<vmem>> -> memref<128xi32, #tpu.memory_space<vmem>>
        %dma_start3A_83 = arith.constant 0 : i32
        %dma_start3A_84 = arith.constant 0 : i32
        %dma_start3A_85 = tpu.memref_slice %arg4[%dma_start3A_83, %dma_start3A_84] : memref<10000x128xf32, #tpu.memory_space<hbm>> -> memref<10000x128xf32, #tpu.memory_space<hbm>>
        tpu.enqueue_indirect_dma source(%dma_start3A_85 : memref<10000x128xf32, #tpu.memory_space<hbm>>) target(%arg10 : memref<128x128xf32, #tpu.memory_space<vmem>>) offsets(%dma_start3A_82 : memref<128xi32, #tpu.memory_space<vmem>>) semaphore(%arg12 : memref<!tpu.dma_semaphore, #tpu.memory_space<semaphore_mem>>)
      }
      %scan3A_36 = arith.constant 15 : i32
      %dma_wait3A = arith.constant 0 : i32
      %dma_wait3A_37 = arith.constant 0 : i32
      %dma_wait3A_38 = tpu.memref_slice %arg7[%dma_wait3A, %dma_wait3A_37] : memref<32x128xi32, #tpu.memory_space<vmem>> -> memref<1x128xi32, #tpu.memory_space<vmem>>
      %dma_wait3A_39 = tpu.memref_squeeze %dma_wait3A_38 : memref<1x128xi32, #tpu.memory_space<vmem>> -> memref<128xi32, #tpu.memory_space<vmem>>
      %dma_wait3A_40 = arith.constant 0 : i32
      %dma_wait3A_41 = arith.constant 0 : i32
      %dma_wait3A_42 = tpu.memref_slice %arg4[%dma_wait3A_40, %dma_wait3A_41] : memref<10000x128xf32, #tpu.memory_space<hbm>> -> memref<10000x128xf32, #tpu.memory_space<hbm>>
      tpu.wait_indirect_dma semaphore(%arg11 : memref<!tpu.dma_semaphore, #tpu.memory_space<semaphore_mem>>) src(%dma_wait3A_42 : memref<10000x128xf32, #tpu.memory_space<hbm>>) dst(%arg9 : memref<128x128xf32, #tpu.memory_space<vmem>>)
      %run_scoped3A = arith.constant 30 : i32
      "tpu.region"() ({
        %run_scoped3A_51 = tpu.sem_alloc : memref<!tpu.dma_semaphore, #tpu.memory_space<semaphore_mem>>
        %dma_start3A_52 = arith.constant 0 : i32
        %dma_start3A_53 = tpu.memref_slice %arg8[%run_scoped3A, %dma_start3A_52] : memref<32x128xi32, #tpu.memory_space<vmem>> -> memref<1x128xi32, #tpu.memory_space<vmem>>
        %dma_start3A_54 = tpu.memref_squeeze %dma_start3A_53 : memref<1x128xi32, #tpu.memory_space<vmem>> -> memref<128xi32, #tpu.memory_space<vmem>>
        %dma_start3A_55 = arith.constant 0 : i32
        %dma_start3A_56 = arith.constant 0 : i32
        %dma_start3A_57 = tpu.memref_slice %arg13[%dma_start3A_55, %dma_start3A_56] : memref<10112x128xf32, #tpu.memory_space<vmem_shared>> -> memref<10112x128xf32, #tpu.memory_space<vmem_shared>>
        tpu.enqueue_indirect_dma source(%arg9 : memref<128x128xf32, #tpu.memory_space<vmem>>) target(%dma_start3A_57 : memref<10112x128xf32, #tpu.memory_space<vmem_shared>>) offsets(%dma_start3A_54 : memref<128xi32, #tpu.memory_space<vmem>>) semaphore(%run_scoped3A_51 : memref<!tpu.dma_semaphore, #tpu.memory_space<semaphore_mem>>) {add = true}
        %dma_wait3A_58 = arith.constant 0 : i32
        %dma_wait3A_59 = tpu.memref_slice %arg8[%run_scoped3A, %dma_wait3A_58] : memref<32x128xi32, #tpu.memory_space<vmem>> -> memref<1x128xi32, #tpu.memory_space<vmem>>
        %dma_wait3A_60 = tpu.memref_squeeze %dma_wait3A_59 : memref<1x128xi32, #tpu.memory_space<vmem>> -> memref<128xi32, #tpu.memory_space<vmem>>
        %dma_wait3A_61 = arith.constant 0 : i32
        %dma_wait3A_62 = arith.constant 0 : i32
        %dma_wait3A_63 = tpu.memref_slice %arg13[%dma_wait3A_61, %dma_wait3A_62] : memref<10112x128xf32, #tpu.memory_space<vmem_shared>> -> memref<10112x128xf32, #tpu.memory_space<vmem_shared>>
        tpu.wait_indirect_dma semaphore(%run_scoped3A_51 : memref<!tpu.dma_semaphore, #tpu.memory_space<semaphore_mem>>) src(%arg9 : memref<128x128xf32, #tpu.memory_space<vmem>>) dst(%dma_wait3A_63 : memref<10112x128xf32, #tpu.memory_space<vmem_shared>>)
        tpu.yield
      }) : () -> ()
      %dma_wait3A_43 = arith.constant 0 : i32
      %dma_wait3A_44 = arith.constant 0 : i32
      %dma_wait3A_45 = tpu.memref_slice %arg7[%dma_wait3A_43, %dma_wait3A_44] : memref<32x128xi32, #tpu.memory_space<vmem>> -> memref<1x128xi32, #tpu.memory_space<vmem>>
      %dma_wait3A_46 = tpu.memref_squeeze %dma_wait3A_45 : memref<1x128xi32, #tpu.memory_space<vmem>> -> memref<128xi32, #tpu.memory_space<vmem>>
      %dma_wait3A_47 = arith.constant 0 : i32
      %dma_wait3A_48 = arith.constant 0 : i32
      %dma_wait3A_49 = tpu.memref_slice %arg4[%dma_wait3A_47, %dma_wait3A_48] : memref<10000x128xf32, #tpu.memory_space<hbm>> -> memref<10000x128xf32, #tpu.memory_space<hbm>>
      tpu.wait_indirect_dma semaphore(%arg12 : memref<!tpu.dma_semaphore, #tpu.memory_space<semaphore_mem>>) src(%dma_wait3A_49 : memref<10000x128xf32, #tpu.memory_space<hbm>>) dst(%arg10 : memref<128x128xf32, #tpu.memory_space<vmem>>)
      %run_scoped3A_50 = arith.constant 31 : i32
      "tpu.region"() ({
        %run_scoped3A_51 = tpu.sem_alloc : memref<!tpu.dma_semaphore, #tpu.memory_space<semaphore_mem>>
        %dma_start3A_52 = arith.constant 0 : i32
        %dma_start3A_53 = tpu.memref_slice %arg8[%run_scoped3A_50, %dma_start3A_52] : memref<32x128xi32, #tpu.memory_space<vmem>> -> memref<1x128xi32, #tpu.memory_space<vmem>>
        %dma_start3A_54 = tpu.memref_squeeze %dma_start3A_53 : memref<1x128xi32, #tpu.memory_space<vmem>> -> memref<128xi32, #tpu.memory_space<vmem>>
        %dma_start3A_55 = arith.constant 0 : i32
        %dma_start3A_56 = arith.constant 0 : i32
        %dma_start3A_57 = tpu.memref_slice %arg13[%dma_start3A_55, %dma_start3A_56] : memref<10112x128xf32, #tpu.memory_space<vmem_shared>> -> memref<10112x128xf32, #tpu.memory_space<vmem_shared>>
        tpu.enqueue_indirect_dma source(%arg10 : memref<128x128xf32, #tpu.memory_space<vmem>>) target(%dma_start3A_57 : memref<10112x128xf32, #tpu.memory_space<vmem_shared>>) offsets(%dma_start3A_54 : memref<128xi32, #tpu.memory_space<vmem>>) semaphore(%run_scoped3A_51 : memref<!tpu.dma_semaphore, #tpu.memory_space<semaphore_mem>>) {add = true}
        %dma_wait3A_58 = arith.constant 0 : i32
        %dma_wait3A_59 = tpu.memref_slice %arg8[%run_scoped3A_50, %dma_wait3A_58] : memref<32x128xi32, #tpu.memory_space<vmem>> -> memref<1x128xi32, #tpu.memory_space<vmem>>
        %dma_wait3A_60 = tpu.memref_squeeze %dma_wait3A_59 : memref<1x128xi32, #tpu.memory_space<vmem>> -> memref<128xi32, #tpu.memory_space<vmem>>
        %dma_wait3A_61 = arith.constant 0 : i32
        %dma_wait3A_62 = arith.constant 0 : i32
        %dma_wait3A_63 = tpu.memref_slice %arg13[%dma_wait3A_61, %dma_wait3A_62] : memref<10112x128xf32, #tpu.memory_space<vmem_shared>> -> memref<10112x128xf32, #tpu.memory_space<vmem_shared>>
        tpu.wait_indirect_dma semaphore(%run_scoped3A_51 : memref<!tpu.dma_semaphore, #tpu.memory_space<semaphore_mem>>) src(%arg10 : memref<128x128xf32, #tpu.memory_space<vmem>>) dst(%dma_wait3A_63 : memref<10112x128xf32, #tpu.memory_space<vmem_shared>>)
        tpu.yield
      }) : () -> ()
    }
    %scan3A_7 = arith.constant 5 : i32
    %barrier3A_8 = arith.constant 0 : index
    tpu.barrier barrier_id(%barrier3A_8)
    %mul3A_9 = arith.constant 632 : i32
    %mul3A_10 = arith.muli %arg1, %mul3A_9 : i32
    %mul3A_11 = arith.constant 632 : i32
    %mul3A_12 = arith.muli %arg1, %mul3A_11 : i32
    "tpu.region"() ({
      %run_scoped3A = tpu.sem_alloc : memref<!tpu.dma_semaphore, #tpu.memory_space<semaphore_mem>>
      %dma_start3A = arith.constant 0 : i32
      %dma_start3A_13 = tpu.memref_slice %arg6[%arg0, %mul3A_12, %dma_start3A] : memref<2x10112x128xf32, #tpu.memory_space<hbm>> -> memref<1x632x128xf32, #tpu.memory_space<hbm>>
      %dma_start3A_14 = tpu.memref_squeeze %dma_start3A_13 : memref<1x632x128xf32, #tpu.memory_space<hbm>> -> memref<632x128xf32, #tpu.memory_space<hbm>>
      %dma_start3A_15 = arith.constant 0 : i32
      %dma_start3A_16 = tpu.memref_slice %arg13[%mul3A_10, %dma_start3A_15] : memref<10112x128xf32, #tpu.memory_space<vmem_shared>> -> memref<632x128xf32, #tpu.memory_space<vmem_shared>>
      tpu.enqueue_dma source(%dma_start3A_16 : memref<632x128xf32, #tpu.memory_space<vmem_shared>>) target(%dma_start3A_14 : memref<632x128xf32, #tpu.memory_space<hbm>>) target_semaphore(%run_scoped3A : memref<!tpu.dma_semaphore, #tpu.memory_space<semaphore_mem>>)
      %dma_wait3A = arith.constant 0 : i32
      %dma_wait3A_17 = tpu.memref_slice %arg6[%arg0, %mul3A_12, %dma_wait3A] : memref<2x10112x128xf32, #tpu.memory_space<hbm>> -> memref<1x632x128xf32, #tpu.memory_space<hbm>>
      %dma_wait3A_18 = tpu.memref_squeeze %dma_wait3A_17 : memref<1x632x128xf32, #tpu.memory_space<hbm>> -> memref<632x128xf32, #tpu.memory_space<hbm>>
      %dma_wait3A_19 = arith.constant 0 : i32
      %dma_wait3A_20 = tpu.memref_slice %arg13[%mul3A_10, %dma_wait3A_19] : memref<10112x128xf32, #tpu.memory_space<vmem_shared>> -> memref<632x128xf32, #tpu.memory_space<vmem_shared>>
      tpu.wait_dma2 semaphore(%run_scoped3A : memref<!tpu.dma_semaphore, #tpu.memory_space<semaphore_mem>>) src(%dma_wait3A_20 : memref<632x128xf32, #tpu.memory_space<vmem_shared>>) dst(%dma_wait3A_18 : memref<632x128xf32, #tpu.memory_space<hbm>>)
      tpu.yield
    }) : () -> ()
    return
  }
}

#map = affine_map<(d0, d1) -> (0, 0, 0)>
#map1 = affine_map<(d0, d1) -> (0, 0)>
module attributes {stable_mosaic.version = 14 : i64} {
  func.func @_spmm_body(%arg0: i32, %arg1: i32, %arg2: memref<32x160x128xi32, #tpu.memory_space<hbm>>, %arg3: memref<32x160x128xi32, #tpu.memory_space<hbm>>, %arg4: memref<10000x128xf32, #tpu.memory_space<hbm>>, %arg5: memref<632x128xf32, #tpu.memory_space<hbm>>, %arg6: memref<2x10112x128xf32, #tpu.memory_space<hbm>>, %arg7: memref<32x128xi32, #tpu.memory_space<vmem>>, %arg8: memref<32x128xi32, #tpu.memory_space<vmem>>, %arg9: memref<128x128xf32, #tpu.memory_space<vmem>>, %arg10: memref<128x128xf32, #tpu.memory_space<vmem>>, %arg11: memref<!tpu.dma_semaphore, #tpu.memory_space<semaphore_mem>>, %arg12: memref<!tpu.dma_semaphore, #tpu.memory_space<semaphore_mem>>, %arg13: memref<10112x128xf32, #tpu.memory_space<vmem_shared>>) attributes {dimension_semantics = [#tpu.dimension_semantics<core_parallel>, #tpu.dimension_semantics<subcore_parallel>], iteration_bounds = array<i64: 2, 16>, scalar_prefetch = 0 : i64, scratch_operands = 7 : i64, tpu.core_type = #tpu.core_type<sc_vector_subcore>, window_params = [{transform_indices = #map}, {transform_indices = #map}, {transform_indices = #map1}, {transform_indices = #map1}, {transform_indices = #map}]} {
    %mul3A = arith.constant 2 : i32
    %mul3A_0 = arith.muli %arg1, %mul3A : i32
    %add3A = arith.addi %mul3A_0, %arg0 : i32
    %mul3A_1 = arith.constant 632 : i32
    %mul3A_2 = arith.muli %arg1, %mul3A_1 : i32
    "tpu.region"() ({
      %run_scoped3A = tpu.sem_alloc : memref<!tpu.dma_semaphore, #tpu.memory_space<semaphore_mem>>
      %dma_start3A = arith.constant 0 : i32
      %dma_start3A_13 = tpu.memref_slice %arg13[%mul3A_2, %dma_start3A] : memref<10112x128xf32, #tpu.memory_space<vmem_shared>> -> memref<632x128xf32, #tpu.memory_space<vmem_shared>>
      tpu.enqueue_dma source(%arg5 : memref<632x128xf32, #tpu.memory_space<hbm>>) target(%dma_start3A_13 : memref<632x128xf32, #tpu.memory_space<vmem_shared>>) target_semaphore(%run_scoped3A : memref<!tpu.dma_semaphore, #tpu.memory_space<semaphore_mem>>)
      %dma_wait3A = arith.constant 0 : i32
      %dma_wait3A_14 = tpu.memref_slice %arg13[%mul3A_2, %dma_wait3A] : memref<10112x128xf32, #tpu.memory_space<vmem_shared>> -> memref<632x128xf32, #tpu.memory_space<vmem_shared>>
      tpu.wait_dma2 semaphore(%run_scoped3A : memref<!tpu.dma_semaphore, #tpu.memory_space<semaphore_mem>>) src(%arg5 : memref<632x128xf32, #tpu.memory_space<hbm>>) dst(%dma_wait3A_14 : memref<632x128xf32, #tpu.memory_space<vmem_shared>>)
      tpu.yield
    }) : () -> ()
    %barrier3A = arith.constant 0 : index
    tpu.barrier barrier_id(%barrier3A)
    %scan3A = arith.constant 0 : i32
    %scan3A_3 = arith.constant 0 : i32
    %scan3A_4 = arith.constant 5 : i32
    %scan3A_5 = arith.addi %scan3A_3, %scan3A_4 : i32
    %scan3A_6 = arith.constant 1 : i32
    scf.for %scan3A_13 = %scan3A_3 to %scan3A_5 step %scan3A_6  : i32 {
      %mul3A_14 = arith.constant 32 : i32
      %mul3A_15 = arith.muli %scan3A_13, %mul3A_14 : i32
      "tpu.region"() ({
        %run_scoped3A_51 = tpu.sem_alloc : memref<!tpu.dma_semaphore, #tpu.memory_space<semaphore_mem>>
        %dma_start3A_52 = arith.constant 0 : i32
        %dma_start3A_53 = tpu.memref_slice %arg2[%add3A, %mul3A_15, %dma_start3A_52] : memref<32x160x128xi32, #tpu.memory_space<hbm>> -> memref<1x32x128xi32, #tpu.memory_space<hbm>>
        %dma_start3A_54 = tpu.memref_squeeze %dma_start3A_53 : memref<1x32x128xi32, #tpu.memory_space<hbm>> -> memref<32x128xi32, #tpu.memory_space<hbm>>
        %dma_start3A_55 = arith.constant 0 : i32
        %dma_start3A_56 = tpu.memref_slice %arg2[%add3A, %mul3A_15, %dma_start3A_55] : memref<32x160x128xi32, #tpu.memory_space<hbm>> -> memref<1x32x128xi32, #tpu.memory_space<hbm>>
        %dma_start3A_57 = tpu.memref_squeeze %dma_start3A_56 : memref<1x32x128xi32, #tpu.memory_space<hbm>> -> memref<32x128xi32, #tpu.memory_space<hbm>>
        tpu.enqueue_dma source(%dma_start3A_57 : memref<32x128xi32, #tpu.memory_space<hbm>>) target(%arg7 : memref<32x128xi32, #tpu.memory_space<vmem>>) target_semaphore(%run_scoped3A_51 : memref<!tpu.dma_semaphore, #tpu.memory_space<semaphore_mem>>)
        %dma_wait3A_58 = arith.constant 0 : i32
        %dma_wait3A_59 = tpu.memref_slice %arg2[%add3A, %mul3A_15, %dma_wait3A_58] : memref<32x160x128xi32, #tpu.memory_space<hbm>> -> memref<1x32x128xi32, #tpu.memory_space<hbm>>
        %dma_wait3A_60 = tpu.memref_squeeze %dma_wait3A_59 : memref<1x32x128xi32, #tpu.memory_space<hbm>> -> memref<32x128xi32, #tpu.memory_space<hbm>>
        %dma_wait3A_61 = arith.constant 0 : i32
        %dma_wait3A_62 = tpu.memref_slice %arg2[%add3A, %mul3A_15, %dma_wait3A_61] : memref<32x160x128xi32, #tpu.memory_space<hbm>> -> memref<1x32x128xi32, #tpu.memory_space<hbm>>
        %dma_wait3A_63 = tpu.memref_squeeze %dma_wait3A_62 : memref<1x32x128xi32, #tpu.memory_space<hbm>> -> memref<32x128xi32, #tpu.memory_space<hbm>>
        tpu.wait_dma2 semaphore(%run_scoped3A_51 : memref<!tpu.dma_semaphore, #tpu.memory_space<semaphore_mem>>) src(%dma_wait3A_63 : memref<32x128xi32, #tpu.memory_space<hbm>>) dst(%arg7 : memref<32x128xi32, #tpu.memory_space<vmem>>)
        tpu.yield
      }) : () -> ()
      %mul3A_16 = arith.constant 32 : i32
      %mul3A_17 = arith.muli %scan3A_13, %mul3A_16 : i32
      "tpu.region"() ({
        %run_scoped3A_51 = tpu.sem_alloc : memref<!tpu.dma_semaphore, #tpu.memory_space<semaphore_mem>>
        %dma_start3A_52 = arith.constant 0 : i32
        %dma_start3A_53 = tpu.memref_slice %arg3[%add3A, %mul3A_17, %dma_start3A_52] : memref<32x160x128xi32, #tpu.memory_space<hbm>> -> memref<1x32x128xi32, #tpu.memory_space<hbm>>
        %dma_start3A_54 = tpu.memref_squeeze %dma_start3A_53 : memref<1x32x128xi32, #tpu.memory_space<hbm>> -> memref<32x128xi32, #tpu.memory_space<hbm>>
        %dma_start3A_55 = arith.constant 0 : i32
        %dma_start3A_56 = tpu.memref_slice %arg3[%add3A, %mul3A_17, %dma_start3A_55] : memref<32x160x128xi32, #tpu.memory_space<hbm>> -> memref<1x32x128xi32, #tpu.memory_space<hbm>>
        %dma_start3A_57 = tpu.memref_squeeze %dma_start3A_56 : memref<1x32x128xi32, #tpu.memory_space<hbm>> -> memref<32x128xi32, #tpu.memory_space<hbm>>
        tpu.enqueue_dma source(%dma_start3A_57 : memref<32x128xi32, #tpu.memory_space<hbm>>) target(%arg8 : memref<32x128xi32, #tpu.memory_space<vmem>>) target_semaphore(%run_scoped3A_51 : memref<!tpu.dma_semaphore, #tpu.memory_space<semaphore_mem>>)
        %dma_wait3A_58 = arith.constant 0 : i32
        %dma_wait3A_59 = tpu.memref_slice %arg3[%add3A, %mul3A_17, %dma_wait3A_58] : memref<32x160x128xi32, #tpu.memory_space<hbm>> -> memref<1x32x128xi32, #tpu.memory_space<hbm>>
        %dma_wait3A_60 = tpu.memref_squeeze %dma_wait3A_59 : memref<1x32x128xi32, #tpu.memory_space<hbm>> -> memref<32x128xi32, #tpu.memory_space<hbm>>
        %dma_wait3A_61 = arith.constant 0 : i32
        %dma_wait3A_62 = tpu.memref_slice %arg3[%add3A, %mul3A_17, %dma_wait3A_61] : memref<32x160x128xi32, #tpu.memory_space<hbm>> -> memref<1x32x128xi32, #tpu.memory_space<hbm>>
        %dma_wait3A_63 = tpu.memref_squeeze %dma_wait3A_62 : memref<1x32x128xi32, #tpu.memory_space<hbm>> -> memref<32x128xi32, #tpu.memory_space<hbm>>
        tpu.wait_dma2 semaphore(%run_scoped3A_51 : memref<!tpu.dma_semaphore, #tpu.memory_space<semaphore_mem>>) src(%dma_wait3A_63 : memref<32x128xi32, #tpu.memory_space<hbm>>) dst(%arg8 : memref<32x128xi32, #tpu.memory_space<vmem>>)
        tpu.yield
      }) : () -> ()
      %dma_start3A = arith.constant 0 : i32
      %dma_start3A_18 = arith.constant 0 : i32
      %dma_start3A_19 = tpu.memref_slice %arg7[%dma_start3A, %dma_start3A_18] : memref<32x128xi32, #tpu.memory_space<vmem>> -> memref<1x128xi32, #tpu.memory_space<vmem>>
      %dma_start3A_20 = tpu.memref_squeeze %dma_start3A_19 : memref<1x128xi32, #tpu.memory_space<vmem>> -> memref<128xi32, #tpu.memory_space<vmem>>
      %dma_start3A_21 = arith.constant 0 : i32
      %dma_start3A_22 = arith.constant 0 : i32
      %dma_start3A_23 = tpu.memref_slice %arg4[%dma_start3A_21, %dma_start3A_22] : memref<10000x128xf32, #tpu.memory_space<hbm>> -> memref<10000x128xf32, #tpu.memory_space<hbm>>
      tpu.enqueue_indirect_dma source(%dma_start3A_23 : memref<10000x128xf32, #tpu.memory_space<hbm>>) target(%arg9 : memref<128x128xf32, #tpu.memory_space<vmem>>) offsets(%dma_start3A_20 : memref<128xi32, #tpu.memory_space<vmem>>) semaphore(%arg11 : memref<!tpu.dma_semaphore, #tpu.memory_space<semaphore_mem>>)
      %dma_start3A_24 = arith.constant 1 : i32
      %dma_start3A_25 = arith.constant 0 : i32
      %dma_start3A_26 = tpu.memref_slice %arg7[%dma_start3A_24, %dma_start3A_25] : memref<32x128xi32, #tpu.memory_space<vmem>> -> memref<1x128xi32, #tpu.memory_space<vmem>>
      %dma_start3A_27 = tpu.memref_squeeze %dma_start3A_26 : memref<1x128xi32, #tpu.memory_space<vmem>> -> memref<128xi32, #tpu.memory_space<vmem>>
      %dma_start3A_28 = arith.constant 0 : i32
      %dma_start3A_29 = arith.constant 0 : i32
      %dma_start3A_30 = tpu.memref_slice %arg4[%dma_start3A_28, %dma_start3A_29] : memref<10000x128xf32, #tpu.memory_space<hbm>> -> memref<10000x128xf32, #tpu.memory_space<hbm>>
      tpu.enqueue_indirect_dma source(%dma_start3A_30 : memref<10000x128xf32, #tpu.memory_space<hbm>>) target(%arg10 : memref<128x128xf32, #tpu.memory_space<vmem>>) offsets(%dma_start3A_27 : memref<128xi32, #tpu.memory_space<vmem>>) semaphore(%arg12 : memref<!tpu.dma_semaphore, #tpu.memory_space<semaphore_mem>>)
      %scan3A_31 = arith.constant 0 : i32
      %scan3A_32 = arith.constant 0 : i32
      %scan3A_33 = arith.constant 15 : i32
      %scan3A_34 = arith.addi %scan3A_32, %scan3A_33 : i32
      %scan3A_35 = arith.constant 1 : i32
      scf.for %scan3A_51 = %scan3A_32 to %scan3A_34 step %scan3A_35  : i32 {
        %mul3A_52 = arith.constant 2 : i32
        %mul3A_53 = arith.muli %scan3A_51, %mul3A_52 : i32
        %dma_wait3A_54 = arith.constant 0 : i32
        %dma_wait3A_55 = arith.constant 0 : i32
        %dma_wait3A_56 = tpu.memref_slice %arg7[%dma_wait3A_54, %dma_wait3A_55] : memref<32x128xi32, #tpu.memory_space<vmem>> -> memref<1x128xi32, #tpu.memory_space<vmem>>
        %dma_wait3A_57 = tpu.memref_squeeze %dma_wait3A_56 : memref<1x128xi32, #tpu.memory_space<vmem>> -> memref<128xi32, #tpu.memory_space<vmem>>
        %dma_wait3A_58 = arith.constant 0 : i32
        %dma_wait3A_59 = arith.constant 0 : i32
        %dma_wait3A_60 = tpu.memref_slice %arg4[%dma_wait3A_58, %dma_wait3A_59] : memref<10000x128xf32, #tpu.memory_space<hbm>> -> memref<10000x128xf32, #tpu.memory_space<hbm>>
        tpu.wait_indirect_dma semaphore(%arg11 : memref<!tpu.dma_semaphore, #tpu.memory_space<semaphore_mem>>) src(%dma_wait3A_60 : memref<10000x128xf32, #tpu.memory_space<hbm>>) dst(%arg9 : memref<128x128xf32, #tpu.memory_space<vmem>>)
        "tpu.region"() ({
          %run_scoped3A_86 = tpu.sem_alloc : memref<!tpu.dma_semaphore, #tpu.memory_space<semaphore_mem>>
          %dma_start3A_87 = arith.constant 0 : i32
          %dma_start3A_88 = tpu.memref_slice %arg8[%mul3A_53, %dma_start3A_87] : memref<32x128xi32, #tpu.memory_space<vmem>> -> memref<1x128xi32, #tpu.memory_space<vmem>>
          %dma_start3A_89 = tpu.memref_squeeze %dma_start3A_88 : memref<1x128xi32, #tpu.memory_space<vmem>> -> memref<128xi32, #tpu.memory_space<vmem>>
          %dma_start3A_90 = arith.constant 0 : i32
          %dma_start3A_91 = arith.constant 0 : i32
          %dma_start3A_92 = tpu.memref_slice %arg13[%dma_start3A_90, %dma_start3A_91] : memref<10112x128xf32, #tpu.memory_space<vmem_shared>> -> memref<10112x128xf32, #tpu.memory_space<vmem_shared>>
          tpu.enqueue_indirect_dma source(%arg9 : memref<128x128xf32, #tpu.memory_space<vmem>>) target(%dma_start3A_92 : memref<10112x128xf32, #tpu.memory_space<vmem_shared>>) offsets(%dma_start3A_89 : memref<128xi32, #tpu.memory_space<vmem>>) semaphore(%run_scoped3A_86 : memref<!tpu.dma_semaphore, #tpu.memory_space<semaphore_mem>>) {add = true}
          %dma_wait3A_93 = arith.constant 0 : i32
          %dma_wait3A_94 = tpu.memref_slice %arg8[%mul3A_53, %dma_wait3A_93] : memref<32x128xi32, #tpu.memory_space<vmem>> -> memref<1x128xi32, #tpu.memory_space<vmem>>
          %dma_wait3A_95 = tpu.memref_squeeze %dma_wait3A_94 : memref<1x128xi32, #tpu.memory_space<vmem>> -> memref<128xi32, #tpu.memory_space<vmem>>
          %dma_wait3A_96 = arith.constant 0 : i32
          %dma_wait3A_97 = arith.constant 0 : i32
          %dma_wait3A_98 = tpu.memref_slice %arg13[%dma_wait3A_96, %dma_wait3A_97] : memref<10112x128xf32, #tpu.memory_space<vmem_shared>> -> memref<10112x128xf32, #tpu.memory_space<vmem_shared>>
          tpu.wait_indirect_dma semaphore(%run_scoped3A_86 : memref<!tpu.dma_semaphore, #tpu.memory_space<semaphore_mem>>) src(%arg9 : memref<128x128xf32, #tpu.memory_space<vmem>>) dst(%dma_wait3A_98 : memref<10112x128xf32, #tpu.memory_space<vmem_shared>>)
          tpu.yield
        }) : () -> ()
        %add3A_61 = arith.constant 2 : i32
        %add3A_62 = arith.addi %mul3A_53, %add3A_61 : i32
        %dma_start3A_63 = arith.constant 0 : i32
        %dma_start3A_64 = tpu.memref_slice %arg7[%add3A_62, %dma_start3A_63] : memref<32x128xi32, #tpu.memory_space<vmem>> -> memref<1x128xi32, #tpu.memory_space<vmem>>
        %dma_start3A_65 = tpu.memref_squeeze %dma_start3A_64 : memref<1x128xi32, #tpu.memory_space<vmem>> -> memref<128xi32, #tpu.memory_space<vmem>>
        %dma_start3A_66 = arith.constant 0 : i32
        %dma_start3A_67 = arith.constant 0 : i32
        %dma_start3A_68 = tpu.memref_slice %arg4[%dma_start3A_66, %dma_start3A_67] : memref<10000x128xf32, #tpu.memory_space<hbm>> -> memref<10000x128xf32, #tpu.memory_space<hbm>>
        tpu.enqueue_indirect_dma source(%dma_start3A_68 : memref<10000x128xf32, #tpu.memory_space<hbm>>) target(%arg9 : memref<128x128xf32, #tpu.memory_space<vmem>>) offsets(%dma_start3A_65 : memref<128xi32, #tpu.memory_space<vmem>>) semaphore(%arg11 : memref<!tpu.dma_semaphore, #tpu.memory_space<semaphore_mem>>)
        %dma_wait3A_69 = arith.constant 0 : i32
        %dma_wait3A_70 = arith.constant 0 : i32
        %dma_wait3A_71 = tpu.memref_slice %arg7[%dma_wait3A_69, %dma_wait3A_70] : memref<32x128xi32, #tpu.memory_space<vmem>> -> memref<1x128xi32, #tpu.memory_space<vmem>>
        %dma_wait3A_72 = tpu.memref_squeeze %dma_wait3A_71 : memref<1x128xi32, #tpu.memory_space<vmem>> -> memref<128xi32, #tpu.memory_space<vmem>>
        %dma_wait3A_73 = arith.constant 0 : i32
        %dma_wait3A_74 = arith.constant 0 : i32
        %dma_wait3A_75 = tpu.memref_slice %arg4[%dma_wait3A_73, %dma_wait3A_74] : memref<10000x128xf32, #tpu.memory_space<hbm>> -> memref<10000x128xf32, #tpu.memory_space<hbm>>
        tpu.wait_indirect_dma semaphore(%arg12 : memref<!tpu.dma_semaphore, #tpu.memory_space<semaphore_mem>>) src(%dma_wait3A_75 : memref<10000x128xf32, #tpu.memory_space<hbm>>) dst(%arg10 : memref<128x128xf32, #tpu.memory_space<vmem>>)
        %add3A_76 = arith.constant 1 : i32
        %add3A_77 = arith.addi %mul3A_53, %add3A_76 : i32
        "tpu.region"() ({
          %run_scoped3A_86 = tpu.sem_alloc : memref<!tpu.dma_semaphore, #tpu.memory_space<semaphore_mem>>
          %dma_start3A_87 = arith.constant 0 : i32
          %dma_start3A_88 = tpu.memref_slice %arg8[%add3A_77, %dma_start3A_87] : memref<32x128xi32, #tpu.memory_space<vmem>> -> memref<1x128xi32, #tpu.memory_space<vmem>>
          %dma_start3A_89 = tpu.memref_squeeze %dma_start3A_88 : memref<1x128xi32, #tpu.memory_space<vmem>> -> memref<128xi32, #tpu.memory_space<vmem>>
          %dma_start3A_90 = arith.constant 0 : i32
          %dma_start3A_91 = arith.constant 0 : i32
          %dma_start3A_92 = tpu.memref_slice %arg13[%dma_start3A_90, %dma_start3A_91] : memref<10112x128xf32, #tpu.memory_space<vmem_shared>> -> memref<10112x128xf32, #tpu.memory_space<vmem_shared>>
          tpu.enqueue_indirect_dma source(%arg10 : memref<128x128xf32, #tpu.memory_space<vmem>>) target(%dma_start3A_92 : memref<10112x128xf32, #tpu.memory_space<vmem_shared>>) offsets(%dma_start3A_89 : memref<128xi32, #tpu.memory_space<vmem>>) semaphore(%run_scoped3A_86 : memref<!tpu.dma_semaphore, #tpu.memory_space<semaphore_mem>>) {add = true}
          %dma_wait3A_93 = arith.constant 0 : i32
          %dma_wait3A_94 = tpu.memref_slice %arg8[%add3A_77, %dma_wait3A_93] : memref<32x128xi32, #tpu.memory_space<vmem>> -> memref<1x128xi32, #tpu.memory_space<vmem>>
          %dma_wait3A_95 = tpu.memref_squeeze %dma_wait3A_94 : memref<1x128xi32, #tpu.memory_space<vmem>> -> memref<128xi32, #tpu.memory_space<vmem>>
          %dma_wait3A_96 = arith.constant 0 : i32
          %dma_wait3A_97 = arith.constant 0 : i32
          %dma_wait3A_98 = tpu.memref_slice %arg13[%dma_wait3A_96, %dma_wait3A_97] : memref<10112x128xf32, #tpu.memory_space<vmem_shared>> -> memref<10112x128xf32, #tpu.memory_space<vmem_shared>>
          tpu.wait_indirect_dma semaphore(%run_scoped3A_86 : memref<!tpu.dma_semaphore, #tpu.memory_space<semaphore_mem>>) src(%arg10 : memref<128x128xf32, #tpu.memory_space<vmem>>) dst(%dma_wait3A_98 : memref<10112x128xf32, #tpu.memory_space<vmem_shared>>)
          tpu.yield
        }) : () -> ()
        %add3A_78 = arith.constant 3 : i32
        %add3A_79 = arith.addi %mul3A_53, %add3A_78 : i32
        %dma_start3A_80 = arith.constant 0 : i32
        %dma_start3A_81 = tpu.memref_slice %arg7[%add3A_79, %dma_start3A_80] : memref<32x128xi32, #tpu.memory_space<vmem>> -> memref<1x128xi32, #tpu.memory_space<vmem>>
        %dma_start3A_82 = tpu.memref_squeeze %dma_start3A_81 : memref<1x128xi32, #tpu.memory_space<vmem>> -> memref<128xi32, #tpu.memory_space<vmem>>
        %dma_start3A_83 = arith.constant 0 : i32
        %dma_start3A_84 = arith.constant 0 : i32
        %dma_start3A_85 = tpu.memref_slice %arg4[%dma_start3A_83, %dma_start3A_84] : memref<10000x128xf32, #tpu.memory_space<hbm>> -> memref<10000x128xf32, #tpu.memory_space<hbm>>
        tpu.enqueue_indirect_dma source(%dma_start3A_85 : memref<10000x128xf32, #tpu.memory_space<hbm>>) target(%arg10 : memref<128x128xf32, #tpu.memory_space<vmem>>) offsets(%dma_start3A_82 : memref<128xi32, #tpu.memory_space<vmem>>) semaphore(%arg12 : memref<!tpu.dma_semaphore, #tpu.memory_space<semaphore_mem>>)
      }
      %scan3A_36 = arith.constant 15 : i32
      %dma_wait3A = arith.constant 0 : i32
      %dma_wait3A_37 = arith.constant 0 : i32
      %dma_wait3A_38 = tpu.memref_slice %arg7[%dma_wait3A, %dma_wait3A_37] : memref<32x128xi32, #tpu.memory_space<vmem>> -> memref<1x128xi32, #tpu.memory_space<vmem>>
      %dma_wait3A_39 = tpu.memref_squeeze %dma_wait3A_38 : memref<1x128xi32, #tpu.memory_space<vmem>> -> memref<128xi32, #tpu.memory_space<vmem>>
      %dma_wait3A_40 = arith.constant 0 : i32
      %dma_wait3A_41 = arith.constant 0 : i32
      %dma_wait3A_42 = tpu.memref_slice %arg4[%dma_wait3A_40, %dma_wait3A_41] : memref<10000x128xf32, #tpu.memory_space<hbm>> -> memref<10000x128xf32, #tpu.memory_space<hbm>>
      tpu.wait_indirect_dma semaphore(%arg11 : memref<!tpu.dma_semaphore, #tpu.memory_space<semaphore_mem>>) src(%dma_wait3A_42 : memref<10000x128xf32, #tpu.memory_space<hbm>>) dst(%arg9 : memref<128x128xf32, #tpu.memory_space<vmem>>)
      %run_scoped3A = arith.constant 30 : i32
      "tpu.region"() ({
        %run_scoped3A_51 = tpu.sem_alloc : memref<!tpu.dma_semaphore, #tpu.memory_space<semaphore_mem>>
        %dma_start3A_52 = arith.constant 0 : i32
        %dma_start3A_53 = tpu.memref_slice %arg8[%run_scoped3A, %dma_start3A_52] : memref<32x128xi32, #tpu.memory_space<vmem>> -> memref<1x128xi32, #tpu.memory_space<vmem>>
        %dma_start3A_54 = tpu.memref_squeeze %dma_start3A_53 : memref<1x128xi32, #tpu.memory_space<vmem>> -> memref<128xi32, #tpu.memory_space<vmem>>
        %dma_start3A_55 = arith.constant 0 : i32
        %dma_start3A_56 = arith.constant 0 : i32
        %dma_start3A_57 = tpu.memref_slice %arg13[%dma_start3A_55, %dma_start3A_56] : memref<10112x128xf32, #tpu.memory_space<vmem_shared>> -> memref<10112x128xf32, #tpu.memory_space<vmem_shared>>
        tpu.enqueue_indirect_dma source(%arg9 : memref<128x128xf32, #tpu.memory_space<vmem>>) target(%dma_start3A_57 : memref<10112x128xf32, #tpu.memory_space<vmem_shared>>) offsets(%dma_start3A_54 : memref<128xi32, #tpu.memory_space<vmem>>) semaphore(%run_scoped3A_51 : memref<!tpu.dma_semaphore, #tpu.memory_space<semaphore_mem>>) {add = true}
        %dma_wait3A_58 = arith.constant 0 : i32
        %dma_wait3A_59 = tpu.memref_slice %arg8[%run_scoped3A, %dma_wait3A_58] : memref<32x128xi32, #tpu.memory_space<vmem>> -> memref<1x128xi32, #tpu.memory_space<vmem>>
        %dma_wait3A_60 = tpu.memref_squeeze %dma_wait3A_59 : memref<1x128xi32, #tpu.memory_space<vmem>> -> memref<128xi32, #tpu.memory_space<vmem>>
        %dma_wait3A_61 = arith.constant 0 : i32
        %dma_wait3A_62 = arith.constant 0 : i32
        %dma_wait3A_63 = tpu.memref_slice %arg13[%dma_wait3A_61, %dma_wait3A_62] : memref<10112x128xf32, #tpu.memory_space<vmem_shared>> -> memref<10112x128xf32, #tpu.memory_space<vmem_shared>>
        tpu.wait_indirect_dma semaphore(%run_scoped3A_51 : memref<!tpu.dma_semaphore, #tpu.memory_space<semaphore_mem>>) src(%arg9 : memref<128x128xf32, #tpu.memory_space<vmem>>) dst(%dma_wait3A_63 : memref<10112x128xf32, #tpu.memory_space<vmem_shared>>)
        tpu.yield
      }) : () -> ()
      %dma_wait3A_43 = arith.constant 0 : i32
      %dma_wait3A_44 = arith.constant 0 : i32
      %dma_wait3A_45 = tpu.memref_slice %arg7[%dma_wait3A_43, %dma_wait3A_44] : memref<32x128xi32, #tpu.memory_space<vmem>> -> memref<1x128xi32, #tpu.memory_space<vmem>>
      %dma_wait3A_46 = tpu.memref_squeeze %dma_wait3A_45 : memref<1x128xi32, #tpu.memory_space<vmem>> -> memref<128xi32, #tpu.memory_space<vmem>>
      %dma_wait3A_47 = arith.constant 0 : i32
      %dma_wait3A_48 = arith.constant 0 : i32
      %dma_wait3A_49 = tpu.memref_slice %arg4[%dma_wait3A_47, %dma_wait3A_48] : memref<10000x128xf32, #tpu.memory_space<hbm>> -> memref<10000x128xf32, #tpu.memory_space<hbm>>
      tpu.wait_indirect_dma semaphore(%arg12 : memref<!tpu.dma_semaphore, #tpu.memory_space<semaphore_mem>>) src(%dma_wait3A_49 : memref<10000x128xf32, #tpu.memory_space<hbm>>) dst(%arg10 : memref<128x128xf32, #tpu.memory_space<vmem>>)
      %run_scoped3A_50 = arith.constant 31 : i32
      "tpu.region"() ({
        %run_scoped3A_51 = tpu.sem_alloc : memref<!tpu.dma_semaphore, #tpu.memory_space<semaphore_mem>>
        %dma_start3A_52 = arith.constant 0 : i32
        %dma_start3A_53 = tpu.memref_slice %arg8[%run_scoped3A_50, %dma_start3A_52] : memref<32x128xi32, #tpu.memory_space<vmem>> -> memref<1x128xi32, #tpu.memory_space<vmem>>
        %dma_start3A_54 = tpu.memref_squeeze %dma_start3A_53 : memref<1x128xi32, #tpu.memory_space<vmem>> -> memref<128xi32, #tpu.memory_space<vmem>>
        %dma_start3A_55 = arith.constant 0 : i32
        %dma_start3A_56 = arith.constant 0 : i32
        %dma_start3A_57 = tpu.memref_slice %arg13[%dma_start3A_55, %dma_start3A_56] : memref<10112x128xf32, #tpu.memory_space<vmem_shared>> -> memref<10112x128xf32, #tpu.memory_space<vmem_shared>>
        tpu.enqueue_indirect_dma source(%arg10 : memref<128x128xf32, #tpu.memory_space<vmem>>) target(%dma_start3A_57 : memref<10112x128xf32, #tpu.memory_space<vmem_shared>>) offsets(%dma_start3A_54 : memref<128xi32, #tpu.memory_space<vmem>>) semaphore(%run_scoped3A_51 : memref<!tpu.dma_semaphore, #tpu.memory_space<semaphore_mem>>) {add = true}
        %dma_wait3A_58 = arith.constant 0 : i32
        %dma_wait3A_59 = tpu.memref_slice %arg8[%run_scoped3A_50, %dma_wait3A_58] : memref<32x128xi32, #tpu.memory_space<vmem>> -> memref<1x128xi32, #tpu.memory_space<vmem>>
        %dma_wait3A_60 = tpu.memref_squeeze %dma_wait3A_59 : memref<1x128xi32, #tpu.memory_space<vmem>> -> memref<128xi32, #tpu.memory_space<vmem>>
        %dma_wait3A_61 = arith.constant 0 : i32
        %dma_wait3A_62 = arith.constant 0 : i32
        %dma_wait3A_63 = tpu.memref_slice %arg13[%dma_wait3A_61, %dma_wait3A_62] : memref<10112x128xf32, #tpu.memory_space<vmem_shared>> -> memref<10112x128xf32, #tpu.memory_space<vmem_shared>>
        tpu.wait_indirect_dma semaphore(%run_scoped3A_51 : memref<!tpu.dma_semaphore, #tpu.memory_space<semaphore_mem>>) src(%arg10 : memref<128x128xf32, #tpu.memory_space<vmem>>) dst(%dma_wait3A_63 : memref<10112x128xf32, #tpu.memory_space<vmem_shared>>)
        tpu.yield
      }) : () -> ()
    }
    %scan3A_7 = arith.constant 5 : i32
    %barrier3A_8 = arith.constant 0 : index
    tpu.barrier barrier_id(%barrier3A_8)
    %mul3A_9 = arith.constant 632 : i32
    %mul3A_10 = arith.muli %arg1, %mul3A_9 : i32
    %mul3A_11 = arith.constant 632 : i32
    %mul3A_12 = arith.muli %arg1, %mul3A_11 : i32
    "tpu.region"() ({
      %run_scoped3A = tpu.sem_alloc : memref<!tpu.dma_semaphore, #tpu.memory_space<semaphore_mem>>
      %dma_start3A = arith.constant 0 : i32
      %dma_start3A_13 = tpu.memref_slice %arg6[%arg0, %mul3A_12, %dma_start3A] : memref<2x10112x128xf32, #tpu.memory_space<hbm>> -> memref<1x632x128xf32, #tpu.memory_space<hbm>>
      %dma_start3A_14 = tpu.memref_squeeze %dma_start3A_13 : memref<1x632x128xf32, #tpu.memory_space<hbm>> -> memref<632x128xf32, #tpu.memory_space<hbm>>
      %dma_start3A_15 = arith.constant 0 : i32
      %dma_start3A_16 = tpu.memref_slice %arg13[%mul3A_10, %dma_start3A_15] : memref<10112x128xf32, #tpu.memory_space<vmem_shared>> -> memref<632x128xf32, #tpu.memory_space<vmem_shared>>
      tpu.enqueue_dma source(%dma_start3A_16 : memref<632x128xf32, #tpu.memory_space<vmem_shared>>) target(%dma_start3A_14 : memref<632x128xf32, #tpu.memory_space<hbm>>) target_semaphore(%run_scoped3A : memref<!tpu.dma_semaphore, #tpu.memory_space<semaphore_mem>>)
      %dma_wait3A = arith.constant 0 : i32
      %dma_wait3A_17 = tpu.memref_slice %arg6[%arg0, %mul3A_12, %dma_wait3A] : memref<2x10112x128xf32, #tpu.memory_space<hbm>> -> memref<1x632x128xf32, #tpu.memory_space<hbm>>
      %dma_wait3A_18 = tpu.memref_squeeze %dma_wait3A_17 : memref<1x632x128xf32, #tpu.memory_space<hbm>> -> memref<632x128xf32, #tpu.memory_space<hbm>>
      %dma_wait3A_19 = arith.constant 0 : i32
      %dma_wait3A_20 = tpu.memref_slice %arg13[%mul3A_10, %dma_wait3A_19] : memref<10112x128xf32, #tpu.memory_space<vmem_shared>> -> memref<632x128xf32, #tpu.memory_space<vmem_shared>>
      tpu.wait_dma2 semaphore(%run_scoped3A : memref<!tpu.dma_semaphore, #tpu.memory_space<semaphore_mem>>) src(%dma_wait3A_20 : memref<632x128xf32, #tpu.memory_space<vmem_shared>>) dst(%dma_wait3A_18 : memref<632x128xf32, #tpu.memory_space<hbm>>)
      tpu.yield
    }) : () -> ()
    return
  }
}

#map = affine_map<(d0, d1) -> (0, 0, 0)>
#map1 = affine_map<(d0, d1) -> (0, 0)>
module attributes {stable_mosaic.version = 14 : i64} {
  func.func @_spmm_body(%arg0: i32, %arg1: i32, %arg2: memref<32x160x128xi32, #tpu.memory_space<hbm>>, %arg3: memref<32x160x128xi32, #tpu.memory_space<hbm>>, %arg4: memref<10000x128xf32, #tpu.memory_space<hbm>>, %arg5: memref<632x128xf32, #tpu.memory_space<hbm>>, %arg6: memref<2x10112x128xf32, #tpu.memory_space<hbm>>, %arg7: memref<32x128xi32, #tpu.memory_space<vmem>>, %arg8: memref<32x128xi32, #tpu.memory_space<vmem>>, %arg9: memref<128x128xf32, #tpu.memory_space<vmem>>, %arg10: memref<128x128xf32, #tpu.memory_space<vmem>>, %arg11: memref<!tpu.dma_semaphore, #tpu.memory_space<semaphore_mem>>, %arg12: memref<!tpu.dma_semaphore, #tpu.memory_space<semaphore_mem>>, %arg13: memref<10112x128xf32, #tpu.memory_space<vmem_shared>>) attributes {dimension_semantics = [#tpu.dimension_semantics<core_parallel>, #tpu.dimension_semantics<subcore_parallel>], iteration_bounds = array<i64: 2, 16>, scalar_prefetch = 0 : i64, scratch_operands = 7 : i64, tpu.core_type = #tpu.core_type<sc_vector_subcore>, window_params = [{transform_indices = #map}, {transform_indices = #map}, {transform_indices = #map1}, {transform_indices = #map1}, {transform_indices = #map}]} {
    %mul3A = arith.constant 2 : i32
    %mul3A_0 = arith.muli %arg1, %mul3A : i32
    %add3A = arith.addi %mul3A_0, %arg0 : i32
    %mul3A_1 = arith.constant 632 : i32
    %mul3A_2 = arith.muli %arg1, %mul3A_1 : i32
    "tpu.region"() ({
      %run_scoped3A = tpu.sem_alloc : memref<!tpu.dma_semaphore, #tpu.memory_space<semaphore_mem>>
      %dma_start3A = arith.constant 0 : i32
      %dma_start3A_13 = tpu.memref_slice %arg13[%mul3A_2, %dma_start3A] : memref<10112x128xf32, #tpu.memory_space<vmem_shared>> -> memref<632x128xf32, #tpu.memory_space<vmem_shared>>
      tpu.enqueue_dma source(%arg5 : memref<632x128xf32, #tpu.memory_space<hbm>>) target(%dma_start3A_13 : memref<632x128xf32, #tpu.memory_space<vmem_shared>>) target_semaphore(%run_scoped3A : memref<!tpu.dma_semaphore, #tpu.memory_space<semaphore_mem>>)
      %dma_wait3A = arith.constant 0 : i32
      %dma_wait3A_14 = tpu.memref_slice %arg13[%mul3A_2, %dma_wait3A] : memref<10112x128xf32, #tpu.memory_space<vmem_shared>> -> memref<632x128xf32, #tpu.memory_space<vmem_shared>>
      tpu.wait_dma2 semaphore(%run_scoped3A : memref<!tpu.dma_semaphore, #tpu.memory_space<semaphore_mem>>) src(%arg5 : memref<632x128xf32, #tpu.memory_space<hbm>>) dst(%dma_wait3A_14 : memref<632x128xf32, #tpu.memory_space<vmem_shared>>)
      tpu.yield
    }) : () -> ()
    %barrier3A = arith.constant 0 : index
    tpu.barrier barrier_id(%barrier3A)
    %scan3A = arith.constant 0 : i32
    %scan3A_3 = arith.constant 0 : i32
    %scan3A_4 = arith.constant 5 : i32
    %scan3A_5 = arith.addi %scan3A_3, %scan3A_4 : i32
    %scan3A_6 = arith.constant 1 : i32
    scf.for %scan3A_13 = %scan3A_3 to %scan3A_5 step %scan3A_6  : i32 {
      %mul3A_14 = arith.constant 32 : i32
      %mul3A_15 = arith.muli %scan3A_13, %mul3A_14 : i32
      "tpu.region"() ({
        %run_scoped3A_51 = tpu.sem_alloc : memref<!tpu.dma_semaphore, #tpu.memory_space<semaphore_mem>>
        %dma_start3A_52 = arith.constant 0 : i32
        %dma_start3A_53 = tpu.memref_slice %arg2[%add3A, %mul3A_15, %dma_start3A_52] : memref<32x160x128xi32, #tpu.memory_space<hbm>> -> memref<1x32x128xi32, #tpu.memory_space<hbm>>
        %dma_start3A_54 = tpu.memref_squeeze %dma_start3A_53 : memref<1x32x128xi32, #tpu.memory_space<hbm>> -> memref<32x128xi32, #tpu.memory_space<hbm>>
        %dma_start3A_55 = arith.constant 0 : i32
        %dma_start3A_56 = tpu.memref_slice %arg2[%add3A, %mul3A_15, %dma_start3A_55] : memref<32x160x128xi32, #tpu.memory_space<hbm>> -> memref<1x32x128xi32, #tpu.memory_space<hbm>>
        %dma_start3A_57 = tpu.memref_squeeze %dma_start3A_56 : memref<1x32x128xi32, #tpu.memory_space<hbm>> -> memref<32x128xi32, #tpu.memory_space<hbm>>
        tpu.enqueue_dma source(%dma_start3A_57 : memref<32x128xi32, #tpu.memory_space<hbm>>) target(%arg7 : memref<32x128xi32, #tpu.memory_space<vmem>>) target_semaphore(%run_scoped3A_51 : memref<!tpu.dma_semaphore, #tpu.memory_space<semaphore_mem>>)
        %dma_wait3A_58 = arith.constant 0 : i32
        %dma_wait3A_59 = tpu.memref_slice %arg2[%add3A, %mul3A_15, %dma_wait3A_58] : memref<32x160x128xi32, #tpu.memory_space<hbm>> -> memref<1x32x128xi32, #tpu.memory_space<hbm>>
        %dma_wait3A_60 = tpu.memref_squeeze %dma_wait3A_59 : memref<1x32x128xi32, #tpu.memory_space<hbm>> -> memref<32x128xi32, #tpu.memory_space<hbm>>
        %dma_wait3A_61 = arith.constant 0 : i32
        %dma_wait3A_62 = tpu.memref_slice %arg2[%add3A, %mul3A_15, %dma_wait3A_61] : memref<32x160x128xi32, #tpu.memory_space<hbm>> -> memref<1x32x128xi32, #tpu.memory_space<hbm>>
        %dma_wait3A_63 = tpu.memref_squeeze %dma_wait3A_62 : memref<1x32x128xi32, #tpu.memory_space<hbm>> -> memref<32x128xi32, #tpu.memory_space<hbm>>
        tpu.wait_dma2 semaphore(%run_scoped3A_51 : memref<!tpu.dma_semaphore, #tpu.memory_space<semaphore_mem>>) src(%dma_wait3A_63 : memref<32x128xi32, #tpu.memory_space<hbm>>) dst(%arg7 : memref<32x128xi32, #tpu.memory_space<vmem>>)
        tpu.yield
      }) : () -> ()
      %mul3A_16 = arith.constant 32 : i32
      %mul3A_17 = arith.muli %scan3A_13, %mul3A_16 : i32
      "tpu.region"() ({
        %run_scoped3A_51 = tpu.sem_alloc : memref<!tpu.dma_semaphore, #tpu.memory_space<semaphore_mem>>
        %dma_start3A_52 = arith.constant 0 : i32
        %dma_start3A_53 = tpu.memref_slice %arg3[%add3A, %mul3A_17, %dma_start3A_52] : memref<32x160x128xi32, #tpu.memory_space<hbm>> -> memref<1x32x128xi32, #tpu.memory_space<hbm>>
        %dma_start3A_54 = tpu.memref_squeeze %dma_start3A_53 : memref<1x32x128xi32, #tpu.memory_space<hbm>> -> memref<32x128xi32, #tpu.memory_space<hbm>>
        %dma_start3A_55 = arith.constant 0 : i32
        %dma_start3A_56 = tpu.memref_slice %arg3[%add3A, %mul3A_17, %dma_start3A_55] : memref<32x160x128xi32, #tpu.memory_space<hbm>> -> memref<1x32x128xi32, #tpu.memory_space<hbm>>
        %dma_start3A_57 = tpu.memref_squeeze %dma_start3A_56 : memref<1x32x128xi32, #tpu.memory_space<hbm>> -> memref<32x128xi32, #tpu.memory_space<hbm>>
        tpu.enqueue_dma source(%dma_start3A_57 : memref<32x128xi32, #tpu.memory_space<hbm>>) target(%arg8 : memref<32x128xi32, #tpu.memory_space<vmem>>) target_semaphore(%run_scoped3A_51 : memref<!tpu.dma_semaphore, #tpu.memory_space<semaphore_mem>>)
        %dma_wait3A_58 = arith.constant 0 : i32
        %dma_wait3A_59 = tpu.memref_slice %arg3[%add3A, %mul3A_17, %dma_wait3A_58] : memref<32x160x128xi32, #tpu.memory_space<hbm>> -> memref<1x32x128xi32, #tpu.memory_space<hbm>>
        %dma_wait3A_60 = tpu.memref_squeeze %dma_wait3A_59 : memref<1x32x128xi32, #tpu.memory_space<hbm>> -> memref<32x128xi32, #tpu.memory_space<hbm>>
        %dma_wait3A_61 = arith.constant 0 : i32
        %dma_wait3A_62 = tpu.memref_slice %arg3[%add3A, %mul3A_17, %dma_wait3A_61] : memref<32x160x128xi32, #tpu.memory_space<hbm>> -> memref<1x32x128xi32, #tpu.memory_space<hbm>>
        %dma_wait3A_63 = tpu.memref_squeeze %dma_wait3A_62 : memref<1x32x128xi32, #tpu.memory_space<hbm>> -> memref<32x128xi32, #tpu.memory_space<hbm>>
        tpu.wait_dma2 semaphore(%run_scoped3A_51 : memref<!tpu.dma_semaphore, #tpu.memory_space<semaphore_mem>>) src(%dma_wait3A_63 : memref<32x128xi32, #tpu.memory_space<hbm>>) dst(%arg8 : memref<32x128xi32, #tpu.memory_space<vmem>>)
        tpu.yield
      }) : () -> ()
      %dma_start3A = arith.constant 0 : i32
      %dma_start3A_18 = arith.constant 0 : i32
      %dma_start3A_19 = tpu.memref_slice %arg7[%dma_start3A, %dma_start3A_18] : memref<32x128xi32, #tpu.memory_space<vmem>> -> memref<1x128xi32, #tpu.memory_space<vmem>>
      %dma_start3A_20 = tpu.memref_squeeze %dma_start3A_19 : memref<1x128xi32, #tpu.memory_space<vmem>> -> memref<128xi32, #tpu.memory_space<vmem>>
      %dma_start3A_21 = arith.constant 0 : i32
      %dma_start3A_22 = arith.constant 0 : i32
      %dma_start3A_23 = tpu.memref_slice %arg4[%dma_start3A_21, %dma_start3A_22] : memref<10000x128xf32, #tpu.memory_space<hbm>> -> memref<10000x128xf32, #tpu.memory_space<hbm>>
      tpu.enqueue_indirect_dma source(%dma_start3A_23 : memref<10000x128xf32, #tpu.memory_space<hbm>>) target(%arg9 : memref<128x128xf32, #tpu.memory_space<vmem>>) offsets(%dma_start3A_20 : memref<128xi32, #tpu.memory_space<vmem>>) semaphore(%arg11 : memref<!tpu.dma_semaphore, #tpu.memory_space<semaphore_mem>>)
      %dma_start3A_24 = arith.constant 1 : i32
      %dma_start3A_25 = arith.constant 0 : i32
      %dma_start3A_26 = tpu.memref_slice %arg7[%dma_start3A_24, %dma_start3A_25] : memref<32x128xi32, #tpu.memory_space<vmem>> -> memref<1x128xi32, #tpu.memory_space<vmem>>
      %dma_start3A_27 = tpu.memref_squeeze %dma_start3A_26 : memref<1x128xi32, #tpu.memory_space<vmem>> -> memref<128xi32, #tpu.memory_space<vmem>>
      %dma_start3A_28 = arith.constant 0 : i32
      %dma_start3A_29 = arith.constant 0 : i32
      %dma_start3A_30 = tpu.memref_slice %arg4[%dma_start3A_28, %dma_start3A_29] : memref<10000x128xf32, #tpu.memory_space<hbm>> -> memref<10000x128xf32, #tpu.memory_space<hbm>>
      tpu.enqueue_indirect_dma source(%dma_start3A_30 : memref<10000x128xf32, #tpu.memory_space<hbm>>) target(%arg10 : memref<128x128xf32, #tpu.memory_space<vmem>>) offsets(%dma_start3A_27 : memref<128xi32, #tpu.memory_space<vmem>>) semaphore(%arg12 : memref<!tpu.dma_semaphore, #tpu.memory_space<semaphore_mem>>)
      %scan3A_31 = arith.constant 0 : i32
      %scan3A_32 = arith.constant 0 : i32
      %scan3A_33 = arith.constant 15 : i32
      %scan3A_34 = arith.addi %scan3A_32, %scan3A_33 : i32
      %scan3A_35 = arith.constant 1 : i32
      scf.for %scan3A_51 = %scan3A_32 to %scan3A_34 step %scan3A_35  : i32 {
        %mul3A_52 = arith.constant 2 : i32
        %mul3A_53 = arith.muli %scan3A_51, %mul3A_52 : i32
        %dma_wait3A_54 = arith.constant 0 : i32
        %dma_wait3A_55 = arith.constant 0 : i32
        %dma_wait3A_56 = tpu.memref_slice %arg7[%dma_wait3A_54, %dma_wait3A_55] : memref<32x128xi32, #tpu.memory_space<vmem>> -> memref<1x128xi32, #tpu.memory_space<vmem>>
        %dma_wait3A_57 = tpu.memref_squeeze %dma_wait3A_56 : memref<1x128xi32, #tpu.memory_space<vmem>> -> memref<128xi32, #tpu.memory_space<vmem>>
        %dma_wait3A_58 = arith.constant 0 : i32
        %dma_wait3A_59 = arith.constant 0 : i32
        %dma_wait3A_60 = tpu.memref_slice %arg4[%dma_wait3A_58, %dma_wait3A_59] : memref<10000x128xf32, #tpu.memory_space<hbm>> -> memref<10000x128xf32, #tpu.memory_space<hbm>>
        tpu.wait_indirect_dma semaphore(%arg11 : memref<!tpu.dma_semaphore, #tpu.memory_space<semaphore_mem>>) src(%dma_wait3A_60 : memref<10000x128xf32, #tpu.memory_space<hbm>>) dst(%arg9 : memref<128x128xf32, #tpu.memory_space<vmem>>)
        "tpu.region"() ({
          %run_scoped3A_86 = tpu.sem_alloc : memref<!tpu.dma_semaphore, #tpu.memory_space<semaphore_mem>>
          %dma_start3A_87 = arith.constant 0 : i32
          %dma_start3A_88 = tpu.memref_slice %arg8[%mul3A_53, %dma_start3A_87] : memref<32x128xi32, #tpu.memory_space<vmem>> -> memref<1x128xi32, #tpu.memory_space<vmem>>
          %dma_start3A_89 = tpu.memref_squeeze %dma_start3A_88 : memref<1x128xi32, #tpu.memory_space<vmem>> -> memref<128xi32, #tpu.memory_space<vmem>>
          %dma_start3A_90 = arith.constant 0 : i32
          %dma_start3A_91 = arith.constant 0 : i32
          %dma_start3A_92 = tpu.memref_slice %arg13[%dma_start3A_90, %dma_start3A_91] : memref<10112x128xf32, #tpu.memory_space<vmem_shared>> -> memref<10112x128xf32, #tpu.memory_space<vmem_shared>>
          tpu.enqueue_indirect_dma source(%arg9 : memref<128x128xf32, #tpu.memory_space<vmem>>) target(%dma_start3A_92 : memref<10112x128xf32, #tpu.memory_space<vmem_shared>>) offsets(%dma_start3A_89 : memref<128xi32, #tpu.memory_space<vmem>>) semaphore(%run_scoped3A_86 : memref<!tpu.dma_semaphore, #tpu.memory_space<semaphore_mem>>) {add = true}
          %dma_wait3A_93 = arith.constant 0 : i32
          %dma_wait3A_94 = tpu.memref_slice %arg8[%mul3A_53, %dma_wait3A_93] : memref<32x128xi32, #tpu.memory_space<vmem>> -> memref<1x128xi32, #tpu.memory_space<vmem>>
          %dma_wait3A_95 = tpu.memref_squeeze %dma_wait3A_94 : memref<1x128xi32, #tpu.memory_space<vmem>> -> memref<128xi32, #tpu.memory_space<vmem>>
          %dma_wait3A_96 = arith.constant 0 : i32
          %dma_wait3A_97 = arith.constant 0 : i32
          %dma_wait3A_98 = tpu.memref_slice %arg13[%dma_wait3A_96, %dma_wait3A_97] : memref<10112x128xf32, #tpu.memory_space<vmem_shared>> -> memref<10112x128xf32, #tpu.memory_space<vmem_shared>>
          tpu.wait_indirect_dma semaphore(%run_scoped3A_86 : memref<!tpu.dma_semaphore, #tpu.memory_space<semaphore_mem>>) src(%arg9 : memref<128x128xf32, #tpu.memory_space<vmem>>) dst(%dma_wait3A_98 : memref<10112x128xf32, #tpu.memory_space<vmem_shared>>)
          tpu.yield
        }) : () -> ()
        %add3A_61 = arith.constant 2 : i32
        %add3A_62 = arith.addi %mul3A_53, %add3A_61 : i32
        %dma_start3A_63 = arith.constant 0 : i32
        %dma_start3A_64 = tpu.memref_slice %arg7[%add3A_62, %dma_start3A_63] : memref<32x128xi32, #tpu.memory_space<vmem>> -> memref<1x128xi32, #tpu.memory_space<vmem>>
        %dma_start3A_65 = tpu.memref_squeeze %dma_start3A_64 : memref<1x128xi32, #tpu.memory_space<vmem>> -> memref<128xi32, #tpu.memory_space<vmem>>
        %dma_start3A_66 = arith.constant 0 : i32
        %dma_start3A_67 = arith.constant 0 : i32
        %dma_start3A_68 = tpu.memref_slice %arg4[%dma_start3A_66, %dma_start3A_67] : memref<10000x128xf32, #tpu.memory_space<hbm>> -> memref<10000x128xf32, #tpu.memory_space<hbm>>
        tpu.enqueue_indirect_dma source(%dma_start3A_68 : memref<10000x128xf32, #tpu.memory_space<hbm>>) target(%arg9 : memref<128x128xf32, #tpu.memory_space<vmem>>) offsets(%dma_start3A_65 : memref<128xi32, #tpu.memory_space<vmem>>) semaphore(%arg11 : memref<!tpu.dma_semaphore, #tpu.memory_space<semaphore_mem>>)
        %dma_wait3A_69 = arith.constant 0 : i32
        %dma_wait3A_70 = arith.constant 0 : i32
        %dma_wait3A_71 = tpu.memref_slice %arg7[%dma_wait3A_69, %dma_wait3A_70] : memref<32x128xi32, #tpu.memory_space<vmem>> -> memref<1x128xi32, #tpu.memory_space<vmem>>
        %dma_wait3A_72 = tpu.memref_squeeze %dma_wait3A_71 : memref<1x128xi32, #tpu.memory_space<vmem>> -> memref<128xi32, #tpu.memory_space<vmem>>
        %dma_wait3A_73 = arith.constant 0 : i32
        %dma_wait3A_74 = arith.constant 0 : i32
        %dma_wait3A_75 = tpu.memref_slice %arg4[%dma_wait3A_73, %dma_wait3A_74] : memref<10000x128xf32, #tpu.memory_space<hbm>> -> memref<10000x128xf32, #tpu.memory_space<hbm>>
        tpu.wait_indirect_dma semaphore(%arg12 : memref<!tpu.dma_semaphore, #tpu.memory_space<semaphore_mem>>) src(%dma_wait3A_75 : memref<10000x128xf32, #tpu.memory_space<hbm>>) dst(%arg10 : memref<128x128xf32, #tpu.memory_space<vmem>>)
        %add3A_76 = arith.constant 1 : i32
        %add3A_77 = arith.addi %mul3A_53, %add3A_76 : i32
        "tpu.region"() ({
          %run_scoped3A_86 = tpu.sem_alloc : memref<!tpu.dma_semaphore, #tpu.memory_space<semaphore_mem>>
          %dma_start3A_87 = arith.constant 0 : i32
          %dma_start3A_88 = tpu.memref_slice %arg8[%add3A_77, %dma_start3A_87] : memref<32x128xi32, #tpu.memory_space<vmem>> -> memref<1x128xi32, #tpu.memory_space<vmem>>
          %dma_start3A_89 = tpu.memref_squeeze %dma_start3A_88 : memref<1x128xi32, #tpu.memory_space<vmem>> -> memref<128xi32, #tpu.memory_space<vmem>>
          %dma_start3A_90 = arith.constant 0 : i32
          %dma_start3A_91 = arith.constant 0 : i32
          %dma_start3A_92 = tpu.memref_slice %arg13[%dma_start3A_90, %dma_start3A_91] : memref<10112x128xf32, #tpu.memory_space<vmem_shared>> -> memref<10112x128xf32, #tpu.memory_space<vmem_shared>>
          tpu.enqueue_indirect_dma source(%arg10 : memref<128x128xf32, #tpu.memory_space<vmem>>) target(%dma_start3A_92 : memref<10112x128xf32, #tpu.memory_space<vmem_shared>>) offsets(%dma_start3A_89 : memref<128xi32, #tpu.memory_space<vmem>>) semaphore(%run_scoped3A_86 : memref<!tpu.dma_semaphore, #tpu.memory_space<semaphore_mem>>) {add = true}
          %dma_wait3A_93 = arith.constant 0 : i32
          %dma_wait3A_94 = tpu.memref_slice %arg8[%add3A_77, %dma_wait3A_93] : memref<32x128xi32, #tpu.memory_space<vmem>> -> memref<1x128xi32, #tpu.memory_space<vmem>>
          %dma_wait3A_95 = tpu.memref_squeeze %dma_wait3A_94 : memref<1x128xi32, #tpu.memory_space<vmem>> -> memref<128xi32, #tpu.memory_space<vmem>>
          %dma_wait3A_96 = arith.constant 0 : i32
          %dma_wait3A_97 = arith.constant 0 : i32
          %dma_wait3A_98 = tpu.memref_slice %arg13[%dma_wait3A_96, %dma_wait3A_97] : memref<10112x128xf32, #tpu.memory_space<vmem_shared>> -> memref<10112x128xf32, #tpu.memory_space<vmem_shared>>
          tpu.wait_indirect_dma semaphore(%run_scoped3A_86 : memref<!tpu.dma_semaphore, #tpu.memory_space<semaphore_mem>>) src(%arg10 : memref<128x128xf32, #tpu.memory_space<vmem>>) dst(%dma_wait3A_98 : memref<10112x128xf32, #tpu.memory_space<vmem_shared>>)
          tpu.yield
        }) : () -> ()
        %add3A_78 = arith.constant 3 : i32
        %add3A_79 = arith.addi %mul3A_53, %add3A_78 : i32
        %dma_start3A_80 = arith.constant 0 : i32
        %dma_start3A_81 = tpu.memref_slice %arg7[%add3A_79, %dma_start3A_80] : memref<32x128xi32, #tpu.memory_space<vmem>> -> memref<1x128xi32, #tpu.memory_space<vmem>>
        %dma_start3A_82 = tpu.memref_squeeze %dma_start3A_81 : memref<1x128xi32, #tpu.memory_space<vmem>> -> memref<128xi32, #tpu.memory_space<vmem>>
        %dma_start3A_83 = arith.constant 0 : i32
        %dma_start3A_84 = arith.constant 0 : i32
        %dma_start3A_85 = tpu.memref_slice %arg4[%dma_start3A_83, %dma_start3A_84] : memref<10000x128xf32, #tpu.memory_space<hbm>> -> memref<10000x128xf32, #tpu.memory_space<hbm>>
        tpu.enqueue_indirect_dma source(%dma_start3A_85 : memref<10000x128xf32, #tpu.memory_space<hbm>>) target(%arg10 : memref<128x128xf32, #tpu.memory_space<vmem>>) offsets(%dma_start3A_82 : memref<128xi32, #tpu.memory_space<vmem>>) semaphore(%arg12 : memref<!tpu.dma_semaphore, #tpu.memory_space<semaphore_mem>>)
      }
      %scan3A_36 = arith.constant 15 : i32
      %dma_wait3A = arith.constant 0 : i32
      %dma_wait3A_37 = arith.constant 0 : i32
      %dma_wait3A_38 = tpu.memref_slice %arg7[%dma_wait3A, %dma_wait3A_37] : memref<32x128xi32, #tpu.memory_space<vmem>> -> memref<1x128xi32, #tpu.memory_space<vmem>>
      %dma_wait3A_39 = tpu.memref_squeeze %dma_wait3A_38 : memref<1x128xi32, #tpu.memory_space<vmem>> -> memref<128xi32, #tpu.memory_space<vmem>>
      %dma_wait3A_40 = arith.constant 0 : i32
      %dma_wait3A_41 = arith.constant 0 : i32
      %dma_wait3A_42 = tpu.memref_slice %arg4[%dma_wait3A_40, %dma_wait3A_41] : memref<10000x128xf32, #tpu.memory_space<hbm>> -> memref<10000x128xf32, #tpu.memory_space<hbm>>
      tpu.wait_indirect_dma semaphore(%arg11 : memref<!tpu.dma_semaphore, #tpu.memory_space<semaphore_mem>>) src(%dma_wait3A_42 : memref<10000x128xf32, #tpu.memory_space<hbm>>) dst(%arg9 : memref<128x128xf32, #tpu.memory_space<vmem>>)
      %run_scoped3A = arith.constant 30 : i32
      "tpu.region"() ({
        %run_scoped3A_51 = tpu.sem_alloc : memref<!tpu.dma_semaphore, #tpu.memory_space<semaphore_mem>>
        %dma_start3A_52 = arith.constant 0 : i32
        %dma_start3A_53 = tpu.memref_slice %arg8[%run_scoped3A, %dma_start3A_52] : memref<32x128xi32, #tpu.memory_space<vmem>> -> memref<1x128xi32, #tpu.memory_space<vmem>>
        %dma_start3A_54 = tpu.memref_squeeze %dma_start3A_53 : memref<1x128xi32, #tpu.memory_space<vmem>> -> memref<128xi32, #tpu.memory_space<vmem>>
        %dma_start3A_55 = arith.constant 0 : i32
        %dma_start3A_56 = arith.constant 0 : i32
        %dma_start3A_57 = tpu.memref_slice %arg13[%dma_start3A_55, %dma_start3A_56] : memref<10112x128xf32, #tpu.memory_space<vmem_shared>> -> memref<10112x128xf32, #tpu.memory_space<vmem_shared>>
        tpu.enqueue_indirect_dma source(%arg9 : memref<128x128xf32, #tpu.memory_space<vmem>>) target(%dma_start3A_57 : memref<10112x128xf32, #tpu.memory_space<vmem_shared>>) offsets(%dma_start3A_54 : memref<128xi32, #tpu.memory_space<vmem>>) semaphore(%run_scoped3A_51 : memref<!tpu.dma_semaphore, #tpu.memory_space<semaphore_mem>>) {add = true}
        %dma_wait3A_58 = arith.constant 0 : i32
        %dma_wait3A_59 = tpu.memref_slice %arg8[%run_scoped3A, %dma_wait3A_58] : memref<32x128xi32, #tpu.memory_space<vmem>> -> memref<1x128xi32, #tpu.memory_space<vmem>>
        %dma_wait3A_60 = tpu.memref_squeeze %dma_wait3A_59 : memref<1x128xi32, #tpu.memory_space<vmem>> -> memref<128xi32, #tpu.memory_space<vmem>>
        %dma_wait3A_61 = arith.constant 0 : i32
        %dma_wait3A_62 = arith.constant 0 : i32
        %dma_wait3A_63 = tpu.memref_slice %arg13[%dma_wait3A_61, %dma_wait3A_62] : memref<10112x128xf32, #tpu.memory_space<vmem_shared>> -> memref<10112x128xf32, #tpu.memory_space<vmem_shared>>
        tpu.wait_indirect_dma semaphore(%run_scoped3A_51 : memref<!tpu.dma_semaphore, #tpu.memory_space<semaphore_mem>>) src(%arg9 : memref<128x128xf32, #tpu.memory_space<vmem>>) dst(%dma_wait3A_63 : memref<10112x128xf32, #tpu.memory_space<vmem_shared>>)
        tpu.yield
      }) : () -> ()
      %dma_wait3A_43 = arith.constant 0 : i32
      %dma_wait3A_44 = arith.constant 0 : i32
      %dma_wait3A_45 = tpu.memref_slice %arg7[%dma_wait3A_43, %dma_wait3A_44] : memref<32x128xi32, #tpu.memory_space<vmem>> -> memref<1x128xi32, #tpu.memory_space<vmem>>
      %dma_wait3A_46 = tpu.memref_squeeze %dma_wait3A_45 : memref<1x128xi32, #tpu.memory_space<vmem>> -> memref<128xi32, #tpu.memory_space<vmem>>
      %dma_wait3A_47 = arith.constant 0 : i32
      %dma_wait3A_48 = arith.constant 0 : i32
      %dma_wait3A_49 = tpu.memref_slice %arg4[%dma_wait3A_47, %dma_wait3A_48] : memref<10000x128xf32, #tpu.memory_space<hbm>> -> memref<10000x128xf32, #tpu.memory_space<hbm>>
      tpu.wait_indirect_dma semaphore(%arg12 : memref<!tpu.dma_semaphore, #tpu.memory_space<semaphore_mem>>) src(%dma_wait3A_49 : memref<10000x128xf32, #tpu.memory_space<hbm>>) dst(%arg10 : memref<128x128xf32, #tpu.memory_space<vmem>>)
      %run_scoped3A_50 = arith.constant 31 : i32
      "tpu.region"() ({
        %run_scoped3A_51 = tpu.sem_alloc : memref<!tpu.dma_semaphore, #tpu.memory_space<semaphore_mem>>
        %dma_start3A_52 = arith.constant 0 : i32
        %dma_start3A_53 = tpu.memref_slice %arg8[%run_scoped3A_50, %dma_start3A_52] : memref<32x128xi32, #tpu.memory_space<vmem>> -> memref<1x128xi32, #tpu.memory_space<vmem>>
        %dma_start3A_54 = tpu.memref_squeeze %dma_start3A_53 : memref<1x128xi32, #tpu.memory_space<vmem>> -> memref<128xi32, #tpu.memory_space<vmem>>
        %dma_start3A_55 = arith.constant 0 : i32
        %dma_start3A_56 = arith.constant 0 : i32
        %dma_start3A_57 = tpu.memref_slice %arg13[%dma_start3A_55, %dma_start3A_56] : memref<10112x128xf32, #tpu.memory_space<vmem_shared>> -> memref<10112x128xf32, #tpu.memory_space<vmem_shared>>
        tpu.enqueue_indirect_dma source(%arg10 : memref<128x128xf32, #tpu.memory_space<vmem>>) target(%dma_start3A_57 : memref<10112x128xf32, #tpu.memory_space<vmem_shared>>) offsets(%dma_start3A_54 : memref<128xi32, #tpu.memory_space<vmem>>) semaphore(%run_scoped3A_51 : memref<!tpu.dma_semaphore, #tpu.memory_space<semaphore_mem>>) {add = true}
        %dma_wait3A_58 = arith.constant 0 : i32
        %dma_wait3A_59 = tpu.memref_slice %arg8[%run_scoped3A_50, %dma_wait3A_58] : memref<32x128xi32, #tpu.memory_space<vmem>> -> memref<1x128xi32, #tpu.memory_space<vmem>>
        %dma_wait3A_60 = tpu.memref_squeeze %dma_wait3A_59 : memref<1x128xi32, #tpu.memory_space<vmem>> -> memref<128xi32, #tpu.memory_space<vmem>>
        %dma_wait3A_61 = arith.constant 0 : i32
        %dma_wait3A_62 = arith.constant 0 : i32
        %dma_wait3A_63 = tpu.memref_slice %arg13[%dma_wait3A_61, %dma_wait3A_62] : memref<10112x128xf32, #tpu.memory_space<vmem_shared>> -> memref<10112x128xf32, #tpu.memory_space<vmem_shared>>
        tpu.wait_indirect_dma semaphore(%run_scoped3A_51 : memref<!tpu.dma_semaphore, #tpu.memory_space<semaphore_mem>>) src(%arg10 : memref<128x128xf32, #tpu.memory_space<vmem>>) dst(%dma_wait3A_63 : memref<10112x128xf32, #tpu.memory_space<vmem_shared>>)
        tpu.yield
      }) : () -> ()
    }
    %scan3A_7 = arith.constant 5 : i32
    %barrier3A_8 = arith.constant 0 : index
    tpu.barrier barrier_id(%barrier3A_8)
    %mul3A_9 = arith.constant 632 : i32
    %mul3A_10 = arith.muli %arg1, %mul3A_9 : i32
    %mul3A_11 = arith.constant 632 : i32
    %mul3A_12 = arith.muli %arg1, %mul3A_11 : i32
    "tpu.region"() ({
      %run_scoped3A = tpu.sem_alloc : memref<!tpu.dma_semaphore, #tpu.memory_space<semaphore_mem>>
      %dma_start3A = arith.constant 0 : i32
      %dma_start3A_13 = tpu.memref_slice %arg6[%arg0, %mul3A_12, %dma_start3A] : memref<2x10112x128xf32, #tpu.memory_space<hbm>> -> memref<1x632x128xf32, #tpu.memory_space<hbm>>
      %dma_start3A_14 = tpu.memref_squeeze %dma_start3A_13 : memref<1x632x128xf32, #tpu.memory_space<hbm>> -> memref<632x128xf32, #tpu.memory_space<hbm>>
      %dma_start3A_15 = arith.constant 0 : i32
      %dma_start3A_16 = tpu.memref_slice %arg13[%mul3A_10, %dma_start3A_15] : memref<10112x128xf32, #tpu.memory_space<vmem_shared>> -> memref<632x128xf32, #tpu.memory_space<vmem_shared>>
      tpu.enqueue_dma source(%dma_start3A_16 : memref<632x128xf32, #tpu.memory_space<vmem_shared>>) target(%dma_start3A_14 : memref<632x128xf32, #tpu.memory_space<hbm>>) target_semaphore(%run_scoped3A : memref<!tpu.dma_semaphore, #tpu.memory_space<semaphore_mem>>)
      %dma_wait3A = arith.constant 0 : i32
      %dma_wait3A_17 = tpu.memref_slice %arg6[%arg0, %mul3A_12, %dma_wait3A] : memref<2x10112x128xf32, #tpu.memory_space<hbm>> -> memref<1x632x128xf32, #tpu.memory_space<hbm>>
      %dma_wait3A_18 = tpu.memref_squeeze %dma_wait3A_17 : memref<1x632x128xf32, #tpu.memory_space<hbm>> -> memref<632x128xf32, #tpu.memory_space<hbm>>
      %dma_wait3A_19 = arith.constant 0 : i32
      %dma_wait3A_20 = tpu.memref_slice %arg13[%mul3A_10, %dma_wait3A_19] : memref<10112x128xf32, #tpu.memory_space<vmem_shared>> -> memref<632x128xf32, #tpu.memory_space<vmem_shared>>
      tpu.wait_dma2 semaphore(%run_scoped3A : memref<!tpu.dma_semaphore, #tpu.memory_space<semaphore_mem>>) src(%dma_wait3A_20 : memref<632x128xf32, #tpu.memory_space<vmem_shared>>) dst(%dma_wait3A_18 : memref<632x128xf32, #tpu.memory_space<hbm>>)
      tpu.yield
    }) : () -> ()
    return
  }
}

module attributes {stable_mosaic.version = 14 : i64} {
  func.func @_rowmask_body(%arg0: i32, %arg1: memref<1000x128xf32, #tpu.memory_space<vmem>>, %arg2: memref<1000x1xf32, #tpu.memory_space<vmem>>, %arg3: memref<1000x128xf32, #tpu.memory_space<vmem>>) attributes {dimension_semantics = [#tpu.dimension_semantics<arbitrary>], iteration_bounds = array<i64: 10>, scalar_prefetch = 0 : i64, scratch_operands = 0 : i64, tpu.core_type = #tpu.core_type<tc>, window_params = [{transform_indices = @transform_0, window_bounds = array<i64: 1000, 128>}, {transform_indices = @transform_1, window_bounds = array<i64: 1000, 1>}, {transform_indices = @transform_2, window_bounds = array<i64: 1000, 128>}]} {
    %get3A = arith.constant 0 : index
    %get3A_0 = arith.constant 0 : index
    %get3A_1 = vector.load %arg1[%get3A, %get3A_0] : memref<1000x128xf32, #tpu.memory_space<vmem>>, vector<1000x128xf32>
    %get3A_2 = arith.constant 0 : index
    %get3A_3 = arith.constant 0 : index
    %get3A_4 = vector.load %arg2[%get3A_2, %get3A_3] : memref<1000x1xf32, #tpu.memory_space<vmem>>, vector<1000x1xf32>
    %mul3A = vector.broadcast %get3A_4 : vector<1000x1xf32> to vector<1000x128xf32>
    %mul3A_5 = arith.mulf %get3A_1, %mul3A : vector<1000x128xf32>
    %swap3A = arith.constant 0 : index
    %swap3A_6 = arith.constant 0 : index
    %swap3A_7 = vector.load %arg3[%swap3A, %swap3A_6] : memref<1000x128xf32, #tpu.memory_space<vmem>>, vector<1000x128xf32>
    tpu.vector_store %arg3[%swap3A, %swap3A_6], %mul3A_5 {strides = array<i32>} : memref<1000x128xf32, #tpu.memory_space<vmem>>, vector<1000x128xf32>,
    return
  }
  func.func @transform_0(%arg0: i32) -> (i32, i32) {
    %c0_i32 = arith.constant 0 : i32
    %c0_i32_0 = arith.constant 0 : i32
    return %arg0, %c0_i32 : i32, i32
  }
  func.func @transform_1(%arg0: i32) -> (i32, i32) {
    %c0_i32 = arith.constant 0 : i32
    %c0_i32_0 = arith.constant 0 : i32
    return %arg0, %c0_i32 : i32, i32
  }
  func.func @transform_2(%arg0: i32) -> (i32, i32) {
    %c0_i32 = arith.constant 0 : i32
    %c0_i32_0 = arith.constant 0 : i32
    return %arg0, %c0_i32 : i32, i32
  }
}

module attributes {stable_mosaic.version = 14 : i64} {
  func.func @_layer_body(%arg0: i32, %arg1: i32, %arg2: memref<1000x128xf32, #tpu.memory_space<vmem>>, %arg3: memref<2x1000x128xf32, #tpu.memory_space<vmem>>, %arg4: memref<128x512xf32, #tpu.memory_space<vmem>>, %arg5: memref<1x512xf32, #tpu.memory_space<vmem>>, %arg6: memref<1x512xf32, #tpu.memory_space<vmem>>, %arg7: memref<512x128xf32, #tpu.memory_space<vmem>>, %arg8: memref<1x128xf32, #tpu.memory_space<vmem>>, %arg9: memref<1x128xf32, #tpu.memory_space<vmem>>, %arg10: memref<1000x1xf32, #tpu.memory_space<vmem>>, %arg11: memref<1000x128xf32, #tpu.memory_space<vmem>>, %arg12: memref<10000x512xf32, #tpu.memory_space<vmem>>, %arg13: memref<10000x128xf32, #tpu.memory_space<vmem>>, %arg14: memref<2x512xf32, #tpu.memory_space<vmem>>, %arg15: memref<2x128xf32, #tpu.memory_space<vmem>>) attributes {dimension_semantics = [#tpu.dimension_semantics<arbitrary>, #tpu.dimension_semantics<arbitrary>], iteration_bounds = array<i64: 3, 10>, scalar_prefetch = 0 : i64, scratch_operands = 4 : i64, tpu.core_type = #tpu.core_type<tc>, window_params = [{transform_indices = @transform_0, window_bounds = array<i64: 1000, 128>}, {transform_indices = @transform_1, window_bounds = array<i64: 2, 1000, 128>}, {pipeline_mode = #tpu.pipeline_mode<synchronous>, transform_indices = @transform_2, window_bounds = array<i64: 128, 512>}, {pipeline_mode = #tpu.pipeline_mode<synchronous>, transform_indices = @transform_3, window_bounds = array<i64: 1, 512>}, {pipeline_mode = #tpu.pipeline_mode<synchronous>, transform_indices = @transform_4, window_bounds = array<i64: 1, 512>}, {pipeline_mode = #tpu.pipeline_mode<synchronous>, transform_indices = @transform_5, window_bounds = array<i64: 512, 128>}, {pipeline_mode = #tpu.pipeline_mode<synchronous>, transform_indices = @transform_6, window_bounds = array<i64: 1, 128>}, {pipeline_mode = #tpu.pipeline_mode<synchronous>, transform_indices = @transform_7, window_bounds = array<i64: 1, 128>}, {transform_indices = @transform_8, window_bounds = array<i64: 1000, 1>}, {transform_indices = @transform_9, window_bounds = array<i64: 1000, 128>}]} {
    %eq3A = arith.constant 0 : i32
    %eq3A_0 = arith.cmpi eq, %arg0, %eq3A : i32
    %convert_element_type3A = arith.extui %eq3A_0 : i1 to i32
    %cond3A = arith.constant 0 : i32
    %cond3A_1 = arith.cmpi ne, %convert_element_type3A, %cond3A : i32
    scf.if %cond3A_1 {
      %get3A = arith.constant 0 : index
      %get3A_12 = arith.constant 0 : index
      %get3A_13 = vector.load %arg2[%get3A, %get3A_12] : memref<1000x128xf32, #tpu.memory_space<vmem>>, vector<1000x128xf32>
      %get3A_14 = arith.constant 0 : index
      %get3A_15 = arith.constant 0 : index
      %get3A_16 = arith.constant 0 : index
      %get3A_17 = vector.load %arg3[%get3A_14, %get3A_15, %get3A_16] : memref<2x1000x128xf32, #tpu.memory_space<vmem>>, vector<1x1000x128xf32>
      %get3A_18 = vector.shape_cast %get3A_17 : vector<1x1000x128xf32> to vector<1000x128xf32>
      %add3A = arith.addf %get3A_13, %get3A_18 : vector<1000x128xf32>
      %get3A_19 = arith.constant 1 : index
      %get3A_20 = arith.constant 0 : index
      %get3A_21 = arith.constant 0 : index
      %get3A_22 = vector.load %arg3[%get3A_19, %get3A_20, %get3A_21] : memref<2x1000x128xf32, #tpu.memory_space<vmem>>, vector<1x1000x128xf32>
      %get3A_23 = vector.shape_cast %get3A_22 : vector<1x1000x128xf32> to vector<1000x128xf32>
      %add3A_24 = arith.addf %add3A, %get3A_23 : vector<1000x128xf32>
      %get3A_25 = arith.constant 0 : index
      %get3A_26 = arith.constant 0 : index
      %get3A_27 = vector.load %arg4[%get3A_25, %get3A_26] : memref<128x512xf32, #tpu.memory_space<vmem>>, vector<128x512xf32>
      %dot_general3A = arith.constant dense<0.000000e+00> : vector<1000x512xf32>
      %dot_general3A_28 = tpu.matmul %add3A_24, %get3A_27, %dot_general3A {dimension_numbers = #tpu.dot_dimension_numbers<[1], [0], [0], [1], [0, 0, 1, 1], [], []>, transpose_lhs_hint = false} : vector<1000x128xf32>, vector<128x512xf32>, vector<1000x512xf32> -> vector<1000x512xf32>
      %mul3A = arith.constant 1000 : i32
      %mul3A_29 = arith.muli %arg1, %mul3A : i32
      %swap3A = arith.index_cast %mul3A_29 : i32 to index
      %swap3A_30 = arith.constant 0 : index
      %swap3A_31 = vector.load %arg12[%swap3A, %swap3A_30] : memref<10000x512xf32, #tpu.memory_space<vmem>>, vector<1000x512xf32>
      tpu.vector_store %arg12[%swap3A, %swap3A_30], %dot_general3A_28 {strides = array<i32>} : memref<10000x512xf32, #tpu.memory_space<vmem>>, vector<1000x512xf32>,
      %eq3A_32 = arith.constant 0 : i32
      %eq3A_33 = arith.cmpi eq, %arg1, %eq3A_32 : i32
      %convert_element_type3A_34 = arith.extui %eq3A_33 : i1 to i32
      %cond3A_35 = arith.constant 0 : i32
      %cond3A_36 = arith.cmpi ne, %convert_element_type3A_34, %cond3A_35 : i32
      scf.if %cond3A_36 {
        %broadcast_in_dim3A_56 = arith.constant 0.000000e+00 : f32
        %broadcast_in_dim3A_57 = vector.broadcast %broadcast_in_dim3A_56 : f32 to vector<2x512xf32>
        %swap3A_58 = arith.constant 0 : index
        %swap3A_59 = arith.constant 0 : index
        %swap3A_60 = vector.load %arg14[%swap3A_58, %swap3A_59] : memref<2x512xf32, #tpu.memory_space<vmem>>, vector<2x512xf32>
        tpu.vector_store %arg14[%swap3A_58, %swap3A_59], %broadcast_in_dim3A_57 {strides = array<i32>} : memref<2x512xf32, #tpu.memory_space<vmem>>, vector<2x512xf32>,
      } else {
      }
      %get3A_37 = arith.constant 0 : index
      %get3A_38 = arith.constant 0 : index
      %get3A_39 = vector.load %arg14[%get3A_37, %get3A_38] : memref<2x512xf32, #tpu.memory_space<vmem>>, vector<1x512xf32>
      %reduce_sum3A = arith.constant dense<0.000000e+00> : vector<512xf32>
      %reduce_sum3A_40 = vector.multi_reduction <add>, %dot_general3A_28, %reduce_sum3A [0] : vector<1000x512xf32> to vector<512xf32>
      %broadcast_in_dim3A = vector.shape_cast %reduce_sum3A_40 : vector<512xf32> to vector<1x512xf32>
      %add3A_41 = arith.addf %get3A_39, %broadcast_in_dim3A : vector<1x512xf32>
      %swap3A_42 = arith.constant 0 : index
      %swap3A_43 = arith.constant 0 : index
      %swap3A_44 = vector.load %arg14[%swap3A_42, %swap3A_43] : memref<2x512xf32, #tpu.memory_space<vmem>>, vector<1x512xf32>
      tpu.vector_store %arg14[%swap3A_42, %swap3A_43], %add3A_41 {strides = array<i32>} : memref<2x512xf32, #tpu.memory_space<vmem>>, vector<1x512xf32>,
      %get3A_45 = arith.constant 1 : index
      %get3A_46 = arith.constant 0 : index
      %get3A_47 = vector.load %arg14[%get3A_45, %get3A_46] : memref<2x512xf32, #tpu.memory_space<vmem>>, vector<1x512xf32>
      %mul3A_48 = arith.mulf %dot_general3A_28, %dot_general3A_28 : vector<1000x512xf32>
      %reduce_sum3A_49 = arith.constant dense<0.000000e+00> : vector<512xf32>
      %reduce_sum3A_50 = vector.multi_reduction <add>, %mul3A_48, %reduce_sum3A_49 [0] : vector<1000x512xf32> to vector<512xf32>
      %broadcast_in_dim3A_51 = vector.shape_cast %reduce_sum3A_50 : vector<512xf32> to vector<1x512xf32>
      %add3A_52 = arith.addf %get3A_47, %broadcast_in_dim3A_51 : vector<1x512xf32>
      %swap3A_53 = arith.constant 1 : index
      %swap3A_54 = arith.constant 0 : index
      %swap3A_55 = vector.load %arg14[%swap3A_53, %swap3A_54] : memref<2x512xf32, #tpu.memory_space<vmem>>, vector<1x512xf32>
      tpu.vector_store %arg14[%swap3A_53, %swap3A_54], %add3A_52 {strides = array<i32>} : memref<2x512xf32, #tpu.memory_space<vmem>>, vector<1x512xf32>,
    } else {
    }
    %eq3A_2 = arith.constant 1 : i32
    %eq3A_3 = arith.cmpi eq, %arg0, %eq3A_2 : i32
    %convert_element_type3A_4 = arith.extui %eq3A_3 : i1 to i32
    %cond3A_5 = arith.constant 0 : i32
    %cond3A_6 = arith.cmpi ne, %convert_element_type3A_4, %cond3A_5 : i32
    scf.if %cond3A_6 {
      %mul3A = arith.constant 1000 : i32
      %mul3A_12 = arith.muli %arg1, %mul3A : i32
      %get3A = arith.index_cast %mul3A_12 : i32 to index
      %get3A_13 = arith.constant 0 : index
      %get3A_14 = vector.load %arg12[%get3A, %get3A_13] : memref<10000x512xf32, #tpu.memory_space<vmem>>, vector<1000x512xf32>
      %get3A_15 = arith.constant 0 : index
      %get3A_16 = arith.constant 0 : index
      %get3A_17 = vector.load %arg14[%get3A_15, %get3A_16] : memref<2x512xf32, #tpu.memory_space<vmem>>, vector<1x512xf32>
      %mul3A_18 = arith.constant 9.99999974E-5 : f32
      %mul3A_19 = vector.broadcast %mul3A_18 : f32 to vector<1x512xf32>
      %mul3A_20 = arith.mulf %get3A_17, %mul3A_19 : vector<1x512xf32>
      %get3A_21 = arith.constant 1 : index
      %get3A_22 = arith.constant 0 : index
      %get3A_23 = vector.load %arg14[%get3A_21, %get3A_22] : memref<2x512xf32, #tpu.memory_space<vmem>>, vector<1x512xf32>
      %mul3A_24 = arith.constant 9.99999974E-5 : f32
      %mul3A_25 = vector.broadcast %mul3A_24 : f32 to vector<1x512xf32>
      %mul3A_26 = arith.mulf %get3A_23, %mul3A_25 : vector<1x512xf32>
      %mul3A_27 = arith.mulf %mul3A_20, %mul3A_20 : vector<1x512xf32>
      %sub3A = arith.subf %mul3A_26, %mul3A_27 : vector<1x512xf32>
      %get3A_28 = arith.constant 0 : index
      %get3A_29 = arith.constant 0 : index
      %get3A_30 = vector.load %arg5[%get3A_28, %get3A_29] : memref<1x512xf32, #tpu.memory_space<vmem>>, vector<1x512xf32>
      %sub3A_31 = vector.broadcast %mul3A_20 : vector<1x512xf32> to vector<1000x512xf32>
      %sub3A_32 = arith.subf %get3A_14, %sub3A_31 : vector<1000x512xf32>
      %mul3A_33 = vector.broadcast %get3A_30 : vector<1x512xf32> to vector<1000x512xf32>
      %mul3A_34 = arith.mulf %mul3A_33, %sub3A_32 : vector<1000x512xf32>
      %add3A = arith.constant 9.99999974E-6 : f32
      %add3A_35 = vector.broadcast %add3A : f32 to vector<1x512xf32>
      %add3A_36 = arith.addf %sub3A, %add3A_35 : vector<1x512xf32>
      %sqrt3A = math.sqrt %add3A_36 : vector<1x512xf32>
      %div3A = vector.broadcast %sqrt3A : vector<1x512xf32> to vector<1000x512xf32>
      %div3A_37 = arith.divf %mul3A_34, %div3A : vector<1000x512xf32>
      %get3A_38 = arith.constant 0 : index
      %get3A_39 = arith.constant 0 : index
      %get3A_40 = vector.load %arg6[%get3A_38, %get3A_39] : memref<1x512xf32, #tpu.memory_space<vmem>>, vector<1x512xf32>
      %add3A_41 = vector.broadcast %get3A_40 : vector<1x512xf32> to vector<1000x512xf32>
      %add3A_42 = arith.addf %div3A_37, %add3A_41 : vector<1000x512xf32>
      %max3A = arith.constant 0.000000e+00 : f32
      %max3A_43 = vector.broadcast %max3A : f32 to vector<1000x512xf32>
      %max3A_44 = arith.maximumf %add3A_42, %max3A_43 : vector<1000x512xf32>
      %get3A_45 = arith.constant 0 : index
      %get3A_46 = arith.constant 0 : index
      %get3A_47 = vector.load %arg7[%get3A_45, %get3A_46] : memref<512x128xf32, #tpu.memory_space<vmem>>, vector<512x128xf32>
      %dot_general3A = arith.constant dense<0.000000e+00> : vector<1000x128xf32>
      %dot_general3A_48 = tpu.matmul %max3A_44, %get3A_47, %dot_general3A {dimension_numbers = #tpu.dot_dimension_numbers<[1], [0], [0], [1], [0, 0, 1, 1], [], []>, transpose_lhs_hint = false} : vector<1000x512xf32>, vector<512x128xf32>, vector<1000x128xf32> -> vector<1000x128xf32>
      %mul3A_49 = arith.constant 1000 : i32
      %mul3A_50 = arith.muli %arg1, %mul3A_49 : i32
      %swap3A = arith.index_cast %mul3A_50 : i32 to index
      %swap3A_51 = arith.constant 0 : index
      %swap3A_52 = vector.load %arg13[%swap3A, %swap3A_51] : memref<10000x128xf32, #tpu.memory_space<vmem>>, vector<1000x128xf32>
      tpu.vector_store %arg13[%swap3A, %swap3A_51], %dot_general3A_48 {strides = array<i32>} : memref<10000x128xf32, #tpu.memory_space<vmem>>, vector<1000x128xf32>,
      %eq3A_53 = arith.constant 0 : i32
      %eq3A_54 = arith.cmpi eq, %arg1, %eq3A_53 : i32
      %convert_element_type3A_55 = arith.extui %eq3A_54 : i1 to i32
      %cond3A_56 = arith.constant 0 : i32
      %cond3A_57 = arith.cmpi ne, %convert_element_type3A_55, %cond3A_56 : i32
      scf.if %cond3A_57 {
        %broadcast_in_dim3A_77 = arith.constant 0.000000e+00 : f32
        %broadcast_in_dim3A_78 = vector.broadcast %broadcast_in_dim3A_77 : f32 to vector<2x128xf32>
        %swap3A_79 = arith.constant 0 : index
        %swap3A_80 = arith.constant 0 : index
        %swap3A_81 = vector.load %arg15[%swap3A_79, %swap3A_80] : memref<2x128xf32, #tpu.memory_space<vmem>>, vector<2x128xf32>
        tpu.vector_store %arg15[%swap3A_79, %swap3A_80], %broadcast_in_dim3A_78 {strides = array<i32>} : memref<2x128xf32, #tpu.memory_space<vmem>>, vector<2x128xf32>,
      } else {
      }
      %get3A_58 = arith.constant 0 : index
      %get3A_59 = arith.constant 0 : index
      %get3A_60 = vector.load %arg15[%get3A_58, %get3A_59] : memref<2x128xf32, #tpu.memory_space<vmem>>, vector<1x128xf32>
      %reduce_sum3A = arith.constant dense<0.000000e+00> : vector<128xf32>
      %reduce_sum3A_61 = vector.multi_reduction <add>, %dot_general3A_48, %reduce_sum3A [0] : vector<1000x128xf32> to vector<128xf32>
      %broadcast_in_dim3A = vector.shape_cast %reduce_sum3A_61 : vector<128xf32> to vector<1x128xf32>
      %add3A_62 = arith.addf %get3A_60, %broadcast_in_dim3A : vector<1x128xf32>
      %swap3A_63 = arith.constant 0 : index
      %swap3A_64 = arith.constant 0 : index
      %swap3A_65 = vector.load %arg15[%swap3A_63, %swap3A_64] : memref<2x128xf32, #tpu.memory_space<vmem>>, vector<1x128xf32>
      tpu.vector_store %arg15[%swap3A_63, %swap3A_64], %add3A_62 {strides = array<i32>} : memref<2x128xf32, #tpu.memory_space<vmem>>, vector<1x128xf32>,
      %get3A_66 = arith.constant 1 : index
      %get3A_67 = arith.constant 0 : index
      %get3A_68 = vector.load %arg15[%get3A_66, %get3A_67] : memref<2x128xf32, #tpu.memory_space<vmem>>, vector<1x128xf32>
      %mul3A_69 = arith.mulf %dot_general3A_48, %dot_general3A_48 : vector<1000x128xf32>
      %reduce_sum3A_70 = arith.constant dense<0.000000e+00> : vector<128xf32>
      %reduce_sum3A_71 = vector.multi_reduction <add>, %mul3A_69, %reduce_sum3A_70 [0] : vector<1000x128xf32> to vector<128xf32>
      %broadcast_in_dim3A_72 = vector.shape_cast %reduce_sum3A_71 : vector<128xf32> to vector<1x128xf32>
      %add3A_73 = arith.addf %get3A_68, %broadcast_in_dim3A_72 : vector<1x128xf32>
      %swap3A_74 = arith.constant 1 : index
      %swap3A_75 = arith.constant 0 : index
      %swap3A_76 = vector.load %arg15[%swap3A_74, %swap3A_75] : memref<2x128xf32, #tpu.memory_space<vmem>>, vector<1x128xf32>
      tpu.vector_store %arg15[%swap3A_74, %swap3A_75], %add3A_73 {strides = array<i32>} : memref<2x128xf32, #tpu.memory_space<vmem>>, vector<1x128xf32>,
    } else {
    }
    %eq3A_7 = arith.constant 2 : i32
    %eq3A_8 = arith.cmpi eq, %arg0, %eq3A_7 : i32
    %convert_element_type3A_9 = arith.extui %eq3A_8 : i1 to i32
    %cond3A_10 = arith.constant 0 : i32
    %cond3A_11 = arith.cmpi ne, %convert_element_type3A_9, %cond3A_10 : i32
    scf.if %cond3A_11 {
      %mul3A = arith.constant 1000 : i32
      %mul3A_12 = arith.muli %arg1, %mul3A : i32
      %get3A = arith.index_cast %mul3A_12 : i32 to index
      %get3A_13 = arith.constant 0 : index
      %get3A_14 = vector.load %arg13[%get3A, %get3A_13] : memref<10000x128xf32, #tpu.memory_space<vmem>>, vector<1000x128xf32>
      %get3A_15 = arith.constant 0 : index
      %get3A_16 = arith.constant 0 : index
      %get3A_17 = vector.load %arg15[%get3A_15, %get3A_16] : memref<2x128xf32, #tpu.memory_space<vmem>>, vector<1x128xf32>
      %mul3A_18 = arith.constant 9.99999974E-5 : f32
      %mul3A_19 = vector.broadcast %mul3A_18 : f32 to vector<1x128xf32>
      %mul3A_20 = arith.mulf %get3A_17, %mul3A_19 : vector<1x128xf32>
      %get3A_21 = arith.constant 1 : index
      %get3A_22 = arith.constant 0 : index
      %get3A_23 = vector.load %arg15[%get3A_21, %get3A_22] : memref<2x128xf32, #tpu.memory_space<vmem>>, vector<1x128xf32>
      %mul3A_24 = arith.constant 9.99999974E-5 : f32
      %mul3A_25 = vector.broadcast %mul3A_24 : f32 to vector<1x128xf32>
      %mul3A_26 = arith.mulf %get3A_23, %mul3A_25 : vector<1x128xf32>
      %mul3A_27 = arith.mulf %mul3A_20, %mul3A_20 : vector<1x128xf32>
      %sub3A = arith.subf %mul3A_26, %mul3A_27 : vector<1x128xf32>
      %get3A_28 = arith.constant 0 : index
      %get3A_29 = arith.constant 0 : index
      %get3A_30 = vector.load %arg8[%get3A_28, %get3A_29] : memref<1x128xf32, #tpu.memory_space<vmem>>, vector<1x128xf32>
      %sub3A_31 = vector.broadcast %mul3A_20 : vector<1x128xf32> to vector<1000x128xf32>
      %sub3A_32 = arith.subf %get3A_14, %sub3A_31 : vector<1000x128xf32>
      %mul3A_33 = vector.broadcast %get3A_30 : vector<1x128xf32> to vector<1000x128xf32>
      %mul3A_34 = arith.mulf %mul3A_33, %sub3A_32 : vector<1000x128xf32>
      %add3A = arith.constant 9.99999974E-6 : f32
      %add3A_35 = vector.broadcast %add3A : f32 to vector<1x128xf32>
      %add3A_36 = arith.addf %sub3A, %add3A_35 : vector<1x128xf32>
      %sqrt3A = math.sqrt %add3A_36 : vector<1x128xf32>
      %div3A = vector.broadcast %sqrt3A : vector<1x128xf32> to vector<1000x128xf32>
      %div3A_37 = arith.divf %mul3A_34, %div3A : vector<1000x128xf32>
      %get3A_38 = arith.constant 0 : index
      %get3A_39 = arith.constant 0 : index
      %get3A_40 = vector.load %arg9[%get3A_38, %get3A_39] : memref<1x128xf32, #tpu.memory_space<vmem>>, vector<1x128xf32>
      %add3A_41 = vector.broadcast %get3A_40 : vector<1x128xf32> to vector<1000x128xf32>
      %add3A_42 = arith.addf %div3A_37, %add3A_41 : vector<1000x128xf32>
      %max3A = arith.constant 0.000000e+00 : f32
      %max3A_43 = vector.broadcast %max3A : f32 to vector<1000x128xf32>
      %max3A_44 = arith.maximumf %add3A_42, %max3A_43 : vector<1000x128xf32>
      %get3A_45 = arith.constant 0 : index
      %get3A_46 = arith.constant 0 : index
      %get3A_47 = vector.load %arg10[%get3A_45, %get3A_46] : memref<1000x1xf32, #tpu.memory_space<vmem>>, vector<1000x1xf32>
      %mul3A_48 = vector.broadcast %get3A_47 : vector<1000x1xf32> to vector<1000x128xf32>
      %mul3A_49 = arith.mulf %max3A_44, %mul3A_48 : vector<1000x128xf32>
      %swap3A = arith.constant 0 : index
      %swap3A_50 = arith.constant 0 : index
      %swap3A_51 = vector.load %arg11[%swap3A, %swap3A_50] : memref<1000x128xf32, #tpu.memory_space<vmem>>, vector<1000x128xf32>
      tpu.vector_store %arg11[%swap3A, %swap3A_50], %mul3A_49 {strides = array<i32>} : memref<1000x128xf32, #tpu.memory_space<vmem>>, vector<1000x128xf32>,
    } else {
    }
    return
  }
  func.func @transform_0(%arg0: i32, %arg1: i32) -> (i32, i32) {
    %eq3A = arith.constant 0 : i32
    %eq3A_0 = arith.cmpi eq, %arg0, %eq3A : i32
    %convert_element_type3A = arith.extui %eq3A_0 : i1 to i32
    %mul3A = arith.muli %convert_element_type3A, %arg1 : i32
    %c0_i32 = arith.constant 0 : i32
    %c0_i32_1 = arith.constant 0 : i32
    return %mul3A, %c0_i32 : i32, i32
  }
  func.func @transform_1(%arg0: i32, %arg1: i32) -> (i32, i32, i32) {
    %eq3A = arith.constant 0 : i32
    %eq3A_0 = arith.cmpi eq, %arg0, %eq3A : i32
    %convert_element_type3A = arith.extui %eq3A_0 : i1 to i32
    %mul3A = arith.muli %convert_element_type3A, %arg1 : i32
    %c0_i32 = arith.constant 0 : i32
    %c0_i32_1 = arith.constant 0 : i32
    %c0_i32_2 = arith.constant 0 : i32
    return %c0_i32, %mul3A, %c0_i32_1 : i32, i32, i32
  }
  func.func @transform_2(%arg0: i32, %arg1: i32) -> (i32, i32) {
    %c0_i32 = arith.constant 0 : i32
    %c0_i32_0 = arith.constant 0 : i32
    %c0_i32_1 = arith.constant 0 : i32
    return %c0_i32, %c0_i32_0 : i32, i32
  }
  func.func @transform_3(%arg0: i32, %arg1: i32) -> (i32, i32) {
    %c0_i32 = arith.constant 0 : i32
    %c0_i32_0 = arith.constant 0 : i32
    %c0_i32_1 = arith.constant 0 : i32
    return %c0_i32, %c0_i32_0 : i32, i32
  }
  func.func @transform_4(%arg0: i32, %arg1: i32) -> (i32, i32) {
    %c0_i32 = arith.constant 0 : i32
    %c0_i32_0 = arith.constant 0 : i32
    %c0_i32_1 = arith.constant 0 : i32
    return %c0_i32, %c0_i32_0 : i32, i32
  }
  func.func @transform_5(%arg0: i32, %arg1: i32) -> (i32, i32) {
    %c0_i32 = arith.constant 0 : i32
    %c0_i32_0 = arith.constant 0 : i32
    %c0_i32_1 = arith.constant 0 : i32
    return %c0_i32, %c0_i32_0 : i32, i32
  }
  func.func @transform_6(%arg0: i32, %arg1: i32) -> (i32, i32) {
    %c0_i32 = arith.constant 0 : i32
    %c0_i32_0 = arith.constant 0 : i32
    %c0_i32_1 = arith.constant 0 : i32
    return %c0_i32, %c0_i32_0 : i32, i32
  }
  func.func @transform_7(%arg0: i32, %arg1: i32) -> (i32, i32) {
    %c0_i32 = arith.constant 0 : i32
    %c0_i32_0 = arith.constant 0 : i32
    %c0_i32_1 = arith.constant 0 : i32
    return %c0_i32, %c0_i32_0 : i32, i32
  }
  func.func @transform_8(%arg0: i32, %arg1: i32) -> (i32, i32) {
    %eq3A = arith.constant 2 : i32
    %eq3A_0 = arith.cmpi eq, %arg0, %eq3A : i32
    %convert_element_type3A = arith.extui %eq3A_0 : i1 to i32
    %mul3A = arith.muli %convert_element_type3A, %arg1 : i32
    %c0_i32 = arith.constant 0 : i32
    %c0_i32_1 = arith.constant 0 : i32
    return %mul3A, %c0_i32 : i32, i32
  }
  func.func @transform_9(%arg0: i32, %arg1: i32) -> (i32, i32) {
    %eq3A = arith.constant 2 : i32
    %eq3A_0 = arith.cmpi eq, %arg0, %eq3A : i32
    %convert_element_type3A = arith.extui %eq3A_0 : i1 to i32
    %mul3A = arith.muli %convert_element_type3A, %arg1 : i32
    %c0_i32 = arith.constant 0 : i32
    %c0_i32_1 = arith.constant 0 : i32
    return %mul3A, %c0_i32 : i32, i32
  }
}

module attributes {stable_mosaic.version = 14 : i64} {
  func.func @_loss_body(%arg0: memref<10000x128xf32, #tpu.memory_space<vmem>>, %arg1: memref<10000x128xf32, #tpu.memory_space<vmem>>, %arg2: memref<10000x128xf32, #tpu.memory_space<vmem>>, %arg3: memref<10000x1xf32, #tpu.memory_space<vmem>>, %arg4: memref<10000x1xf32, #tpu.memory_space<vmem>>, %arg5: memref<1x1xf32, #tpu.memory_space<vmem>>) attributes {dimension_semantics = [], scalar_prefetch = 0 : i64, scratch_operands = 0 : i64, tpu.core_type = #tpu.core_type<tc>} {
    %get3A = arith.constant 0 : index
    %get3A_0 = arith.constant 0 : index
    %get3A_1 = vector.load %arg0[%get3A, %get3A_0] : memref<10000x128xf32, #tpu.memory_space<vmem>>, vector<10000x128xf32>
    %mul3A = arith.mulf %get3A_1, %get3A_1 : vector<10000x128xf32>
    %reduce_sum3A = arith.constant dense<0.000000e+00> : vector<10000xf32>
    %reduce_sum3A_2 = vector.multi_reduction <add>, %mul3A, %reduce_sum3A [1] : vector<10000x128xf32> to vector<10000xf32>
    %broadcast_in_dim3A = vector.shape_cast %reduce_sum3A_2 : vector<10000xf32> to vector<10000x1xf32>
    %sqrt3A = math.sqrt %broadcast_in_dim3A : vector<10000x1xf32>
    %max3A = arith.constant 9.99999996E-13 : f32
    %max3A_3 = vector.broadcast %max3A : f32 to vector<10000x1xf32>
    %max3A_4 = arith.maximumf %sqrt3A, %max3A_3 : vector<10000x1xf32>
    %div3A = vector.broadcast %max3A_4 : vector<10000x1xf32> to vector<10000x128xf32>
    %div3A_5 = arith.divf %get3A_1, %div3A : vector<10000x128xf32>
    %get3A_6 = arith.constant 0 : index
    %get3A_7 = arith.constant 0 : index
    %get3A_8 = vector.load %arg1[%get3A_6, %get3A_7] : memref<10000x128xf32, #tpu.memory_space<vmem>>, vector<10000x128xf32>
    %mul3A_9 = arith.mulf %get3A_8, %get3A_8 : vector<10000x128xf32>
    %reduce_sum3A_10 = arith.constant dense<0.000000e+00> : vector<10000xf32>
    %reduce_sum3A_11 = vector.multi_reduction <add>, %mul3A_9, %reduce_sum3A_10 [1] : vector<10000x128xf32> to vector<10000xf32>
    %broadcast_in_dim3A_12 = vector.shape_cast %reduce_sum3A_11 : vector<10000xf32> to vector<10000x1xf32>
    %sqrt3A_13 = math.sqrt %broadcast_in_dim3A_12 : vector<10000x1xf32>
    %max3A_14 = arith.constant 9.99999996E-13 : f32
    %max3A_15 = vector.broadcast %max3A_14 : f32 to vector<10000x1xf32>
    %max3A_16 = arith.maximumf %sqrt3A_13, %max3A_15 : vector<10000x1xf32>
    %div3A_17 = vector.broadcast %max3A_16 : vector<10000x1xf32> to vector<10000x128xf32>
    %div3A_18 = arith.divf %get3A_8, %div3A_17 : vector<10000x128xf32>
    %get3A_19 = arith.constant 0 : index
    %get3A_20 = arith.constant 0 : index
    %get3A_21 = vector.load %arg2[%get3A_19, %get3A_20] : memref<10000x128xf32, #tpu.memory_space<vmem>>, vector<10000x128xf32>
    %mul3A_22 = arith.mulf %get3A_21, %get3A_21 : vector<10000x128xf32>
    %reduce_sum3A_23 = arith.constant dense<0.000000e+00> : vector<10000xf32>
    %reduce_sum3A_24 = vector.multi_reduction <add>, %mul3A_22, %reduce_sum3A_23 [1] : vector<10000x128xf32> to vector<10000xf32>
    %broadcast_in_dim3A_25 = vector.shape_cast %reduce_sum3A_24 : vector<10000xf32> to vector<10000x1xf32>
    %sqrt3A_26 = math.sqrt %broadcast_in_dim3A_25 : vector<10000x1xf32>
    %max3A_27 = arith.constant 9.99999996E-13 : f32
    %max3A_28 = vector.broadcast %max3A_27 : f32 to vector<10000x1xf32>
    %max3A_29 = arith.maximumf %sqrt3A_26, %max3A_28 : vector<10000x1xf32>
    %div3A_30 = vector.broadcast %max3A_29 : vector<10000x1xf32> to vector<10000x128xf32>
    %div3A_31 = arith.divf %get3A_21, %div3A_30 : vector<10000x128xf32>
    %mul3A_32 = arith.mulf %div3A_18, %div3A_5 : vector<10000x128xf32>
    %reduce_sum3A_33 = arith.constant dense<0.000000e+00> : vector<10000xf32>
    %reduce_sum3A_34 = vector.multi_reduction <add>, %mul3A_32, %reduce_sum3A_33 [1] : vector<10000x128xf32> to vector<10000xf32>
    %broadcast_in_dim3A_35 = vector.shape_cast %reduce_sum3A_34 : vector<10000xf32> to vector<10000x1xf32>
    %mul3A_36 = arith.mulf %div3A_31, %div3A_5 : vector<10000x128xf32>
    %reduce_sum3A_37 = arith.constant dense<0.000000e+00> : vector<10000xf32>
    %reduce_sum3A_38 = vector.multi_reduction <add>, %mul3A_36, %reduce_sum3A_37 [1] : vector<10000x128xf32> to vector<10000xf32>
    %broadcast_in_dim3A_39 = vector.shape_cast %reduce_sum3A_38 : vector<10000xf32> to vector<10000x1xf32>
    %mul3A_40 = arith.mulf %div3A_31, %div3A_18 : vector<10000x128xf32>
    %reduce_sum3A_41 = arith.constant dense<0.000000e+00> : vector<10000xf32>
    %reduce_sum3A_42 = vector.multi_reduction <add>, %mul3A_40, %reduce_sum3A_41 [1] : vector<10000x128xf32> to vector<10000xf32>
    %broadcast_in_dim3A_43 = vector.shape_cast %reduce_sum3A_42 : vector<10000xf32> to vector<10000x1xf32>
    %get3A_44 = arith.constant 0 : index
    %get3A_45 = arith.constant 0 : index
    %get3A_46 = vector.load %arg3[%get3A_44, %get3A_45] : memref<10000x1xf32, #tpu.memory_space<vmem>>, vector<10000x1xf32>
    %sub3A = arith.constant 1.000000e+00 : f32
    %sub3A_47 = vector.broadcast %sub3A : f32 to vector<10000x1xf32>
    %sub3A_48 = arith.subf %sub3A_47, %broadcast_in_dim3A_35 : vector<10000x1xf32>
    %mul3A_49 = arith.mulf %get3A_46, %sub3A_48 : vector<10000x1xf32>
    %reduce_sum3A_50 = vector.shape_cast %mul3A_49 : vector<10000x1xf32> to vector<1x10000x1xf32>
    %reduce_sum3A_51 = arith.constant dense<0.000000e+00> : vector<1xf32>
    %reduce_sum3A_52 = vector.multi_reduction <add>, %reduce_sum3A_50, %reduce_sum3A_51 [1, 2] : vector<1x10000x1xf32> to vector<1xf32>
    %reduce_sum3A_53 = vector.shape_cast %reduce_sum3A_52 : vector<1xf32> to vector<1x1x1xf32>
    %reduce_sum3A_54 = vector.extract %reduce_sum3A_53[0, 0, 0] : f32 from vector<1x1x1xf32>
    %div3A_55 = arith.constant 5.000000e+03 : f32
    %div3A_56 = arith.divf %reduce_sum3A_54, %div3A_55 : f32
    %get3A_57 = arith.constant 0 : index
    %get3A_58 = arith.constant 0 : index
    %get3A_59 = vector.load %arg4[%get3A_57, %get3A_58] : memref<10000x1xf32, #tpu.memory_space<vmem>>, vector<10000x1xf32>
    %sub3A_60 = arith.constant 1.000000e+00 : f32
    %sub3A_61 = vector.broadcast %sub3A_60 : f32 to vector<10000x1xf32>
    %sub3A_62 = arith.subf %sub3A_61, %broadcast_in_dim3A_39 : vector<10000x1xf32>
    %mul3A_63 = arith.mulf %get3A_59, %sub3A_62 : vector<10000x1xf32>
    %reduce_sum3A_64 = vector.shape_cast %mul3A_63 : vector<10000x1xf32> to vector<1x10000x1xf32>
    %reduce_sum3A_65 = arith.constant dense<0.000000e+00> : vector<1xf32>
    %reduce_sum3A_66 = vector.multi_reduction <add>, %reduce_sum3A_64, %reduce_sum3A_65 [1, 2] : vector<1x10000x1xf32> to vector<1xf32>
    %reduce_sum3A_67 = vector.shape_cast %reduce_sum3A_66 : vector<1xf32> to vector<1x1x1xf32>
    %reduce_sum3A_68 = vector.extract %reduce_sum3A_67[0, 0, 0] : f32 from vector<1x1x1xf32>
    %div3A_69 = arith.constant 5.000000e+03 : f32
    %div3A_70 = arith.divf %reduce_sum3A_68, %div3A_69 : f32
    %sub3A_71 = arith.constant 1.000000e+00 : f32
    %sub3A_72 = vector.broadcast %sub3A_71 : f32 to vector<10000x1xf32>
    %sub3A_73 = arith.subf %sub3A_72, %broadcast_in_dim3A_43 : vector<10000x1xf32>
    %reduce_sum3A_74 = vector.shape_cast %sub3A_73 : vector<10000x1xf32> to vector<1x10000x1xf32>
    %reduce_sum3A_75 = arith.constant dense<0.000000e+00> : vector<1xf32>
    %reduce_sum3A_76 = vector.multi_reduction <add>, %reduce_sum3A_74, %reduce_sum3A_75 [1, 2] : vector<1x10000x1xf32> to vector<1xf32>
    %reduce_sum3A_77 = vector.shape_cast %reduce_sum3A_76 : vector<1xf32> to vector<1x1x1xf32>
    %reduce_sum3A_78 = vector.extract %reduce_sum3A_77[0, 0, 0] : f32 from vector<1x1x1xf32>
    %div3A_79 = arith.constant 1.000000e+04 : f32
    %div3A_80 = arith.divf %reduce_sum3A_78, %div3A_79 : f32
    %add3A = arith.addf %div3A_56, %div3A_70 : f32
    %mul3A_81 = arith.constant 1.000000e-01 : f32
    %mul3A_82 = arith.mulf %mul3A_81, %div3A_80 : f32
    %add3A_83 = arith.addf %add3A, %mul3A_82 : f32
    %reshape3A = vector.broadcast %add3A_83 : f32 to vector<1x1xf32>
    %swap3A = arith.constant 0 : index
    %swap3A_84 = arith.constant 0 : index
    %swap3A_85 = vector.load %arg5[%swap3A, %swap3A_84] : memref<1x1xf32, #tpu.memory_space<vmem>>, vector<1x1xf32>
    tpu.vector_store %arg5[%swap3A, %swap3A_84], %reshape3A {strides = array<i32>} : memref<1x1xf32, #tpu.memory_space<vmem>>, vector<1x1xf32>,
    return
  }
}

</mosaic_0001>

<sc_bundles>
// kernel: kernel.19.cloned.1.call-start
scs
__scs_entry_jumppad:
0x0: {  	(pc) =	sbr.rel $0x88, $3  }
0x1: {  	(tag) =	ssettag $0x0;
	lr =	simm.s32 $0x1  }
0x2: {  	[smem:$0x3F8D] =	sst lr;
	_ =	strace $0xD0000000  }
0x3: {  	_ = 	snop  }
0x4: {  	_ = 	snop  }
0x5: {  	_ = 	snop  }
0x6: {  	_ = 	snop  }
0x7: {  	_ = 	snop  }
__scs_overlays_trampoline_lowered:
0x8: {  	[smem:$0x3F9C] =	sst s0  }
0x9: {  	[smem:$0x3F9D] =	sst s1  }
0xa: {  	[smem:$0x3F9E] =	sst s2  }
0xb: {  	[smem:$0x3F9F] =	sst s3  }
0xc: {  	[smem:$0x3FA0] =	sst s4  }
0xd: {  	[smem:$0x3FA1] =	sst s5  }
0xe: {  	[smem:$0x3FA2] =	sst s6  }
0xf: {  	[smem:$0x3FA3] =	sst s7  }
0x10: {  	[smem:$0x3FA4] =	sst s8  }
0x11: {  	[smem:$0x3FA5] =	sst s9;
	s0 =	simm.s32 @!p0 $0x0  }
0x12: {  	s1 =	sld [smem:$0x3F8B];
	s0 =	simm.s32 @p0 $0x1  }
0x13: {  	[smem:$0x3FA6] =	sst s0;
	s0 =	simm.s32 @!p1 $0x0  }
0x14: {  	s2 =	sld [smem:$0x3F8A];
	s0 =	simm.s32 @p1 $0x1  }
0x15: {  	[smem:$0x3FA7] =	sst s0;
	s0 =	simm.s32 @!p2 $0x0  }
0x16: {  	s3 =	sld [smem:$0x3FDB];
	s0 =	simm.s32 @p2 $0x1  }
0x17: {  	s4 =	simm.s32 $0x1BF5;
	[smem:$0x3FA9] =	sst s0  }
0x18: {  	s0 =	sld [smem:$0x3F8C];
	_ =	swait.ge [sflag:s4], $0x0  }
0x19: {  	s7 =	sld [smem:$0x3F8D]  }
0x1a: {  	s8 =	sadd.s32 $0xFFFFE003, lr  }
0x1b: {  	s9 =	sadd.s32 $0xFFFFFEF7, lr;
	s5 =	simm.s32 $0xFFFFFFFF;
	p2 =	slt.u32 s8, $0xFFFFF086  }
0x1c: {  	p1 =	slt.u32 s9, $0xF7A;
	s5 =	simm.s32 @!p2 $0x0  }
0x1d: {  	s5 =	simm.s32 @p1 $0x1;
	p0 =	seq.s32 s7, s2  }
0x1e: {  	s7 =	smul.u32 @!p0 $0xF7A, s2;
	p2 =	seq.s32 @!p0 s5, $0x0  }
0x1f: {  	s9 =	smul.u32 $0xF7A, s1;
	s8 =	simm.s32 @!p0 $0x1BF5;
	p2 =	por !p2, p0  }
0x20: {  	[sflag:s8] =	ssyncset.s32 @!p0 $0xFFFFF086;
	s6 =	sadd.s32 @!p0 s3, s7;
	s7 =	simm.s32 @!p0 $0x108  }
0x21: {  	s3 =	sadd.s32 s3, s9;
	s6 =	sadd.s32 @!p0 $0x88, s6;
	s7 =	simm.s32 @p2 $0x1082  }
0x22: {  	[simem:s7], [sflag:s8] =	dma.local @!p0 [hbm:s6], $0xF7A  }
0x23: {  	s9 =	sor.u32 $0xD0000000, s2;
	s6 =	simm.s32 $0x108;
	_ =	swait.ge @!p0 [sflag:s8], $0x0  }
0x24: {  	s3 =	sadd.s32 $0x88, s3;
	s6 =	simm.s32 @!p1 $0x1082;
	[sflag:s4] =	ssyncset.s32 $0xFFFFF086  }
0x25: {  	[simem:s6], [sflag:s4] =	dma.local [hbm:s3], $0xF7A  }
0x26: {  	[smem:$0x3F8D] =	sst s1;
	(tag) =	ssettag s2;
	_ =	strace s9  }
0x27: {  	s1 =	sld [smem:$0x3F9D]  }
0x28: {  	s2 =	sld [smem:$0x3F9E]  }
0x29: {  	s4 =	sld [smem:$0x3FA0]  }
0x2a: {  	p0 =	seq.s32 s5, $0x0;
	s5 =	sld [smem:$0x3FA1]  }
0x2b: {  	s6 =	sld [smem:$0x3FA2]  }
0x2c: {  	s7 =	sld [smem:$0x3FA3]  }
0x2d: {  	s3 =	simm.s32 $0x108;
	s8 =	sld [smem:$0x3FA4]  }
0x2e: {  	s3 =	simm.s32 @!p0 $0x1082;
	s9 =	sld [smem:$0x3FA5]  }
0x2f: {  	lr =	sadd.s32 s0, s3;
	s0 =	sld [smem:$0x3F9C]  }
0x30: {  	s3 =	sld [smem:$0x3F9F]  }
0x31: {  	[smem:$0x3FA8] =	sst s10  }
0x32: {  	s10 =	sld [smem:$0x3FA6];
	_ =	sdelay $0x3  }
0x33: {  	p0 =	seq.s32 s10, $0x1;
	s10 =	sld [smem:$0x3FA8];
	_ =	sdelay $0x3  }
0x34: {  	[smem:$0x3FA8] =	sst s10  }
0x35: {  	s10 =	sld [smem:$0x3FA7];
	_ =	sdelay $0x3  }
0x36: {  	p1 =	seq.s32 s10, $0x1;
	s10 =	sld [smem:$0x3FA8];
	_ =	sdelay $0x3  }
0x37: {  	[smem:$0x3FA8] =	sst s10  }
0x38: {  	s10 =	sld [smem:$0x3FA9]  }
0x39: {  	_ = 	snop;
	(pc) =	sbr.ind lr, $3  }
0x3a: {  	_ = 	snop  }
0x3b: {  	_ = 	snop  }
0x3c: {  	p2 =	seq.s32 s10, $0x1;
	s10 =	sld [smem:$0x3FA8]  }
0x3d: {  	_ =	shalt  }
0x3e: {  	_ =	shalt  }
0x3f: {  	_ =	shalt  }
0x40: {  	_ =	shalt  }
0x41: {  	_ =	shalt  }
0x42: {  	_ =	shalt  }
0x43: {  	_ =	shalt  }
0x44: {  	_ =	shalt  }
0x45: {  	_ =	shalt  }
0x46: {  	_ =	shalt  }
0x47: {  	_ =	shalt  }
0x48: {  	_ =	shalt  }
0x49: {  	_ =	shalt  }
0x4a: {  	_ =	shalt  }
0x4b: {  	_ =	shalt  }
0x4c: {  	_ =	shalt  }
0x4d: {  	_ =	shalt  }
0x4e: {  	_ =	shalt  }
0x4f: {  	_ =	shalt  }
0x50: {  	_ =	shalt  }
0x51: {  	_ =	shalt  }
0x52: {  	_ =	shalt  }
0x53: {  	_ =	shalt  }
0x54: {  	_ =	shalt  }
0x55: {  	_ =	shalt  }
0x56: {  	_ =	shalt  }
0x57: {  	_ =	shalt  }
0x58: {  	_ =	shalt  }
0x59: {  	_ =	shalt  }
0x5a: {  	_ =	shalt  }
0x5b: {  	_ =	shalt  }
0x5c: {  	_ =	shalt  }
0x5d: {  	_ =	shalt  }
0x5e: {  	_ =	shalt  }
0x5f: {  	_ =	shalt  }
0x60: {  	_ =	shalt  }
0x61: {  	_ =	shalt  }
0x62: {  	_ =	shalt  }
0x63: {  	_ =	shalt  }
0x64: {  	_ =	shalt  }
0x65: {  	_ =	shalt  }
0x66: {  	_ =	shalt  }
0x67: {  	_ =	shalt  }
0x68: {  	_ =	shalt  }
0x69: {  	_ =	shalt  }
0x6a: {  	_ =	shalt  }
0x6b: {  	_ =	shalt  }
0x6c: {  	_ =	shalt  }
0x6d: {  	_ =	shalt  }
0x6e: {  	_ =	shalt  }
0x6f: {  	_ =	shalt  }
0x70: {  	_ =	shalt  }
0x71: {  	_ =	shalt  }
0x72: {  	_ =	shalt  }
0x73: {  	_ =	shalt  }
0x74: {  	_ =	shalt  }
0x75: {  	_ =	shalt  }
0x76: {  	_ =	shalt  }
0x77: {  	_ =	shalt  }
0x78: {  	_ =	shalt  }
0x79: {  	_ =	shalt  }
0x7a: {  	_ =	shalt  }
0x7b: {  	_ =	shalt  }
0x7c: {  	_ =	shalt  }
0x7d: {  	_ =	shalt  }
0x7e: {  	_ =	shalt  }
0x7f: {  	_ =	shalt  }
0x80: {  	_ =	shalt  }
0x81: {  	_ =	shalt  }
0x82: {  	_ =	shalt  }
0x83: {  	_ =	shalt  }
0x84: {  	_ =	shalt  }
0x85: {  	_ =	shalt  }
0x86: {  	_ =	shalt  }
0x87: {  	_ =	shalt  }
.Lfunc_end0:
.L_simem_size_0:
called_computation.2_lowered:
.L_overlay_start_0:
0x88: {  	s2 =	sld [smem:$0x3FD9]  }
0x89: {  	s3 =	sld [smem:$0x3FFE];
	_ =	sdelay $0x1  }
0x8a: {  	s1 =	srdreg.scid  }
0x8b: {  	s0 =	sand.u32 $0x1, s1  }
0x8c: {  	s17 =	sshll.u32 s0, $0xA;
	s2 =	sadd.s32 s3, s2  }
0x8d: {  	s2 =	sadd.s32 s2, s17  }
0x8e: {  	[smem:$0x3FB4] =	sst s2  }
0x8f: {  	_ = 	snop  }
0x90: {  	(tm) =	ssettm $0x1  }
0x91: {  	s18 =	sld [smem:$0x3FFB];
	_ =	sdelay $0x3  }
0x92: {  	_ =	strace s18  }
0x93: {  	s2 =	sld [smem:$0x3FFC];
	_ =	sdelay $0x3  }
0x94: {  	_ =	strace s2  }
0x95: {  	s2 =	sld [smem:$0x3FFD];
	_ =	sdelay $0x3  }
0x96: {  	_ =	strace s2  }
0x97: {  	_ =	strace $0x8FFFFFFF  }
0x98: {  	s19 =	sld [smem:$0x3FDB];
	_ =	sdelay $0x1  }
0x99: {  	s20 =	simm.s32 $_scs_section_size  }
0x9a: {  	s4 =	simm.s32 $_size__tile_overlayer_lowered;
	s5 =	simm.s32 $_tile_overlayer_lowered  }
0x9b: {  	s6 =	simm.s32 $0x1BFF;
	s21 =	sshll.u32 s5, $0x1;
	s3 =	sadd.s32 s20, s19  }
0x9c: {  	s22 =	simm.s32 $0x0;
	s4 =	sshll.u32 s4, $0x1;
	s5 =	sadd.s32 s21, s3  }
0x9d: {  	[timem:s22], [sflag:s6] =	dma.local [hbm:s5], s4  }
0x9e: {  	_ =	swait.ge [sflag:s6], s4  }
0x9f: {  	s4 =	ssub.s32 $0x0, s4;
	[sflag:s6] =	ssyncset.done $0x0  }
0xa0: {  	[sflag:s6] =	ssyncadd.s32 s4;
	_ =	sdelay $0x1  }
0xa1: {  	s23 =	simm.s32 $0x1B8B  }
0xa2: {  	_ =	swait.ge [sflag:s23], $0x1  }
0xa3: {  	[sflag:s23] =	ssyncset.done $0x0  }
0xa4: {  	[sflag:s23] =	ssyncadd.s32 $0xFFFFFFFF  }
0xa5: {  	s4 =	sld [smem:$0x0]  }
0xa6: {  	s5 =	sand.u32 $0xFFFFFFFE, s1  }
0xa7: {  	p0 =	sne.s32 s1, s5  }
0xa8: {  	s5 =	sshll.u32 @p0 s5, $0xE  }
0xa9: {  	s5 =	sadd.s32 @p0 $0x11B8D, s5;
	s6 =	sshll.u32 @p0 s4, $0x11  }
0xaa: {  	s5 =	sor.u32 @p0 s6, s5  }
0xab: {  	[sflag:s5] =	ssyncadd.remote.s32 @p0 $0x1;
	_ =	sdelay $0x1  }
0xac: {  	s5 =	simm.s32 @p0 $0x1B8D  }
0xad: {  	_ =	swait.eq @p0 [sflag:s5], $0x1  }
0xae: {  	[sflag:s5] =	ssyncadd.s32 @p0 $0xFFFFFFFF  }
0xaf: {  	s6 =	sshll.u32 @!p0 s1, $0xE  }
0xb0: {  	s6 =	sor.u32 @!p0 $0x4000, s6;
	s5 =	simm.s32 @!p0 $0x1B8D  }
0xb1: {  	s4 =	sshll.u32 @!p0 s4, $0x11;
	s6 =	sadd.s32 @!p0 $0x11B8D, s6;
	_ =	swait.eq @!p0 [sflag:s5], $0x1  }
0xb2: {  	s4 =	sor.u32 @!p0 s4, s6;
	[sflag:s5] =	ssyncadd.s32 @!p0 $0xFFFFFFFF  }
0xb3: {  	s25 =	simm.s32 $0x1B8E;
	s24 =	sld [smem:$0x3FFE];
	[sflag:s4] =	ssyncadd.remote.s32 @!p0 $0x1  }
0xb4: {  	s26 =	simm.s32 $execute0_lowered;
	[smem:$0x3FD2] =	sst s25  }
0xb5: {  	s5 =	sshll.u32 s26, $0x1;
	_ =	strace $0x80000052;
	[dreg:$0x1] =	wrdreg $0xFFFFFFFF  }
0xb6: {  	s28 =	simm.s32 $_size_execute0_lowered;
	s3 =	sadd.s32 s3, s5;
	[dreg:$0x0] =	wrdreg $0x0  }
0xb7: {  	s5 =	sshll.u32 s28, $0x1;
	[dreg:$0x2] =	wrdreg s3  }
0xb8: {  	[dreg:$0x3] =	wrdreg s5  }
0xb9: {  	[dreg:$0x4] =	wrdreg $0xC0  }
0xba: {  	_ =	task [dreg:s22], $0x5FFFF  }
0xbb: {  	[dreg:$0x1] =	wrdreg $0xFFFFFFFF  }
0xbc: {  	[dreg:$0x0] =	wrdreg $0x60  }
0xbd: {  	[dreg:$0x2] =	wrdreg s24  }
0xbe: {  	[dreg:$0x3] =	wrdreg $0xA0000  }
0xbf: {  	[dreg:$0x4] =	wrdreg $0x9  }
0xc0: {  	_ =	task.clear_ibuf [dreg:s22], $0x5FFFF;
	_ =	strace $0x90000052  }
0xc1: {  	s29 =	simm.s32 $0x9;
	_ =	strace $0x80000054  }
0xc2: {  	_ =	swait.ge [sflag:s29], $0x1  }
0xc3: {  	[sflag:s29] =	ssyncadd.s32 $0xFFFFFFFF  }
0xc4: {  	_ =	strace $0x90000054  }
0xc5: {  	_ =	sfence  }
0xc6: {  	s30 =	sld [smem:$0x0];
	_ =	sdelay $0x2  }
0xc7: {  	s31 =	sshll.u32 s1, $0xD;
	s1 =	sshrl.u32 s1, $0x2  }
0xc8: {  	s4 =	sand.u32 $0x4000, s31;
	s1 =	sadd.s32 s1, s30  }
0xc9: {  	s0 =	sor.u32 s4, s0;
	s1 =	sshll.u32 s1, $0x11  }
0xca: {  	s0 =	sor.u32 s1, s0  }
0xcb: {  	s0 =	sadd.s32 $0x8F2B, s0  }
0xcc: {  	[sflag:s0] =	ssyncadd.remote.s32 $0x1  }
0xcd: {  	_ =	sfence.sel $0xFFFF  }
0xce: {  	[dreg:$0x0] =	wrdreg $0xFFFFFFFF;
	(pc) =	sbr.abs _section_cstart, $3  }
0xcf: {  	[dreg:$0x1] =	wrdreg $0xFFFFFFFF  }
0xd0: {  	_ =	task.clear_ibuf [dreg:s22], $0x2FFFF;
	_ =	strace $0x9FFFFFFF  }
0xd1: {  	(tm) =	ssettm $0x7FFFFFFF  }
tec
execute0_lowered:
.L_overlay_start_1:
0x0: {  	(tag) =	ssettag $0x1  }
0x1: {  	s8 =	rddreg [dreg:$0x0]  }
0x2: {  	s1 =	rddreg [dreg:$0x1]  }
0x3: {  	s0 =	rddreg [dreg:$0x2];
	s3 =	simm.s32 $0x0;
	s2 =	srdreg.scid  }
0x4: {  	s14 =	simm.s32 $0x1000;
	s15 =	simm.s32 $0x80;
	s16 =	simm.s32 $0x2000  }
0x5: {  	s17 =	simm.s32 $0x6000;
	s18 =	simm.s32 $0x1;
	s19 =	simm.s32 $0x2  }
0x6: {  	s20 =	simm.s32 $0x1F00;
	s21 =	simm.s32 $0x1F80;
	[smem:$0x7FF] =	sst s3  }
0x7: {  	s9 =	sand.u32 $0x1, s2;
	s2 =	stileid.u32;
	s4 =	sadd.s32 $0x3FE00, s8  }
0x8: {  	s5 =	sadd.s32 $0x93E00, s8;
	s6 =	sadd.s32 $0xF6E00, s8;
	s10 =	smul.u32 $0x13C000, s9  }
0x9: {  	s7 =	sadd.s32 $0x53E00, s8;
	_ =	strace $0x80000053;
	s11 =	smul.u32 $0x13C00, s2  }
0xa: {  	s28 =	ssub.s32 $0x2, s9;
	s13 =	smul.u32 $0x4F000, s2;
	s29 =	sshll.u32 s2, $0x1  }
0xb: {  	s31 =	sshll.u32 s2, $0x6;
	s12 =	sshrl.u32 s28, $0x1;
	s9 =	sor.u32 s9, s29  }
0xc: {  	s10 =	sadd.s32 s11, s10;
	s11 =	ssub.s32 s28, s12;
	s30 =	sshrl.u32 s13, $0x2  }
0xd: {  	s9 =	smul.u32 $0x5000, s9;
	s10 =	sshrl.u32 s10, $0x3;
	s13 =	sadd.s32 s30, s1  }
0xe: {  	s11 =	smax.u32 s11, $0x1;
	s10 =	sadd.s32 s10, s8;
	s8 =	sor.u32 $0x1C03, s31  }
0xf: {  	s12 =	sshrl.u32 s13, $0x3;
	s13 =	simm.s32 $0x3;
	s10 =	sadd.s32 $0x11E000, s10  }
.LBB2_1:
0x10: {  	[spmem:s12], [sflag:s8] =	dma.local [hbm:s7], $0x2780  }
0x11: {  	_ =	swait.ge [sflag:s13], $0x2780  }
0x12: {  	[sflag:s13] =	ssyncset.done $0x0  }
0x13: {  	[sflag:s13] =	ssyncadd.s32 $0xFFFFD880  }
0x14: {  	s22 =	simm.s32 $0x0;
	[bflag:$0x0] =	sbarrier.arrive $0xFFFF  }
.LBB2_2:
0x15: {  	s23 =	sshll.u32 s22, $0xC  }
0x16: {  	s23 =	sadd.s32 s9, s23  }
0x17: {  	s23 =	sshrl.u32 s23, $0x3  }
0x18: {  	s25 =	simm.s32 $0x0;
	s24 =	sadd.s32 s4, s23  }
0x19: {  	[tilespmem:s25], [sflag:$0x3] =	stream.linear.gather [hbm4b:s24+s25], $0x1000, $0x38;
	[tilespmem:$0x1DC00] =	vst v63  }
0x1a: {  	_ =	swait.ge [sflag:s13], $0x1000  }
0x1b: {  	[sflag:s13] =	ssyncset.done $0x0  }
0x1c: {  	s23 =	sadd.s32 s5, s23;
	[sflag:s13] =	ssyncadd.s32 $0xFFFFF000  }
0x1d: {  	[tilespmem:s14], [sflag:$0x3] =	stream.linear.gather [hbm4b:s23+s25], $0x1000, $0x38;
	[tilespmem:$0x1DC00] =	vst v63  }
0x1e: {  	_ =	swait.ge [sflag:s13], $0x1000  }
0x1f: {  	[sflag:s13] =	ssyncset.done $0x0  }
0x20: {  	[sflag:s13] =	ssyncadd.s32 $0xFFFFF000  }
0x21: {  	[tilespmem:s16], [sflag:$0x1] =	stream.indirect.gather [hbm4b:s6+s15], $0x80, s25, s15, $0xb8;
	[tilespmem:$0x1DC00] =	vst v63  }
0x22: {  	_ = 	snop  }
0x23: {  	[tilespmem:s17], [sflag:$0x2] =	stream.indirect.gather [hbm4b:s6+s15], $0x80, s15, s15, $0xb8;
	[tilespmem:$0x1DC00] =	vst v63  }
0x24: {  	_ =	swait.ge [sflag:s18], $0x4000  }
0x25: {  	[sflag:s18] =	ssyncset.done $0x0  }
0x26: {  	s29 =	simm.s32 $0x1000;
	[sflag:s18] =	ssyncadd.s32 $0xFFFFC000  }
0x27: {  	[spmem:s1] =	stream.indirect.scatter.add.f32 [tilespmem:s16], [sflag:$0x3], $0x80, s29, s15, $0xb8;
	[tilespmem:$0x1DC00] =	vst v63  }
0x28: {  	_ =	swait.ge [sflag:s13], $0x4000  }
0x29: {  	[sflag:s13] =	ssyncset.done $0x0  }
0x2a: {  	s30 =	simm.s32 $0x100;
	[sflag:s13] =	ssyncadd.s32 $0xFFFFC000  }
0x2b: {  	[tilespmem:s16], [sflag:$0x1] =	stream.indirect.gather [hbm4b:s6+s15], $0x80, s30, s15, $0xb8;
	[tilespmem:$0x1DC00] =	vst v63  }
0x2c: {  	_ =	swait.ge [sflag:s19], $0x4000  }
0x2d: {  	[sflag:s19] =	ssyncset.done $0x0  }
0x2e: {  	s31 =	simm.s32 $0x1080;
	[sflag:s19] =	ssyncadd.s32 $0xFFFFC000  }
0x2f: {  	[spmem:s1] =	stream.indirect.scatter.add.f32 [tilespmem:s17], [sflag:$0x3], $0x80, s31, s15, $0xb8;
	[tilespmem:$0x1DC00] =	vst v63  }
0x30: {  	_ =	swait.ge [sflag:s13], $0x4000  }
0x31: {  	[sflag:s13] =	ssyncset.done $0x0  }
0x32: {  	s24 =	simm.s32 $0x180;
	s23 =	simm.s32 $0x400;
	[sflag:s13] =	ssyncadd.s32 $0xFFFFC000  }
.LBB2_3:
0x33: {  	[tilespmem:s17], [sflag:$0x2] =	stream.indirect.gather [hbm4b:s6+s15], $0x80, s24, s15, $0xb8;
	[tilespmem:$0x1DC00] =	vst v63  }
0x34: {  	s24 =	smov.u32 s23  }
0x35: {  	p0 =	sne.s32 s23, $0x3800;
	s23 =	sadd.s32 $0x400, s23;
	_ =	swait.ge [sflag:s18], $0x4000  }
0x36: {  	s24 =	sshra.s32 s24, $0x2;
	[sflag:s18] =	ssyncset.done $0x0  }
0x37: {  	s25 =	sadd.s32 $0x1000, s24;
	[sflag:s18] =	ssyncadd.s32 $0xFFFFC000  }
0x38: {  	[spmem:s1] =	stream.indirect.scatter.add.f32 [tilespmem:s16], [sflag:$0x3], $0x80, s25, s15, $0xb8;
	[tilespmem:$0x1DC00] =	vst v63  }
0x39: {  	_ =	swait.ge [sflag:s13], $0x4000  }
0x3a: {  	[sflag:s13] =	ssyncset.done $0x0  }
0x3b: {  	s25 =	sadd.s32 $0x100, s24;
	[sflag:s13] =	ssyncadd.s32 $0xFFFFC000  }
0x3c: {  	[tilespmem:s16], [sflag:$0x1] =	stream.indirect.gather [hbm4b:s6+s15], $0x80, s25, s15, $0xb8;
	[tilespmem:$0x1DC00] =	vst v63  }
0x3d: {  	_ =	swait.ge [sflag:s19], $0x4000  }
0x3e: {  	[sflag:s19] =	ssyncset.done $0x0  }
.Ltmp0:
0x3f: {  	s25 =	sadd.s32 $0x1080, s24;
	[sflag:s19] =	ssyncadd.s32 $0xFFFFC000;
	(pc) =	sbr.rel @p0 .LBB2_3-.Ltmp0, $4  }
0x40: {  	[spmem:s1] =	stream.indirect.scatter.add.f32 [tilespmem:s17], [sflag:$0x3], $0x80, s25, s15, $0xb8;
	[tilespmem:$0x1DC00] =	vst v63  }
0x41: {  	_ =	swait.ge [sflag:s13], $0x4000  }
0x42: {  	[sflag:s13] =	ssyncset.done $0x0  }
0x43: {  	s24 =	sadd.s32 $0x180, s24;
	[sflag:s13] =	ssyncadd.s32 $0xFFFFC000  }
0x44: {  	[tilespmem:s17], [sflag:$0x2] =	stream.indirect.gather [hbm4b:s6+s15], $0x80, s24, s15, $0xb8;
	[tilespmem:$0x1DC00] =	vst v63  }
0x45: {  	_ =	swait.ge [sflag:s18], $0x4000  }
0x46: {  	[sflag:s18] =	ssyncset.done $0x0  }
0x47: {  	[sflag:s18] =	ssyncadd.s32 $0xFFFFC000  }
0x48: {  	[spmem:s1] =	stream.indirect.scatter.add.f32 [tilespmem:s16], [sflag:$0x3], $0x80, s20, s15, $0xb8;
	[tilespmem:$0x1DC00] =	vst v63  }
0x49: {  	_ =	swait.ge [sflag:s13], $0x4000  }
0x4a: {  	[sflag:s13] =	ssyncset.done $0x0  }
0x4b: {  	[sflag:s13] =	ssyncadd.s32 $0xFFFFC000  }
0x4c: {  	s22 =	sadd.s32 $0x1, s22;
	_ =	swait.ge [sflag:s19], $0x4000  }
0x4d: {  	p0 =	sne.s32 s22, $0x5;
	[sflag:s19] =	ssyncset.done $0x0  }
.Ltmp1:
0x4e: {  	[sflag:s19] =	ssyncadd.s32 $0xFFFFC000;
	(pc) =	sbr.rel @p0 .LBB2_2-.Ltmp1, $4  }
0x4f: {  	[spmem:s1] =	stream.indirect.scatter.add.f32 [tilespmem:s17], [sflag:$0x3], $0x80, s21, s15, $0xb8;
	[tilespmem:$0x1DC00] =	vst v63  }
0x50: {  	_ =	swait.ge [sflag:s13], $0x4000  }
0x51: {  	[sflag:s13] =	ssyncset.done $0x0  }
0x52: {  	[sflag:s13] =	ssyncadd.s32 $0xFFFFC000  }
0x53: {  	s3 =	sadd.s32 $0x1, s3  }
0x54: {  	p0 =	sne.s32 s3, s11  }
.Ltmp2:
0x55: {  	[bflag:$0x0] =	sbarrier.arrive $0xFFFF;
	(pc) =	sbr.rel @p0 .LBB2_1-.Ltmp2, $4  }
0x56: {  	[hbm:s10], [sflag:s8] =	dma.local [spmem:s12], $0x2780  }
0x57: {  	_ =	swait.ge [sflag:s13], $0x2780  }
0x58: {  	[sflag:s13] =	ssyncset.done $0x0  }
0x59: {  	[sflag:s13] =	ssyncadd.s32 $0xFFFFD880  }
0x5a: {  	_ =	sfence.sel $0x180000  }
0x5b: {  	[bflag:$0x0] =	sbarrier.arrive $0xFFFF  }
0x5c: {  	p0 =	sne.s32 s2, $0x0;
	_ =	strace $0x90000053  }
0x5d: {  	s0 =	sadd.s32 @!p0 $0x100000, s0;
	[bflag:$0x2] =	sbarrier.arrive $0xFFFF  }
0x5e: {  	[sflag:s0] =	ssyncadd.tile.s32 @!p0 $0x1;
	_ =	shalt  }
.Lfunc_end2:
_tile_overlayer_lowered:
.L_overlay_start_2:
0x5f: {  	(tag) =	ssettag $0x2  }
0x60: {  	s0 =	rddreg [dreg:$0x0];
	s2 =	stileid.u32  }
0x61: {  	s1 =	rddreg [dreg:$0x1];
	p0 =	sne.s32 s2, $0x0  }
0x62: {  	s3 =	rddreg [dreg:$0x2];
	[bflag:$0x3] =	sbarrier.arrive $0xFFFF;
	s2 =	simm.s32 @!p0 $0x1C03  }
0x63: {  	[timem:s3], [sflag:s2] =	dma.local @!p0 [hbm:s0], s1  }
0x64: {  	s0 =	simm.s32 @!p0 $0x3  }
0x65: {  	_ =	swait.ge @!p0 [sflag:s0], s1  }
0x66: {  	s1 =	ssub.s32 @!p0 $0x0, s1;
	[sflag:s0] =	ssyncset.done @!p0 $0x0  }
0x67: {  	[sflag:s0] =	ssyncadd.s32 @!p0 s1  }
0x68: {  	[bflag:$0x3] =	sbarrier.arrive $0xFFFF  }
0x69: {  	_ =	shalt  }

// kernel: kernel.22.cloned.1.call-start
scs
__scs_entry_jumppad:
0x0: {  	(pc) =	sbr.rel $0x88, $3  }
0x1: {  	(tag) =	ssettag $0x0;
	lr =	simm.s32 $0x1  }
0x2: {  	[smem:$0x3F8D] =	sst lr;
	_ =	strace $0xD0000000  }
0x3: {  	_ = 	snop  }
0x4: {  	_ = 	snop  }
0x5: {  	_ = 	snop  }
0x6: {  	_ = 	snop  }
0x7: {  	_ = 	snop  }
__scs_overlays_trampoline_lowered:
0x8: {  	[smem:$0x3F9C] =	sst s0  }
0x9: {  	[smem:$0x3F9D] =	sst s1  }
0xa: {  	[smem:$0x3F9E] =	sst s2  }
0xb: {  	[smem:$0x3F9F] =	sst s3  }
0xc: {  	[smem:$0x3FA0] =	sst s4  }
0xd: {  	[smem:$0x3FA1] =	sst s5  }
0xe: {  	[smem:$0x3FA2] =	sst s6  }
0xf: {  	[smem:$0x3FA3] =	sst s7  }
0x10: {  	[smem:$0x3FA4] =	sst s8  }
0x11: {  	[smem:$0x3FA5] =	sst s9;
	s0 =	simm.s32 @!p0 $0x0  }
0x12: {  	s1 =	sld [smem:$0x3F8B];
	s0 =	simm.s32 @p0 $0x1  }
0x13: {  	[smem:$0x3FA6] =	sst s0;
	s0 =	simm.s32 @!p1 $0x0  }
0x14: {  	s2 =	sld [smem:$0x3F8A];
	s0 =	simm.s32 @p1 $0x1  }
0x15: {  	[smem:$0x3FA7] =	sst s0;
	s0 =	simm.s32 @!p2 $0x0  }
0x16: {  	s3 =	sld [smem:$0x3FDB];
	s0 =	simm.s32 @p2 $0x1  }
0x17: {  	s4 =	simm.s32 $0x1BF5;
	[smem:$0x3FA9] =	sst s0  }
0x18: {  	s0 =	sld [smem:$0x3F8C];
	_ =	swait.ge [sflag:s4], $0x0  }
0x19: {  	s7 =	sld [smem:$0x3F8D]  }
0x1a: {  	s8 =	sadd.s32 $0xFFFFE003, lr  }
0x1b: {  	s9 =	sadd.s32 $0xFFFFFEF7, lr;
	s5 =	simm.s32 $0xFFFFFFFF;
	p2 =	slt.u32 s8, $0xFFFFF086  }
0x1c: {  	p1 =	slt.u32 s9, $0xF7A;
	s5 =	simm.s32 @!p2 $0x0  }
0x1d: {  	s5 =	simm.s32 @p1 $0x1;
	p0 =	seq.s32 s7, s2  }
0x1e: {  	s7 =	smul.u32 @!p0 $0xF7A, s2;
	p2 =	seq.s32 @!p0 s5, $0x0  }
0x1f: {  	s9 =	smul.u32 $0xF7A, s1;
	s8 =	simm.s32 @!p0 $0x1BF5;
	p2 =	por !p2, p0  }
0x20: {  	[sflag:s8] =	ssyncset.s32 @!p0 $0xFFFFF086;
	s6 =	sadd.s32 @!p0 s3, s7;
	s7 =	simm.s32 @!p0 $0x108  }
0x21: {  	s3 =	sadd.s32 s3, s9;
	s6 =	sadd.s32 @!p0 $0x88, s6;
	s7 =	simm.s32 @p2 $0x1082  }
0x22: {  	[simem:s7], [sflag:s8] =	dma.local @!p0 [hbm:s6], $0xF7A  }
0x23: {  	s9 =	sor.u32 $0xD0000000, s2;
	s6 =	simm.s32 $0x108;
	_ =	swait.ge @!p0 [sflag:s8], $0x0  }
0x24: {  	s3 =	sadd.s32 $0x88, s3;
	s6 =	simm.s32 @!p1 $0x1082;
	[sflag:s4] =	ssyncset.s32 $0xFFFFF086  }
0x25: {  	[simem:s6], [sflag:s4] =	dma.local [hbm:s3], $0xF7A  }
0x26: {  	[smem:$0x3F8D] =	sst s1;
	(tag) =	ssettag s2;
	_ =	strace s9  }
0x27: {  	s1 =	sld [smem:$0x3F9D]  }
0x28: {  	s2 =	sld [smem:$0x3F9E]  }
0x29: {  	s4 =	sld [smem:$0x3FA0]  }
0x2a: {  	p0 =	seq.s32 s5, $0x0;
	s5 =	sld [smem:$0x3FA1]  }
0x2b: {  	s6 =	sld [smem:$0x3FA2]  }
0x2c: {  	s7 =	sld [smem:$0x3FA3]  }
0x2d: {  	s3 =	simm.s32 $0x108;
	s8 =	sld [smem:$0x3FA4]  }
0x2e: {  	s3 =	simm.s32 @!p0 $0x1082;
	s9 =	sld [smem:$0x3FA5]  }
0x2f: {  	lr =	sadd.s32 s0, s3;
	s0 =	sld [smem:$0x3F9C]  }
0x30: {  	s3 =	sld [smem:$0x3F9F]  }
0x31: {  	[smem:$0x3FA8] =	sst s10  }
0x32: {  	s10 =	sld [smem:$0x3FA6];
	_ =	sdelay $0x3  }
0x33: {  	p0 =	seq.s32 s10, $0x1;
	s10 =	sld [smem:$0x3FA8];
	_ =	sdelay $0x3  }
0x34: {  	[smem:$0x3FA8] =	sst s10  }
0x35: {  	s10 =	sld [smem:$0x3FA7];
	_ =	sdelay $0x3  }
0x36: {  	p1 =	seq.s32 s10, $0x1;
	s10 =	sld [smem:$0x3FA8];
	_ =	sdelay $0x3  }
0x37: {  	[smem:$0x3FA8] =	sst s10  }
0x38: {  	s10 =	sld [smem:$0x3FA9]  }
0x39: {  	_ = 	snop;
	(pc) =	sbr.ind lr, $3  }
0x3a: {  	_ = 	snop  }
0x3b: {  	_ = 	snop  }
0x3c: {  	p2 =	seq.s32 s10, $0x1;
	s10 =	sld [smem:$0x3FA8]  }
0x3d: {  	_ =	shalt  }
0x3e: {  	_ =	shalt  }
0x3f: {  	_ =	shalt  }
0x40: {  	_ =	shalt  }
0x41: {  	_ =	shalt  }
0x42: {  	_ =	shalt  }
0x43: {  	_ =	shalt  }
0x44: {  	_ =	shalt  }
0x45: {  	_ =	shalt  }
0x46: {  	_ =	shalt  }
0x47: {  	_ =	shalt  }
0x48: {  	_ =	shalt  }
0x49: {  	_ =	shalt  }
0x4a: {  	_ =	shalt  }
0x4b: {  	_ =	shalt  }
0x4c: {  	_ =	shalt  }
0x4d: {  	_ =	shalt  }
0x4e: {  	_ =	shalt  }
0x4f: {  	_ =	shalt  }
0x50: {  	_ =	shalt  }
0x51: {  	_ =	shalt  }
0x52: {  	_ =	shalt  }
0x53: {  	_ =	shalt  }
0x54: {  	_ =	shalt  }
0x55: {  	_ =	shalt  }
0x56: {  	_ =	shalt  }
0x57: {  	_ =	shalt  }
0x58: {  	_ =	shalt  }
0x59: {  	_ =	shalt  }
0x5a: {  	_ =	shalt  }
0x5b: {  	_ =	shalt  }
0x5c: {  	_ =	shalt  }
0x5d: {  	_ =	shalt  }
0x5e: {  	_ =	shalt  }
0x5f: {  	_ =	shalt  }
0x60: {  	_ =	shalt  }
0x61: {  	_ =	shalt  }
0x62: {  	_ =	shalt  }
0x63: {  	_ =	shalt  }
0x64: {  	_ =	shalt  }
0x65: {  	_ =	shalt  }
0x66: {  	_ =	shalt  }
0x67: {  	_ =	shalt  }
0x68: {  	_ =	shalt  }
0x69: {  	_ =	shalt  }
0x6a: {  	_ =	shalt  }
0x6b: {  	_ =	shalt  }
0x6c: {  	_ =	shalt  }
0x6d: {  	_ =	shalt  }
0x6e: {  	_ =	shalt  }
0x6f: {  	_ =	shalt  }
0x70: {  	_ =	shalt  }
0x71: {  	_ =	shalt  }
0x72: {  	_ =	shalt  }
0x73: {  	_ =	shalt  }
0x74: {  	_ =	shalt  }
0x75: {  	_ =	shalt  }
0x76: {  	_ =	shalt  }
0x77: {  	_ =	shalt  }
0x78: {  	_ =	shalt  }
0x79: {  	_ =	shalt  }
0x7a: {  	_ =	shalt  }
0x7b: {  	_ =	shalt  }
0x7c: {  	_ =	shalt  }
0x7d: {  	_ =	shalt  }
0x7e: {  	_ =	shalt  }
0x7f: {  	_ =	shalt  }
0x80: {  	_ =	shalt  }
0x81: {  	_ =	shalt  }
0x82: {  	_ =	shalt  }
0x83: {  	_ =	shalt  }
0x84: {  	_ =	shalt  }
0x85: {  	_ =	shalt  }
0x86: {  	_ =	shalt  }
0x87: {  	_ =	shalt  }
.Lfunc_end0:
.L_simem_size_0:
called_computation.3_lowered:
.L_overlay_start_0:
0x88: {  	s2 =	sld [smem:$0x3FD9]  }
0x89: {  	s3 =	sld [smem:$0x3FFE];
	_ =	sdelay $0x1  }
0x8a: {  	s1 =	srdreg.scid  }
0x8b: {  	s0 =	sand.u32 $0x1, s1  }
0x8c: {  	s17 =	sshll.u32 s0, $0xA;
	s2 =	sadd.s32 s3, s2  }
0x8d: {  	s2 =	sadd.s32 s2, s17  }
0x8e: {  	[smem:$0x3FB4] =	sst s2  }
0x8f: {  	_ = 	snop  }
0x90: {  	(tm) =	ssettm $0x1  }
0x91: {  	s18 =	sld [smem:$0x3FFB];
	_ =	sdelay $0x3  }
0x92: {  	_ =	strace s18  }
0x93: {  	s2 =	sld [smem:$0x3FFC];
	_ =	sdelay $0x3  }
0x94: {  	_ =	strace s2  }
0x95: {  	s2 =	sld [smem:$0x3FFD];
	_ =	sdelay $0x3  }
0x96: {  	_ =	strace s2  }
0x97: {  	_ =	strace $0x8FFFFFFF  }
0x98: {  	s19 =	sld [smem:$0x3FDB];
	_ =	sdelay $0x1  }
0x99: {  	s20 =	simm.s32 $_scs_section_size  }
0x9a: {  	s4 =	simm.s32 $_size__tile_overlayer_lowered;
	s5 =	simm.s32 $_tile_overlayer_lowered  }
0x9b: {  	s6 =	simm.s32 $0x1BFF;
	s21 =	sshll.u32 s5, $0x1;
	s3 =	sadd.s32 s20, s19  }
0x9c: {  	s22 =	simm.s32 $0x0;
	s4 =	sshll.u32 s4, $0x1;
	s5 =	sadd.s32 s21, s3  }
0x9d: {  	[timem:s22], [sflag:s6] =	dma.local [hbm:s5], s4  }
0x9e: {  	_ =	swait.ge [sflag:s6], s4  }
0x9f: {  	s4 =	ssub.s32 $0x0, s4;
	[sflag:s6] =	ssyncset.done $0x0  }
0xa0: {  	[sflag:s6] =	ssyncadd.s32 s4;
	_ =	sdelay $0x1  }
0xa1: {  	s23 =	simm.s32 $0x1B8B  }
0xa2: {  	_ =	swait.ge [sflag:s23], $0x1  }
0xa3: {  	[sflag:s23] =	ssyncset.done $0x0  }
0xa4: {  	[sflag:s23] =	ssyncadd.s32 $0xFFFFFFFF  }
0xa5: {  	s4 =	sld [smem:$0x0]  }
0xa6: {  	s5 =	sand.u32 $0xFFFFFFFE, s1  }
0xa7: {  	p0 =	sne.s32 s1, s5  }
0xa8: {  	s5 =	sshll.u32 @p0 s5, $0xE  }
0xa9: {  	s5 =	sadd.s32 @p0 $0x11B8D, s5;
	s6 =	sshll.u32 @p0 s4, $0x11  }
0xaa: {  	s5 =	sor.u32 @p0 s6, s5  }
0xab: {  	[sflag:s5] =	ssyncadd.remote.s32 @p0 $0x1;
	_ =	sdelay $0x1  }
0xac: {  	s5 =	simm.s32 @p0 $0x1B8D  }
0xad: {  	_ =	swait.eq @p0 [sflag:s5], $0x1  }
0xae: {  	[sflag:s5] =	ssyncadd.s32 @p0 $0xFFFFFFFF  }
0xaf: {  	s6 =	sshll.u32 @!p0 s1, $0xE  }
0xb0: {  	s6 =	sor.u32 @!p0 $0x4000, s6;
	s5 =	simm.s32 @!p0 $0x1B8D  }
0xb1: {  	s4 =	sshll.u32 @!p0 s4, $0x11;
	s6 =	sadd.s32 @!p0 $0x11B8D, s6;
	_ =	swait.eq @!p0 [sflag:s5], $0x1  }
0xb2: {  	s4 =	sor.u32 @!p0 s4, s6;
	[sflag:s5] =	ssyncadd.s32 @!p0 $0xFFFFFFFF  }
0xb3: {  	s25 =	simm.s32 $0x1B8E;
	s24 =	sld [smem:$0x3FFE];
	[sflag:s4] =	ssyncadd.remote.s32 @!p0 $0x1  }
0xb4: {  	s26 =	simm.s32 $execute0_lowered;
	[smem:$0x3FD2] =	sst s25  }
0xb5: {  	s5 =	sshll.u32 s26, $0x1;
	_ =	strace $0x80000058;
	[dreg:$0x1] =	wrdreg $0xFFFFFFFF  }
0xb6: {  	s28 =	simm.s32 $_size_execute0_lowered;
	s3 =	sadd.s32 s3, s5;
	[dreg:$0x0] =	wrdreg $0x0  }
0xb7: {  	s5 =	sshll.u32 s28, $0x1;
	[dreg:$0x2] =	wrdreg s3  }
0xb8: {  	[dreg:$0x3] =	wrdreg s5  }
0xb9: {  	[dreg:$0x4] =	wrdreg $0xC0  }
0xba: {  	_ =	task [dreg:s22], $0x5FFFF  }
0xbb: {  	[dreg:$0x1] =	wrdreg $0xFFFFFFFF  }
0xbc: {  	[dreg:$0x0] =	wrdreg $0x60  }
0xbd: {  	[dreg:$0x2] =	wrdreg s24  }
0xbe: {  	[dreg:$0x3] =	wrdreg $0xA0000  }
0xbf: {  	[dreg:$0x4] =	wrdreg $0x9  }
0xc0: {  	_ =	task.clear_ibuf [dreg:s22], $0x5FFFF;
	_ =	strace $0x90000058  }
0xc1: {  	s29 =	simm.s32 $0x9;
	_ =	strace $0x8000005A  }
0xc2: {  	_ =	swait.ge [sflag:s29], $0x1  }
0xc3: {  	[sflag:s29] =	ssyncadd.s32 $0xFFFFFFFF  }
0xc4: {  	_ =	strace $0x9000005A  }
0xc5: {  	_ =	sfence  }
0xc6: {  	s30 =	sld [smem:$0x0];
	_ =	sdelay $0x2  }
0xc7: {  	s31 =	sshll.u32 s1, $0xD;
	s1 =	sshrl.u32 s1, $0x2  }
0xc8: {  	s4 =	sand.u32 $0x4000, s31;
	s1 =	sadd.s32 s1, s30  }
0xc9: {  	s0 =	sor.u32 s4, s0;
	s1 =	sshll.u32 s1, $0x11  }
0xca: {  	s0 =	sor.u32 s1, s0  }
0xcb: {  	s0 =	sadd.s32 $0x8F2B, s0  }
0xcc: {  	[sflag:s0] =	ssyncadd.remote.s32 $0x1  }
0xcd: {  	_ =	sfence.sel $0xFFFF  }
0xce: {  	[dreg:$0x0] =	wrdreg $0xFFFFFFFF;
	(pc) =	sbr.abs _section_cstart, $3  }
0xcf: {  	[dreg:$0x1] =	wrdreg $0xFFFFFFFF  }
0xd0: {  	_ =	task.clear_ibuf [dreg:s22], $0x2FFFF;
	_ =	strace $0x9FFFFFFF  }
0xd1: {  	(tm) =	ssettm $0x7FFFFFFF  }
tec
execute0_lowered:
.L_overlay_start_1:
0x0: {  	(tag) =	ssettag $0x1  }
0x1: {  	s8 =	rddreg [dreg:$0x0]  }
0x2: {  	s1 =	rddreg [dreg:$0x1]  }
0x3: {  	s0 =	rddreg [dreg:$0x2];
	s3 =	simm.s32 $0x0;
	s2 =	srdreg.scid  }
0x4: {  	s14 =	simm.s32 $0x1000;
	s15 =	simm.s32 $0x80;
	s16 =	simm.s32 $0x2000  }
0x5: {  	s17 =	simm.s32 $0x6000;
	s18 =	simm.s32 $0x1;
	s19 =	simm.s32 $0x2  }
0x6: {  	s20 =	simm.s32 $0x1F00;
	s21 =	simm.s32 $0x1F80;
	[smem:$0x7FF] =	sst s3  }
0x7: {  	s9 =	sand.u32 $0x1, s2;
	s2 =	stileid.u32;
	s4 =	sadd.s32 $0x3FE00, s8  }
0x8: {  	s5 =	sadd.s32 $0x93E00, s8;
	s6 =	sadd.s32 $0xF6E00, s8;
	s10 =	smul.u32 $0x13C000, s9  }
0x9: {  	s7 =	sadd.s32 $0x53E00, s8;
	_ =	strace $0x80000059;
	s11 =	smul.u32 $0x13C00, s2  }
0xa: {  	s28 =	ssub.s32 $0x2, s9;
	s13 =	smul.u32 $0x4F000, s2;
	s29 =	sshll.u32 s2, $0x1  }
0xb: {  	s31 =	sshll.u32 s2, $0x6;
	s12 =	sshrl.u32 s28, $0x1;
	s9 =	sor.u32 s9, s29  }
0xc: {  	s10 =	sadd.s32 s11, s10;
	s11 =	ssub.s32 s28, s12;
	s30 =	sshrl.u32 s13, $0x2  }
0xd: {  	s9 =	smul.u32 $0x5000, s9;
	s10 =	sshrl.u32 s10, $0x3;
	s13 =	sadd.s32 s30, s1  }
0xe: {  	s11 =	smax.u32 s11, $0x1;
	s10 =	sadd.s32 s10, s8;
	s8 =	sor.u32 $0x1C03, s31  }
0xf: {  	s12 =	sshrl.u32 s13, $0x3;
	s13 =	simm.s32 $0x3;
	s10 =	sadd.s32 $0x11E000, s10  }
.LBB2_1:
0x10: {  	[spmem:s12], [sflag:s8] =	dma.local [hbm:s7], $0x2780  }
0x11: {  	_ =	swait.ge [sflag:s13], $0x2780  }
0x12: {  	[sflag:s13] =	ssyncset.done $0x0  }
0x13: {  	[sflag:s13] =	ssyncadd.s32 $0xFFFFD880  }
0x14: {  	s22 =	simm.s32 $0x0;
	[bflag:$0x0] =	sbarrier.arrive $0xFFFF  }
.LBB2_2:
0x15: {  	s23 =	sshll.u32 s22, $0xC  }
0x16: {  	s23 =	sadd.s32 s9, s23  }
0x17: {  	s23 =	sshrl.u32 s23, $0x3  }
0x18: {  	s25 =	simm.s32 $0x0;
	s24 =	sadd.s32 s4, s23  }
0x19: {  	[tilespmem:s25], [sflag:$0x3] =	stream.linear.gather [hbm4b:s24+s25], $0x1000, $0x38;
	[tilespmem:$0x1DC00] =	vst v63  }
0x1a: {  	_ =	swait.ge [sflag:s13], $0x1000  }
0x1b: {  	[sflag:s13] =	ssyncset.done $0x0  }
0x1c: {  	s23 =	sadd.s32 s5, s23;
	[sflag:s13] =	ssyncadd.s32 $0xFFFFF000  }
0x1d: {  	[tilespmem:s14], [sflag:$0x3] =	stream.linear.gather [hbm4b:s23+s25], $0x1000, $0x38;
	[tilespmem:$0x1DC00] =	vst v63  }
0x1e: {  	_ =	swait.ge [sflag:s13], $0x1000  }
0x1f: {  	[sflag:s13] =	ssyncset.done $0x0  }
0x20: {  	[sflag:s13] =	ssyncadd.s32 $0xFFFFF000  }
0x21: {  	[tilespmem:s16], [sflag:$0x1] =	stream.indirect.gather [hbm4b:s6+s15], $0x80, s25, s15, $0xb8;
	[tilespmem:$0x1DC00] =	vst v63  }
0x22: {  	_ = 	snop  }
0x23: {  	[tilespmem:s17], [sflag:$0x2] =	stream.indirect.gather [hbm4b:s6+s15], $0x80, s15, s15, $0xb8;
	[tilespmem:$0x1DC00] =	vst v63  }
0x24: {  	_ =	swait.ge [sflag:s18], $0x4000  }
0x25: {  	[sflag:s18] =	ssyncset.done $0x0  }
0x26: {  	s29 =	simm.s32 $0x1000;
	[sflag:s18] =	ssyncadd.s32 $0xFFFFC000  }
0x27: {  	[spmem:s1] =	stream.indirect.scatter.add.f32 [tilespmem:s16], [sflag:$0x3], $0x80, s29, s15, $0xb8;
	[tilespmem:$0x1DC00] =	vst v63  }
0x28: {  	_ =	swait.ge [sflag:s13], $0x4000  }
0x29: {  	[sflag:s13] =	ssyncset.done $0x0  }
0x2a: {  	s30 =	simm.s32 $0x100;
	[sflag:s13] =	ssyncadd.s32 $0xFFFFC000  }
0x2b: {  	[tilespmem:s16], [sflag:$0x1] =	stream.indirect.gather [hbm4b:s6+s15], $0x80, s30, s15, $0xb8;
	[tilespmem:$0x1DC00] =	vst v63  }
0x2c: {  	_ =	swait.ge [sflag:s19], $0x4000  }
0x2d: {  	[sflag:s19] =	ssyncset.done $0x0  }
0x2e: {  	s31 =	simm.s32 $0x1080;
	[sflag:s19] =	ssyncadd.s32 $0xFFFFC000  }
0x2f: {  	[spmem:s1] =	stream.indirect.scatter.add.f32 [tilespmem:s17], [sflag:$0x3], $0x80, s31, s15, $0xb8;
	[tilespmem:$0x1DC00] =	vst v63  }
0x30: {  	_ =	swait.ge [sflag:s13], $0x4000  }
0x31: {  	[sflag:s13] =	ssyncset.done $0x0  }
0x32: {  	s24 =	simm.s32 $0x180;
	s23 =	simm.s32 $0x400;
	[sflag:s13] =	ssyncadd.s32 $0xFFFFC000  }
.LBB2_3:
0x33: {  	[tilespmem:s17], [sflag:$0x2] =	stream.indirect.gather [hbm4b:s6+s15], $0x80, s24, s15, $0xb8;
	[tilespmem:$0x1DC00] =	vst v63  }
0x34: {  	s24 =	smov.u32 s23  }
0x35: {  	p0 =	sne.s32 s23, $0x3800;
	s23 =	sadd.s32 $0x400, s23;
	_ =	swait.ge [sflag:s18], $0x4000  }
0x36: {  	s24 =	sshra.s32 s24, $0x2;
	[sflag:s18] =	ssyncset.done $0x0  }
0x37: {  	s25 =	sadd.s32 $0x1000, s24;
	[sflag:s18] =	ssyncadd.s32 $0xFFFFC000  }
0x38: {  	[spmem:s1] =	stream.indirect.scatter.add.f32 [tilespmem:s16], [sflag:$0x3], $0x80, s25, s15, $0xb8;
	[tilespmem:$0x1DC00] =	vst v63  }
0x39: {  	_ =	swait.ge [sflag:s13], $0x4000  }
0x3a: {  	[sflag:s13] =	ssyncset.done $0x0  }
0x3b: {  	s25 =	sadd.s32 $0x100, s24;
	[sflag:s13] =	ssyncadd.s32 $0xFFFFC000  }
0x3c: {  	[tilespmem:s16], [sflag:$0x1] =	stream.indirect.gather [hbm4b:s6+s15], $0x80, s25, s15, $0xb8;
	[tilespmem:$0x1DC00] =	vst v63  }
0x3d: {  	_ =	swait.ge [sflag:s19], $0x4000  }
0x3e: {  	[sflag:s19] =	ssyncset.done $0x0  }
.Ltmp0:
0x3f: {  	s25 =	sadd.s32 $0x1080, s24;
	[sflag:s19] =	ssyncadd.s32 $0xFFFFC000;
	(pc) =	sbr.rel @p0 .LBB2_3-.Ltmp0, $4  }
0x40: {  	[spmem:s1] =	stream.indirect.scatter.add.f32 [tilespmem:s17], [sflag:$0x3], $0x80, s25, s15, $0xb8;
	[tilespmem:$0x1DC00] =	vst v63  }
0x41: {  	_ =	swait.ge [sflag:s13], $0x4000  }
0x42: {  	[sflag:s13] =	ssyncset.done $0x0  }
0x43: {  	s24 =	sadd.s32 $0x180, s24;
	[sflag:s13] =	ssyncadd.s32 $0xFFFFC000  }
0x44: {  	[tilespmem:s17], [sflag:$0x2] =	stream.indirect.gather [hbm4b:s6+s15], $0x80, s24, s15, $0xb8;
	[tilespmem:$0x1DC00] =	vst v63  }
0x45: {  	_ =	swait.ge [sflag:s18], $0x4000  }
0x46: {  	[sflag:s18] =	ssyncset.done $0x0  }
0x47: {  	[sflag:s18] =	ssyncadd.s32 $0xFFFFC000  }
0x48: {  	[spmem:s1] =	stream.indirect.scatter.add.f32 [tilespmem:s16], [sflag:$0x3], $0x80, s20, s15, $0xb8;
	[tilespmem:$0x1DC00] =	vst v63  }
0x49: {  	_ =	swait.ge [sflag:s13], $0x4000  }
0x4a: {  	[sflag:s13] =	ssyncset.done $0x0  }
0x4b: {  	[sflag:s13] =	ssyncadd.s32 $0xFFFFC000  }
0x4c: {  	s22 =	sadd.s32 $0x1, s22;
	_ =	swait.ge [sflag:s19], $0x4000  }
0x4d: {  	p0 =	sne.s32 s22, $0x5;
	[sflag:s19] =	ssyncset.done $0x0  }
.Ltmp1:
0x4e: {  	[sflag:s19] =	ssyncadd.s32 $0xFFFFC000;
	(pc) =	sbr.rel @p0 .LBB2_2-.Ltmp1, $4  }
0x4f: {  	[spmem:s1] =	stream.indirect.scatter.add.f32 [tilespmem:s17], [sflag:$0x3], $0x80, s21, s15, $0xb8;
	[tilespmem:$0x1DC00] =	vst v63  }
0x50: {  	_ =	swait.ge [sflag:s13], $0x4000  }
0x51: {  	[sflag:s13] =	ssyncset.done $0x0  }
0x52: {  	[sflag:s13] =	ssyncadd.s32 $0xFFFFC000  }
0x53: {  	s3 =	sadd.s32 $0x1, s3  }
0x54: {  	p0 =	sne.s32 s3, s11  }
.Ltmp2:
0x55: {  	[bflag:$0x0] =	sbarrier.arrive $0xFFFF;
	(pc) =	sbr.rel @p0 .LBB2_1-.Ltmp2, $4  }
0x56: {  	[hbm:s10], [sflag:s8] =	dma.local [spmem:s12], $0x2780  }
0x57: {  	_ =	swait.ge [sflag:s13], $0x2780  }
0x58: {  	[sflag:s13] =	ssyncset.done $0x0  }
0x59: {  	[sflag:s13] =	ssyncadd.s32 $0xFFFFD880  }
0x5a: {  	_ =	sfence.sel $0x180000  }
0x5b: {  	[bflag:$0x0] =	sbarrier.arrive $0xFFFF  }
0x5c: {  	p0 =	sne.s32 s2, $0x0;
	_ =	strace $0x90000059  }
0x5d: {  	s0 =	sadd.s32 @!p0 $0x100000, s0;
	[bflag:$0x2] =	sbarrier.arrive $0xFFFF  }
0x5e: {  	[sflag:s0] =	ssyncadd.tile.s32 @!p0 $0x1;
	_ =	shalt  }
.Lfunc_end2:
_tile_overlayer_lowered:
.L_overlay_start_2:
0x5f: {  	(tag) =	ssettag $0x2  }
0x60: {  	s0 =	rddreg [dreg:$0x0];
	s2 =	stileid.u32  }
0x61: {  	s1 =	rddreg [dreg:$0x1];
	p0 =	sne.s32 s2, $0x0  }
0x62: {  	s3 =	rddreg [dreg:$0x2];
	[bflag:$0x3] =	sbarrier.arrive $0xFFFF;
	s2 =	simm.s32 @!p0 $0x1C03  }
0x63: {  	[timem:s3], [sflag:s2] =	dma.local @!p0 [hbm:s0], s1  }
0x64: {  	s0 =	simm.s32 @!p0 $0x3  }
0x65: {  	_ =	swait.ge @!p0 [sflag:s0], s1  }
0x66: {  	s1 =	ssub.s32 @!p0 $0x0, s1;
	[sflag:s0] =	ssyncset.done @!p0 $0x0  }
0x67: {  	[sflag:s0] =	ssyncadd.s32 @!p0 s1  }
0x68: {  	[bflag:$0x3] =	sbarrier.arrive $0xFFFF  }
0x69: {  	_ =	shalt  }

// kernel: kernel.25.cloned.1.call-start
scs
__scs_entry_jumppad:
0x0: {  	(pc) =	sbr.rel $0x88, $3  }
0x1: {  	(tag) =	ssettag $0x0;
	lr =	simm.s32 $0x1  }
0x2: {  	[smem:$0x3F8D] =	sst lr;
	_ =	strace $0xD0000000  }
0x3: {  	_ = 	snop  }
0x4: {  	_ = 	snop  }
0x5: {  	_ = 	snop  }
0x6: {  	_ = 	snop  }
0x7: {  	_ = 	snop  }
__scs_overlays_trampoline_lowered:
0x8: {  	[smem:$0x3F9C] =	sst s0  }
0x9: {  	[smem:$0x3F9D] =	sst s1  }
0xa: {  	[smem:$0x3F9E] =	sst s2  }
0xb: {  	[smem:$0x3F9F] =	sst s3  }
0xc: {  	[smem:$0x3FA0] =	sst s4  }
0xd: {  	[smem:$0x3FA1] =	sst s5  }
0xe: {  	[smem:$0x3FA2] =	sst s6  }
0xf: {  	[smem:$0x3FA3] =	sst s7  }
0x10: {  	[smem:$0x3FA4] =	sst s8  }
0x11: {  	[smem:$0x3FA5] =	sst s9;
	s0 =	simm.s32 @!p0 $0x0  }
0x12: {  	s1 =	sld [smem:$0x3F8B];
	s0 =	simm.s32 @p0 $0x1  }
0x13: {  	[smem:$0x3FA6] =	sst s0;
	s0 =	simm.s32 @!p1 $0x0  }
0x14: {  	s2 =	sld [smem:$0x3F8A];
	s0 =	simm.s32 @p1 $0x1  }
0x15: {  	[smem:$0x3FA7] =	sst s0;
	s0 =	simm.s32 @!p2 $0x0  }
0x16: {  	s3 =	sld [smem:$0x3FDB];
	s0 =	simm.s32 @p2 $0x1  }
0x17: {  	s4 =	simm.s32 $0x1BF5;
	[smem:$0x3FA9] =	sst s0  }
0x18: {  	s0 =	sld [smem:$0x3F8C];
	_ =	swait.ge [sflag:s4], $0x0  }
0x19: {  	s7 =	sld [smem:$0x3F8D]  }
0x1a: {  	s8 =	sadd.s32 $0xFFFFE003, lr  }
0x1b: {  	s9 =	sadd.s32 $0xFFFFFEF7, lr;
	s5 =	simm.s32 $0xFFFFFFFF;
	p2 =	slt.u32 s8, $0xFFFFF086  }
0x1c: {  	p1 =	slt.u32 s9, $0xF7A;
	s5 =	simm.s32 @!p2 $0x0  }
0x1d: {  	s5 =	simm.s32 @p1 $0x1;
	p0 =	seq.s32 s7, s2  }
0x1e: {  	s7 =	smul.u32 @!p0 $0xF7A, s2;
	p2 =	seq.s32 @!p0 s5, $0x0  }
0x1f: {  	s9 =	smul.u32 $0xF7A, s1;
	s8 =	simm.s32 @!p0 $0x1BF5;
	p2 =	por !p2, p0  }
0x20: {  	[sflag:s8] =	ssyncset.s32 @!p0 $0xFFFFF086;
	s6 =	sadd.s32 @!p0 s3, s7;
	s7 =	simm.s32 @!p0 $0x108  }
0x21: {  	s3 =	sadd.s32 s3, s9;
	s6 =	sadd.s32 @!p0 $0x88, s6;
	s7 =	simm.s32 @p2 $0x1082  }
0x22: {  	[simem:s7], [sflag:s8] =	dma.local @!p0 [hbm:s6], $0xF7A  }
0x23: {  	s9 =	sor.u32 $0xD0000000, s2;
	s6 =	simm.s32 $0x108;
	_ =	swait.ge @!p0 [sflag:s8], $0x0  }
0x24: {  	s3 =	sadd.s32 $0x88, s3;
	s6 =	simm.s32 @!p1 $0x1082;
	[sflag:s4] =	ssyncset.s32 $0xFFFFF086  }
0x25: {  	[simem:s6], [sflag:s4] =	dma.local [hbm:s3], $0xF7A  }
0x26: {  	[smem:$0x3F8D] =	sst s1;
	(tag) =	ssettag s2;
	_ =	strace s9  }
0x27: {  	s1 =	sld [smem:$0x3F9D]  }
0x28: {  	s2 =	sld [smem:$0x3F9E]  }
0x29: {  	s4 =	sld [smem:$0x3FA0]  }
0x2a: {  	p0 =	seq.s32 s5, $0x0;
	s5 =	sld [smem:$0x3FA1]  }
0x2b: {  	s6 =	sld [smem:$0x3FA2]  }
0x2c: {  	s7 =	sld [smem:$0x3FA3]  }
0x2d: {  	s3 =	simm.s32 $0x108;
	s8 =	sld [smem:$0x3FA4]  }
0x2e: {  	s3 =	simm.s32 @!p0 $0x1082;
	s9 =	sld [smem:$0x3FA5]  }
0x2f: {  	lr =	sadd.s32 s0, s3;
	s0 =	sld [smem:$0x3F9C]  }
0x30: {  	s3 =	sld [smem:$0x3F9F]  }
0x31: {  	[smem:$0x3FA8] =	sst s10  }
0x32: {  	s10 =	sld [smem:$0x3FA6];
	_ =	sdelay $0x3  }
0x33: {  	p0 =	seq.s32 s10, $0x1;
	s10 =	sld [smem:$0x3FA8];
	_ =	sdelay $0x3  }
0x34: {  	[smem:$0x3FA8] =	sst s10  }
0x35: {  	s10 =	sld [smem:$0x3FA7];
	_ =	sdelay $0x3  }
0x36: {  	p1 =	seq.s32 s10, $0x1;
	s10 =	sld [smem:$0x3FA8];
	_ =	sdelay $0x3  }
0x37: {  	[smem:$0x3FA8] =	sst s10  }
0x38: {  	s10 =	sld [smem:$0x3FA9]  }
0x39: {  	_ = 	snop;
	(pc) =	sbr.ind lr, $3  }
0x3a: {  	_ = 	snop  }
0x3b: {  	_ = 	snop  }
0x3c: {  	p2 =	seq.s32 s10, $0x1;
	s10 =	sld [smem:$0x3FA8]  }
0x3d: {  	_ =	shalt  }
0x3e: {  	_ =	shalt  }
0x3f: {  	_ =	shalt  }
0x40: {  	_ =	shalt  }
0x41: {  	_ =	shalt  }
0x42: {  	_ =	shalt  }
0x43: {  	_ =	shalt  }
0x44: {  	_ =	shalt  }
0x45: {  	_ =	shalt  }
0x46: {  	_ =	shalt  }
0x47: {  	_ =	shalt  }
0x48: {  	_ =	shalt  }
0x49: {  	_ =	shalt  }
0x4a: {  	_ =	shalt  }
0x4b: {  	_ =	shalt  }
0x4c: {  	_ =	shalt  }
0x4d: {  	_ =	shalt  }
0x4e: {  	_ =	shalt  }
0x4f: {  	_ =	shalt  }
0x50: {  	_ =	shalt  }
0x51: {  	_ =	shalt  }
0x52: {  	_ =	shalt  }
0x53: {  	_ =	shalt  }
0x54: {  	_ =	shalt  }
0x55: {  	_ =	shalt  }
0x56: {  	_ =	shalt  }
0x57: {  	_ =	shalt  }
0x58: {  	_ =	shalt  }
0x59: {  	_ =	shalt  }
0x5a: {  	_ =	shalt  }
0x5b: {  	_ =	shalt  }
0x5c: {  	_ =	shalt  }
0x5d: {  	_ =	shalt  }
0x5e: {  	_ =	shalt  }
0x5f: {  	_ =	shalt  }
0x60: {  	_ =	shalt  }
0x61: {  	_ =	shalt  }
0x62: {  	_ =	shalt  }
0x63: {  	_ =	shalt  }
0x64: {  	_ =	shalt  }
0x65: {  	_ =	shalt  }
0x66: {  	_ =	shalt  }
0x67: {  	_ =	shalt  }
0x68: {  	_ =	shalt  }
0x69: {  	_ =	shalt  }
0x6a: {  	_ =	shalt  }
0x6b: {  	_ =	shalt  }
0x6c: {  	_ =	shalt  }
0x6d: {  	_ =	shalt  }
0x6e: {  	_ =	shalt  }
0x6f: {  	_ =	shalt  }
0x70: {  	_ =	shalt  }
0x71: {  	_ =	shalt  }
0x72: {  	_ =	shalt  }
0x73: {  	_ =	shalt  }
0x74: {  	_ =	shalt  }
0x75: {  	_ =	shalt  }
0x76: {  	_ =	shalt  }
0x77: {  	_ =	shalt  }
0x78: {  	_ =	shalt  }
0x79: {  	_ =	shalt  }
0x7a: {  	_ =	shalt  }
0x7b: {  	_ =	shalt  }
0x7c: {  	_ =	shalt  }
0x7d: {  	_ =	shalt  }
0x7e: {  	_ =	shalt  }
0x7f: {  	_ =	shalt  }
0x80: {  	_ =	shalt  }
0x81: {  	_ =	shalt  }
0x82: {  	_ =	shalt  }
0x83: {  	_ =	shalt  }
0x84: {  	_ =	shalt  }
0x85: {  	_ =	shalt  }
0x86: {  	_ =	shalt  }
0x87: {  	_ =	shalt  }
.Lfunc_end0:
.L_simem_size_0:
called_computation.4_lowered:
.L_overlay_start_0:
0x88: {  	s2 =	sld [smem:$0x3FD9]  }
0x89: {  	s3 =	sld [smem:$0x3FFE];
	_ =	sdelay $0x1  }
0x8a: {  	s1 =	srdreg.scid  }
0x8b: {  	s0 =	sand.u32 $0x1, s1  }
0x8c: {  	s17 =	sshll.u32 s0, $0xA;
	s2 =	sadd.s32 s3, s2  }
0x8d: {  	s2 =	sadd.s32 s2, s17  }
0x8e: {  	[smem:$0x3FB4] =	sst s2  }
0x8f: {  	_ = 	snop  }
0x90: {  	(tm) =	ssettm $0x1  }
0x91: {  	s18 =	sld [smem:$0x3FFB];
	_ =	sdelay $0x3  }
0x92: {  	_ =	strace s18  }
0x93: {  	s2 =	sld [smem:$0x3FFC];
	_ =	sdelay $0x3  }
0x94: {  	_ =	strace s2  }
0x95: {  	s2 =	sld [smem:$0x3FFD];
	_ =	sdelay $0x3  }
0x96: {  	_ =	strace s2  }
0x97: {  	_ =	strace $0x8FFFFFFF  }
0x98: {  	s19 =	sld [smem:$0x3FDB];
	_ =	sdelay $0x1  }
0x99: {  	s20 =	simm.s32 $_scs_section_size  }
0x9a: {  	s4 =	simm.s32 $_size__tile_overlayer_lowered;
	s5 =	simm.s32 $_tile_overlayer_lowered  }
0x9b: {  	s6 =	simm.s32 $0x1BFF;
	s21 =	sshll.u32 s5, $0x1;
	s3 =	sadd.s32 s20, s19  }
0x9c: {  	s22 =	simm.s32 $0x0;
	s4 =	sshll.u32 s4, $0x1;
	s5 =	sadd.s32 s21, s3  }
0x9d: {  	[timem:s22], [sflag:s6] =	dma.local [hbm:s5], s4  }
0x9e: {  	_ =	swait.ge [sflag:s6], s4  }
0x9f: {  	s4 =	ssub.s32 $0x0, s4;
	[sflag:s6] =	ssyncset.done $0x0  }
0xa0: {  	[sflag:s6] =	ssyncadd.s32 s4;
	_ =	sdelay $0x1  }
0xa1: {  	s23 =	simm.s32 $0x1B8B  }
0xa2: {  	_ =	swait.ge [sflag:s23], $0x1  }
0xa3: {  	[sflag:s23] =	ssyncset.done $0x0  }
0xa4: {  	[sflag:s23] =	ssyncadd.s32 $0xFFFFFFFF  }
0xa5: {  	s4 =	sld [smem:$0x0]  }
0xa6: {  	s5 =	sand.u32 $0xFFFFFFFE, s1  }
0xa7: {  	p0 =	sne.s32 s1, s5  }
0xa8: {  	s5 =	sshll.u32 @p0 s5, $0xE  }
0xa9: {  	s5 =	sadd.s32 @p0 $0x11B8D, s5;
	s6 =	sshll.u32 @p0 s4, $0x11  }
0xaa: {  	s5 =	sor.u32 @p0 s6, s5  }
0xab: {  	[sflag:s5] =	ssyncadd.remote.s32 @p0 $0x1;
	_ =	sdelay $0x1  }
0xac: {  	s5 =	simm.s32 @p0 $0x1B8D  }
0xad: {  	_ =	swait.eq @p0 [sflag:s5], $0x1  }
0xae: {  	[sflag:s5] =	ssyncadd.s32 @p0 $0xFFFFFFFF  }
0xaf: {  	s6 =	sshll.u32 @!p0 s1, $0xE  }
0xb0: {  	s6 =	sor.u32 @!p0 $0x4000, s6;
	s5 =	simm.s32 @!p0 $0x1B8D  }
0xb1: {  	s4 =	sshll.u32 @!p0 s4, $0x11;
	s6 =	sadd.s32 @!p0 $0x11B8D, s6;
	_ =	swait.eq @!p0 [sflag:s5], $0x1  }
0xb2: {  	s4 =	sor.u32 @!p0 s4, s6;
	[sflag:s5] =	ssyncadd.s32 @!p0 $0xFFFFFFFF  }
0xb3: {  	s25 =	simm.s32 $0x1B8E;
	s24 =	sld [smem:$0x3FFE];
	[sflag:s4] =	ssyncadd.remote.s32 @!p0 $0x1  }
0xb4: {  	s26 =	simm.s32 $execute0_lowered;
	[smem:$0x3FD2] =	sst s25  }
0xb5: {  	s5 =	sshll.u32 s26, $0x1;
	_ =	strace $0x8000005E;
	[dreg:$0x1] =	wrdreg $0xFFFFFFFF  }
0xb6: {  	s28 =	simm.s32 $_size_execute0_lowered;
	s3 =	sadd.s32 s3, s5;
	[dreg:$0x0] =	wrdreg $0x0  }
0xb7: {  	s5 =	sshll.u32 s28, $0x1;
	[dreg:$0x2] =	wrdreg s3  }
0xb8: {  	[dreg:$0x3] =	wrdreg s5  }
0xb9: {  	[dreg:$0x4] =	wrdreg $0xC0  }
0xba: {  	_ =	task [dreg:s22], $0x5FFFF  }
0xbb: {  	[dreg:$0x1] =	wrdreg $0xFFFFFFFF  }
0xbc: {  	[dreg:$0x0] =	wrdreg $0x60  }
0xbd: {  	[dreg:$0x2] =	wrdreg s24  }
0xbe: {  	[dreg:$0x3] =	wrdreg $0xA0000  }
0xbf: {  	[dreg:$0x4] =	wrdreg $0x9  }
0xc0: {  	_ =	task.clear_ibuf [dreg:s22], $0x5FFFF;
	_ =	strace $0x9000005E  }
0xc1: {  	s29 =	simm.s32 $0x9;
	_ =	strace $0x80000060  }
0xc2: {  	_ =	swait.ge [sflag:s29], $0x1  }
0xc3: {  	[sflag:s29] =	ssyncadd.s32 $0xFFFFFFFF  }
0xc4: {  	_ =	strace $0x90000060  }
0xc5: {  	_ =	sfence  }
0xc6: {  	s30 =	sld [smem:$0x0];
	_ =	sdelay $0x2  }
0xc7: {  	s31 =	sshll.u32 s1, $0xD;
	s1 =	sshrl.u32 s1, $0x2  }
0xc8: {  	s4 =	sand.u32 $0x4000, s31;
	s1 =	sadd.s32 s1, s30  }
0xc9: {  	s0 =	sor.u32 s4, s0;
	s1 =	sshll.u32 s1, $0x11  }
0xca: {  	s0 =	sor.u32 s1, s0  }
0xcb: {  	s0 =	sadd.s32 $0x8F2B, s0  }
0xcc: {  	[sflag:s0] =	ssyncadd.remote.s32 $0x1  }
0xcd: {  	_ =	sfence.sel $0xFFFF  }
0xce: {  	[dreg:$0x0] =	wrdreg $0xFFFFFFFF;
	(pc) =	sbr.abs _section_cstart, $3  }
0xcf: {  	[dreg:$0x1] =	wrdreg $0xFFFFFFFF  }
0xd0: {  	_ =	task.clear_ibuf [dreg:s22], $0x2FFFF;
	_ =	strace $0x9FFFFFFF  }
0xd1: {  	(tm) =	ssettm $0x7FFFFFFF  }
tec
execute0_lowered:
.L_overlay_start_1:
0x0: {  	(tag) =	ssettag $0x1  }
0x1: {  	s8 =	rddreg [dreg:$0x0]  }
0x2: {  	s1 =	rddreg [dreg:$0x1]  }
0x3: {  	s0 =	rddreg [dreg:$0x2];
	s3 =	simm.s32 $0x0;
	s2 =	srdreg.scid  }
0x4: {  	s14 =	simm.s32 $0x1000;
	s15 =	simm.s32 $0x80;
	s16 =	simm.s32 $0x2000  }
0x5: {  	s17 =	simm.s32 $0x6000;
	s18 =	simm.s32 $0x1;
	s19 =	simm.s32 $0x2  }
0x6: {  	s20 =	simm.s32 $0x1F00;
	s21 =	simm.s32 $0x1F80;
	[smem:$0x7FF] =	sst s3  }
0x7: {  	s9 =	sand.u32 $0x1, s2;
	s2 =	stileid.u32;
	s4 =	sadd.s32 $0x3FE00, s8  }
0x8: {  	s5 =	sadd.s32 $0x93E00, s8;
	s6 =	sadd.s32 $0x56600, s8;
	s10 =	smul.u32 $0x13C000, s9  }
0x9: {  	s7 =	sadd.s32 $0x53E00, s8;
	_ =	strace $0x8000005F;
	s11 =	smul.u32 $0x13C00, s2  }
0xa: {  	s28 =	ssub.s32 $0x2, s9;
	s13 =	smul.u32 $0x4F000, s2;
	s29 =	sshll.u32 s2, $0x1  }
0xb: {  	s31 =	sshll.u32 s2, $0x6;
	s12 =	sshrl.u32 s28, $0x1;
	s9 =	sor.u32 s9, s29  }
0xc: {  	s10 =	sadd.s32 s11, s10;
	s11 =	ssub.s32 s28, s12;
	s30 =	sshrl.u32 s13, $0x2  }
0xd: {  	s9 =	smul.u32 $0x5000, s9;
	s10 =	sshrl.u32 s10, $0x3;
	s13 =	sadd.s32 s30, s1  }
0xe: {  	s11 =	smax.u32 s11, $0x1;
	s10 =	sadd.s32 s10, s8;
	s8 =	sor.u32 $0x1C03, s31  }
0xf: {  	s12 =	sshrl.u32 s13, $0x3;
	s13 =	simm.s32 $0x3;
	s10 =	sadd.s32 $0xF6E00, s10  }
.LBB2_1:
0x10: {  	[spmem:s12], [sflag:s8] =	dma.local [hbm:s7], $0x2780  }
0x11: {  	_ =	swait.ge [sflag:s13], $0x2780  }
0x12: {  	[sflag:s13] =	ssyncset.done $0x0  }
0x13: {  	[sflag:s13] =	ssyncadd.s32 $0xFFFFD880  }
0x14: {  	s22 =	simm.s32 $0x0;
	[bflag:$0x0] =	sbarrier.arrive $0xFFFF  }
.LBB2_2:
0x15: {  	s23 =	sshll.u32 s22, $0xC  }
0x16: {  	s23 =	sadd.s32 s9, s23  }
0x17: {  	s23 =	sshrl.u32 s23, $0x3  }
0x18: {  	s25 =	simm.s32 $0x0;
	s24 =	sadd.s32 s4, s23  }
0x19: {  	[tilespmem:s25], [sflag:$0x3] =	stream.linear.gather [hbm4b:s24+s25], $0x1000, $0x38;
	[tilespmem:$0x1DC00] =	vst v63  }
0x1a: {  	_ =	swait.ge [sflag:s13], $0x1000  }
0x1b: {  	[sflag:s13] =	ssyncset.done $0x0  }
0x1c: {  	s23 =	sadd.s32 s5, s23;
	[sflag:s13] =	ssyncadd.s32 $0xFFFFF000  }
0x1d: {  	[tilespmem:s14], [sflag:$0x3] =	stream.linear.gather [hbm4b:s23+s25], $0x1000, $0x38;
	[tilespmem:$0x1DC00] =	vst v63  }
0x1e: {  	_ =	swait.ge [sflag:s13], $0x1000  }
0x1f: {  	[sflag:s13] =	ssyncset.done $0x0  }
0x20: {  	[sflag:s13] =	ssyncadd.s32 $0xFFFFF000  }
0x21: {  	[tilespmem:s16], [sflag:$0x1] =	stream.indirect.gather [hbm4b:s6+s15], $0x80, s25, s15, $0xb8;
	[tilespmem:$0x1DC00] =	vst v63  }
0x22: {  	_ = 	snop  }
0x23: {  	[tilespmem:s17], [sflag:$0x2] =	stream.indirect.gather [hbm4b:s6+s15], $0x80, s15, s15, $0xb8;
	[tilespmem:$0x1DC00] =	vst v63  }
0x24: {  	_ =	swait.ge [sflag:s18], $0x4000  }
0x25: {  	[sflag:s18] =	ssyncset.done $0x0  }
0x26: {  	s29 =	simm.s32 $0x1000;
	[sflag:s18] =	ssyncadd.s32 $0xFFFFC000  }
0x27: {  	[spmem:s1] =	stream.indirect.scatter.add.f32 [tilespmem:s16], [sflag:$0x3], $0x80, s29, s15, $0xb8;
	[tilespmem:$0x1DC00] =	vst v63  }
0x28: {  	_ =	swait.ge [sflag:s13], $0x4000  }
0x29: {  	[sflag:s13] =	ssyncset.done $0x0  }
0x2a: {  	s30 =	simm.s32 $0x100;
	[sflag:s13] =	ssyncadd.s32 $0xFFFFC000  }
0x2b: {  	[tilespmem:s16], [sflag:$0x1] =	stream.indirect.gather [hbm4b:s6+s15], $0x80, s30, s15, $0xb8;
	[tilespmem:$0x1DC00] =	vst v63  }
0x2c: {  	_ =	swait.ge [sflag:s19], $0x4000  }
0x2d: {  	[sflag:s19] =	ssyncset.done $0x0  }
0x2e: {  	s31 =	simm.s32 $0x1080;
	[sflag:s19] =	ssyncadd.s32 $0xFFFFC000  }
0x2f: {  	[spmem:s1] =	stream.indirect.scatter.add.f32 [tilespmem:s17], [sflag:$0x3], $0x80, s31, s15, $0xb8;
	[tilespmem:$0x1DC00] =	vst v63  }
0x30: {  	_ =	swait.ge [sflag:s13], $0x4000  }
0x31: {  	[sflag:s13] =	ssyncset.done $0x0  }
0x32: {  	s24 =	simm.s32 $0x180;
	s23 =	simm.s32 $0x400;
	[sflag:s13] =	ssyncadd.s32 $0xFFFFC000  }
.LBB2_3:
0x33: {  	[tilespmem:s17], [sflag:$0x2] =	stream.indirect.gather [hbm4b:s6+s15], $0x80, s24, s15, $0xb8;
	[tilespmem:$0x1DC00] =	vst v63  }
0x34: {  	s24 =	smov.u32 s23  }
0x35: {  	p0 =	sne.s32 s23, $0x3800;
	s23 =	sadd.s32 $0x400, s23;
	_ =	swait.ge [sflag:s18], $0x4000  }
0x36: {  	s24 =	sshra.s32 s24, $0x2;
	[sflag:s18] =	ssyncset.done $0x0  }
0x37: {  	s25 =	sadd.s32 $0x1000, s24;
	[sflag:s18] =	ssyncadd.s32 $0xFFFFC000  }
0x38: {  	[spmem:s1] =	stream.indirect.scatter.add.f32 [tilespmem:s16], [sflag:$0x3], $0x80, s25, s15, $0xb8;
	[tilespmem:$0x1DC00] =	vst v63  }
0x39: {  	_ =	swait.ge [sflag:s13], $0x4000  }
0x3a: {  	[sflag:s13] =	ssyncset.done $0x0  }
0x3b: {  	s25 =	sadd.s32 $0x100, s24;
	[sflag:s13] =	ssyncadd.s32 $0xFFFFC000  }
0x3c: {  	[tilespmem:s16], [sflag:$0x1] =	stream.indirect.gather [hbm4b:s6+s15], $0x80, s25, s15, $0xb8;
	[tilespmem:$0x1DC00] =	vst v63  }
0x3d: {  	_ =	swait.ge [sflag:s19], $0x4000  }
0x3e: {  	[sflag:s19] =	ssyncset.done $0x0  }
.Ltmp0:
0x3f: {  	s25 =	sadd.s32 $0x1080, s24;
	[sflag:s19] =	ssyncadd.s32 $0xFFFFC000;
	(pc) =	sbr.rel @p0 .LBB2_3-.Ltmp0, $4  }
0x40: {  	[spmem:s1] =	stream.indirect.scatter.add.f32 [tilespmem:s17], [sflag:$0x3], $0x80, s25, s15, $0xb8;
	[tilespmem:$0x1DC00] =	vst v63  }
0x41: {  	_ =	swait.ge [sflag:s13], $0x4000  }
0x42: {  	[sflag:s13] =	ssyncset.done $0x0  }
0x43: {  	s24 =	sadd.s32 $0x180, s24;
	[sflag:s13] =	ssyncadd.s32 $0xFFFFC000  }
0x44: {  	[tilespmem:s17], [sflag:$0x2] =	stream.indirect.gather [hbm4b:s6+s15], $0x80, s24, s15, $0xb8;
	[tilespmem:$0x1DC00] =	vst v63  }
0x45: {  	_ =	swait.ge [sflag:s18], $0x4000  }
0x46: {  	[sflag:s18] =	ssyncset.done $0x0  }
0x47: {  	[sflag:s18] =	ssyncadd.s32 $0xFFFFC000  }
0x48: {  	[spmem:s1] =	stream.indirect.scatter.add.f32 [tilespmem:s16], [sflag:$0x3], $0x80, s20, s15, $0xb8;
	[tilespmem:$0x1DC00] =	vst v63  }
0x49: {  	_ =	swait.ge [sflag:s13], $0x4000  }
0x4a: {  	[sflag:s13] =	ssyncset.done $0x0  }
0x4b: {  	[sflag:s13] =	ssyncadd.s32 $0xFFFFC000  }
0x4c: {  	s22 =	sadd.s32 $0x1, s22;
	_ =	swait.ge [sflag:s19], $0x4000  }
0x4d: {  	p0 =	sne.s32 s22, $0x5;
	[sflag:s19] =	ssyncset.done $0x0  }
.Ltmp1:
0x4e: {  	[sflag:s19] =	ssyncadd.s32 $0xFFFFC000;
	(pc) =	sbr.rel @p0 .LBB2_2-.Ltmp1, $4  }
0x4f: {  	[spmem:s1] =	stream.indirect.scatter.add.f32 [tilespmem:s17], [sflag:$0x3], $0x80, s21, s15, $0xb8;
	[tilespmem:$0x1DC00] =	vst v63  }
0x50: {  	_ =	swait.ge [sflag:s13], $0x4000  }
0x51: {  	[sflag:s13] =	ssyncset.done $0x0  }
0x52: {  	[sflag:s13] =	ssyncadd.s32 $0xFFFFC000  }
0x53: {  	s3 =	sadd.s32 $0x1, s3  }
0x54: {  	p0 =	sne.s32 s3, s11  }
.Ltmp2:
0x55: {  	[bflag:$0x0] =	sbarrier.arrive $0xFFFF;
	(pc) =	sbr.rel @p0 .LBB2_1-.Ltmp2, $4  }
0x56: {  	[hbm:s10], [sflag:s8] =	dma.local [spmem:s12], $0x2780  }
0x57: {  	_ =	swait.ge [sflag:s13], $0x2780  }
0x58: {  	[sflag:s13] =	ssyncset.done $0x0  }
0x59: {  	[sflag:s13] =	ssyncadd.s32 $0xFFFFD880  }
0x5a: {  	_ =	sfence.sel $0x180000  }
0x5b: {  	[bflag:$0x0] =	sbarrier.arrive $0xFFFF  }
0x5c: {  	p0 =	sne.s32 s2, $0x0;
	_ =	strace $0x9000005F  }
0x5d: {  	s0 =	sadd.s32 @!p0 $0x100000, s0;
	[bflag:$0x2] =	sbarrier.arrive $0xFFFF  }
0x5e: {  	[sflag:s0] =	ssyncadd.tile.s32 @!p0 $0x1;
	_ =	shalt  }
.Lfunc_end2:
_tile_overlayer_lowered:
.L_overlay_start_2:
0x5f: {  	(tag) =	ssettag $0x2  }
0x60: {  	s0 =	rddreg [dreg:$0x0];
	s2 =	stileid.u32  }
0x61: {  	s1 =	rddreg [dreg:$0x1];
	p0 =	sne.s32 s2, $0x0  }
0x62: {  	s3 =	rddreg [dreg:$0x2];
	[bflag:$0x3] =	sbarrier.arrive $0xFFFF;
	s2 =	simm.s32 @!p0 $0x1C03  }
0x63: {  	[timem:s3], [sflag:s2] =	dma.local @!p0 [hbm:s0], s1  }
0x64: {  	s0 =	simm.s32 @!p0 $0x3  }
0x65: {  	_ =	swait.ge @!p0 [sflag:s0], s1  }
0x66: {  	s1 =	ssub.s32 @!p0 $0x0, s1;
	[sflag:s0] =	ssyncset.done @!p0 $0x0  }
0x67: {  	[sflag:s0] =	ssyncadd.s32 @!p0 s1  }
0x68: {  	[bflag:$0x3] =	sbarrier.arrive $0xFFFF  }
0x69: {  	_ =	shalt  }

// kernel: kernel.28.cloned.1.call-start
scs
__scs_entry_jumppad:
0x0: {  	(pc) =	sbr.rel $0x88, $3  }
0x1: {  	(tag) =	ssettag $0x0;
	lr =	simm.s32 $0x1  }
0x2: {  	[smem:$0x3F8D] =	sst lr;
	_ =	strace $0xD0000000  }
0x3: {  	_ = 	snop  }
0x4: {  	_ = 	snop  }
0x5: {  	_ = 	snop  }
0x6: {  	_ = 	snop  }
0x7: {  	_ = 	snop  }
__scs_overlays_trampoline_lowered:
0x8: {  	[smem:$0x3F9C] =	sst s0  }
0x9: {  	[smem:$0x3F9D] =	sst s1  }
0xa: {  	[smem:$0x3F9E] =	sst s2  }
0xb: {  	[smem:$0x3F9F] =	sst s3  }
0xc: {  	[smem:$0x3FA0] =	sst s4  }
0xd: {  	[smem:$0x3FA1] =	sst s5  }
0xe: {  	[smem:$0x3FA2] =	sst s6  }
0xf: {  	[smem:$0x3FA3] =	sst s7  }
0x10: {  	[smem:$0x3FA4] =	sst s8  }
0x11: {  	[smem:$0x3FA5] =	sst s9;
	s0 =	simm.s32 @!p0 $0x0  }
0x12: {  	s1 =	sld [smem:$0x3F8B];
	s0 =	simm.s32 @p0 $0x1  }
0x13: {  	[smem:$0x3FA6] =	sst s0;
	s0 =	simm.s32 @!p1 $0x0  }
0x14: {  	s2 =	sld [smem:$0x3F8A];
	s0 =	simm.s32 @p1 $0x1  }
0x15: {  	[smem:$0x3FA7] =	sst s0;
	s0 =	simm.s32 @!p2 $0x0  }
0x16: {  	s3 =	sld [smem:$0x3FDB];
	s0 =	simm.s32 @p2 $0x1  }
0x17: {  	s4 =	simm.s32 $0x1BF5;
	[smem:$0x3FA9] =	sst s0  }
0x18: {  	s0 =	sld [smem:$0x3F8C];
	_ =	swait.ge [sflag:s4], $0x0  }
0x19: {  	s7 =	sld [smem:$0x3F8D]  }
0x1a: {  	s8 =	sadd.s32 $0xFFFFE003, lr  }
0x1b: {  	s9 =	sadd.s32 $0xFFFFFEF7, lr;
	s5 =	simm.s32 $0xFFFFFFFF;
	p2 =	slt.u32 s8, $0xFFFFF086  }
0x1c: {  	p1 =	slt.u32 s9, $0xF7A;
	s5 =	simm.s32 @!p2 $0x0  }
0x1d: {  	s5 =	simm.s32 @p1 $0x1;
	p0 =	seq.s32 s7, s2  }
0x1e: {  	s7 =	smul.u32 @!p0 $0xF7A, s2;
	p2 =	seq.s32 @!p0 s5, $0x0  }
0x1f: {  	s9 =	smul.u32 $0xF7A, s1;
	s8 =	simm.s32 @!p0 $0x1BF5;
	p2 =	por !p2, p0  }
0x20: {  	[sflag:s8] =	ssyncset.s32 @!p0 $0xFFFFF086;
	s6 =	sadd.s32 @!p0 s3, s7;
	s7 =	simm.s32 @!p0 $0x108  }
0x21: {  	s3 =	sadd.s32 s3, s9;
	s6 =	sadd.s32 @!p0 $0x88, s6;
	s7 =	simm.s32 @p2 $0x1082  }
0x22: {  	[simem:s7], [sflag:s8] =	dma.local @!p0 [hbm:s6], $0xF7A  }
0x23: {  	s9 =	sor.u32 $0xD0000000, s2;
	s6 =	simm.s32 $0x108;
	_ =	swait.ge @!p0 [sflag:s8], $0x0  }
0x24: {  	s3 =	sadd.s32 $0x88, s3;
	s6 =	simm.s32 @!p1 $0x1082;
	[sflag:s4] =	ssyncset.s32 $0xFFFFF086  }
0x25: {  	[simem:s6], [sflag:s4] =	dma.local [hbm:s3], $0xF7A  }
0x26: {  	[smem:$0x3F8D] =	sst s1;
	(tag) =	ssettag s2;
	_ =	strace s9  }
0x27: {  	s1 =	sld [smem:$0x3F9D]  }
0x28: {  	s2 =	sld [smem:$0x3F9E]  }
0x29: {  	s4 =	sld [smem:$0x3FA0]  }
0x2a: {  	p0 =	seq.s32 s5, $0x0;
	s5 =	sld [smem:$0x3FA1]  }
0x2b: {  	s6 =	sld [smem:$0x3FA2]  }
0x2c: {  	s7 =	sld [smem:$0x3FA3]  }
0x2d: {  	s3 =	simm.s32 $0x108;
	s8 =	sld [smem:$0x3FA4]  }
0x2e: {  	s3 =	simm.s32 @!p0 $0x1082;
	s9 =	sld [smem:$0x3FA5]  }
0x2f: {  	lr =	sadd.s32 s0, s3;
	s0 =	sld [smem:$0x3F9C]  }
0x30: {  	s3 =	sld [smem:$0x3F9F]  }
0x31: {  	[smem:$0x3FA8] =	sst s10  }
0x32: {  	s10 =	sld [smem:$0x3FA6];
	_ =	sdelay $0x3  }
0x33: {  	p0 =	seq.s32 s10, $0x1;
	s10 =	sld [smem:$0x3FA8];
	_ =	sdelay $0x3  }
0x34: {  	[smem:$0x3FA8] =	sst s10  }
0x35: {  	s10 =	sld [smem:$0x3FA7];
	_ =	sdelay $0x3  }
0x36: {  	p1 =	seq.s32 s10, $0x1;
	s10 =	sld [smem:$0x3FA8];
	_ =	sdelay $0x3  }
0x37: {  	[smem:$0x3FA8] =	sst s10  }
0x38: {  	s10 =	sld [smem:$0x3FA9]  }
0x39: {  	_ = 	snop;
	(pc) =	sbr.ind lr, $3  }
0x3a: {  	_ = 	snop  }
0x3b: {  	_ = 	snop  }
0x3c: {  	p2 =	seq.s32 s10, $0x1;
	s10 =	sld [smem:$0x3FA8]  }
0x3d: {  	_ =	shalt  }
0x3e: {  	_ =	shalt  }
0x3f: {  	_ =	shalt  }
0x40: {  	_ =	shalt  }
0x41: {  	_ =	shalt  }
0x42: {  	_ =	shalt  }
0x43: {  	_ =	shalt  }
0x44: {  	_ =	shalt  }
0x45: {  	_ =	shalt  }
0x46: {  	_ =	shalt  }
0x47: {  	_ =	shalt  }
0x48: {  	_ =	shalt  }
0x49: {  	_ =	shalt  }
0x4a: {  	_ =	shalt  }
0x4b: {  	_ =	shalt  }
0x4c: {  	_ =	shalt  }
0x4d: {  	_ =	shalt  }
0x4e: {  	_ =	shalt  }
0x4f: {  	_ =	shalt  }
0x50: {  	_ =	shalt  }
0x51: {  	_ =	shalt  }
0x52: {  	_ =	shalt  }
0x53: {  	_ =	shalt  }
0x54: {  	_ =	shalt  }
0x55: {  	_ =	shalt  }
0x56: {  	_ =	shalt  }
0x57: {  	_ =	shalt  }
0x58: {  	_ =	shalt  }
0x59: {  	_ =	shalt  }
0x5a: {  	_ =	shalt  }
0x5b: {  	_ =	shalt  }
0x5c: {  	_ =	shalt  }
0x5d: {  	_ =	shalt  }
0x5e: {  	_ =	shalt  }
0x5f: {  	_ =	shalt  }
0x60: {  	_ =	shalt  }
0x61: {  	_ =	shalt  }
0x62: {  	_ =	shalt  }
0x63: {  	_ =	shalt  }
0x64: {  	_ =	shalt  }
0x65: {  	_ =	shalt  }
0x66: {  	_ =	shalt  }
0x67: {  	_ =	shalt  }
0x68: {  	_ =	shalt  }
0x69: {  	_ =	shalt  }
0x6a: {  	_ =	shalt  }
0x6b: {  	_ =	shalt  }
0x6c: {  	_ =	shalt  }
0x6d: {  	_ =	shalt  }
0x6e: {  	_ =	shalt  }
0x6f: {  	_ =	shalt  }
0x70: {  	_ =	shalt  }
0x71: {  	_ =	shalt  }
0x72: {  	_ =	shalt  }
0x73: {  	_ =	shalt  }
0x74: {  	_ =	shalt  }
0x75: {  	_ =	shalt  }
0x76: {  	_ =	shalt  }
0x77: {  	_ =	shalt  }
0x78: {  	_ =	shalt  }
0x79: {  	_ =	shalt  }
0x7a: {  	_ =	shalt  }
0x7b: {  	_ =	shalt  }
0x7c: {  	_ =	shalt  }
0x7d: {  	_ =	shalt  }
0x7e: {  	_ =	shalt  }
0x7f: {  	_ =	shalt  }
0x80: {  	_ =	shalt  }
0x81: {  	_ =	shalt  }
0x82: {  	_ =	shalt  }
0x83: {  	_ =	shalt  }
0x84: {  	_ =	shalt  }
0x85: {  	_ =	shalt  }
0x86: {  	_ =	shalt  }
0x87: {  	_ =	shalt  }
.Lfunc_end0:
.L_simem_size_0:
called_computation.5_lowered:
.L_overlay_start_0:
0x88: {  	s2 =	sld [smem:$0x3FD9]  }
0x89: {  	s3 =	sld [smem:$0x3FFE];
	_ =	sdelay $0x1  }
0x8a: {  	s1 =	srdreg.scid  }
0x8b: {  	s0 =	sand.u32 $0x1, s1  }
0x8c: {  	s16 =	sshll.u32 s0, $0xA;
	s2 =	sadd.s32 s3, s2  }
0x8d: {  	s2 =	sadd.s32 s2, s16  }
0x8e: {  	[smem:$0x3FB4] =	sst s2  }
0x8f: {  	_ = 	snop  }
0x90: {  	(tm) =	ssettm $0x1  }
0x91: {  	s17 =	sld [smem:$0x3FFB];
	_ =	sdelay $0x3  }
0x92: {  	_ =	strace s17  }
0x93: {  	s2 =	sld [smem:$0x3FFC];
	_ =	sdelay $0x3  }
0x94: {  	_ =	strace s2  }
0x95: {  	s2 =	sld [smem:$0x3FFD];
	_ =	sdelay $0x3  }
0x96: {  	_ =	strace s2  }
0x97: {  	_ =	strace $0x8FFFFFFF  }
0x98: {  	s18 =	sld [smem:$0x3FDB];
	_ =	sdelay $0x1  }
0x99: {  	s19 =	simm.s32 $_scs_section_size  }
0x9a: {  	s4 =	simm.s32 $_size__tile_overlayer_lowered;
	s5 =	simm.s32 $_tile_overlayer_lowered  }
0x9b: {  	s22 =	simm.s32 $0x1BFF;
	s21 =	sshll.u32 s5, $0x1;
	s2 =	sadd.s32 s19, s18  }
0x9c: {  	s6 =	simm.s32 $0x0;
	s20 =	sshll.u32 s4, $0x1;
	s4 =	sadd.s32 s21, s2  }
0x9d: {  	[timem:s6], [sflag:s22] =	dma.local [hbm:s4], s20  }
0x9e: {  	_ =	swait.ge [sflag:s22], s20  }
0x9f: {  	s3 =	ssub.s32 $0x0, s20;
	[sflag:s22] =	ssyncset.done $0x0  }
0xa0: {  	[sflag:s22] =	ssyncadd.s32 s3;
	_ =	sdelay $0x1  }
0xa1: {  	s23 =	simm.s32 $0x1B8B  }
0xa2: {  	_ =	swait.ge [sflag:s23], $0x1  }
0xa3: {  	[sflag:s23] =	ssyncset.done $0x0  }
0xa4: {  	s25 =	simm.s32 $0x1B8E;
	s24 =	sld [smem:$0x3FFE];
	[sflag:s23] =	ssyncadd.s32 $0xFFFFFFFF  }
0xa5: {  	s26 =	simm.s32 $execute0_lowered;
	[smem:$0x3FD2] =	sst s25  }
0xa6: {  	s4 =	sshll.u32 s26, $0x1;
	_ =	strace $0x8000004F;
	[dreg:$0x1] =	wrdreg $0xFFFFFFFF  }
0xa7: {  	s28 =	simm.s32 $_size_execute0_lowered;
	s2 =	sadd.s32 s2, s4;
	[dreg:$0x0] =	wrdreg $0x0  }
0xa8: {  	s4 =	sshll.u32 s28, $0x1;
	[dreg:$0x2] =	wrdreg s2  }
0xa9: {  	[dreg:$0x3] =	wrdreg s4  }
0xaa: {  	[dreg:$0x4] =	wrdreg $0xC0  }
0xab: {  	_ =	task [dreg:s6], $0x5FFFF  }
0xac: {  	[dreg:$0x1] =	wrdreg $0xFFFFFFFF  }
0xad: {  	[dreg:$0x0] =	wrdreg $0x60  }
0xae: {  	[dreg:$0x2] =	wrdreg s24  }
0xaf: {  	[dreg:$0x3] =	wrdreg $0xA0000  }
0xb0: {  	[dreg:$0x4] =	wrdreg $0xA  }
0xb1: {  	_ =	task.clear_ibuf [dreg:s6], $0x5FFFF;
	_ =	strace $0x9000004F  }
0xb2: {  	s29 =	simm.s32 $0xA;
	_ =	strace $0x80000051  }
0xb3: {  	_ =	swait.ge [sflag:s29], $0x1  }
0xb4: {  	[sflag:s29] =	ssyncadd.s32 $0xFFFFFFFF  }
0xb5: {  	_ =	strace $0x90000051  }
0xb6: {  	_ =	sfence  }
0xb7: {  	s30 =	sld [smem:$0x0];
	_ =	sdelay $0x2  }
0xb8: {  	s31 =	sshll.u32 s1, $0xD;
	s1 =	sshrl.u32 s1, $0x2  }
0xb9: {  	s3 =	sand.u32 $0x4000, s31;
	s1 =	sadd.s32 s1, s30  }
0xba: {  	s0 =	sor.u32 s3, s0;
	s1 =	sshll.u32 s1, $0x11  }
0xbb: {  	s0 =	sor.u32 s1, s0  }
0xbc: {  	s0 =	sadd.s32 $0x8F2B, s0  }
0xbd: {  	[sflag:s0] =	ssyncadd.remote.s32 $0x1  }
0xbe: {  	_ =	sfence.sel $0xFFFF  }
0xbf: {  	[dreg:$0x0] =	wrdreg $0xFFFFFFFF;
	(pc) =	sbr.abs _section_cstart, $3  }
0xc0: {  	[dreg:$0x1] =	wrdreg $0xFFFFFFFF  }
0xc1: {  	_ =	task.clear_ibuf [dreg:s6], $0x2FFFF;
	_ =	strace $0x9FFFFFFF  }
0xc2: {  	(tm) =	ssettm $0x7FFFFFFF  }
0xc3: {  	_ =	shalt  }
tec
execute0_lowered:
.L_overlay_start_1:
0x0: {  	(tag) =	ssettag $0x1  }
0x1: {  	s8 =	rddreg [dreg:$0x0]  }
0x2: {  	s1 =	rddreg [dreg:$0x1]  }
0x3: {  	s0 =	rddreg [dreg:$0x2];
	s3 =	simm.s32 $0x0;
	s2 =	srdreg.scid  }
0x4: {  	s14 =	simm.s32 $0x1000;
	s15 =	simm.s32 $0x80;
	s16 =	simm.s32 $0x2000  }
0x5: {  	s17 =	simm.s32 $0x6000;
	s18 =	simm.s32 $0x1;
	s19 =	simm.s32 $0x2  }
0x6: {  	s20 =	simm.s32 $0x1F00;
	s21 =	simm.s32 $0x1F80;
	[smem:$0x7FF] =	sst s3  }
0x7: {  	s9 =	sand.u32 $0x1, s2;
	s2 =	stileid.u32;
	s4 =	sadd.s32 $0x3FE00, s8  }
0x8: {  	s5 =	sadd.s32 $0x7FE00, s8;
	s6 =	sadd.s32 $0x58C00, s8;
	s10 =	smul.u32 $0x13C000, s9  }
0x9: {  	s7 =	sadd.s32 $0x53E00, s8;
	_ =	strace $0x80000050;
	s11 =	smul.u32 $0x13C00, s2  }
0xa: {  	s28 =	ssub.s32 $0x2, s9;
	s13 =	smul.u32 $0x4F000, s2;
	s29 =	sshll.u32 s2, $0x1  }
0xb: {  	s31 =	sshll.u32 s2, $0x6;
	s12 =	sshrl.u32 s28, $0x1;
	s9 =	sor.u32 s9, s29  }
0xc: {  	s10 =	sadd.s32 s11, s10;
	s11 =	ssub.s32 s28, s12;
	s30 =	sshrl.u32 s13, $0x2  }
0xd: {  	s9 =	smul.u32 $0x5000, s9;
	s10 =	sshrl.u32 s10, $0x3;
	s13 =	sadd.s32 s30, s1  }
0xe: {  	s11 =	smax.u32 s11, $0x1;
	s10 =	sadd.s32 s10, s8;
	s8 =	sor.u32 $0x1C03, s31  }
0xf: {  	s12 =	sshrl.u32 s13, $0x3;
	s13 =	simm.s32 $0x3;
	s10 =	sadd.s32 $0xA7E00, s10  }
.LBB2_1:
0x10: {  	[spmem:s12], [sflag:s8] =	dma.local [hbm:s7], $0x2780  }
0x11: {  	_ =	swait.ge [sflag:s13], $0x2780  }
0x12: {  	[sflag:s13] =	ssyncset.done $0x0  }
0x13: {  	[sflag:s13] =	ssyncadd.s32 $0xFFFFD880  }
0x14: {  	s22 =	simm.s32 $0x0;
	[bflag:$0x0] =	sbarrier.arrive $0xFFFF  }
.LBB2_2:
0x15: {  	s23 =	sshll.u32 s22, $0xC  }
0x16: {  	s23 =	sadd.s32 s9, s23  }
0x17: {  	s23 =	sshrl.u32 s23, $0x3  }
0x18: {  	s25 =	simm.s32 $0x0;
	s24 =	sadd.s32 s4, s23  }
0x19: {  	[tilespmem:s25], [sflag:$0x3] =	stream.linear.gather [hbm4b:s24+s25], $0x1000, $0x38;
	[tilespmem:$0x1DC00] =	vst v63  }
0x1a: {  	_ =	swait.ge [sflag:s13], $0x1000  }
0x1b: {  	[sflag:s13] =	ssyncset.done $0x0  }
0x1c: {  	s23 =	sadd.s32 s5, s23;
	[sflag:s13] =	ssyncadd.s32 $0xFFFFF000  }
0x1d: {  	[tilespmem:s14], [sflag:$0x3] =	stream.linear.gather [hbm4b:s23+s25], $0x1000, $0x38;
	[tilespmem:$0x1DC00] =	vst v63  }
0x1e: {  	_ =	swait.ge [sflag:s13], $0x1000  }
0x1f: {  	[sflag:s13] =	ssyncset.done $0x0  }
0x20: {  	[sflag:s13] =	ssyncadd.s32 $0xFFFFF000  }
0x21: {  	[tilespmem:s16], [sflag:$0x1] =	stream.indirect.gather [hbm4b:s6+s15], $0x80, s25, s15, $0xb8;
	[tilespmem:$0x1DC00] =	vst v63  }
0x22: {  	_ = 	snop  }
0x23: {  	[tilespmem:s17], [sflag:$0x2] =	stream.indirect.gather [hbm4b:s6+s15], $0x80, s15, s15, $0xb8;
	[tilespmem:$0x1DC00] =	vst v63  }
0x24: {  	_ =	swait.ge [sflag:s18], $0x4000  }
0x25: {  	[sflag:s18] =	ssyncset.done $0x0  }
0x26: {  	s29 =	simm.s32 $0x1000;
	[sflag:s18] =	ssyncadd.s32 $0xFFFFC000  }
0x27: {  	[spmem:s1] =	stream.indirect.scatter.add.f32 [tilespmem:s16], [sflag:$0x3], $0x80, s29, s15, $0xb8;
	[tilespmem:$0x1DC00] =	vst v63  }
0x28: {  	_ =	swait.ge [sflag:s13], $0x4000  }
0x29: {  	[sflag:s13] =	ssyncset.done $0x0  }
0x2a: {  	s30 =	simm.s32 $0x100;
	[sflag:s13] =	ssyncadd.s32 $0xFFFFC000  }
0x2b: {  	[tilespmem:s16], [sflag:$0x1] =	stream.indirect.gather [hbm4b:s6+s15], $0x80, s30, s15, $0xb8;
	[tilespmem:$0x1DC00] =	vst v63  }
0x2c: {  	_ =	swait.ge [sflag:s19], $0x4000  }
0x2d: {  	[sflag:s19] =	ssyncset.done $0x0  }
0x2e: {  	s31 =	simm.s32 $0x1080;
	[sflag:s19] =	ssyncadd.s32 $0xFFFFC000  }
0x2f: {  	[spmem:s1] =	stream.indirect.scatter.add.f32 [tilespmem:s17], [sflag:$0x3], $0x80, s31, s15, $0xb8;
	[tilespmem:$0x1DC00] =	vst v63  }
0x30: {  	_ =	swait.ge [sflag:s13], $0x4000  }
0x31: {  	[sflag:s13] =	ssyncset.done $0x0  }
0x32: {  	s24 =	simm.s32 $0x180;
	s23 =	simm.s32 $0x400;
	[sflag:s13] =	ssyncadd.s32 $0xFFFFC000  }
.LBB2_3:
0x33: {  	[tilespmem:s17], [sflag:$0x2] =	stream.indirect.gather [hbm4b:s6+s15], $0x80, s24, s15, $0xb8;
	[tilespmem:$0x1DC00] =	vst v63  }
0x34: {  	s24 =	smov.u32 s23  }
0x35: {  	p0 =	sne.s32 s23, $0x3800;
	s23 =	sadd.s32 $0x400, s23;
	_ =	swait.ge [sflag:s18], $0x4000  }
0x36: {  	s24 =	sshra.s32 s24, $0x2;
	[sflag:s18] =	ssyncset.done $0x0  }
0x37: {  	s25 =	sadd.s32 $0x1000, s24;
	[sflag:s18] =	ssyncadd.s32 $0xFFFFC000  }
0x38: {  	[spmem:s1] =	stream.indirect.scatter.add.f32 [tilespmem:s16], [sflag:$0x3], $0x80, s25, s15, $0xb8;
	[tilespmem:$0x1DC00] =	vst v63  }
0x39: {  	_ =	swait.ge [sflag:s13], $0x4000  }
0x3a: {  	[sflag:s13] =	ssyncset.done $0x0  }
0x3b: {  	s25 =	sadd.s32 $0x100, s24;
	[sflag:s13] =	ssyncadd.s32 $0xFFFFC000  }
0x3c: {  	[tilespmem:s16], [sflag:$0x1] =	stream.indirect.gather [hbm4b:s6+s15], $0x80, s25, s15, $0xb8;
	[tilespmem:$0x1DC00] =	vst v63  }
0x3d: {  	_ =	swait.ge [sflag:s19], $0x4000  }
0x3e: {  	[sflag:s19] =	ssyncset.done $0x0  }
.Ltmp0:
0x3f: {  	s25 =	sadd.s32 $0x1080, s24;
	[sflag:s19] =	ssyncadd.s32 $0xFFFFC000;
	(pc) =	sbr.rel @p0 .LBB2_3-.Ltmp0, $4  }
0x40: {  	[spmem:s1] =	stream.indirect.scatter.add.f32 [tilespmem:s17], [sflag:$0x3], $0x80, s25, s15, $0xb8;
	[tilespmem:$0x1DC00] =	vst v63  }
0x41: {  	_ =	swait.ge [sflag:s13], $0x4000  }
0x42: {  	[sflag:s13] =	ssyncset.done $0x0  }
0x43: {  	s24 =	sadd.s32 $0x180, s24;
	[sflag:s13] =	ssyncadd.s32 $0xFFFFC000  }
0x44: {  	[tilespmem:s17], [sflag:$0x2] =	stream.indirect.gather [hbm4b:s6+s15], $0x80, s24, s15, $0xb8;
	[tilespmem:$0x1DC00] =	vst v63  }
0x45: {  	_ =	swait.ge [sflag:s18], $0x4000  }
0x46: {  	[sflag:s18] =	ssyncset.done $0x0  }
0x47: {  	[sflag:s18] =	ssyncadd.s32 $0xFFFFC000  }
0x48: {  	[spmem:s1] =	stream.indirect.scatter.add.f32 [tilespmem:s16], [sflag:$0x3], $0x80, s20, s15, $0xb8;
	[tilespmem:$0x1DC00] =	vst v63  }
0x49: {  	_ =	swait.ge [sflag:s13], $0x4000  }
0x4a: {  	[sflag:s13] =	ssyncset.done $0x0  }
0x4b: {  	[sflag:s13] =	ssyncadd.s32 $0xFFFFC000  }
0x4c: {  	s22 =	sadd.s32 $0x1, s22;
	_ =	swait.ge [sflag:s19], $0x4000  }
0x4d: {  	p0 =	sne.s32 s22, $0x5;
	[sflag:s19] =	ssyncset.done $0x0  }
.Ltmp1:
0x4e: {  	[sflag:s19] =	ssyncadd.s32 $0xFFFFC000;
	(pc) =	sbr.rel @p0 .LBB2_2-.Ltmp1, $4  }
0x4f: {  	[spmem:s1] =	stream.indirect.scatter.add.f32 [tilespmem:s17], [sflag:$0x3], $0x80, s21, s15, $0xb8;
	[tilespmem:$0x1DC00] =	vst v63  }
0x50: {  	_ =	swait.ge [sflag:s13], $0x4000  }
0x51: {  	[sflag:s13] =	ssyncset.done $0x0  }
0x52: {  	[sflag:s13] =	ssyncadd.s32 $0xFFFFC000  }
0x53: {  	s3 =	sadd.s32 $0x1, s3  }
0x54: {  	p0 =	sne.s32 s3, s11  }
.Ltmp2:
0x55: {  	[bflag:$0x0] =	sbarrier.arrive $0xFFFF;
	(pc) =	sbr.rel @p0 .LBB2_1-.Ltmp2, $4  }
0x56: {  	[hbm:s10], [sflag:s8] =	dma.local [spmem:s12], $0x2780  }
0x57: {  	_ =	swait.ge [sflag:s13], $0x2780  }
0x58: {  	[sflag:s13] =	ssyncset.done $0x0  }
0x59: {  	[sflag:s13] =	ssyncadd.s32 $0xFFFFD880  }
0x5a: {  	_ =	sfence.sel $0x180000  }
0x5b: {  	[bflag:$0x0] =	sbarrier.arrive $0xFFFF  }
0x5c: {  	p0 =	sne.s32 s2, $0x0;
	_ =	strace $0x90000050  }
0x5d: {  	s0 =	sadd.s32 @!p0 $0x100000, s0;
	[bflag:$0x2] =	sbarrier.arrive $0xFFFF  }
0x5e: {  	[sflag:s0] =	ssyncadd.tile.s32 @!p0 $0x1;
	_ =	shalt  }
.Lfunc_end2:
_tile_overlayer_lowered:
.L_overlay_start_2:
0x5f: {  	(tag) =	ssettag $0x2  }
0x60: {  	s0 =	rddreg [dreg:$0x0];
	s2 =	stileid.u32  }
0x61: {  	s1 =	rddreg [dreg:$0x1];
	p0 =	sne.s32 s2, $0x0  }
0x62: {  	s3 =	rddreg [dreg:$0x2];
	[bflag:$0x3] =	sbarrier.arrive $0xFFFF;
	s2 =	simm.s32 @!p0 $0x1C03  }
0x63: {  	[timem:s3], [sflag:s2] =	dma.local @!p0 [hbm:s0], s1  }
0x64: {  	s0 =	simm.s32 @!p0 $0x3  }
0x65: {  	_ =	swait.ge @!p0 [sflag:s0], s1  }
0x66: {  	s1 =	ssub.s32 @!p0 $0x0, s1;
	[sflag:s0] =	ssyncset.done @!p0 $0x0  }
0x67: {  	[sflag:s0] =	ssyncadd.s32 @!p0 s1  }
0x68: {  	[bflag:$0x3] =	sbarrier.arrive $0xFFFF  }
0x69: {  	_ =	shalt  }

// kernel: kernel.31.cloned.1.call-start
scs
__scs_entry_jumppad:
0x0: {  	(pc) =	sbr.rel $0x88, $3  }
0x1: {  	(tag) =	ssettag $0x0;
	lr =	simm.s32 $0x1  }
0x2: {  	[smem:$0x3F8D] =	sst lr;
	_ =	strace $0xD0000000  }
0x3: {  	_ = 	snop  }
0x4: {  	_ = 	snop  }
0x5: {  	_ = 	snop  }
0x6: {  	_ = 	snop  }
0x7: {  	_ = 	snop  }
__scs_overlays_trampoline_lowered:
0x8: {  	[smem:$0x3F9C] =	sst s0  }
0x9: {  	[smem:$0x3F9D] =	sst s1  }
0xa: {  	[smem:$0x3F9E] =	sst s2  }
0xb: {  	[smem:$0x3F9F] =	sst s3  }
0xc: {  	[smem:$0x3FA0] =	sst s4  }
0xd: {  	[smem:$0x3FA1] =	sst s5  }
0xe: {  	[smem:$0x3FA2] =	sst s6  }
0xf: {  	[smem:$0x3FA3] =	sst s7  }
0x10: {  	[smem:$0x3FA4] =	sst s8  }
0x11: {  	[smem:$0x3FA5] =	sst s9;
	s0 =	simm.s32 @!p0 $0x0  }
0x12: {  	s1 =	sld [smem:$0x3F8B];
	s0 =	simm.s32 @p0 $0x1  }
0x13: {  	[smem:$0x3FA6] =	sst s0;
	s0 =	simm.s32 @!p1 $0x0  }
0x14: {  	s2 =	sld [smem:$0x3F8A];
	s0 =	simm.s32 @p1 $0x1  }
0x15: {  	[smem:$0x3FA7] =	sst s0;
	s0 =	simm.s32 @!p2 $0x0  }
0x16: {  	s3 =	sld [smem:$0x3FDB];
	s0 =	simm.s32 @p2 $0x1  }
0x17: {  	s4 =	simm.s32 $0x1BF5;
	[smem:$0x3FA9] =	sst s0  }
0x18: {  	s0 =	sld [smem:$0x3F8C];
	_ =	swait.ge [sflag:s4], $0x0  }
0x19: {  	s7 =	sld [smem:$0x3F8D]  }
0x1a: {  	s8 =	sadd.s32 $0xFFFFE003, lr  }
0x1b: {  	s9 =	sadd.s32 $0xFFFFFEF7, lr;
	s5 =	simm.s32 $0xFFFFFFFF;
	p2 =	slt.u32 s8, $0xFFFFF086  }
0x1c: {  	p1 =	slt.u32 s9, $0xF7A;
	s5 =	simm.s32 @!p2 $0x0  }
0x1d: {  	s5 =	simm.s32 @p1 $0x1;
	p0 =	seq.s32 s7, s2  }
0x1e: {  	s7 =	smul.u32 @!p0 $0xF7A, s2;
	p2 =	seq.s32 @!p0 s5, $0x0  }
0x1f: {  	s9 =	smul.u32 $0xF7A, s1;
	s8 =	simm.s32 @!p0 $0x1BF5;
	p2 =	por !p2, p0  }
0x20: {  	[sflag:s8] =	ssyncset.s32 @!p0 $0xFFFFF086;
	s6 =	sadd.s32 @!p0 s3, s7;
	s7 =	simm.s32 @!p0 $0x108  }
0x21: {  	s3 =	sadd.s32 s3, s9;
	s6 =	sadd.s32 @!p0 $0x88, s6;
	s7 =	simm.s32 @p2 $0x1082  }
0x22: {  	[simem:s7], [sflag:s8] =	dma.local @!p0 [hbm:s6], $0xF7A  }
0x23: {  	s9 =	sor.u32 $0xD0000000, s2;
	s6 =	simm.s32 $0x108;
	_ =	swait.ge @!p0 [sflag:s8], $0x0  }
0x24: {  	s3 =	sadd.s32 $0x88, s3;
	s6 =	simm.s32 @!p1 $0x1082;
	[sflag:s4] =	ssyncset.s32 $0xFFFFF086  }
0x25: {  	[simem:s6], [sflag:s4] =	dma.local [hbm:s3], $0xF7A  }
0x26: {  	[smem:$0x3F8D] =	sst s1;
	(tag) =	ssettag s2;
	_ =	strace s9  }
0x27: {  	s1 =	sld [smem:$0x3F9D]  }
0x28: {  	s2 =	sld [smem:$0x3F9E]  }
0x29: {  	s4 =	sld [smem:$0x3FA0]  }
0x2a: {  	p0 =	seq.s32 s5, $0x0;
	s5 =	sld [smem:$0x3FA1]  }
0x2b: {  	s6 =	sld [smem:$0x3FA2]  }
0x2c: {  	s7 =	sld [smem:$0x3FA3]  }
0x2d: {  	s3 =	simm.s32 $0x108;
	s8 =	sld [smem:$0x3FA4]  }
0x2e: {  	s3 =	simm.s32 @!p0 $0x1082;
	s9 =	sld [smem:$0x3FA5]  }
0x2f: {  	lr =	sadd.s32 s0, s3;
	s0 =	sld [smem:$0x3F9C]  }
0x30: {  	s3 =	sld [smem:$0x3F9F]  }
0x31: {  	[smem:$0x3FA8] =	sst s10  }
0x32: {  	s10 =	sld [smem:$0x3FA6];
	_ =	sdelay $0x3  }
0x33: {  	p0 =	seq.s32 s10, $0x1;
	s10 =	sld [smem:$0x3FA8];
	_ =	sdelay $0x3  }
0x34: {  	[smem:$0x3FA8] =	sst s10  }
0x35: {  	s10 =	sld [smem:$0x3FA7];
	_ =	sdelay $0x3  }
0x36: {  	p1 =	seq.s32 s10, $0x1;
	s10 =	sld [smem:$0x3FA8];
	_ =	sdelay $0x3  }
0x37: {  	[smem:$0x3FA8] =	sst s10  }
0x38: {  	s10 =	sld [smem:$0x3FA9]  }
0x39: {  	_ = 	snop;
	(pc) =	sbr.ind lr, $3  }
0x3a: {  	_ = 	snop  }
0x3b: {  	_ = 	snop  }
0x3c: {  	p2 =	seq.s32 s10, $0x1;
	s10 =	sld [smem:$0x3FA8]  }
0x3d: {  	_ =	shalt  }
0x3e: {  	_ =	shalt  }
0x3f: {  	_ =	shalt  }
0x40: {  	_ =	shalt  }
0x41: {  	_ =	shalt  }
0x42: {  	_ =	shalt  }
0x43: {  	_ =	shalt  }
0x44: {  	_ =	shalt  }
0x45: {  	_ =	shalt  }
0x46: {  	_ =	shalt  }
0x47: {  	_ =	shalt  }
0x48: {  	_ =	shalt  }
0x49: {  	_ =	shalt  }
0x4a: {  	_ =	shalt  }
0x4b: {  	_ =	shalt  }
0x4c: {  	_ =	shalt  }
0x4d: {  	_ =	shalt  }
0x4e: {  	_ =	shalt  }
0x4f: {  	_ =	shalt  }
0x50: {  	_ =	shalt  }
0x51: {  	_ =	shalt  }
0x52: {  	_ =	shalt  }
0x53: {  	_ =	shalt  }
0x54: {  	_ =	shalt  }
0x55: {  	_ =	shalt  }
0x56: {  	_ =	shalt  }
0x57: {  	_ =	shalt  }
0x58: {  	_ =	shalt  }
0x59: {  	_ =	shalt  }
0x5a: {  	_ =	shalt  }
0x5b: {  	_ =	shalt  }
0x5c: {  	_ =	shalt  }
0x5d: {  	_ =	shalt  }
0x5e: {  	_ =	shalt  }
0x5f: {  	_ =	shalt  }
0x60: {  	_ =	shalt  }
0x61: {  	_ =	shalt  }
0x62: {  	_ =	shalt  }
0x63: {  	_ =	shalt  }
0x64: {  	_ =	shalt  }
0x65: {  	_ =	shalt  }
0x66: {  	_ =	shalt  }
0x67: {  	_ =	shalt  }
0x68: {  	_ =	shalt  }
0x69: {  	_ =	shalt  }
0x6a: {  	_ =	shalt  }
0x6b: {  	_ =	shalt  }
0x6c: {  	_ =	shalt  }
0x6d: {  	_ =	shalt  }
0x6e: {  	_ =	shalt  }
0x6f: {  	_ =	shalt  }
0x70: {  	_ =	shalt  }
0x71: {  	_ =	shalt  }
0x72: {  	_ =	shalt  }
0x73: {  	_ =	shalt  }
0x74: {  	_ =	shalt  }
0x75: {  	_ =	shalt  }
0x76: {  	_ =	shalt  }
0x77: {  	_ =	shalt  }
0x78: {  	_ =	shalt  }
0x79: {  	_ =	shalt  }
0x7a: {  	_ =	shalt  }
0x7b: {  	_ =	shalt  }
0x7c: {  	_ =	shalt  }
0x7d: {  	_ =	shalt  }
0x7e: {  	_ =	shalt  }
0x7f: {  	_ =	shalt  }
0x80: {  	_ =	shalt  }
0x81: {  	_ =	shalt  }
0x82: {  	_ =	shalt  }
0x83: {  	_ =	shalt  }
0x84: {  	_ =	shalt  }
0x85: {  	_ =	shalt  }
0x86: {  	_ =	shalt  }
0x87: {  	_ =	shalt  }
.Lfunc_end0:
.L_simem_size_0:
called_computation.6_lowered:
.L_overlay_start_0:
0x88: {  	s2 =	sld [smem:$0x3FD9]  }
0x89: {  	s3 =	sld [smem:$0x3FFE];
	_ =	sdelay $0x1  }
0x8a: {  	s1 =	srdreg.scid  }
0x8b: {  	s0 =	sand.u32 $0x1, s1  }
0x8c: {  	s17 =	sshll.u32 s0, $0xA;
	s2 =	sadd.s32 s3, s2  }
0x8d: {  	s2 =	sadd.s32 s2, s17  }
0x8e: {  	[smem:$0x3FB4] =	sst s2  }
0x8f: {  	_ = 	snop  }
0x90: {  	(tm) =	ssettm $0x1  }
0x91: {  	s18 =	sld [smem:$0x3FFB];
	_ =	sdelay $0x3  }
0x92: {  	_ =	strace s18  }
0x93: {  	s2 =	sld [smem:$0x3FFC];
	_ =	sdelay $0x3  }
0x94: {  	_ =	strace s2  }
0x95: {  	s2 =	sld [smem:$0x3FFD];
	_ =	sdelay $0x3  }
0x96: {  	_ =	strace s2  }
0x97: {  	_ =	strace $0x8FFFFFFF  }
0x98: {  	s19 =	sld [smem:$0x3FDB];
	_ =	sdelay $0x1  }
0x99: {  	s20 =	simm.s32 $_scs_section_size  }
0x9a: {  	s4 =	simm.s32 $_size__tile_overlayer_lowered;
	s5 =	simm.s32 $_tile_overlayer_lowered  }
0x9b: {  	s6 =	simm.s32 $0x1BFF;
	s21 =	sshll.u32 s5, $0x1;
	s3 =	sadd.s32 s20, s19  }
0x9c: {  	s22 =	simm.s32 $0x0;
	s4 =	sshll.u32 s4, $0x1;
	s5 =	sadd.s32 s21, s3  }
0x9d: {  	[timem:s22], [sflag:s6] =	dma.local [hbm:s5], s4  }
0x9e: {  	_ =	swait.ge [sflag:s6], s4  }
0x9f: {  	s4 =	ssub.s32 $0x0, s4;
	[sflag:s6] =	ssyncset.done $0x0  }
0xa0: {  	[sflag:s6] =	ssyncadd.s32 s4;
	_ =	sdelay $0x1  }
0xa1: {  	s23 =	simm.s32 $0x1B8B  }
0xa2: {  	_ =	swait.ge [sflag:s23], $0x1  }
0xa3: {  	[sflag:s23] =	ssyncset.done $0x0  }
0xa4: {  	[sflag:s23] =	ssyncadd.s32 $0xFFFFFFFF  }
0xa5: {  	s4 =	sld [smem:$0x0]  }
0xa6: {  	s5 =	sand.u32 $0xFFFFFFFE, s1  }
0xa7: {  	p0 =	sne.s32 s1, s5  }
0xa8: {  	s5 =	sshll.u32 @p0 s5, $0xE  }
0xa9: {  	s5 =	sadd.s32 @p0 $0x11B8D, s5;
	s6 =	sshll.u32 @p0 s4, $0x11  }
0xaa: {  	s5 =	sor.u32 @p0 s6, s5  }
0xab: {  	[sflag:s5] =	ssyncadd.remote.s32 @p0 $0x1;
	_ =	sdelay $0x1  }
0xac: {  	s5 =	simm.s32 @p0 $0x1B8D  }
0xad: {  	_ =	swait.eq @p0 [sflag:s5], $0x1  }
0xae: {  	[sflag:s5] =	ssyncadd.s32 @p0 $0xFFFFFFFF  }
0xaf: {  	s6 =	sshll.u32 @!p0 s1, $0xE  }
0xb0: {  	s6 =	sor.u32 @!p0 $0x4000, s6;
	s5 =	simm.s32 @!p0 $0x1B8D  }
0xb1: {  	s4 =	sshll.u32 @!p0 s4, $0x11;
	s6 =	sadd.s32 @!p0 $0x11B8D, s6;
	_ =	swait.eq @!p0 [sflag:s5], $0x1  }
0xb2: {  	s4 =	sor.u32 @!p0 s4, s6;
	[sflag:s5] =	ssyncadd.s32 @!p0 $0xFFFFFFFF  }
0xb3: {  	s25 =	simm.s32 $0x1B8E;
	s24 =	sld [smem:$0x3FFE];
	[sflag:s4] =	ssyncadd.remote.s32 @!p0 $0x1  }
0xb4: {  	s26 =	simm.s32 $execute0_lowered;
	[smem:$0x3FD2] =	sst s25  }
0xb5: {  	s5 =	sshll.u32 s26, $0x1;
	_ =	strace $0x80000055;
	[dreg:$0x1] =	wrdreg $0xFFFFFFFF  }
0xb6: {  	s28 =	simm.s32 $_size_execute0_lowered;
	s3 =	sadd.s32 s3, s5;
	[dreg:$0x0] =	wrdreg $0x0  }
0xb7: {  	s5 =	sshll.u32 s28, $0x1;
	[dreg:$0x2] =	wrdreg s3  }
0xb8: {  	[dreg:$0x3] =	wrdreg s5  }
0xb9: {  	[dreg:$0x4] =	wrdreg $0xC0  }
0xba: {  	_ =	task [dreg:s22], $0x5FFFF  }
0xbb: {  	[dreg:$0x1] =	wrdreg $0xFFFFFFFF  }
0xbc: {  	[dreg:$0x0] =	wrdreg $0x60  }
0xbd: {  	[dreg:$0x2] =	wrdreg s24  }
0xbe: {  	[dreg:$0x3] =	wrdreg $0xA0000  }
0xbf: {  	[dreg:$0x4] =	wrdreg $0xA  }
0xc0: {  	_ =	task.clear_ibuf [dreg:s22], $0x5FFFF;
	_ =	strace $0x90000055  }
0xc1: {  	s29 =	simm.s32 $0xA;
	_ =	strace $0x80000057  }
0xc2: {  	_ =	swait.ge [sflag:s29], $0x1  }
0xc3: {  	[sflag:s29] =	ssyncadd.s32 $0xFFFFFFFF  }
0xc4: {  	_ =	strace $0x90000057  }
0xc5: {  	_ =	sfence  }
0xc6: {  	s30 =	sld [smem:$0x0];
	_ =	sdelay $0x2  }
0xc7: {  	s31 =	sshll.u32 s1, $0xD;
	s1 =	sshrl.u32 s1, $0x2  }
0xc8: {  	s4 =	sand.u32 $0x4000, s31;
	s1 =	sadd.s32 s1, s30  }
0xc9: {  	s0 =	sor.u32 s4, s0;
	s1 =	sshll.u32 s1, $0x11  }
0xca: {  	s0 =	sor.u32 s1, s0  }
0xcb: {  	s0 =	sadd.s32 $0x8F2B, s0  }
0xcc: {  	[sflag:s0] =	ssyncadd.remote.s32 $0x1  }
0xcd: {  	_ =	sfence.sel $0xFFFF  }
0xce: {  	[dreg:$0x0] =	wrdreg $0xFFFFFFFF;
	(pc) =	sbr.abs _section_cstart, $3  }
0xcf: {  	[dreg:$0x1] =	wrdreg $0xFFFFFFFF  }
0xd0: {  	_ =	task.clear_ibuf [dreg:s22], $0x2FFFF;
	_ =	strace $0x9FFFFFFF  }
0xd1: {  	(tm) =	ssettm $0x7FFFFFFF  }
tec
execute0_lowered:
.L_overlay_start_1:
0x0: {  	(tag) =	ssettag $0x1  }
0x1: {  	s8 =	rddreg [dreg:$0x0]  }
0x2: {  	s1 =	rddreg [dreg:$0x1]  }
0x3: {  	s0 =	rddreg [dreg:$0x2];
	s3 =	simm.s32 $0x0;
	s2 =	srdreg.scid  }
0x4: {  	s14 =	simm.s32 $0x1000;
	s15 =	simm.s32 $0x80;
	s16 =	simm.s32 $0x2000  }
0x5: {  	s17 =	simm.s32 $0x6000;
	s18 =	simm.s32 $0x1;
	s19 =	simm.s32 $0x2  }
0x6: {  	s20 =	simm.s32 $0x1F00;
	s21 =	simm.s32 $0x1F80;
	[smem:$0x7FF] =	sst s3  }
0x7: {  	s9 =	sand.u32 $0x1, s2;
	s2 =	stileid.u32;
	s4 =	sadd.s32 $0x3FE00, s8  }
0x8: {  	s5 =	sadd.s32 $0x7FE00, s8;
	s6 =	sadd.s32 $0x56600, s8;
	s10 =	smul.u32 $0x13C000, s9  }
0x9: {  	s7 =	sadd.s32 $0x53E00, s8;
	_ =	strace $0x80000056;
	s11 =	smul.u32 $0x13C00, s2  }
0xa: {  	s28 =	ssub.s32 $0x2, s9;
	s13 =	smul.u32 $0x4F000, s2;
	s29 =	sshll.u32 s2, $0x1  }
0xb: {  	s31 =	sshll.u32 s2, $0x6;
	s12 =	sshrl.u32 s28, $0x1;
	s9 =	sor.u32 s9, s29  }
0xc: {  	s10 =	sadd.s32 s11, s10;
	s11 =	ssub.s32 s28, s12;
	s30 =	sshrl.u32 s13, $0x2  }
0xd: {  	s9 =	smul.u32 $0x5000, s9;
	s10 =	sshrl.u32 s10, $0x3;
	s13 =	sadd.s32 s30, s1  }
0xe: {  	s11 =	smax.u32 s11, $0x1;
	s10 =	sadd.s32 s10, s8;
	s8 =	sor.u32 $0x1C03, s31  }
0xf: {  	s12 =	sshrl.u32 s13, $0x3;
	s13 =	simm.s32 $0x3;
	s10 =	sadd.s32 $0xA7E00, s10  }
.LBB2_1:
0x10: {  	[spmem:s12], [sflag:s8] =	dma.local [hbm:s7], $0x2780  }
0x11: {  	_ =	swait.ge [sflag:s13], $0x2780  }
0x12: {  	[sflag:s13] =	ssyncset.done $0x0  }
0x13: {  	[sflag:s13] =	ssyncadd.s32 $0xFFFFD880  }
0x14: {  	s22 =	simm.s32 $0x0;
	[bflag:$0x0] =	sbarrier.arrive $0xFFFF  }
.LBB2_2:
0x15: {  	s23 =	sshll.u32 s22, $0xC  }
0x16: {  	s23 =	sadd.s32 s9, s23  }
0x17: {  	s23 =	sshrl.u32 s23, $0x3  }
0x18: {  	s25 =	simm.s32 $0x0;
	s24 =	sadd.s32 s4, s23  }
0x19: {  	[tilespmem:s25], [sflag:$0x3] =	stream.linear.gather [hbm4b:s24+s25], $0x1000, $0x38;
	[tilespmem:$0x1DC00] =	vst v63  }
0x1a: {  	_ =	swait.ge [sflag:s13], $0x1000  }
0x1b: {  	[sflag:s13] =	ssyncset.done $0x0  }
0x1c: {  	s23 =	sadd.s32 s5, s23;
	[sflag:s13] =	ssyncadd.s32 $0xFFFFF000  }
0x1d: {  	[tilespmem:s14], [sflag:$0x3] =	stream.linear.gather [hbm4b:s23+s25], $0x1000, $0x38;
	[tilespmem:$0x1DC00] =	vst v63  }
0x1e: {  	_ =	swait.ge [sflag:s13], $0x1000  }
0x1f: {  	[sflag:s13] =	ssyncset.done $0x0  }
0x20: {  	[sflag:s13] =	ssyncadd.s32 $0xFFFFF000  }
0x21: {  	[tilespmem:s16], [sflag:$0x1] =	stream.indirect.gather [hbm4b:s6+s15], $0x80, s25, s15, $0xb8;
	[tilespmem:$0x1DC00] =	vst v63  }
0x22: {  	_ = 	snop  }
0x23: {  	[tilespmem:s17], [sflag:$0x2] =	stream.indirect.gather [hbm4b:s6+s15], $0x80, s15, s15, $0xb8;
	[tilespmem:$0x1DC00] =	vst v63  }
0x24: {  	_ =	swait.ge [sflag:s18], $0x4000  }
0x25: {  	[sflag:s18] =	ssyncset.done $0x0  }
0x26: {  	s29 =	simm.s32 $0x1000;
	[sflag:s18] =	ssyncadd.s32 $0xFFFFC000  }
0x27: {  	[spmem:s1] =	stream.indirect.scatter.add.f32 [tilespmem:s16], [sflag:$0x3], $0x80, s29, s15, $0xb8;
	[tilespmem:$0x1DC00] =	vst v63  }
0x28: {  	_ =	swait.ge [sflag:s13], $0x4000  }
0x29: {  	[sflag:s13] =	ssyncset.done $0x0  }
0x2a: {  	s30 =	simm.s32 $0x100;
	[sflag:s13] =	ssyncadd.s32 $0xFFFFC000  }
0x2b: {  	[tilespmem:s16], [sflag:$0x1] =	stream.indirect.gather [hbm4b:s6+s15], $0x80, s30, s15, $0xb8;
	[tilespmem:$0x1DC00] =	vst v63  }
0x2c: {  	_ =	swait.ge [sflag:s19], $0x4000  }
0x2d: {  	[sflag:s19] =	ssyncset.done $0x0  }
0x2e: {  	s31 =	simm.s32 $0x1080;
	[sflag:s19] =	ssyncadd.s32 $0xFFFFC000  }
0x2f: {  	[spmem:s1] =	stream.indirect.scatter.add.f32 [tilespmem:s17], [sflag:$0x3], $0x80, s31, s15, $0xb8;
	[tilespmem:$0x1DC00] =	vst v63  }
0x30: {  	_ =	swait.ge [sflag:s13], $0x4000  }
0x31: {  	[sflag:s13] =	ssyncset.done $0x0  }
0x32: {  	s24 =	simm.s32 $0x180;
	s23 =	simm.s32 $0x400;
	[sflag:s13] =	ssyncadd.s32 $0xFFFFC000  }
.LBB2_3:
0x33: {  	[tilespmem:s17], [sflag:$0x2] =	stream.indirect.gather [hbm4b:s6+s15], $0x80, s24, s15, $0xb8;
	[tilespmem:$0x1DC00] =	vst v63  }
0x34: {  	s24 =	smov.u32 s23  }
0x35: {  	p0 =	sne.s32 s23, $0x3800;
	s23 =	sadd.s32 $0x400, s23;
	_ =	swait.ge [sflag:s18], $0x4000  }
0x36: {  	s24 =	sshra.s32 s24, $0x2;
	[sflag:s18] =	ssyncset.done $0x0  }
0x37: {  	s25 =	sadd.s32 $0x1000, s24;
	[sflag:s18] =	ssyncadd.s32 $0xFFFFC000  }
0x38: {  	[spmem:s1] =	stream.indirect.scatter.add.f32 [tilespmem:s16], [sflag:$0x3], $0x80, s25, s15, $0xb8;
	[tilespmem:$0x1DC00] =	vst v63  }
0x39: {  	_ =	swait.ge [sflag:s13], $0x4000  }
0x3a: {  	[sflag:s13] =	ssyncset.done $0x0  }
0x3b: {  	s25 =	sadd.s32 $0x100, s24;
	[sflag:s13] =	ssyncadd.s32 $0xFFFFC000  }
0x3c: {  	[tilespmem:s16], [sflag:$0x1] =	stream.indirect.gather [hbm4b:s6+s15], $0x80, s25, s15, $0xb8;
	[tilespmem:$0x1DC00] =	vst v63  }
0x3d: {  	_ =	swait.ge [sflag:s19], $0x4000  }
0x3e: {  	[sflag:s19] =	ssyncset.done $0x0  }
.Ltmp0:
0x3f: {  	s25 =	sadd.s32 $0x1080, s24;
	[sflag:s19] =	ssyncadd.s32 $0xFFFFC000;
	(pc) =	sbr.rel @p0 .LBB2_3-.Ltmp0, $4  }
0x40: {  	[spmem:s1] =	stream.indirect.scatter.add.f32 [tilespmem:s17], [sflag:$0x3], $0x80, s25, s15, $0xb8;
	[tilespmem:$0x1DC00] =	vst v63  }
0x41: {  	_ =	swait.ge [sflag:s13], $0x4000  }
0x42: {  	[sflag:s13] =	ssyncset.done $0x0  }
0x43: {  	s24 =	sadd.s32 $0x180, s24;
	[sflag:s13] =	ssyncadd.s32 $0xFFFFC000  }
0x44: {  	[tilespmem:s17], [sflag:$0x2] =	stream.indirect.gather [hbm4b:s6+s15], $0x80, s24, s15, $0xb8;
	[tilespmem:$0x1DC00] =	vst v63  }
0x45: {  	_ =	swait.ge [sflag:s18], $0x4000  }
0x46: {  	[sflag:s18] =	ssyncset.done $0x0  }
0x47: {  	[sflag:s18] =	ssyncadd.s32 $0xFFFFC000  }
0x48: {  	[spmem:s1] =	stream.indirect.scatter.add.f32 [tilespmem:s16], [sflag:$0x3], $0x80, s20, s15, $0xb8;
	[tilespmem:$0x1DC00] =	vst v63  }
0x49: {  	_ =	swait.ge [sflag:s13], $0x4000  }
0x4a: {  	[sflag:s13] =	ssyncset.done $0x0  }
0x4b: {  	[sflag:s13] =	ssyncadd.s32 $0xFFFFC000  }
0x4c: {  	s22 =	sadd.s32 $0x1, s22;
	_ =	swait.ge [sflag:s19], $0x4000  }
0x4d: {  	p0 =	sne.s32 s22, $0x5;
	[sflag:s19] =	ssyncset.done $0x0  }
.Ltmp1:
0x4e: {  	[sflag:s19] =	ssyncadd.s32 $0xFFFFC000;
	(pc) =	sbr.rel @p0 .LBB2_2-.Ltmp1, $4  }
0x4f: {  	[spmem:s1] =	stream.indirect.scatter.add.f32 [tilespmem:s17], [sflag:$0x3], $0x80, s21, s15, $0xb8;
	[tilespmem:$0x1DC00] =	vst v63  }
0x50: {  	_ =	swait.ge [sflag:s13], $0x4000  }
0x51: {  	[sflag:s13] =	ssyncset.done $0x0  }
0x52: {  	[sflag:s13] =	ssyncadd.s32 $0xFFFFC000  }
0x53: {  	s3 =	sadd.s32 $0x1, s3  }
0x54: {  	p0 =	sne.s32 s3, s11  }
.Ltmp2:
0x55: {  	[bflag:$0x0] =	sbarrier.arrive $0xFFFF;
	(pc) =	sbr.rel @p0 .LBB2_1-.Ltmp2, $4  }
0x56: {  	[hbm:s10], [sflag:s8] =	dma.local [spmem:s12], $0x2780  }
0x57: {  	_ =	swait.ge [sflag:s13], $0x2780  }
0x58: {  	[sflag:s13] =	ssyncset.done $0x0  }
0x59: {  	[sflag:s13] =	ssyncadd.s32 $0xFFFFD880  }
0x5a: {  	_ =	sfence.sel $0x180000  }
0x5b: {  	[bflag:$0x0] =	sbarrier.arrive $0xFFFF  }
0x5c: {  	p0 =	sne.s32 s2, $0x0;
	_ =	strace $0x90000056  }
0x5d: {  	s0 =	sadd.s32 @!p0 $0x100000, s0;
	[bflag:$0x2] =	sbarrier.arrive $0xFFFF  }
0x5e: {  	[sflag:s0] =	ssyncadd.tile.s32 @!p0 $0x1;
	_ =	shalt  }
.Lfunc_end2:
_tile_overlayer_lowered:
.L_overlay_start_2:
0x5f: {  	(tag) =	ssettag $0x2  }
0x60: {  	s0 =	rddreg [dreg:$0x0];
	s2 =	stileid.u32  }
0x61: {  	s1 =	rddreg [dreg:$0x1];
	p0 =	sne.s32 s2, $0x0  }
0x62: {  	s3 =	rddreg [dreg:$0x2];
	[bflag:$0x3] =	sbarrier.arrive $0xFFFF;
	s2 =	simm.s32 @!p0 $0x1C03  }
0x63: {  	[timem:s3], [sflag:s2] =	dma.local @!p0 [hbm:s0], s1  }
0x64: {  	s0 =	simm.s32 @!p0 $0x3  }
0x65: {  	_ =	swait.ge @!p0 [sflag:s0], s1  }
0x66: {  	s1 =	ssub.s32 @!p0 $0x0, s1;
	[sflag:s0] =	ssyncset.done @!p0 $0x0  }
0x67: {  	[sflag:s0] =	ssyncadd.s32 @!p0 s1  }
0x68: {  	[bflag:$0x3] =	sbarrier.arrive $0xFFFF  }
0x69: {  	_ =	shalt  }

// kernel: kernel.34.cloned.1.call-start
scs
__scs_entry_jumppad:
0x0: {  	(pc) =	sbr.rel $0x88, $3  }
0x1: {  	(tag) =	ssettag $0x0;
	lr =	simm.s32 $0x1  }
0x2: {  	[smem:$0x3F8D] =	sst lr;
	_ =	strace $0xD0000000  }
0x3: {  	_ = 	snop  }
0x4: {  	_ = 	snop  }
0x5: {  	_ = 	snop  }
0x6: {  	_ = 	snop  }
0x7: {  	_ = 	snop  }
__scs_overlays_trampoline_lowered:
0x8: {  	[smem:$0x3F9C] =	sst s0  }
0x9: {  	[smem:$0x3F9D] =	sst s1  }
0xa: {  	[smem:$0x3F9E] =	sst s2  }
0xb: {  	[smem:$0x3F9F] =	sst s3  }
0xc: {  	[smem:$0x3FA0] =	sst s4  }
0xd: {  	[smem:$0x3FA1] =	sst s5  }
0xe: {  	[smem:$0x3FA2] =	sst s6  }
0xf: {  	[smem:$0x3FA3] =	sst s7  }
0x10: {  	[smem:$0x3FA4] =	sst s8  }
0x11: {  	[smem:$0x3FA5] =	sst s9;
	s0 =	simm.s32 @!p0 $0x0  }
0x12: {  	s1 =	sld [smem:$0x3F8B];
	s0 =	simm.s32 @p0 $0x1  }
0x13: {  	[smem:$0x3FA6] =	sst s0;
	s0 =	simm.s32 @!p1 $0x0  }
0x14: {  	s2 =	sld [smem:$0x3F8A];
	s0 =	simm.s32 @p1 $0x1  }
0x15: {  	[smem:$0x3FA7] =	sst s0;
	s0 =	simm.s32 @!p2 $0x0  }
0x16: {  	s3 =	sld [smem:$0x3FDB];
	s0 =	simm.s32 @p2 $0x1  }
0x17: {  	s4 =	simm.s32 $0x1BF5;
	[smem:$0x3FA9] =	sst s0  }
0x18: {  	s0 =	sld [smem:$0x3F8C];
	_ =	swait.ge [sflag:s4], $0x0  }
0x19: {  	s7 =	sld [smem:$0x3F8D]  }
0x1a: {  	s8 =	sadd.s32 $0xFFFFE003, lr  }
0x1b: {  	s9 =	sadd.s32 $0xFFFFFEF7, lr;
	s5 =	simm.s32 $0xFFFFFFFF;
	p2 =	slt.u32 s8, $0xFFFFF086  }
0x1c: {  	p1 =	slt.u32 s9, $0xF7A;
	s5 =	simm.s32 @!p2 $0x0  }
0x1d: {  	s5 =	simm.s32 @p1 $0x1;
	p0 =	seq.s32 s7, s2  }
0x1e: {  	s7 =	smul.u32 @!p0 $0xF7A, s2;
	p2 =	seq.s32 @!p0 s5, $0x0  }
0x1f: {  	s9 =	smul.u32 $0xF7A, s1;
	s8 =	simm.s32 @!p0 $0x1BF5;
	p2 =	por !p2, p0  }
0x20: {  	[sflag:s8] =	ssyncset.s32 @!p0 $0xFFFFF086;
	s6 =	sadd.s32 @!p0 s3, s7;
	s7 =	simm.s32 @!p0 $0x108  }
0x21: {  	s3 =	sadd.s32 s3, s9;
	s6 =	sadd.s32 @!p0 $0x88, s6;
	s7 =	simm.s32 @p2 $0x1082  }
0x22: {  	[simem:s7], [sflag:s8] =	dma.local @!p0 [hbm:s6], $0xF7A  }
0x23: {  	s9 =	sor.u32 $0xD0000000, s2;
	s6 =	simm.s32 $0x108;
	_ =	swait.ge @!p0 [sflag:s8], $0x0  }
0x24: {  	s3 =	sadd.s32 $0x88, s3;
	s6 =	simm.s32 @!p1 $0x1082;
	[sflag:s4] =	ssyncset.s32 $0xFFFFF086  }
0x25: {  	[simem:s6], [sflag:s4] =	dma.local [hbm:s3], $0xF7A  }
0x26: {  	[smem:$0x3F8D] =	sst s1;
	(tag) =	ssettag s2;
	_ =	strace s9  }
0x27: {  	s1 =	sld [smem:$0x3F9D]  }
0x28: {  	s2 =	sld [smem:$0x3F9E]  }
0x29: {  	s4 =	sld [smem:$0x3FA0]  }
0x2a: {  	p0 =	seq.s32 s5, $0x0;
	s5 =	sld [smem:$0x3FA1]  }
0x2b: {  	s6 =	sld [smem:$0x3FA2]  }
0x2c: {  	s7 =	sld [smem:$0x3FA3]  }
0x2d: {  	s3 =	simm.s32 $0x108;
	s8 =	sld [smem:$0x3FA4]  }
0x2e: {  	s3 =	simm.s32 @!p0 $0x1082;
	s9 =	sld [smem:$0x3FA5]  }
0x2f: {  	lr =	sadd.s32 s0, s3;
	s0 =	sld [smem:$0x3F9C]  }
0x30: {  	s3 =	sld [smem:$0x3F9F]  }
0x31: {  	[smem:$0x3FA8] =	sst s10  }
0x32: {  	s10 =	sld [smem:$0x3FA6];
	_ =	sdelay $0x3  }
0x33: {  	p0 =	seq.s32 s10, $0x1;
	s10 =	sld [smem:$0x3FA8];
	_ =	sdelay $0x3  }
0x34: {  	[smem:$0x3FA8] =	sst s10  }
0x35: {  	s10 =	sld [smem:$0x3FA7];
	_ =	sdelay $0x3  }
0x36: {  	p1 =	seq.s32 s10, $0x1;
	s10 =	sld [smem:$0x3FA8];
	_ =	sdelay $0x3  }
0x37: {  	[smem:$0x3FA8] =	sst s10  }
0x38: {  	s10 =	sld [smem:$0x3FA9]  }
0x39: {  	_ = 	snop;
	(pc) =	sbr.ind lr, $3  }
0x3a: {  	_ = 	snop  }
0x3b: {  	_ = 	snop  }
0x3c: {  	p2 =	seq.s32 s10, $0x1;
	s10 =	sld [smem:$0x3FA8]  }
0x3d: {  	_ =	shalt  }
0x3e: {  	_ =	shalt  }
0x3f: {  	_ =	shalt  }
0x40: {  	_ =	shalt  }
0x41: {  	_ =	shalt  }
0x42: {  	_ =	shalt  }
0x43: {  	_ =	shalt  }
0x44: {  	_ =	shalt  }
0x45: {  	_ =	shalt  }
0x46: {  	_ =	shalt  }
0x47: {  	_ =	shalt  }
0x48: {  	_ =	shalt  }
0x49: {  	_ =	shalt  }
0x4a: {  	_ =	shalt  }
0x4b: {  	_ =	shalt  }
0x4c: {  	_ =	shalt  }
0x4d: {  	_ =	shalt  }
0x4e: {  	_ =	shalt  }
0x4f: {  	_ =	shalt  }
0x50: {  	_ =	shalt  }
0x51: {  	_ =	shalt  }
0x52: {  	_ =	shalt  }
0x53: {  	_ =	shalt  }
0x54: {  	_ =	shalt  }
0x55: {  	_ =	shalt  }
0x56: {  	_ =	shalt  }
0x57: {  	_ =	shalt  }
0x58: {  	_ =	shalt  }
0x59: {  	_ =	shalt  }
0x5a: {  	_ =	shalt  }
0x5b: {  	_ =	shalt  }
0x5c: {  	_ =	shalt  }
0x5d: {  	_ =	shalt  }
0x5e: {  	_ =	shalt  }
0x5f: {  	_ =	shalt  }
0x60: {  	_ =	shalt  }
0x61: {  	_ =	shalt  }
0x62: {  	_ =	shalt  }
0x63: {  	_ =	shalt  }
0x64: {  	_ =	shalt  }
0x65: {  	_ =	shalt  }
0x66: {  	_ =	shalt  }
0x67: {  	_ =	shalt  }
0x68: {  	_ =	shalt  }
0x69: {  	_ =	shalt  }
0x6a: {  	_ =	shalt  }
0x6b: {  	_ =	shalt  }
0x6c: {  	_ =	shalt  }
0x6d: {  	_ =	shalt  }
0x6e: {  	_ =	shalt  }
0x6f: {  	_ =	shalt  }
0x70: {  	_ =	shalt  }
0x71: {  	_ =	shalt  }
0x72: {  	_ =	shalt  }
0x73: {  	_ =	shalt  }
0x74: {  	_ =	shalt  }
0x75: {  	_ =	shalt  }
0x76: {  	_ =	shalt  }
0x77: {  	_ =	shalt  }
0x78: {  	_ =	shalt  }
0x79: {  	_ =	shalt  }
0x7a: {  	_ =	shalt  }
0x7b: {  	_ =	shalt  }
0x7c: {  	_ =	shalt  }
0x7d: {  	_ =	shalt  }
0x7e: {  	_ =	shalt  }
0x7f: {  	_ =	shalt  }
0x80: {  	_ =	shalt  }
0x81: {  	_ =	shalt  }
0x82: {  	_ =	shalt  }
0x83: {  	_ =	shalt  }
0x84: {  	_ =	shalt  }
0x85: {  	_ =	shalt  }
0x86: {  	_ =	shalt  }
0x87: {  	_ =	shalt  }
.Lfunc_end0:
.L_simem_size_0:
called_computation.7_lowered:
.L_overlay_start_0:
0x88: {  	s2 =	sld [smem:$0x3FD9]  }
0x89: {  	s3 =	sld [smem:$0x3FFE];
	_ =	sdelay $0x1  }
0x8a: {  	s1 =	srdreg.scid  }
0x8b: {  	s0 =	sand.u32 $0x1, s1  }
0x8c: {  	s17 =	sshll.u32 s0, $0xA;
	s2 =	sadd.s32 s3, s2  }
0x8d: {  	s2 =	sadd.s32 s2, s17  }
0x8e: {  	[smem:$0x3FB4] =	sst s2  }
0x8f: {  	_ = 	snop  }
0x90: {  	(tm) =	ssettm $0x1  }
0x91: {  	s18 =	sld [smem:$0x3FFB];
	_ =	sdelay $0x3  }
0x92: {  	_ =	strace s18  }
0x93: {  	s2 =	sld [smem:$0x3FFC];
	_ =	sdelay $0x3  }
0x94: {  	_ =	strace s2  }
0x95: {  	s2 =	sld [smem:$0x3FFD];
	_ =	sdelay $0x3  }
0x96: {  	_ =	strace s2  }
0x97: {  	_ =	strace $0x8FFFFFFF  }
0x98: {  	s19 =	sld [smem:$0x3FDB];
	_ =	sdelay $0x1  }
0x99: {  	s20 =	simm.s32 $_scs_section_size  }
0x9a: {  	s4 =	simm.s32 $_size__tile_overlayer_lowered;
	s5 =	simm.s32 $_tile_overlayer_lowered  }
0x9b: {  	s6 =	simm.s32 $0x1BFF;
	s21 =	sshll.u32 s5, $0x1;
	s3 =	sadd.s32 s20, s19  }
0x9c: {  	s22 =	simm.s32 $0x0;
	s4 =	sshll.u32 s4, $0x1;
	s5 =	sadd.s32 s21, s3  }
0x9d: {  	[timem:s22], [sflag:s6] =	dma.local [hbm:s5], s4  }
0x9e: {  	_ =	swait.ge [sflag:s6], s4  }
0x9f: {  	s4 =	ssub.s32 $0x0, s4;
	[sflag:s6] =	ssyncset.done $0x0  }
0xa0: {  	[sflag:s6] =	ssyncadd.s32 s4;
	_ =	sdelay $0x1  }
0xa1: {  	s23 =	simm.s32 $0x1B8B  }
0xa2: {  	_ =	swait.ge [sflag:s23], $0x1  }
0xa3: {  	[sflag:s23] =	ssyncset.done $0x0  }
0xa4: {  	[sflag:s23] =	ssyncadd.s32 $0xFFFFFFFF  }
0xa5: {  	s4 =	sld [smem:$0x0]  }
0xa6: {  	s5 =	sand.u32 $0xFFFFFFFE, s1  }
0xa7: {  	p0 =	sne.s32 s1, s5  }
0xa8: {  	s5 =	sshll.u32 @p0 s5, $0xE  }
0xa9: {  	s5 =	sadd.s32 @p0 $0x11B8D, s5;
	s6 =	sshll.u32 @p0 s4, $0x11  }
0xaa: {  	s5 =	sor.u32 @p0 s6, s5  }
0xab: {  	[sflag:s5] =	ssyncadd.remote.s32 @p0 $0x1;
	_ =	sdelay $0x1  }
0xac: {  	s5 =	simm.s32 @p0 $0x1B8D  }
0xad: {  	_ =	swait.eq @p0 [sflag:s5], $0x1  }
0xae: {  	[sflag:s5] =	ssyncadd.s32 @p0 $0xFFFFFFFF  }
0xaf: {  	s6 =	sshll.u32 @!p0 s1, $0xE  }
0xb0: {  	s6 =	sor.u32 @!p0 $0x4000, s6;
	s5 =	simm.s32 @!p0 $0x1B8D  }
0xb1: {  	s4 =	sshll.u32 @!p0 s4, $0x11;
	s6 =	sadd.s32 @!p0 $0x11B8D, s6;
	_ =	swait.eq @!p0 [sflag:s5], $0x1  }
0xb2: {  	s4 =	sor.u32 @!p0 s4, s6;
	[sflag:s5] =	ssyncadd.s32 @!p0 $0xFFFFFFFF  }
0xb3: {  	s25 =	simm.s32 $0x1B8E;
	s24 =	sld [smem:$0x3FFE];
	[sflag:s4] =	ssyncadd.remote.s32 @!p0 $0x1  }
0xb4: {  	s26 =	simm.s32 $execute0_lowered;
	[smem:$0x3FD2] =	sst s25  }
0xb5: {  	s5 =	sshll.u32 s26, $0x1;
	_ =	strace $0x8000005B;
	[dreg:$0x1] =	wrdreg $0xFFFFFFFF  }
0xb6: {  	s28 =	simm.s32 $_size_execute0_lowered;
	s3 =	sadd.s32 s3, s5;
	[dreg:$0x0] =	wrdreg $0x0  }
0xb7: {  	s5 =	sshll.u32 s28, $0x1;
	[dreg:$0x2] =	wrdreg s3  }
0xb8: {  	[dreg:$0x3] =	wrdreg s5  }
0xb9: {  	[dreg:$0x4] =	wrdreg $0xC0  }
0xba: {  	_ =	task [dreg:s22], $0x5FFFF  }
0xbb: {  	[dreg:$0x1] =	wrdreg $0xFFFFFFFF  }
0xbc: {  	[dreg:$0x0] =	wrdreg $0x60  }
0xbd: {  	[dreg:$0x2] =	wrdreg s24  }
0xbe: {  	[dreg:$0x3] =	wrdreg $0xA0000  }
0xbf: {  	[dreg:$0x4] =	wrdreg $0xA  }
0xc0: {  	_ =	task.clear_ibuf [dreg:s22], $0x5FFFF;
	_ =	strace $0x9000005B  }
0xc1: {  	s29 =	simm.s32 $0xA;
	_ =	strace $0x8000005D  }
0xc2: {  	_ =	swait.ge [sflag:s29], $0x1  }
0xc3: {  	[sflag:s29] =	ssyncadd.s32 $0xFFFFFFFF  }
0xc4: {  	_ =	strace $0x9000005D  }
0xc5: {  	_ =	sfence  }
0xc6: {  	s30 =	sld [smem:$0x0];
	_ =	sdelay $0x2  }
0xc7: {  	s31 =	sshll.u32 s1, $0xD;
	s1 =	sshrl.u32 s1, $0x2  }
0xc8: {  	s4 =	sand.u32 $0x4000, s31;
	s1 =	sadd.s32 s1, s30  }
0xc9: {  	s0 =	sor.u32 s4, s0;
	s1 =	sshll.u32 s1, $0x11  }
0xca: {  	s0 =	sor.u32 s1, s0  }
0xcb: {  	s0 =	sadd.s32 $0x8F2B, s0  }
0xcc: {  	[sflag:s0] =	ssyncadd.remote.s32 $0x1  }
0xcd: {  	_ =	sfence.sel $0xFFFF  }
0xce: {  	[dreg:$0x0] =	wrdreg $0xFFFFFFFF;
	(pc) =	sbr.abs _section_cstart, $3  }
0xcf: {  	[dreg:$0x1] =	wrdreg $0xFFFFFFFF  }
0xd0: {  	_ =	task.clear_ibuf [dreg:s22], $0x2FFFF;
	_ =	strace $0x9FFFFFFF  }
0xd1: {  	(tm) =	ssettm $0x7FFFFFFF  }
tec
execute0_lowered:
.L_overlay_start_1:
0x0: {  	(tag) =	ssettag $0x1  }
0x1: {  	s8 =	rddreg [dreg:$0x0]  }
0x2: {  	s1 =	rddreg [dreg:$0x1]  }
0x3: {  	s0 =	rddreg [dreg:$0x2];
	s3 =	simm.s32 $0x0;
	s2 =	srdreg.scid  }
0x4: {  	s14 =	simm.s32 $0x1000;
	s15 =	simm.s32 $0x80;
	s16 =	simm.s32 $0x2000  }
0x5: {  	s17 =	simm.s32 $0x6000;
	s18 =	simm.s32 $0x1;
	s19 =	simm.s32 $0x2  }
0x6: {  	s20 =	simm.s32 $0x1F00;
	s21 =	simm.s32 $0x1F80;
	[smem:$0x7FF] =	sst s3  }
0x7: {  	s9 =	sand.u32 $0x1, s2;
	s2 =	stileid.u32;
	s4 =	sadd.s32 $0x3FE00, s8  }
0x8: {  	s5 =	sadd.s32 $0x7FE00, s8;
	s6 =	sadd.s32 $0x18C00, s8;
	s10 =	smul.u32 $0x13C000, s9  }
0x9: {  	s7 =	sadd.s32 $0x53E00, s8;
	_ =	strace $0x8000005C;
	s11 =	smul.u32 $0x13C00, s2  }
0xa: {  	s28 =	ssub.s32 $0x2, s9;
	s13 =	smul.u32 $0x4F000, s2;
	s29 =	sshll.u32 s2, $0x1  }
0xb: {  	s31 =	sshll.u32 s2, $0x6;
	s12 =	sshrl.u32 s28, $0x1;
	s9 =	sor.u32 s9, s29  }
0xc: {  	s10 =	sadd.s32 s11, s10;
	s11 =	ssub.s32 s28, s12;
	s30 =	sshrl.u32 s13, $0x2  }
0xd: {  	s9 =	smul.u32 $0x5000, s9;
	s10 =	sshrl.u32 s10, $0x3;
	s13 =	sadd.s32 s30, s1  }
0xe: {  	s11 =	smax.u32 s11, $0x1;
	s10 =	sadd.s32 s10, s8;
	s8 =	sor.u32 $0x1C03, s31  }
0xf: {  	s12 =	sshrl.u32 s13, $0x3;
	s13 =	simm.s32 $0x3;
	s10 =	sadd.s32 $0xA7E00, s10  }
.LBB2_1:
0x10: {  	[spmem:s12], [sflag:s8] =	dma.local [hbm:s7], $0x2780  }
0x11: {  	_ =	swait.ge [sflag:s13], $0x2780  }
0x12: {  	[sflag:s13] =	ssyncset.done $0x0  }
0x13: {  	[sflag:s13] =	ssyncadd.s32 $0xFFFFD880  }
0x14: {  	s22 =	simm.s32 $0x0;
	[bflag:$0x0] =	sbarrier.arrive $0xFFFF  }
.LBB2_2:
0x15: {  	s23 =	sshll.u32 s22, $0xC  }
0x16: {  	s23 =	sadd.s32 s9, s23  }
0x17: {  	s23 =	sshrl.u32 s23, $0x3  }
0x18: {  	s25 =	simm.s32 $0x0;
	s24 =	sadd.s32 s4, s23  }
0x19: {  	[tilespmem:s25], [sflag:$0x3] =	stream.linear.gather [hbm4b:s24+s25], $0x1000, $0x38;
	[tilespmem:$0x1DC00] =	vst v63  }
0x1a: {  	_ =	swait.ge [sflag:s13], $0x1000  }
0x1b: {  	[sflag:s13] =	ssyncset.done $0x0  }
0x1c: {  	s23 =	sadd.s32 s5, s23;
	[sflag:s13] =	ssyncadd.s32 $0xFFFFF000  }
0x1d: {  	[tilespmem:s14], [sflag:$0x3] =	stream.linear.gather [hbm4b:s23+s25], $0x1000, $0x38;
	[tilespmem:$0x1DC00] =	vst v63  }
0x1e: {  	_ =	swait.ge [sflag:s13], $0x1000  }
0x1f: {  	[sflag:s13] =	ssyncset.done $0x0  }
0x20: {  	[sflag:s13] =	ssyncadd.s32 $0xFFFFF000  }
0x21: {  	[tilespmem:s16], [sflag:$0x1] =	stream.indirect.gather [hbm4b:s6+s15], $0x80, s25, s15, $0xb8;
	[tilespmem:$0x1DC00] =	vst v63  }
0x22: {  	_ = 	snop  }
0x23: {  	[tilespmem:s17], [sflag:$0x2] =	stream.indirect.gather [hbm4b:s6+s15], $0x80, s15, s15, $0xb8;
	[tilespmem:$0x1DC00] =	vst v63  }
0x24: {  	_ =	swait.ge [sflag:s18], $0x4000  }
0x25: {  	[sflag:s18] =	ssyncset.done $0x0  }
0x26: {  	s29 =	simm.s32 $0x1000;
	[sflag:s18] =	ssyncadd.s32 $0xFFFFC000  }
0x27: {  	[spmem:s1] =	stream.indirect.scatter.add.f32 [tilespmem:s16], [sflag:$0x3], $0x80, s29, s15, $0xb8;
	[tilespmem:$0x1DC00] =	vst v63  }
0x28: {  	_ =	swait.ge [sflag:s13], $0x4000  }
0x29: {  	[sflag:s13] =	ssyncset.done $0x0  }
0x2a: {  	s30 =	simm.s32 $0x100;
	[sflag:s13] =	ssyncadd.s32 $0xFFFFC000  }
0x2b: {  	[tilespmem:s16], [sflag:$0x1] =	stream.indirect.gather [hbm4b:s6+s15], $0x80, s30, s15, $0xb8;
	[tilespmem:$0x1DC00] =	vst v63  }
0x2c: {  	_ =	swait.ge [sflag:s19], $0x4000  }
0x2d: {  	[sflag:s19] =	ssyncset.done $0x0  }
0x2e: {  	s31 =	simm.s32 $0x1080;
	[sflag:s19] =	ssyncadd.s32 $0xFFFFC000  }
0x2f: {  	[spmem:s1] =	stream.indirect.scatter.add.f32 [tilespmem:s17], [sflag:$0x3], $0x80, s31, s15, $0xb8;
	[tilespmem:$0x1DC00] =	vst v63  }
0x30: {  	_ =	swait.ge [sflag:s13], $0x4000  }
0x31: {  	[sflag:s13] =	ssyncset.done $0x0  }
0x32: {  	s24 =	simm.s32 $0x180;
	s23 =	simm.s32 $0x400;
	[sflag:s13] =	ssyncadd.s32 $0xFFFFC000  }
.LBB2_3:
0x33: {  	[tilespmem:s17], [sflag:$0x2] =	stream.indirect.gather [hbm4b:s6+s15], $0x80, s24, s15, $0xb8;
	[tilespmem:$0x1DC00] =	vst v63  }
0x34: {  	s24 =	smov.u32 s23  }
0x35: {  	p0 =	sne.s32 s23, $0x3800;
	s23 =	sadd.s32 $0x400, s23;
	_ =	swait.ge [sflag:s18], $0x4000  }
0x36: {  	s24 =	sshra.s32 s24, $0x2;
	[sflag:s18] =	ssyncset.done $0x0  }
0x37: {  	s25 =	sadd.s32 $0x1000, s24;
	[sflag:s18] =	ssyncadd.s32 $0xFFFFC000  }
0x38: {  	[spmem:s1] =	stream.indirect.scatter.add.f32 [tilespmem:s16], [sflag:$0x3], $0x80, s25, s15, $0xb8;
	[tilespmem:$0x1DC00] =	vst v63  }
0x39: {  	_ =	swait.ge [sflag:s13], $0x4000  }
0x3a: {  	[sflag:s13] =	ssyncset.done $0x0  }
0x3b: {  	s25 =	sadd.s32 $0x100, s24;
	[sflag:s13] =	ssyncadd.s32 $0xFFFFC000  }
0x3c: {  	[tilespmem:s16], [sflag:$0x1] =	stream.indirect.gather [hbm4b:s6+s15], $0x80, s25, s15, $0xb8;
	[tilespmem:$0x1DC00] =	vst v63  }
0x3d: {  	_ =	swait.ge [sflag:s19], $0x4000  }
0x3e: {  	[sflag:s19] =	ssyncset.done $0x0  }
.Ltmp0:
0x3f: {  	s25 =	sadd.s32 $0x1080, s24;
	[sflag:s19] =	ssyncadd.s32 $0xFFFFC000;
	(pc) =	sbr.rel @p0 .LBB2_3-.Ltmp0, $4  }
0x40: {  	[spmem:s1] =	stream.indirect.scatter.add.f32 [tilespmem:s17], [sflag:$0x3], $0x80, s25, s15, $0xb8;
	[tilespmem:$0x1DC00] =	vst v63  }
0x41: {  	_ =	swait.ge [sflag:s13], $0x4000  }
0x42: {  	[sflag:s13] =	ssyncset.done $0x0  }
0x43: {  	s24 =	sadd.s32 $0x180, s24;
	[sflag:s13] =	ssyncadd.s32 $0xFFFFC000  }
0x44: {  	[tilespmem:s17], [sflag:$0x2] =	stream.indirect.gather [hbm4b:s6+s15], $0x80, s24, s15, $0xb8;
	[tilespmem:$0x1DC00] =	vst v63  }
0x45: {  	_ =	swait.ge [sflag:s18], $0x4000  }
0x46: {  	[sflag:s18] =	ssyncset.done $0x0  }
0x47: {  	[sflag:s18] =	ssyncadd.s32 $0xFFFFC000  }
0x48: {  	[spmem:s1] =	stream.indirect.scatter.add.f32 [tilespmem:s16], [sflag:$0x3], $0x80, s20, s15, $0xb8;
	[tilespmem:$0x1DC00] =	vst v63  }
0x49: {  	_ =	swait.ge [sflag:s13], $0x4000  }
0x4a: {  	[sflag:s13] =	ssyncset.done $0x0  }
0x4b: {  	[sflag:s13] =	ssyncadd.s32 $0xFFFFC000  }
0x4c: {  	s22 =	sadd.s32 $0x1, s22;
	_ =	swait.ge [sflag:s19], $0x4000  }
0x4d: {  	p0 =	sne.s32 s22, $0x5;
	[sflag:s19] =	ssyncset.done $0x0  }
.Ltmp1:
0x4e: {  	[sflag:s19] =	ssyncadd.s32 $0xFFFFC000;
	(pc) =	sbr.rel @p0 .LBB2_2-.Ltmp1, $4  }
0x4f: {  	[spmem:s1] =	stream.indirect.scatter.add.f32 [tilespmem:s17], [sflag:$0x3], $0x80, s21, s15, $0xb8;
	[tilespmem:$0x1DC00] =	vst v63  }
0x50: {  	_ =	swait.ge [sflag:s13], $0x4000  }
0x51: {  	[sflag:s13] =	ssyncset.done $0x0  }
0x52: {  	[sflag:s13] =	ssyncadd.s32 $0xFFFFC000  }
0x53: {  	s3 =	sadd.s32 $0x1, s3  }
0x54: {  	p0 =	sne.s32 s3, s11  }
.Ltmp2:
0x55: {  	[bflag:$0x0] =	sbarrier.arrive $0xFFFF;
	(pc) =	sbr.rel @p0 .LBB2_1-.Ltmp2, $4  }
0x56: {  	[hbm:s10], [sflag:s8] =	dma.local [spmem:s12], $0x2780  }
0x57: {  	_ =	swait.ge [sflag:s13], $0x2780  }
0x58: {  	[sflag:s13] =	ssyncset.done $0x0  }
0x59: {  	[sflag:s13] =	ssyncadd.s32 $0xFFFFD880  }
0x5a: {  	_ =	sfence.sel $0x180000  }
0x5b: {  	[bflag:$0x0] =	sbarrier.arrive $0xFFFF  }
0x5c: {  	p0 =	sne.s32 s2, $0x0;
	_ =	strace $0x9000005C  }
0x5d: {  	s0 =	sadd.s32 @!p0 $0x100000, s0;
	[bflag:$0x2] =	sbarrier.arrive $0xFFFF  }
0x5e: {  	[sflag:s0] =	ssyncadd.tile.s32 @!p0 $0x1;
	_ =	shalt  }
.Lfunc_end2:
_tile_overlayer_lowered:
.L_overlay_start_2:
0x5f: {  	(tag) =	ssettag $0x2  }
0x60: {  	s0 =	rddreg [dreg:$0x0];
	s2 =	stileid.u32  }
0x61: {  	s1 =	rddreg [dreg:$0x1];
	p0 =	sne.s32 s2, $0x0  }
0x62: {  	s3 =	rddreg [dreg:$0x2];
	[bflag:$0x3] =	sbarrier.arrive $0xFFFF;
	s2 =	simm.s32 @!p0 $0x1C03  }
0x63: {  	[timem:s3], [sflag:s2] =	dma.local @!p0 [hbm:s0], s1  }
0x64: {  	s0 =	simm.s32 @!p0 $0x3  }
0x65: {  	_ =	swait.ge @!p0 [sflag:s0], s1  }
0x66: {  	s1 =	ssub.s32 @!p0 $0x0, s1;
	[sflag:s0] =	ssyncset.done @!p0 $0x0  }
0x67: {  	[sflag:s0] =	ssyncadd.s32 @!p0 s1  }
0x68: {  	[bflag:$0x3] =	sbarrier.arrive $0xFFFF  }
0x69: {  	_ =	shalt  }

// kernel: scatter_offload_async_start.1
scs
__scs_entry_jumppad:
0x0: {  	(pc) =	sbr.rel $0x88, $3  }
0x1: {  	(tag) =	ssettag $0x0;
	lr =	simm.s32 $0x1  }
0x2: {  	[smem:$0x3F8D] =	sst lr;
	_ =	strace $0xD0000000  }
0x3: {  	_ = 	snop  }
0x4: {  	_ = 	snop  }
0x5: {  	_ = 	snop  }
0x6: {  	_ = 	snop  }
0x7: {  	_ = 	snop  }
__scs_overlays_trampoline_lowered:
0x8: {  	[smem:$0x3F9C] =	sst s0  }
0x9: {  	[smem:$0x3F9D] =	sst s1  }
0xa: {  	[smem:$0x3F9E] =	sst s2  }
0xb: {  	[smem:$0x3F9F] =	sst s3  }
0xc: {  	[smem:$0x3FA0] =	sst s4  }
0xd: {  	[smem:$0x3FA1] =	sst s5  }
0xe: {  	[smem:$0x3FA2] =	sst s6  }
0xf: {  	[smem:$0x3FA3] =	sst s7  }
0x10: {  	[smem:$0x3FA4] =	sst s8  }
0x11: {  	[smem:$0x3FA5] =	sst s9;
	s0 =	simm.s32 @!p0 $0x0  }
0x12: {  	s1 =	sld [smem:$0x3F8B];
	s0 =	simm.s32 @p0 $0x1  }
0x13: {  	[smem:$0x3FA6] =	sst s0;
	s0 =	simm.s32 @!p1 $0x0  }
0x14: {  	s2 =	sld [smem:$0x3F8A];
	s0 =	simm.s32 @p1 $0x1  }
0x15: {  	[smem:$0x3FA7] =	sst s0;
	s0 =	simm.s32 @!p2 $0x0  }
0x16: {  	s3 =	sld [smem:$0x3FDB];
	s0 =	simm.s32 @p2 $0x1  }
0x17: {  	s4 =	simm.s32 $0x1BF5;
	[smem:$0x3FA9] =	sst s0  }
0x18: {  	s0 =	sld [smem:$0x3F8C];
	_ =	swait.ge [sflag:s4], $0x0  }
0x19: {  	s7 =	sld [smem:$0x3F8D]  }
0x1a: {  	s8 =	sadd.s32 $0xFFFFE003, lr  }
0x1b: {  	s9 =	sadd.s32 $0xFFFFFEF7, lr;
	s5 =	simm.s32 $0xFFFFFFFF;
	p2 =	slt.u32 s8, $0xFFFFF086  }
0x1c: {  	p1 =	slt.u32 s9, $0xF7A;
	s5 =	simm.s32 @!p2 $0x0  }
0x1d: {  	s5 =	simm.s32 @p1 $0x1;
	p0 =	seq.s32 s7, s2  }
0x1e: {  	s7 =	smul.u32 @!p0 $0xF7A, s2;
	p2 =	seq.s32 @!p0 s5, $0x0  }
0x1f: {  	s9 =	smul.u32 $0xF7A, s1;
	s8 =	simm.s32 @!p0 $0x1BF5;
	p2 =	por !p2, p0  }
0x20: {  	[sflag:s8] =	ssyncset.s32 @!p0 $0xFFFFF086;
	s6 =	sadd.s32 @!p0 s3, s7;
	s7 =	simm.s32 @!p0 $0x108  }
0x21: {  	s3 =	sadd.s32 s3, s9;
	s6 =	sadd.s32 @!p0 $0x88, s6;
	s7 =	simm.s32 @p2 $0x1082  }
0x22: {  	[simem:s7], [sflag:s8] =	dma.local @!p0 [hbm:s6], $0xF7A  }
0x23: {  	s9 =	sor.u32 $0xD0000000, s2;
	s6 =	simm.s32 $0x108;
	_ =	swait.ge @!p0 [sflag:s8], $0x0  }
0x24: {  	s3 =	sadd.s32 $0x88, s3;
	s6 =	simm.s32 @!p1 $0x1082;
	[sflag:s4] =	ssyncset.s32 $0xFFFFF086  }
0x25: {  	[simem:s6], [sflag:s4] =	dma.local [hbm:s3], $0xF7A  }
0x26: {  	[smem:$0x3F8D] =	sst s1;
	(tag) =	ssettag s2;
	_ =	strace s9  }
0x27: {  	s1 =	sld [smem:$0x3F9D]  }
0x28: {  	s2 =	sld [smem:$0x3F9E]  }
0x29: {  	s4 =	sld [smem:$0x3FA0]  }
0x2a: {  	p0 =	seq.s32 s5, $0x0;
	s5 =	sld [smem:$0x3FA1]  }
0x2b: {  	s6 =	sld [smem:$0x3FA2]  }
0x2c: {  	s7 =	sld [smem:$0x3FA3]  }
0x2d: {  	s3 =	simm.s32 $0x108;
	s8 =	sld [smem:$0x3FA4]  }
0x2e: {  	s3 =	simm.s32 @!p0 $0x1082;
	s9 =	sld [smem:$0x3FA5]  }
0x2f: {  	lr =	sadd.s32 s0, s3;
	s0 =	sld [smem:$0x3F9C]  }
0x30: {  	s3 =	sld [smem:$0x3F9F]  }
0x31: {  	[smem:$0x3FA8] =	sst s10  }
0x32: {  	s10 =	sld [smem:$0x3FA6];
	_ =	sdelay $0x3  }
0x33: {  	p0 =	seq.s32 s10, $0x1;
	s10 =	sld [smem:$0x3FA8];
	_ =	sdelay $0x3  }
0x34: {  	[smem:$0x3FA8] =	sst s10  }
0x35: {  	s10 =	sld [smem:$0x3FA7];
	_ =	sdelay $0x3  }
0x36: {  	p1 =	seq.s32 s10, $0x1;
	s10 =	sld [smem:$0x3FA8];
	_ =	sdelay $0x3  }
0x37: {  	[smem:$0x3FA8] =	sst s10  }
0x38: {  	s10 =	sld [smem:$0x3FA9]  }
0x39: {  	_ = 	snop;
	(pc) =	sbr.ind lr, $3  }
0x3a: {  	_ = 	snop  }
0x3b: {  	_ = 	snop  }
0x3c: {  	p2 =	seq.s32 s10, $0x1;
	s10 =	sld [smem:$0x3FA8]  }
0x3d: {  	_ =	shalt  }
0x3e: {  	_ =	shalt  }
0x3f: {  	_ =	shalt  }
0x40: {  	_ =	shalt  }
0x41: {  	_ =	shalt  }
0x42: {  	_ =	shalt  }
0x43: {  	_ =	shalt  }
0x44: {  	_ =	shalt  }
0x45: {  	_ =	shalt  }
0x46: {  	_ =	shalt  }
0x47: {  	_ =	shalt  }
0x48: {  	_ =	shalt  }
0x49: {  	_ =	shalt  }
0x4a: {  	_ =	shalt  }
0x4b: {  	_ =	shalt  }
0x4c: {  	_ =	shalt  }
0x4d: {  	_ =	shalt  }
0x4e: {  	_ =	shalt  }
0x4f: {  	_ =	shalt  }
0x50: {  	_ =	shalt  }
0x51: {  	_ =	shalt  }
0x52: {  	_ =	shalt  }
0x53: {  	_ =	shalt  }
0x54: {  	_ =	shalt  }
0x55: {  	_ =	shalt  }
0x56: {  	_ =	shalt  }
0x57: {  	_ =	shalt  }
0x58: {  	_ =	shalt  }
0x59: {  	_ =	shalt  }
0x5a: {  	_ =	shalt  }
0x5b: {  	_ =	shalt  }
0x5c: {  	_ =	shalt  }
0x5d: {  	_ =	shalt  }
0x5e: {  	_ =	shalt  }
0x5f: {  	_ =	shalt  }
0x60: {  	_ =	shalt  }
0x61: {  	_ =	shalt  }
0x62: {  	_ =	shalt  }
0x63: {  	_ =	shalt  }
0x64: {  	_ =	shalt  }
0x65: {  	_ =	shalt  }
0x66: {  	_ =	shalt  }
0x67: {  	_ =	shalt  }
0x68: {  	_ =	shalt  }
0x69: {  	_ =	shalt  }
0x6a: {  	_ =	shalt  }
0x6b: {  	_ =	shalt  }
0x6c: {  	_ =	shalt  }
0x6d: {  	_ =	shalt  }
0x6e: {  	_ =	shalt  }
0x6f: {  	_ =	shalt  }
0x70: {  	_ =	shalt  }
0x71: {  	_ =	shalt  }
0x72: {  	_ =	shalt  }
0x73: {  	_ =	shalt  }
0x74: {  	_ =	shalt  }
0x75: {  	_ =	shalt  }
0x76: {  	_ =	shalt  }
0x77: {  	_ =	shalt  }
0x78: {  	_ =	shalt  }
0x79: {  	_ =	shalt  }
0x7a: {  	_ =	shalt  }
0x7b: {  	_ =	shalt  }
0x7c: {  	_ =	shalt  }
0x7d: {  	_ =	shalt  }
0x7e: {  	_ =	shalt  }
0x7f: {  	_ =	shalt  }
0x80: {  	_ =	shalt  }
0x81: {  	_ =	shalt  }
0x82: {  	_ =	shalt  }
0x83: {  	_ =	shalt  }
0x84: {  	_ =	shalt  }
0x85: {  	_ =	shalt  }
0x86: {  	_ =	shalt  }
0x87: {  	_ =	shalt  }
.Lfunc_end0:
.L_simem_size_0:
called_computation.1_lowered:
.L_overlay_start_0:
0x88: {  	s2 =	sld [smem:$0x3FD9]  }
0x89: {  	s3 =	sld [smem:$0x3FFE];
	_ =	sdelay $0x1  }
0x8a: {  	s1 =	srdreg.scid  }
0x8b: {  	s0 =	sand.u32 $0x1, s1  }
0x8c: {  	s16 =	sshll.u32 s0, $0xA;
	s2 =	sadd.s32 s3, s2  }
0x8d: {  	s2 =	sadd.s32 s2, s16  }
0x8e: {  	[smem:$0x3FB4] =	sst s2  }
0x8f: {  	_ = 	snop  }
0x90: {  	(tm) =	ssettm $0x1  }
0x91: {  	s17 =	sld [smem:$0x3FFB];
	_ =	sdelay $0x3  }
0x92: {  	_ =	strace s17  }
0x93: {  	s2 =	sld [smem:$0x3FFC];
	_ =	sdelay $0x3  }
0x94: {  	_ =	strace s2  }
0x95: {  	s2 =	sld [smem:$0x3FFD];
	_ =	sdelay $0x3  }
0x96: {  	_ =	strace s2  }
0x97: {  	_ =	strace $0x8FFFFFFF  }
0x98: {  	s18 =	sld [smem:$0x3FDB];
	_ =	sdelay $0x1  }
0x99: {  	s19 =	simm.s32 $_scs_section_size  }
0x9a: {  	s4 =	simm.s32 $_size__tile_overlayer_lowered;
	s5 =	simm.s32 $_tile_overlayer_lowered  }
0x9b: {  	s22 =	simm.s32 $0x1BFF;
	s21 =	sshll.u32 s5, $0x1;
	s2 =	sadd.s32 s19, s18  }
0x9c: {  	s6 =	simm.s32 $0x0;
	s20 =	sshll.u32 s4, $0x1;
	s4 =	sadd.s32 s21, s2  }
0x9d: {  	[timem:s6], [sflag:s22] =	dma.local [hbm:s4], s20  }
0x9e: {  	_ =	swait.ge [sflag:s22], s20  }
0x9f: {  	s3 =	ssub.s32 $0x0, s20;
	[sflag:s22] =	ssyncset.done $0x0  }
0xa0: {  	[sflag:s22] =	ssyncadd.s32 s3;
	_ =	sdelay $0x1  }
0xa1: {  	s23 =	simm.s32 $0x1B8B  }
0xa2: {  	_ =	swait.ge [sflag:s23], $0x1  }
0xa3: {  	[sflag:s23] =	ssyncset.done $0x0  }
0xa4: {  	s25 =	simm.s32 $0x1B8E;
	s24 =	sld [smem:$0x3FFE];
	[sflag:s23] =	ssyncadd.s32 $0xFFFFFFFF  }
0xa5: {  	s26 =	simm.s32 $execute0_lowered;
	[smem:$0x3FD2] =	sst s25  }
0xa6: {  	s4 =	sshll.u32 s26, $0x1;
	_ =	strace $0x8000004C;
	[dreg:$0x1] =	wrdreg $0xFFFFFFFF  }
0xa7: {  	s28 =	simm.s32 $_size_execute0_lowered;
	s2 =	sadd.s32 s2, s4;
	[dreg:$0x0] =	wrdreg $0x0  }
0xa8: {  	s4 =	sshll.u32 s28, $0x1;
	[dreg:$0x2] =	wrdreg s2  }
0xa9: {  	[dreg:$0x3] =	wrdreg s4  }
0xaa: {  	[dreg:$0x4] =	wrdreg $0xC0  }
0xab: {  	_ =	task [dreg:s6], $0x5FFFF  }
0xac: {  	[dreg:$0x1] =	wrdreg $0xFFFFFFFF  }
0xad: {  	[dreg:$0x0] =	wrdreg $0x60  }
0xae: {  	[dreg:$0x2] =	wrdreg s24  }
0xaf: {  	[dreg:$0x3] =	wrdreg s1  }
0xb0: {  	[dreg:$0x4] =	wrdreg $0x9  }
0xb1: {  	_ =	task.clear_ibuf [dreg:s6], $0x5FFFF;
	_ =	strace $0x9000004C  }
0xb2: {  	s29 =	simm.s32 $0x9;
	_ =	strace $0x8000004E  }
0xb3: {  	_ =	swait.ge [sflag:s29], $0x1  }
0xb4: {  	[sflag:s29] =	ssyncadd.s32 $0xFFFFFFFF  }
0xb5: {  	_ =	strace $0x9000004E  }
0xb6: {  	_ =	sfence  }
0xb7: {  	s30 =	sld [smem:$0x0];
	_ =	sdelay $0x2  }
0xb8: {  	s31 =	sshll.u32 s1, $0xD;
	s1 =	sshrl.u32 s1, $0x2  }
0xb9: {  	s3 =	sand.u32 $0x4000, s31;
	s1 =	sadd.s32 s1, s30  }
0xba: {  	s0 =	sor.u32 s3, s0;
	s1 =	sshll.u32 s1, $0x11  }
0xbb: {  	s0 =	sor.u32 s1, s0  }
0xbc: {  	s0 =	sadd.s32 $0x8F2B, s0  }
0xbd: {  	[sflag:s0] =	ssyncadd.remote.s32 $0x1  }
0xbe: {  	_ =	sfence.sel $0xFFFF  }
0xbf: {  	[dreg:$0x0] =	wrdreg $0xFFFFFFFF;
	(pc) =	sbr.abs _section_cstart, $3  }
0xc0: {  	[dreg:$0x1] =	wrdreg $0xFFFFFFFF  }
0xc1: {  	_ =	task.clear_ibuf [dreg:s6], $0x2FFFF;
	_ =	strace $0x9FFFFFFF  }
0xc2: {  	(tm) =	ssettm $0x7FFFFFFF  }
0xc3: {  	_ =	shalt  }
tec
execute0_lowered:
.L_overlay_start_1:
0x0: {  	(tag) =	ssettag $0x1  }
0x1: {  	s0 =	stileid.u32  }
0x2: {  	s1 =	smin.u32 s0, $0x8;
	s2 =	sshll.u32 s0, $0x1  }
0x3: {  	s1 =	sadd.s32 s1, s2  }
0x4: {  	p0 =	slt.u32 s0, $0x8;
	s2 =	smul.u32 $0x1F40, s1;
	s1 =	simm.s32 $0x5DC0  }
0x5: {  	s1 =	simm.s32 @!p0 $0x3E80  }
0x6: {  	s5 =	rddreg [dreg:$0x0];
	s1 =	sadd.s32 s1, s2  }
0x7: {  	s6 =	rddreg [dreg:$0x1];
	s9 =	simm.s32 $0x1;
	s3 =	smin.u32 s1, $0x4E200  }
0x8: {  	s31 =	simm.s32 $0x4;
	s12 =	simm.s32 $0xFFFFE0C0;
	s7 =	ssub.s32 s3, s2  }
0x9: {  	s13 =	simm.s32 $0xFFFFFFFF;
	s14 =	simm.s32 $0xFFFFC180;
	p0 =	sgt.s32 s7, $0x0  }
0xa: {  	s15 =	simm.s32 $0xFFFFFFFE;
	s18 =	simm.s32 $0x0;
	s7 =	simm.s32 @!p0 $0x0  }
0xb: {  	s17 =	simm.s32 $0x0;
	s4 =	sadd.s32 $0xA7200, s5;
	s8 =	smulhi.u32 $0x10624DD3, s7  }
0xc: {  	s6 =	sand.u32 $0x1, s6;
	s1 =	rddreg [dreg:$0x2];
	_ =	strace $0x8000004D  }
0xd: {  	p0 =	seq.s32 s6, $0x1;
	s6 =	simm.s32 $0x9C40;
	s8 =	sshrl.u32 s8, $0x9  }
0xe: {  	[sflag:s9] =	ssyncpa.u1 $0x0;
	s6 =	simm.s32 @!p0 $0x0;
	s10 =	smul.u32 $0x1F40, s8  }
.Ltmp0:
0xf: {  	s11 =	sadd.s32 s6, s5;
	s5 =	simm.s32 $0x2;
	(pc) =	sbr.rel .LBB2_1-.Ltmp0, $4  }
0x10: {  	s6 =	simm.s32 $0x3;
	[sflag:s5] =	ssyncpa.u1 $0x0;
	p0 =	sne.s32 s7, s10  }
0x11: {  	s16 =	smov.u32 s2;
	[sflag:s6] =	ssyncpa.u1 $0x0;
	s9 =	simm.s32 @!p0 $0x0  }
0x12: {  	[sflag:s31] =	ssyncpa.u1 $0x0;
	s7 =	sadd.s32 s9, s8;
	s8 =	sadd.s32 $0x93800, s11  }
0x13: {  	vm0 =	vmmov $0xffff;
	s9 =	sadd.s32 $0x7FE00, s11;
	s11 =	simm.s32 $0x0;
	s10 =	sadd.s32 $0x2, s7  }
.LBB2_9:
0x14: {  	p0 =	slt.u32 s17, $0x3  }
0x15: {  	s18 =	simm.s32 @!p0 $0x1  }
0x16: {  	_ =	swait.ge @!p0 [sflag:s18], $0x1F40  }
0x17: {  	[sflag:s18] =	ssyncset.done @!p0 $0x0  }
0x18: {  	[sflag:s18] =	ssyncadd.s32 @!p0 $0xFFFFE0C0;
	p0 =	sne.s32 s17, s10  }
.Ltmp1:
0x19: {  	_ = 	snop;
	(pc) =	sbr.rel @!p0 .LBB2_10-.Ltmp1, $4  }
0x1a: {  	s19 =	sadd.s32 $0x1F40, s16;
	s20 =	smov.u32 s2;
	s31 =	sadd.s32 $0x1, s17  }
0x1b: {  	s12 =	sadd.s32 $0x1F40, s12;
	s13 =	sadd.s32 $0x1, s13;
	p1 =	slt.s32 s19, s3  }
0x1c: {  	s14 =	sadd.s32 $0x1F40, s14;
	s15 =	sadd.s32 $0x1, s15;
	s20 =	smov.u32 @p1 s19  }
0x1d: {  	s18 =	smov.u32 s16;
	s16 =	smov.u32 s20;
	s17 =	smov.u32 s31  }
.LBB2_1:
0x1e: {  	p0 =	sge.u32 s17, s7  }
0x1f: {  	s19 =	smulhi.u32 @!p0 $0xAAAAAAAB, s17;
	_ =	sdelay $0x1  }
0x20: {  	s19 =	sshrl.u32 @!p0 s19, $0x1  }
0x21: {  	s19 =	smul.u32 @!p0 $0x3, s19;
	_ =	sdelay $0x1  }
0x22: {  	s19 =	ssub.s32 @!p0 s17, s19  }
0x23: {  	s19 =	smul.u32 @!p0 $0x7D00, s19  }
0x24: {  	s20 =	sshrl.u32 @!p0 s16, $0x3  }
0x25: {  	s21 =	sand.u32 @!p0 $0x7, s16;
	s20 =	sadd.s32 @!p0 s20, s8;
	s19 =	sshrl.u32 @!p0 s19, $0x2  }
0x26: {  	[tilespmem:s19], [sflag:$0x2] =	stream.linear.gather @!p0 [hbm4b:s20+s21], $0x1F40, $0x38;
	[tilespmem:$0x11940] =	vst v63  }
0x27: {  	s19 =	sadd.s32 $0xFFFFFFFF, s17  }
0x28: {  	p0 =	sge.u32 s19, s7  }
.Ltmp2:
0x29: {  	_ = 	snop;
	(pc) =	sbr.rel @p0 .LBB2_5-.Ltmp2, $1  }
0x2a: {  	_ =	sdelay $0x3  }
0x2b: {  	s20 =	smulhi.u32 $0xAAAAAAAB, s13;
	_ =	sdelay $0x1  }
0x2c: {  	s20 =	sshrl.u32 s20, $0x1  }
0x2d: {  	s20 =	smul.u32 $0xFFFE8900, s20;
	_ =	sdelay $0x1  }
0x2e: {  	_ =	swait.ge [sflag:s5], $0x1F40;
	s20 =	sshra.s32 s20, $0x2  }
0x2f: {  	[sflag:s5] =	ssyncset.done $0x0;
	s23 =	sadd.s32 s20, s12  }
0x30: {  	[sflag:s5] =	ssyncadd.s32 $0xFFFFE0C0;
	(ifvalue) =	ssetifvalue $0xFFFFFFFF;
	v0 =	vld.msk [tilespmem:s23+$0x0 ss:$0x1], $0xffff;
	_ =	sdelay $0x4  }
0x31: {  	vm1 =	vlt.u32 v0, $0x9C400  }
0x32: {  	v0 =	vnsel vm1, $0xFFFFFFFF, v0  }
0x33: {  	s19 =	sand.u32 $0x1, s19  }
0x34: {  	p0 =	seq.s32 s19, $0x1;
	s19 =	simm.s32 $0x1F40  }
0x35: {  	s19 =	simm.s32 @!p0 $0x0  }
0x36: {  	s20 =	sadd.s32 $0x5DC0, s19;
	(ifvalue) =	ssetifvalue $0xFFFFFFFF  }
0x37: {  	[tilespmem:s20], [sflag:$0x3] =	stream.indirect_vreg.gather [hbm4b:s4+s11], $0x1, v0, vm0, $0x4038;
	[tilespmem:$0x11940] =	vst v63  }
0x38: {  	s21 =	simm.s32 $0x0;
	s22 =	sadd.s32 $0x10, s23;
	[tilespmem:s23+$0x0] =	vst v0  }
.LBB2_3:
0x39: {  	v0 =	vld.msk [tilespmem:s22+$0x0 ss:$0x1], $0xffff;
	s21 =	sadd.s32 $0x10, s21;
	s23 =	smov.u32 s22  }
0x3a: {  	p0 =	slt.u32 s21, $0x1F30;
	_ =	sdelay $0x4  }
0x3b: {  	vm1 =	vlt.u32 v0, $0x9C400  }
0x3c: {  	v0 =	vnsel vm1, $0xFFFFFFFF, v0  }
.Ltmp3:
0x3d: {  	(pc) =	sbr.rel @p0 .LBB2_3-.Ltmp3, $3  }
0x3e: {  	_ =	sdelay $0x1  }
0x3f: {  	s22 =	sadd.s32 $0x10, s22;
	s20 =	sadd.s32 $0x10, s20;
	(ifvalue) =	ssetifvalue $0xFFFFFFFF  }
0x40: {  	[tilespmem:s20], [sflag:$0x3] =	stream.indirect_vreg.gather [hbm4b:s4+s11], $0x1, v0, vm0, $0x4038;
	[tilespmem:s23+$0x0] =	vst v0  }
0x41: {  	s18 =	sshrl.u32 s18, $0x3  }
0x42: {  	s19 =	sadd.s32 $0x9C40, s19;
	s18 =	sadd.s32 s18, s9  }
0x43: {  	[tilespmem:s19], [sflag:$0x3] =	stream.linear.gather [hbm:s18], $0x1F40, $0x38;
	[tilespmem:$0x11940] =	vst v63  }
.LBB2_5:
0x44: {  	p0 =	slt.u32 s17, $0x2  }
0x45: {  	p1 =	sge.u32 @!p0 s17, s10  }
0x46: {  	p0 =	por p0, p1  }
.Ltmp4:
0x47: {  	_ = 	snop;
	(pc) =	sbr.rel @p0 .LBB2_9-.Ltmp4, $1  }
0x48: {  	_ =	sdelay $0x3  }
0x49: {  	s18 =	sand.u32 $0x1, s17  }
0x4a: {  	s19 =	simm.s32 $0x1F40;
	p0 =	seq.s32 s18, $0x1  }
0x4b: {  	_ =	swait.ge [sflag:s6], $0x3E80;
	s19 =	simm.s32 @!p0 $0x0  }
0x4c: {  	[sflag:s6] =	ssyncset.done $0x0;
	s29 =	sadd.s32 $0x9C40, s19  }
0x4d: {  	[sflag:s6] =	ssyncadd.s32 $0xFFFFC180;
	(ifvalue) =	ssetifvalue $0xFFFFFFFF;
	s20 =	sadd.s32 $0x5DC0, s19;
	v0 =	vld [tilespmem:s29+$0x0]  }
0x4e: {  	v1 =	vld [tilespmem:s20+$0x0]  }
0x4f: {  	s21 =	smulhi.u32 $0xAAAAAAAB, s15;
	_ =	sdelay $0x1  }
0x50: {  	s30 =	sshrl.u32 s21, $0x1  }
0x51: {  	s18 =	sadd.s32 $0x10, s20;
	s20 =	smul.u32 $0xFFFE8900, s30  }
0x52: {  	s22 =	sadd.s32 $0x10, s29;
	v0 =	vadd.f32 v1, v0  }
0x53: {  	v2 =	vld [tilespmem:s22+$0x0];
	s31 =	sshra.s32 s20, $0x2;
	s20 =	sadd.s32 $0xDAC0, s19  }
0x54: {  	v3 =	vld [tilespmem:s18+$0x0];
	s19 =	sadd.s32 s31, s14;
	[tilespmem:s20+$0x0] =	vst v0  }
0x55: {  	v0 =	vld [tilespmem:s19+$0x0];
	_ =	sdelay $0x4  }
0x56: {  	s21 =	simm.s32 $0x10;
	s23 =	sadd.s32 $0x10, s22;
	s22 =	smov.u32 s20;
	v1 =	vadd.f32 v3, v2  }
.LBB2_7:
0x57: {  	v2 =	vld [tilespmem:s23+$0x0];
	s18 =	sadd.s32 $0x10, s18;
	s20 =	sadd.s32 $0x10, s20;
	s21 =	sadd.s32 $0x10, s21  }
0x58: {  	s19 =	sadd.s32 $0x10, s19;
	v3 =	vld [tilespmem:s18+$0x0];
	[tilespmem:s20+$0x0] =	vst v1;
	(ifvalue) =	ssetifvalue $0xFFFFFFFF;
	p0 =	slt.u32 s21, $0x1F30  }
0x59: {  	[hbm4b:s4+s11] =	stream.indirect_vreg.scatter [tilespmem:s22], [sflag:$0x1], $0x1, v0, vm0, $0x4038;
	v0 =	vld [tilespmem:s19+$0x0]  }
.Ltmp5:
0x5a: {  	s22 =	smov.u32 s20;
	(pc) =	sbr.rel @p0 .LBB2_7-.Ltmp5, $2  }
0x5b: {  	_ =	sdelay $0x2  }
0x5c: {  	s23 =	sadd.s32 $0x10, s23;
	v1 =	vadd.f32 v3, v2  }
0x5d: {  	s18 =	sadd.s32 $0x10, s20;
	s19 =	sadd.s32 $0x10, s19  }
0x5e: {  	[tilespmem:s18+$0x0] =	vst v1;
	(ifvalue) =	ssetifvalue $0xFFFFFFFF;
	v63 =	vld [tilespmem:s19+$0x0];
	_ =	sdelay $0x3  }
.Ltmp6:
0x5f: {  	_ = 	snop;
	(pc) =	sbr.rel .LBB2_9-.Ltmp6, $4  }
0x60: {  	_ = 	snop  }
0x61: {  	[hbm4b:s4+s11] =	stream.indirect_vreg.scatter [tilespmem:s22], [sflag:$0x1], $0x1, v0, vm0, $0x4038;
	[tilespmem:$0x11940] =	vst v63  }
0x62: {  	(ifvalue) =	ssetifvalue $0xFFFFFFFF  }
0x63: {  	[hbm4b:s4+s11] =	stream.indirect_vreg.scatter [tilespmem:s18], [sflag:$0x1], $0x1, v63, vm0, $0x4038;
	[tilespmem:$0x11940] =	vst v63  }
.LBB2_10:
0x64: {  	_ =	sfence.sel $0x180000  }
0x65: {  	s2 =	simm.s32 $0x2;
	[bflag:$0x0] =	sbarrier.arrive $0xFFFF  }
0x66: {  	s29 =	simm.s32 $0x3;
	[sflag:s2] =	ssyncpa.u1 $0x1  }
0x67: {  	s30 =	simm.s32 $0x4;
	[sflag:s29] =	ssyncpa.u1 $0x1  }
0x68: {  	s31 =	simm.s32 $0x1;
	[sflag:s30] =	ssyncpa.u1 $0x1  }
0x69: {  	[sflag:s31] =	ssyncpa.u1 $0x1  }
0x6a: {  	p0 =	sne.s32 s0, $0x0;
	_ =	strace $0x9000004D  }
0x6b: {  	s0 =	sadd.s32 @!p0 $0x100000, s1;
	[bflag:$0x2] =	sbarrier.arrive $0xFFFF  }
0x6c: {  	[sflag:s0] =	ssyncadd.tile.s32 @!p0 $0x1;
	_ =	shalt  }
.Lfunc_end2:
_tile_overlayer_lowered:
.L_overlay_start_2:
0x6d: {  	(tag) =	ssettag $0x2  }
0x6e: {  	s0 =	rddreg [dreg:$0x0];
	s2 =	stileid.u32  }
0x6f: {  	s1 =	rddreg [dreg:$0x1];
	p0 =	sne.s32 s2, $0x0  }
0x70: {  	s3 =	rddreg [dreg:$0x2];
	[bflag:$0x3] =	sbarrier.arrive $0xFFFF;
	s2 =	simm.s32 @!p0 $0x1C01  }
0x71: {  	[timem:s3], [sflag:s2] =	dma.local @!p0 [hbm:s0], s1  }
0x72: {  	s0 =	simm.s32 @!p0 $0x1  }
0x73: {  	_ =	swait.ge @!p0 [sflag:s0], s1  }
0x74: {  	s1 =	ssub.s32 @!p0 $0x0, s1;
	[sflag:s0] =	ssyncset.done @!p0 $0x0  }
0x75: {  	[sflag:s0] =	ssyncadd.s32 @!p0 s1  }
0x76: {  	[bflag:$0x3] =	sbarrier.arrive $0xFFFF  }
0x77: {  	_ =	shalt  }

// kernel: scatter_offload_async_start
scs
__scs_entry_jumppad:
0x0: {  	(pc) =	sbr.rel $0x88, $3  }
0x1: {  	(tag) =	ssettag $0x0;
	lr =	simm.s32 $0x1  }
0x2: {  	[smem:$0x3F8D] =	sst lr;
	_ =	strace $0xD0000000  }
0x3: {  	_ = 	snop  }
0x4: {  	_ = 	snop  }
0x5: {  	_ = 	snop  }
0x6: {  	_ = 	snop  }
0x7: {  	_ = 	snop  }
__scs_overlays_trampoline_lowered:
0x8: {  	[smem:$0x3F9C] =	sst s0  }
0x9: {  	[smem:$0x3F9D] =	sst s1  }
0xa: {  	[smem:$0x3F9E] =	sst s2  }
0xb: {  	[smem:$0x3F9F] =	sst s3  }
0xc: {  	[smem:$0x3FA0] =	sst s4  }
0xd: {  	[smem:$0x3FA1] =	sst s5  }
0xe: {  	[smem:$0x3FA2] =	sst s6  }
0xf: {  	[smem:$0x3FA3] =	sst s7  }
0x10: {  	[smem:$0x3FA4] =	sst s8  }
0x11: {  	[smem:$0x3FA5] =	sst s9;
	s0 =	simm.s32 @!p0 $0x0  }
0x12: {  	s1 =	sld [smem:$0x3F8B];
	s0 =	simm.s32 @p0 $0x1  }
0x13: {  	[smem:$0x3FA6] =	sst s0;
	s0 =	simm.s32 @!p1 $0x0  }
0x14: {  	s2 =	sld [smem:$0x3F8A];
	s0 =	simm.s32 @p1 $0x1  }
0x15: {  	[smem:$0x3FA7] =	sst s0;
	s0 =	simm.s32 @!p2 $0x0  }
0x16: {  	s3 =	sld [smem:$0x3FDB];
	s0 =	simm.s32 @p2 $0x1  }
0x17: {  	s4 =	simm.s32 $0x1BF5;
	[smem:$0x3FA9] =	sst s0  }
0x18: {  	s0 =	sld [smem:$0x3F8C];
	_ =	swait.ge [sflag:s4], $0x0  }
0x19: {  	s7 =	sld [smem:$0x3F8D]  }
0x1a: {  	s8 =	sadd.s32 $0xFFFFE003, lr  }
0x1b: {  	s9 =	sadd.s32 $0xFFFFFEF7, lr;
	s5 =	simm.s32 $0xFFFFFFFF;
	p2 =	slt.u32 s8, $0xFFFFF086  }
0x1c: {  	p1 =	slt.u32 s9, $0xF7A;
	s5 =	simm.s32 @!p2 $0x0  }
0x1d: {  	s5 =	simm.s32 @p1 $0x1;
	p0 =	seq.s32 s7, s2  }
0x1e: {  	s7 =	smul.u32 @!p0 $0xF7A, s2;
	p2 =	seq.s32 @!p0 s5, $0x0  }
0x1f: {  	s9 =	smul.u32 $0xF7A, s1;
	s8 =	simm.s32 @!p0 $0x1BF5;
	p2 =	por !p2, p0  }
0x20: {  	[sflag:s8] =	ssyncset.s32 @!p0 $0xFFFFF086;
	s6 =	sadd.s32 @!p0 s3, s7;
	s7 =	simm.s32 @!p0 $0x108  }
0x21: {  	s3 =	sadd.s32 s3, s9;
	s6 =	sadd.s32 @!p0 $0x88, s6;
	s7 =	simm.s32 @p2 $0x1082  }
0x22: {  	[simem:s7], [sflag:s8] =	dma.local @!p0 [hbm:s6], $0xF7A  }
0x23: {  	s9 =	sor.u32 $0xD0000000, s2;
	s6 =	simm.s32 $0x108;
	_ =	swait.ge @!p0 [sflag:s8], $0x0  }
0x24: {  	s3 =	sadd.s32 $0x88, s3;
	s6 =	simm.s32 @!p1 $0x1082;
	[sflag:s4] =	ssyncset.s32 $0xFFFFF086  }
0x25: {  	[simem:s6], [sflag:s4] =	dma.local [hbm:s3], $0xF7A  }
0x26: {  	[smem:$0x3F8D] =	sst s1;
	(tag) =	ssettag s2;
	_ =	strace s9  }
0x27: {  	s1 =	sld [smem:$0x3F9D]  }
0x28: {  	s2 =	sld [smem:$0x3F9E]  }
0x29: {  	s4 =	sld [smem:$0x3FA0]  }
0x2a: {  	p0 =	seq.s32 s5, $0x0;
	s5 =	sld [smem:$0x3FA1]  }
0x2b: {  	s6 =	sld [smem:$0x3FA2]  }
0x2c: {  	s7 =	sld [smem:$0x3FA3]  }
0x2d: {  	s3 =	simm.s32 $0x108;
	s8 =	sld [smem:$0x3FA4]  }
0x2e: {  	s3 =	simm.s32 @!p0 $0x1082;
	s9 =	sld [smem:$0x3FA5]  }
0x2f: {  	lr =	sadd.s32 s0, s3;
	s0 =	sld [smem:$0x3F9C]  }
0x30: {  	s3 =	sld [smem:$0x3F9F]  }
0x31: {  	[smem:$0x3FA8] =	sst s10  }
0x32: {  	s10 =	sld [smem:$0x3FA6];
	_ =	sdelay $0x3  }
0x33: {  	p0 =	seq.s32 s10, $0x1;
	s10 =	sld [smem:$0x3FA8];
	_ =	sdelay $0x3  }
0x34: {  	[smem:$0x3FA8] =	sst s10  }
0x35: {  	s10 =	sld [smem:$0x3FA7];
	_ =	sdelay $0x3  }
0x36: {  	p1 =	seq.s32 s10, $0x1;
	s10 =	sld [smem:$0x3FA8];
	_ =	sdelay $0x3  }
0x37: {  	[smem:$0x3FA8] =	sst s10  }
0x38: {  	s10 =	sld [smem:$0x3FA9]  }
0x39: {  	_ = 	snop;
	(pc) =	sbr.ind lr, $3  }
0x3a: {  	_ = 	snop  }
0x3b: {  	_ = 	snop  }
0x3c: {  	p2 =	seq.s32 s10, $0x1;
	s10 =	sld [smem:$0x3FA8]  }
0x3d: {  	_ =	shalt  }
0x3e: {  	_ =	shalt  }
0x3f: {  	_ =	shalt  }
0x40: {  	_ =	shalt  }
0x41: {  	_ =	shalt  }
0x42: {  	_ =	shalt  }
0x43: {  	_ =	shalt  }
0x44: {  	_ =	shalt  }
0x45: {  	_ =	shalt  }
0x46: {  	_ =	shalt  }
0x47: {  	_ =	shalt  }
0x48: {  	_ =	shalt  }
0x49: {  	_ =	shalt  }
0x4a: {  	_ =	shalt  }
0x4b: {  	_ =	shalt  }
0x4c: {  	_ =	shalt  }
0x4d: {  	_ =	shalt  }
0x4e: {  	_ =	shalt  }
0x4f: {  	_ =	shalt  }
0x50: {  	_ =	shalt  }
0x51: {  	_ =	shalt  }
0x52: {  	_ =	shalt  }
0x53: {  	_ =	shalt  }
0x54: {  	_ =	shalt  }
0x55: {  	_ =	shalt  }
0x56: {  	_ =	shalt  }
0x57: {  	_ =	shalt  }
0x58: {  	_ =	shalt  }
0x59: {  	_ =	shalt  }
0x5a: {  	_ =	shalt  }
0x5b: {  	_ =	shalt  }
0x5c: {  	_ =	shalt  }
0x5d: {  	_ =	shalt  }
0x5e: {  	_ =	shalt  }
0x5f: {  	_ =	shalt  }
0x60: {  	_ =	shalt  }
0x61: {  	_ =	shalt  }
0x62: {  	_ =	shalt  }
0x63: {  	_ =	shalt  }
0x64: {  	_ =	shalt  }
0x65: {  	_ =	shalt  }
0x66: {  	_ =	shalt  }
0x67: {  	_ =	shalt  }
0x68: {  	_ =	shalt  }
0x69: {  	_ =	shalt  }
0x6a: {  	_ =	shalt  }
0x6b: {  	_ =	shalt  }
0x6c: {  	_ =	shalt  }
0x6d: {  	_ =	shalt  }
0x6e: {  	_ =	shalt  }
0x6f: {  	_ =	shalt  }
0x70: {  	_ =	shalt  }
0x71: {  	_ =	shalt  }
0x72: {  	_ =	shalt  }
0x73: {  	_ =	shalt  }
0x74: {  	_ =	shalt  }
0x75: {  	_ =	shalt  }
0x76: {  	_ =	shalt  }
0x77: {  	_ =	shalt  }
0x78: {  	_ =	shalt  }
0x79: {  	_ =	shalt  }
0x7a: {  	_ =	shalt  }
0x7b: {  	_ =	shalt  }
0x7c: {  	_ =	shalt  }
0x7d: {  	_ =	shalt  }
0x7e: {  	_ =	shalt  }
0x7f: {  	_ =	shalt  }
0x80: {  	_ =	shalt  }
0x81: {  	_ =	shalt  }
0x82: {  	_ =	shalt  }
0x83: {  	_ =	shalt  }
0x84: {  	_ =	shalt  }
0x85: {  	_ =	shalt  }
0x86: {  	_ =	shalt  }
0x87: {  	_ =	shalt  }
.Lfunc_end0:
.L_simem_size_0:
called_computation_lowered:
.L_overlay_start_0:
0x88: {  	s2 =	sld [smem:$0x3FD9]  }
0x89: {  	s3 =	sld [smem:$0x3FFE];
	_ =	sdelay $0x1  }
0x8a: {  	s1 =	srdreg.scid  }
0x8b: {  	s0 =	sand.u32 $0x1, s1  }
0x8c: {  	s15 =	sshll.u32 s0, $0xA;
	s2 =	sadd.s32 s3, s2  }
0x8d: {  	s2 =	sadd.s32 s2, s15  }
0x8e: {  	[smem:$0x3FB4] =	sst s2  }
0x8f: {  	_ = 	snop  }
0x90: {  	(tm) =	ssettm $0x1  }
0x91: {  	s16 =	sld [smem:$0x3FFB];
	_ =	sdelay $0x3  }
0x92: {  	_ =	strace s16  }
0x93: {  	s2 =	sld [smem:$0x3FFC];
	_ =	sdelay $0x3  }
0x94: {  	_ =	strace s2  }
0x95: {  	s2 =	sld [smem:$0x3FFD];
	_ =	sdelay $0x3  }
0x96: {  	_ =	strace s2  }
0x97: {  	_ =	strace $0x8FFFFFFF  }
0x98: {  	s17 =	sld [smem:$0x3FDB];
	_ =	sdelay $0x1  }
0x99: {  	s18 =	simm.s32 $_scs_section_size  }
0x9a: {  	s4 =	simm.s32 $_size__tile_overlayer_lowered;
	s5 =	simm.s32 $_tile_overlayer_lowered  }
0x9b: {  	s6 =	simm.s32 $0x1BFF;
	s19 =	sshll.u32 s5, $0x1;
	s3 =	sadd.s32 s18, s17  }
0x9c: {  	s20 =	simm.s32 $0x0;
	s4 =	sshll.u32 s4, $0x1;
	s5 =	sadd.s32 s19, s3  }
0x9d: {  	[timem:s20], [sflag:s6] =	dma.local [hbm:s5], s4  }
0x9e: {  	_ =	swait.ge [sflag:s6], s4  }
0x9f: {  	s4 =	ssub.s32 $0x0, s4;
	[sflag:s6] =	ssyncset.done $0x0  }
0xa0: {  	[sflag:s6] =	ssyncadd.s32 s4;
	_ =	sdelay $0x1  }
0xa1: {  	s21 =	simm.s32 $0x1B8B  }
0xa2: {  	_ =	swait.ge [sflag:s21], $0x1  }
0xa3: {  	[sflag:s21] =	ssyncset.done $0x0  }
0xa4: {  	s23 =	simm.s32 $0x1B8E;
	s22 =	sld [smem:$0x3FFE];
	[sflag:s21] =	ssyncadd.s32 $0xFFFFFFFF  }
0xa5: {  	s24 =	simm.s32 $execute0_lowered;
	[smem:$0x3FD2] =	sst s23  }
0xa6: {  	s5 =	sshll.u32 s24, $0x1;
	_ =	strace $0x80000046;
	[dreg:$0x1] =	wrdreg $0xFFFFFFFF  }
0xa7: {  	s25 =	simm.s32 $_size_execute0_lowered;
	s5 =	sadd.s32 s3, s5;
	[dreg:$0x0] =	wrdreg $0x0  }
0xa8: {  	s6 =	sshll.u32 s25, $0x1;
	[dreg:$0x2] =	wrdreg s5  }
0xa9: {  	[dreg:$0x3] =	wrdreg s6  }
0xaa: {  	[dreg:$0x4] =	wrdreg $0xC0  }
0xab: {  	s26 =	simm.s32 $execute1_lowered;
	_ =	task [dreg:s20], $0x5FFFF  }
0xac: {  	s5 =	sshll.u32 s26, $0x1;
	[dreg:$0x1] =	wrdreg $0xFFFFFFFF  }
0xad: {  	s3 =	sadd.s32 s3, s5;
	[dreg:$0x0] =	wrdreg $0x60  }
0xae: {  	[dreg:$0x2] =	wrdreg s3  }
0xaf: {  	[dreg:$0x3] =	wrdreg s22  }
0xb0: {  	[dreg:$0x4] =	wrdreg $0x9  }
0xb1: {  	_ =	task.clear_ibuf [dreg:s20], $0x5FFFF;
	_ =	strace $0x90000046  }
0xb2: {  	s28 =	simm.s32 $0x9;
	_ =	strace $0x80000048  }
0xb3: {  	_ =	swait.ge [sflag:s28], $0x1  }
0xb4: {  	[sflag:s28] =	ssyncadd.s32 $0xFFFFFFFF  }
0xb5: {  	_ =	strace $0x90000048  }
0xb6: {  	s3 =	sld [smem:$0x0]  }
0xb7: {  	s5 =	sand.u32 $0xFFFFFFFE, s1  }
0xb8: {  	p0 =	sne.s32 s1, s5  }
0xb9: {  	s5 =	sshll.u32 @p0 s5, $0xE  }
0xba: {  	s5 =	sadd.s32 @p0 $0x11BF3, s5;
	s6 =	sshll.u32 @p0 s3, $0x11  }
0xbb: {  	s5 =	sor.u32 @p0 s6, s5  }
0xbc: {  	[sflag:s5] =	ssyncadd.remote.s32 @p0 $0x1;
	_ =	sdelay $0x1  }
0xbd: {  	s5 =	simm.s32 @p0 $0x1BF3  }
0xbe: {  	_ =	swait.eq @p0 [sflag:s5], $0x1  }
0xbf: {  	[sflag:s5] =	ssyncadd.s32 @p0 $0xFFFFFFFF  }
0xc0: {  	s6 =	sshll.u32 @!p0 s1, $0xE  }
0xc1: {  	s6 =	sor.u32 @!p0 $0x4000, s6;
	s5 =	simm.s32 @!p0 $0x1BF3  }
0xc2: {  	s3 =	sshll.u32 @!p0 s3, $0x11;
	s6 =	sadd.s32 @!p0 $0x11BF3, s6;
	_ =	swait.eq @!p0 [sflag:s5], $0x1  }
0xc3: {  	s3 =	sor.u32 @!p0 s3, s6;
	[sflag:s5] =	ssyncadd.s32 @!p0 $0xFFFFFFFF  }
0xc4: {  	[sflag:s3] =	ssyncadd.remote.s32 @!p0 $0x1  }
0xc5: {  	_ =	strace $0x80000049;
	[dreg:$0x1] =	wrdreg $0xFFFFFFFF  }
0xc6: {  	[dreg:$0x0] =	wrdreg $0x2030  }
0xc7: {  	[dreg:$0x2] =	wrdreg s22  }
0xc8: {  	[dreg:$0x3] =	wrdreg s1  }
0xc9: {  	[dreg:$0x4] =	wrdreg $0xA  }
0xca: {  	_ =	task.clear_ibuf [dreg:s20], $0x5FFFF;
	_ =	strace $0x90000049  }
0xcb: {  	s29 =	simm.s32 $0xA;
	_ =	strace $0x8000004B  }
0xcc: {  	_ =	swait.ge [sflag:s29], $0x1  }
0xcd: {  	[sflag:s29] =	ssyncadd.s32 $0xFFFFFFFF  }
0xce: {  	_ =	strace $0x9000004B  }
0xcf: {  	_ =	sfence  }
0xd0: {  	s30 =	sld [smem:$0x0];
	_ =	sdelay $0x2  }
0xd1: {  	s31 =	sshll.u32 s1, $0xD;
	s1 =	sshrl.u32 s1, $0x2  }
0xd2: {  	s4 =	sand.u32 $0x4000, s31;
	s1 =	sadd.s32 s1, s30  }
0xd3: {  	s0 =	sor.u32 s4, s0;
	s1 =	sshll.u32 s1, $0x11  }
0xd4: {  	s0 =	sor.u32 s1, s0  }
0xd5: {  	s0 =	sadd.s32 $0x8F2B, s0  }
0xd6: {  	[sflag:s0] =	ssyncadd.remote.s32 $0x1  }
0xd7: {  	_ =	sfence.sel $0xFFFF  }
0xd8: {  	[dreg:$0x0] =	wrdreg $0xFFFFFFFF;
	(pc) =	sbr.abs _section_cstart, $3  }
0xd9: {  	[dreg:$0x1] =	wrdreg $0xFFFFFFFF  }
0xda: {  	_ =	task.clear_ibuf [dreg:s20], $0x2FFFF;
	_ =	strace $0x9FFFFFFF  }
0xdb: {  	(tm) =	ssettm $0x7FFFFFFF  }
tec
execute0_lowered:
.L_overlay_start_1:
0x0: {  	(tag) =	ssettag $0x1  }
0x1: {  	s3 =	stileid.u32;
	s0 =	srdreg.scid  }
0x2: {  	s0 =	sand.u32 $0x1, s0;
	s1 =	sshll.u32 s3, $0x1  }
0x3: {  	s4 =	rddreg [dreg:$0x0];
	s1 =	sor.u32 s1, s0  }
0x4: {  	s5 =	rddreg [dreg:$0x1];
	s2 =	smul.u32 $0x2710, s1  }
0x5: {  	s29 =	simm.s32 $_size_execute1_lowered;
	p0 =	sne.s32 s3, $0x0;
	s0 =	rddreg [dreg:$0x2]  }
0x6: {  	[bflag:$0x3] =	sbarrier.arrive $0xFFFF;
	s3 =	simm.s32 @!p0 $0x1C3F;
	s6 =	ssub.s32 $0x9C400, s2  }
0x7: {  	s7 =	simm.s32 @!p0 $0x4060;
	s1 =	sshll.u32 s29, $0x1;
	s8 =	smulhi.u32 $0x68DB9, s6  }
0x8: {  	[timem:s7], [sflag:s3] =	dma.local @!p0 [hbm:s4], s1  }
0x9: {  	s30 =	sshrl.u32 s8, $0x5  }
0xa: {  	s31 =	simm.s32 $0x2;
	s8 =	smul.u32 $0x4E200, s30  }
.Ltmp0:
0xb: {  	s10 =	simm.s32 $0x0;
	s9 =	simm.s32 $0x0;
	(pc) =	sbr.rel .LBB2_1-.Ltmp0, $4  }
0xc: {  	s3 =	sadd.s32 $0xA7200, s5;
	p1 =	sne.s32 s6, s8;
	s6 =	simm.s32 $0x1  }
0xd: {  	s4 =	simm.s32 $0x1;
	_ =	strace $0x80000047;
	s6 =	simm.s32 @!p1 $0x0  }
0xe: {  	s5 =	sadd.s32 $0xBAC00, s5;
	[sflag:s4] =	ssyncpa.u1 $0x0;
	s6 =	sadd.s32 s6, s30  }
0xf: {  	[sflag:s31] =	ssyncpa.u1 $0x0;
	s8 =	smov.u32 s2;
	s7 =	sadd.s32 $0x1, s6  }
.LBB2_4:
0x10: {  	[tilespmem:s12+$0x30] =	vst v0  }
0x11: {  	[tilespmem:s12+$0x40] =	vst v1  }
0x12: {  	[tilespmem:s12+$0x50] =	vst v2  }
0x13: {  	[tilespmem:s12+$0x60] =	vst v3  }
0x14: {  	[tilespmem:s12+$0xFFFFFF80] =	vst v4  }
0x15: {  	v0 =	vld [tilespmem:s11+$0x2700];
	_ =	sdelay $0x3  }
0x16: {  	s29 =	sshrl.u32 s10, $0x3  }
0x17: {  	s31 =	sand.u32 $0x7, s10;
	s30 =	sadd.s32 s5, s29;
	[tilespmem:s11+$0x7520] =	vst v0  }
0x18: {  	[hbm4b:s30+s31] =	stream.linear.scatter [tilespmem:s13], [sflag:$0x2], $0x2710, $0x38;
	[tilespmem:$0x9C40] =	vst v63  }
.LBB2_5:
0x19: {  	s12 =	sadd.s32 $0x4E200, s8  }
0x1a: {  	p2 =	sgt.s32 s12, $0x9C3FF  }
0x1b: {  	s12 =	smov.u32 @p2 s2;
	p2 =	sne.s32 s9, s7  }
.Ltmp1:
0x1c: {  	p1 =	slt.u32 s9, $0x2;
	(pc) =	sbr.rel @!p2 .LBB2_6-.Ltmp1, $4  }
0x1d: {  	s11 =	simm.s32 @!p1 $0x2  }
0x1e: {  	_ =	swait.ge @!p1 [sflag:s11], $0x2710  }
0x1f: {  	s13 =	sadd.s32 $0x1, s9;
	s10 =	smov.u32 s8;
	[sflag:s11] =	ssyncset.done @!p1 $0x0  }
0x20: {  	s9 =	smov.u32 s13;
	s8 =	smov.u32 s12;
	[sflag:s11] =	ssyncadd.s32 @!p1 $0xFFFFD8F0  }
.LBB2_1:
0x21: {  	p1 =	sge.u32 s9, s6  }
0x22: {  	s11 =	sxor.u32 @!p1 $0xFFFFFFFF, s9  }
0x23: {  	s11 =	sand.u32 @!p1 $0x1, s11  }
0x24: {  	s11 =	smul.u32 @!p1 $0x9C40, s11  }
0x25: {  	s31 =	sadd.s32 $0xFFFFFFFF, s9;
	s12 =	sshrl.u32 @!p1 s8, $0x3  }
0x26: {  	s13 =	sand.u32 @!p1 $0x7, s8;
	s12 =	sadd.s32 @!p1 s3, s12;
	s11 =	sshrl.u32 @!p1 s11, $0x2  }
0x27: {  	[tilespmem:s11], [sflag:$0x1] =	stream.linear.gather @!p1 [hbm4b:s12+s13], $0x2710, $0x38;
	[tilespmem:$0x9C40] =	vst v63  }
0x28: {  	p1 =	sge.u32 s31, s6  }
.Ltmp2:
0x29: {  	_ = 	snop;
	(pc) =	sbr.rel @p1 .LBB2_5-.Ltmp2, $1  }
0x2a: {  	_ =	sdelay $0x3  }
0x2b: {  	s11 =	sand.u32 $0x1, s9  }
0x2c: {  	_ =	swait.ge [sflag:s4], $0x2710;
	p1 =	seq.s32 s11, $0x1;
	s11 =	simm.s32 $0x2710  }
0x2d: {  	[sflag:s4] =	ssyncset.done $0x0;
	s11 =	simm.s32 @!p1 $0x0  }
0x2e: {  	[sflag:s4] =	ssyncadd.s32 $0xFFFFD8F0;
	s15 =	sor.u32 $0x80, s11  }
0x2f: {  	v0 =	vld [tilespmem:s15+$0x70]  }
0x30: {  	v1 =	vld [tilespmem:s15+$0xFFFFFF90]  }
0x31: {  	v2 =	vld [tilespmem:s15+$0xFFFFFFA0]  }
0x32: {  	v3 =	vld [tilespmem:s15+$0xFFFFFFB0]  }
0x33: {  	s12 =	sadd.s32 $0x4EA0, s11;
	v4 =	vld [tilespmem:s15+$0xFFFFFFC0]  }
0x34: {  	v5 =	vld [tilespmem:s15+$0xFFFFFFD0];
	[tilespmem:s12+$0x70] =	vst v0  }
0x35: {  	[tilespmem:s12+$0xFFFFFF90] =	vst v1;
	v0 =	vld [tilespmem:s15+$0xFFFFFFE0]  }
0x36: {  	[tilespmem:s12+$0xFFFFFFA0] =	vst v2;
	v1 =	vld [tilespmem:s15+$0xFFFFFFF0]  }
0x37: {  	[tilespmem:s12+$0xFFFFFFB0] =	vst v3;
	v2 =	vld [tilespmem:s15+$0x0]  }
0x38: {  	[tilespmem:s12+$0xFFFFFFC0] =	vst v4;
	v3 =	vld [tilespmem:s15+$0x10]  }
0x39: {  	[tilespmem:s12+$0xFFFFFFD0] =	vst v5;
	v5 =	vld [tilespmem:s15+$0x20]  }
0x3a: {  	[tilespmem:s12+$0xFFFFFFE0] =	vst v0;
	v0 =	vld [tilespmem:s15+$0x30]  }
0x3b: {  	[tilespmem:s12+$0xFFFFFFF0] =	vst v1;
	v1 =	vld [tilespmem:s15+$0x40]  }
0x3c: {  	[tilespmem:s12+$0x0] =	vst v2;
	v2 =	vld [tilespmem:s15+$0x50]  }
0x3d: {  	[tilespmem:s12+$0x10] =	vst v3;
	v3 =	vld [tilespmem:s15+$0x60]  }
0x3e: {  	s14 =	simm.s32 $0x0;
	s13 =	sadd.s32 $0x4E20, s11;
	v4 =	vld [tilespmem:s15+$0xFFFFFF80];
	[tilespmem:s12+$0x20] =	vst v5;
	s15 =	sadd.s32 $0x100, s15  }
.LBB2_3:
0x3f: {  	v5 =	vld [tilespmem:s15+$0x70];
	s14 =	sadd.s32 $0x100, s14;
	[tilespmem:s12+$0x30] =	vst v0  }
0x40: {  	v0 =	vld [tilespmem:s15+$0xFFFFFF90];
	p1 =	slt.u32 s14, $0x2600;
	[tilespmem:s12+$0x40] =	vst v1  }
0x41: {  	v1 =	vld [tilespmem:s15+$0xFFFFFFA0];
	[tilespmem:s12+$0x50] =	vst v2  }
0x42: {  	v2 =	vld [tilespmem:s15+$0xFFFFFFB0];
	[tilespmem:s12+$0x60] =	vst v3  }
0x43: {  	v3 =	vld [tilespmem:s15+$0xFFFFFFC0];
	[tilespmem:s12+$0xFFFFFF80] =	vst v4;
	s12 =	sadd.s32 $0x100, s12  }
0x44: {  	v4 =	vld [tilespmem:s15+$0xFFFFFFD0];
	[tilespmem:s12+$0x70] =	vst v5  }
0x45: {  	[tilespmem:s12+$0xFFFFFF90] =	vst v0;
	v0 =	vld [tilespmem:s15+$0xFFFFFFE0]  }
0x46: {  	[tilespmem:s12+$0xFFFFFFA0] =	vst v1;
	v1 =	vld [tilespmem:s15+$0xFFFFFFF0]  }
0x47: {  	[tilespmem:s12+$0xFFFFFFB0] =	vst v2;
	v2 =	vld [tilespmem:s15+$0x0]  }
0x48: {  	[tilespmem:s12+$0xFFFFFFC0] =	vst v3;
	v3 =	vld [tilespmem:s15+$0x10]  }
0x49: {  	[tilespmem:s12+$0xFFFFFFD0] =	vst v4;
	v5 =	vld [tilespmem:s15+$0x20]  }
.Ltmp3:
0x4a: {  	[tilespmem:s12+$0xFFFFFFE0] =	vst v0;
	v0 =	vld [tilespmem:s15+$0x30];
	(pc) =	sbr.rel @p1 .LBB2_3-.Ltmp3, $4  }
0x4b: {  	[tilespmem:s12+$0xFFFFFFF0] =	vst v1;
	v1 =	vld [tilespmem:s15+$0x40]  }
0x4c: {  	[tilespmem:s12+$0x0] =	vst v2;
	v2 =	vld [tilespmem:s15+$0x50]  }
0x4d: {  	[tilespmem:s12+$0x10] =	vst v3;
	v3 =	vld [tilespmem:s15+$0x60]  }
0x4e: {  	v4 =	vld [tilespmem:s15+$0xFFFFFF80];
	[tilespmem:s12+$0x20] =	vst v5;
	s15 =	sadd.s32 $0x100, s15  }
.Ltmp4:
0x4f: {  	_ = 	snop;
	(pc) =	sbr.rel .LBB2_4-.Ltmp4, $1  }
0x50: {  	_ =	sdelay $0x3  }
.LBB2_6:
0x51: {  	_ =	sfence.sel $0x180000  }
0x52: {  	s2 =	simm.s32 $0x1;
	[bflag:$0x0] =	sbarrier.arrive $0xFFFF  }
0x53: {  	s31 =	simm.s32 $0x2;
	[sflag:s2] =	ssyncpa.u1 $0x1  }
0x54: {  	[sflag:s31] =	ssyncpa.u1 $0x1  }
0x55: {  	_ =	strace $0x90000047  }
0x56: {  	s0 =	sadd.s32 @!p0 $0x100000, s0;
	[bflag:$0x2] =	sbarrier.arrive $0xFFFF  }
0x57: {  	[sflag:s0] =	ssyncadd.tile.s32 @!p0 $0x1;
	s0 =	simm.s32 @!p0 $0x3F  }
0x58: {  	_ =	swait.ge @!p0 [sflag:s0], s1  }
0x59: {  	s1 =	ssub.s32 @!p0 $0x0, s1;
	[sflag:s0] =	ssyncset.done @!p0 $0x0  }
0x5a: {  	[sflag:s0] =	ssyncadd.s32 @!p0 s1  }
0x5b: {  	[bflag:$0x3] =	sbarrier.arrive $0xFFFF  }
0x5c: {  	_ =	shalt  }
.Lfunc_end2:
execute1_lowered:
.L_overlay_start_2:
0x5d: {  	(tag) =	ssettag $0x2  }
0x5e: {  	s0 =	stileid.u32  }
0x5f: {  	s1 =	smin.u32 s0, $0x8;
	s2 =	sshll.u32 s0, $0x1  }
0x60: {  	s1 =	sadd.s32 s1, s2  }
0x61: {  	p0 =	slt.u32 s0, $0x8;
	s2 =	smul.u32 $0x1F40, s1;
	s1 =	simm.s32 $0x5DC0  }
0x62: {  	s1 =	simm.s32 @!p0 $0x3E80  }
0x63: {  	s5 =	rddreg [dreg:$0x0];
	s1 =	sadd.s32 s1, s2  }
0x64: {  	s6 =	rddreg [dreg:$0x1];
	s9 =	simm.s32 $0x1;
	s3 =	smin.u32 s1, $0x4E200  }
0x65: {  	s31 =	simm.s32 $0x4;
	s12 =	simm.s32 $0xFFFFE0C0;
	s7 =	ssub.s32 s3, s2  }
0x66: {  	s13 =	simm.s32 $0xFFFFFFFF;
	s14 =	simm.s32 $0xFFFFC180;
	p0 =	sgt.s32 s7, $0x0  }
0x67: {  	s15 =	simm.s32 $0xFFFFFFFE;
	s18 =	simm.s32 $0x0;
	s7 =	simm.s32 @!p0 $0x0  }
0x68: {  	s17 =	simm.s32 $0x0;
	s4 =	sadd.s32 $0xBAC00, s5;
	s8 =	smulhi.u32 $0x10624DD3, s7  }
0x69: {  	s6 =	sand.u32 $0x1, s6;
	s1 =	rddreg [dreg:$0x2];
	_ =	strace $0x8000004A  }
0x6a: {  	p0 =	seq.s32 s6, $0x1;
	s6 =	simm.s32 $0x9C40;
	s8 =	sshrl.u32 s8, $0x9  }
0x6b: {  	[sflag:s9] =	ssyncpa.u1 $0x0;
	s6 =	simm.s32 @!p0 $0x0;
	s10 =	smul.u32 $0x1F40, s8  }
.Ltmp5:
0x6c: {  	s11 =	sadd.s32 s6, s5;
	s5 =	simm.s32 $0x2;
	(pc) =	sbr.rel .LBB3_1-.Ltmp5, $4  }
0x6d: {  	s6 =	simm.s32 $0x3;
	[sflag:s5] =	ssyncpa.u1 $0x0;
	p0 =	sne.s32 s7, s10  }
0x6e: {  	s16 =	smov.u32 s2;
	[sflag:s6] =	ssyncpa.u1 $0x0;
	s9 =	simm.s32 @!p0 $0x0  }
0x6f: {  	[sflag:s31] =	ssyncpa.u1 $0x0;
	s7 =	sadd.s32 s9, s8;
	s8 =	sadd.s32 $0x93800, s11  }
0x70: {  	vm0 =	vmmov $0xffff;
	s9 =	sadd.s32 $0x4800, s11;
	s11 =	simm.s32 $0x0;
	s10 =	sadd.s32 $0x2, s7  }
.LBB3_9:
0x71: {  	p0 =	slt.u32 s17, $0x3  }
0x72: {  	s18 =	simm.s32 @!p0 $0x1  }
0x73: {  	_ =	swait.ge @!p0 [sflag:s18], $0x1F40  }
0x74: {  	[sflag:s18] =	ssyncset.done @!p0 $0x0  }
0x75: {  	[sflag:s18] =	ssyncadd.s32 @!p0 $0xFFFFE0C0;
	p0 =	sne.s32 s17, s10  }
.Ltmp6:
0x76: {  	_ = 	snop;
	(pc) =	sbr.rel @!p0 .LBB3_10-.Ltmp6, $4  }
0x77: {  	s19 =	sadd.s32 $0x1F40, s16;
	s20 =	smov.u32 s2;
	s31 =	sadd.s32 $0x1, s17  }
0x78: {  	s12 =	sadd.s32 $0x1F40, s12;
	s13 =	sadd.s32 $0x1, s13;
	p1 =	slt.s32 s19, s3  }
0x79: {  	s14 =	sadd.s32 $0x1F40, s14;
	s15 =	sadd.s32 $0x1, s15;
	s20 =	smov.u32 @p1 s19  }
0x7a: {  	s18 =	smov.u32 s16;
	s16 =	smov.u32 s20;
	s17 =	smov.u32 s31  }
.LBB3_1:
0x7b: {  	p0 =	sge.u32 s17, s7  }
0x7c: {  	s19 =	smulhi.u32 @!p0 $0xAAAAAAAB, s17;
	_ =	sdelay $0x1  }
0x7d: {  	s19 =	sshrl.u32 @!p0 s19, $0x1  }
0x7e: {  	s19 =	smul.u32 @!p0 $0x3, s19;
	_ =	sdelay $0x1  }
0x7f: {  	s19 =	ssub.s32 @!p0 s17, s19  }
0x80: {  	s19 =	smul.u32 @!p0 $0x7D00, s19  }
0x81: {  	s20 =	sshrl.u32 @!p0 s16, $0x3  }
0x82: {  	s21 =	sand.u32 @!p0 $0x7, s16;
	s20 =	sadd.s32 @!p0 s20, s8;
	s19 =	sshrl.u32 @!p0 s19, $0x2  }
0x83: {  	[tilespmem:s19], [sflag:$0x2] =	stream.linear.gather @!p0 [hbm4b:s20+s21], $0x1F40, $0x38;
	[tilespmem:$0x11940] =	vst v63  }
0x84: {  	s19 =	sadd.s32 $0xFFFFFFFF, s17  }
0x85: {  	p0 =	sge.u32 s19, s7  }
.Ltmp7:
0x86: {  	_ = 	snop;
	(pc) =	sbr.rel @p0 .LBB3_5-.Ltmp7, $1  }
0x87: {  	_ =	sdelay $0x3  }
0x88: {  	s20 =	smulhi.u32 $0xAAAAAAAB, s13;
	_ =	sdelay $0x1  }
0x89: {  	s20 =	sshrl.u32 s20, $0x1  }
0x8a: {  	s20 =	smul.u32 $0xFFFE8900, s20;
	_ =	sdelay $0x1  }
0x8b: {  	_ =	swait.ge [sflag:s5], $0x1F40;
	s20 =	sshra.s32 s20, $0x2  }
0x8c: {  	[sflag:s5] =	ssyncset.done $0x0;
	s23 =	sadd.s32 s20, s12  }
0x8d: {  	[sflag:s5] =	ssyncadd.s32 $0xFFFFE0C0;
	(ifvalue) =	ssetifvalue $0xFFFFFFFF;
	v0 =	vld.msk [tilespmem:s23+$0x0 ss:$0x1], $0xffff;
	_ =	sdelay $0x4  }
0x8e: {  	vm1 =	vlt.u32 v0, $0x9C400  }
0x8f: {  	v0 =	vnsel vm1, $0xFFFFFFFF, v0  }
0x90: {  	s19 =	sand.u32 $0x1, s19  }
0x91: {  	p0 =	seq.s32 s19, $0x1;
	s19 =	simm.s32 $0x1F40  }
0x92: {  	s19 =	simm.s32 @!p0 $0x0  }
0x93: {  	s20 =	sadd.s32 $0x5DC0, s19;
	(ifvalue) =	ssetifvalue $0xFFFFFFFF  }
0x94: {  	[tilespmem:s20], [sflag:$0x3] =	stream.indirect_vreg.gather [hbm4b:s4+s11], $0x1, v0, vm0, $0x4038;
	[tilespmem:$0x11940] =	vst v63  }
0x95: {  	s21 =	simm.s32 $0x0;
	s22 =	sadd.s32 $0x10, s23;
	[tilespmem:s23+$0x0] =	vst v0  }
.LBB3_3:
0x96: {  	v0 =	vld.msk [tilespmem:s22+$0x0 ss:$0x1], $0xffff;
	s21 =	sadd.s32 $0x10, s21;
	s23 =	smov.u32 s22  }
0x97: {  	p0 =	slt.u32 s21, $0x1F30;
	_ =	sdelay $0x4  }
0x98: {  	vm1 =	vlt.u32 v0, $0x9C400  }
0x99: {  	v0 =	vnsel vm1, $0xFFFFFFFF, v0  }
.Ltmp8:
0x9a: {  	(pc) =	sbr.rel @p0 .LBB3_3-.Ltmp8, $3  }
0x9b: {  	_ =	sdelay $0x1  }
0x9c: {  	s22 =	sadd.s32 $0x10, s22;
	s20 =	sadd.s32 $0x10, s20;
	(ifvalue) =	ssetifvalue $0xFFFFFFFF  }
0x9d: {  	[tilespmem:s20], [sflag:$0x3] =	stream.indirect_vreg.gather [hbm4b:s4+s11], $0x1, v0, vm0, $0x4038;
	[tilespmem:s23+$0x0] =	vst v0  }
0x9e: {  	s18 =	sshrl.u32 s18, $0x3  }
0x9f: {  	s19 =	sadd.s32 $0x9C40, s19;
	s18 =	sadd.s32 s18, s9  }
0xa0: {  	[tilespmem:s19], [sflag:$0x3] =	stream.linear.gather [hbm:s18], $0x1F40, $0x38;
	[tilespmem:$0x11940] =	vst v63  }
.LBB3_5:
0xa1: {  	p0 =	slt.u32 s17, $0x2  }
0xa2: {  	p1 =	sge.u32 @!p0 s17, s10  }
0xa3: {  	p0 =	por p0, p1  }
.Ltmp9:
0xa4: {  	_ = 	snop;
	(pc) =	sbr.rel @p0 .LBB3_9-.Ltmp9, $1  }
0xa5: {  	_ =	sdelay $0x3  }
0xa6: {  	s18 =	sand.u32 $0x1, s17  }
0xa7: {  	s19 =	simm.s32 $0x1F40;
	p0 =	seq.s32 s18, $0x1  }
0xa8: {  	_ =	swait.ge [sflag:s6], $0x3E80;
	s19 =	simm.s32 @!p0 $0x0  }
0xa9: {  	[sflag:s6] =	ssyncset.done $0x0;
	s29 =	sadd.s32 $0x9C40, s19  }
0xaa: {  	[sflag:s6] =	ssyncadd.s32 $0xFFFFC180;
	(ifvalue) =	ssetifvalue $0xFFFFFFFF;
	s20 =	sadd.s32 $0x5DC0, s19;
	v0 =	vld [tilespmem:s29+$0x0]  }
0xab: {  	v1 =	vld [tilespmem:s20+$0x0]  }
0xac: {  	s21 =	smulhi.u32 $0xAAAAAAAB, s15;
	_ =	sdelay $0x1  }
0xad: {  	s30 =	sshrl.u32 s21, $0x1  }
0xae: {  	s18 =	sadd.s32 $0x10, s20;
	s20 =	smul.u32 $0xFFFE8900, s30  }
0xaf: {  	s22 =	sadd.s32 $0x10, s29;
	v0 =	vadd.f32 v1, v0  }
0xb0: {  	v2 =	vld [tilespmem:s22+$0x0];
	s31 =	sshra.s32 s20, $0x2;
	s20 =	sadd.s32 $0xDAC0, s19  }
0xb1: {  	v3 =	vld [tilespmem:s18+$0x0];
	s19 =	sadd.s32 s31, s14;
	[tilespmem:s20+$0x0] =	vst v0  }
0xb2: {  	v0 =	vld [tilespmem:s19+$0x0];
	_ =	sdelay $0x4  }
0xb3: {  	s21 =	simm.s32 $0x10;
	s23 =	sadd.s32 $0x10, s22;
	s22 =	smov.u32 s20;
	v1 =	vadd.f32 v3, v2  }
.LBB3_7:
0xb4: {  	v2 =	vld [tilespmem:s23+$0x0];
	s18 =	sadd.s32 $0x10, s18;
	s20 =	sadd.s32 $0x10, s20;
	s21 =	sadd.s32 $0x10, s21  }
0xb5: {  	s19 =	sadd.s32 $0x10, s19;
	v3 =	vld [tilespmem:s18+$0x0];
	[tilespmem:s20+$0x0] =	vst v1;
	(ifvalue) =	ssetifvalue $0xFFFFFFFF;
	p0 =	slt.u32 s21, $0x1F30  }
0xb6: {  	[hbm4b:s4+s11] =	stream.indirect_vreg.scatter [tilespmem:s22], [sflag:$0x1], $0x1, v0, vm0, $0x4038;
	v0 =	vld [tilespmem:s19+$0x0]  }
.Ltmp10:
0xb7: {  	s22 =	smov.u32 s20;
	(pc) =	sbr.rel @p0 .LBB3_7-.Ltmp10, $2  }
0xb8: {  	_ =	sdelay $0x2  }
0xb9: {  	s23 =	sadd.s32 $0x10, s23;
	v1 =	vadd.f32 v3, v2  }
0xba: {  	s18 =	sadd.s32 $0x10, s20;
	s19 =	sadd.s32 $0x10, s19  }
0xbb: {  	[tilespmem:s18+$0x0] =	vst v1;
	(ifvalue) =	ssetifvalue $0xFFFFFFFF;
	v63 =	vld [tilespmem:s19+$0x0];
	_ =	sdelay $0x3  }
.Ltmp11:
0xbc: {  	_ = 	snop;
	(pc) =	sbr.rel .LBB3_9-.Ltmp11, $4  }
0xbd: {  	_ = 	snop  }
0xbe: {  	[hbm4b:s4+s11] =	stream.indirect_vreg.scatter [tilespmem:s22], [sflag:$0x1], $0x1, v0, vm0, $0x4038;
	[tilespmem:$0x11940] =	vst v63  }
0xbf: {  	(ifvalue) =	ssetifvalue $0xFFFFFFFF  }
0xc0: {  	[hbm4b:s4+s11] =	stream.indirect_vreg.scatter [tilespmem:s18], [sflag:$0x1], $0x1, v63, vm0, $0x4038;
	[tilespmem:$0x11940] =	vst v63  }
.LBB3_10:
0xc1: {  	_ =	sfence.sel $0x180000  }
0xc2: {  	s2 =	simm.s32 $0x2;
	[bflag:$0x0] =	sbarrier.arrive $0xFFFF  }
0xc3: {  	s29 =	simm.s32 $0x3;
	[sflag:s2] =	ssyncpa.u1 $0x1  }
0xc4: {  	s30 =	simm.s32 $0x4;
	[sflag:s29] =	ssyncpa.u1 $0x1  }
0xc5: {  	s31 =	simm.s32 $0x1;
	[sflag:s30] =	ssyncpa.u1 $0x1  }
0xc6: {  	[sflag:s31] =	ssyncpa.u1 $0x1  }
0xc7: {  	p0 =	sne.s32 s0, $0x0;
	_ =	strace $0x9000004A  }
0xc8: {  	s0 =	sadd.s32 @!p0 $0x100000, s1;
	[bflag:$0x2] =	sbarrier.arrive $0xFFFF  }
0xc9: {  	[sflag:s0] =	ssyncadd.tile.s32 @!p0 $0x1;
	_ =	shalt  }
.Lfunc_end3:
_tile_overlayer_lowered:
.L_overlay_start_3:
0xca: {  	(tag) =	ssettag $0x3  }
0xcb: {  	s0 =	rddreg [dreg:$0x0];
	s2 =	stileid.u32  }
0xcc: {  	s1 =	rddreg [dreg:$0x1];
	p0 =	sne.s32 s2, $0x0  }
0xcd: {  	s3 =	rddreg [dreg:$0x2];
	[bflag:$0x3] =	sbarrier.arrive $0xFFFF;
	s2 =	simm.s32 @!p0 $0x1C01  }
0xce: {  	[timem:s3], [sflag:s2] =	dma.local @!p0 [hbm:s0], s1  }
0xcf: {  	s0 =	simm.s32 @!p0 $0x1  }
0xd0: {  	_ =	swait.ge @!p0 [sflag:s0], s1  }
0xd1: {  	s1 =	ssub.s32 @!p0 $0x0, s1;
	[sflag:s0] =	ssyncset.done @!p0 $0x0  }
0xd2: {  	[sflag:s0] =	ssyncadd.s32 @!p0 s1  }
0xd3: {  	[bflag:$0x3] =	sbarrier.arrive $0xFFFF  }
0xd4: {  	_ =	shalt  }

</sc_bundles>
